<compile_context>
chip_gen: v7x
topology: tpu7x:2x2x1
jax: 0.10.2.dev20260603
libtpu: 0.0.44.dev20260713+nightly
codegen_flags: <defaults>
</compile_context>

<pallas_src>
import functools

import jax
import jax.numpy as jnp
from jax import lax
from jax.experimental import pallas as pl
from jax.experimental.pallas import tpu as pltpu
from jax.experimental.pallas import tpu_sc as plsc

NC = 2
NS = 16
NW = NC * NS
L = 16


def _sc_edge_agg(n_nodes, d, n_edges, chunk, zrows):
    e_per_w = n_edges // NW
    n_chunks = e_per_w // chunk
    rows_per_tile = (n_nodes // NS) // 8 * 8
    tail = n_nodes - rows_per_tile * NS
    n_zcopy = rows_per_tile // zrows
    assert e_per_w * NW == n_edges and n_chunks * chunk == e_per_w
    assert n_zcopy * zrows == rows_per_tile and 0 <= tail <= zrows and tail % 8 == 0
    assert chunk % 8 == 0 and chunk <= 128 and d % L == 0

    mesh = plsc.VectorSubcoreMesh(core_axis_name="c", subcore_axis_name="s")

    scratch = [
        pltpu.VMEM((4, chunk), jnp.int32),
        pltpu.VMEM((8, chunk), jnp.int32),
        pltpu.VMEM((4, chunk, d), jnp.float32),
        pltpu.VMEM((zrows, d), jnp.float32),
        pltpu.VMEM_SHARED((n_nodes, d), jnp.float32),
        [pltpu.SemaphoreType.DMA] * 4,
        [pltpu.SemaphoreType.DMA] * 4,
        [pltpu.SemaphoreType.DMA] * 4,
    ]

    @functools.partial(
        pl.kernel,
        mesh=mesh,
        out_type=jax.ShapeDtypeStruct((NC, n_nodes, d), jnp.float32),
        scratch_types=scratch,
    )
    def agg(src_hbm, dst_hbm, vals_hbm, out_hbm,
            sbuf, dbuf, rows_v, zero_v, acc_sh, sg, si, sc):
        cid = lax.axis_index("c")
        sid = lax.axis_index("s")
        wid = cid * NS + sid
        row0 = sid * rows_per_tile

        zvec = jnp.zeros((L,), jnp.float32)
        dl = d // L

        def zstore(i, carry):
            zero_v[i // dl, pl.ds((i % dl) * L, L)] = zvec
            return carry

        lax.fori_loop(0, zrows * dl, zstore, 0)

        def zcopy(j, carry):
            pltpu.sync_copy(zero_v, acc_sh.at[pl.ds(row0 + j * zrows, zrows)])
            return carry

        lax.fori_loop(0, n_zcopy, zcopy, 0)

        if tail:
            @pl.when(sid == NS - 1)
            def _():
                pltpu.sync_copy(zero_v.at[pl.ds(0, tail)],
                                acc_sh.at[pl.ds(n_nodes - tail, tail)])

        plsc.subcore_barrier()

        e_base = wid * e_per_w

        def idx_start(i, b, b6):
            e0 = e_base + i * chunk
            pltpu.async_copy(src_hbm.at[pl.ds(e0, chunk)], sbuf.at[b], si[b])
            pltpu.async_copy(dst_hbm.at[pl.ds(e0, chunk)], dbuf.at[b6], si[b])

        def idx_wait(b, b6):
            pltpu.make_async_copy(src_hbm.at[pl.ds(0, chunk)], sbuf.at[b], si[b]).wait()
            pltpu.make_async_copy(dst_hbm.at[pl.ds(0, chunk)], dbuf.at[b6], si[b]).wait()

        def sc_start(b, b6):
            pltpu.async_copy(rows_v.at[b], acc_sh.at[dbuf.at[b6]], sc[b], add=True)

        def sc_wait(b, b6):
            pltpu.make_async_copy(rows_v.at[b], acc_sh.at[dbuf.at[b6]], sc[b]).wait()

        def g_start(b):
            pltpu.async_copy(vals_hbm.at[sbuf.at[b]], rows_v.at[b], sg[b])

        def g_wait(b):
            pltpu.make_async_copy(vals_hbm.at[sbuf.at[b]], rows_v.at[b], sg[b]).wait()

        for j in range(4):
            idx_start(j, j, j)
        for j in range(3):
            idx_wait(j, j)
            g_start(j)

        def octo(k, carry):
            for b8 in range(8):
                i = 8 * k + b8
                b = b8 % 4
                b3i = (b + 3) % 4

                @pl.when(i < n_chunks)
                def _():
                    g_wait(b)

                    @pl.when(i >= 1)
                    def _():
                        sc_wait((b + 3) % 4, (b8 + 7) % 8)

                    sc_start(b, b8)

                    @pl.when(i + 3 < n_chunks)
                    def _():
                        idx_wait(b3i, (b8 + 3) % 8)
                        g_start(b3i)

                    @pl.when(i + 4 < n_chunks)
                    def _():
                        idx_start(i + 4, b, (b8 + 4) % 8)
            return carry

        lax.fori_loop(0, (n_chunks + 7) // 8, octo, 0)
        sc_wait((n_chunks - 1) % 4, (n_chunks - 1) % 8)
        plsc.subcore_barrier()

        pltpu.sync_copy(acc_sh.at[pl.ds(row0, rows_per_tile)],
                        out_hbm.at[cid, pl.ds(row0, rows_per_tile)])

        if tail:
            @pl.when(sid == NS - 1)
            def _():
                pltpu.sync_copy(acc_sh.at[pl.ds(n_nodes - tail, tail)],
                                out_hbm.at[cid, pl.ds(n_nodes - tail, tail)])

    return agg


def _mid_body(p0, p1, w1, b1, w2, out):
    agg = p0[0] + p1[0]
    h = jnp.maximum(
        jnp.dot(agg, w1[...], preferred_element_type=jnp.float32) + b1[...], 0.0)
    out[...] = jnp.dot(h, w2[...], preferred_element_type=jnp.float32)


def _fin_body(q0, q1, b2, out):
    out[...] = q0[0] + q1[0] + b2[...]


def kernel(features, edge_index, W1, b1, W2, b2):
    n, d = features.shape
    e = edge_index.shape[1]
    d2 = 128
    block = 1000

    src = edge_index[0]
    dst = edge_index[1]
    W2p = jnp.pad(W2, ((0, 0), (0, d2 - W2.shape[1])))
    b1r = b1.reshape(1, d)

    p = _sc_edge_agg(n, d, e, 80, 16)(src, dst, features)

    hw2 = pl.pallas_call(
        _mid_body,
        grid=(n // block,),
        in_specs=[
            pl.BlockSpec((1, block, d), lambda i: (0, i, 0)),
            pl.BlockSpec((1, block, d), lambda i: (1, i, 0)),
            pl.BlockSpec((d, d), lambda i: (0, 0)),
            pl.BlockSpec((1, d), lambda i: (0, 0)),
            pl.BlockSpec((d, d2), lambda i: (0, 0)),
        ],
        out_specs=pl.BlockSpec((block, d2), lambda i: (i, 0)),
        out_shape=jax.ShapeDtypeStruct((n, d2), jnp.float32),
    )(p, p, W1, b1r, W2p)

    q = _sc_edge_agg(n, d2, e, 80, 16)(src, dst, hw2)

    b2p = jnp.pad(b2, (0, d2 - b2.shape[0])).reshape(1, d2)
    logits128 = pl.pallas_call(
        _fin_body,
        grid=(n // block,),
        in_specs=[
            pl.BlockSpec((1, block, d2), lambda i: (0, i, 0)),
            pl.BlockSpec((1, block, d2), lambda i: (1, i, 0)),
            pl.BlockSpec((1, d2), lambda i: (0, 0)),
        ],
        out_specs=pl.BlockSpec((block, d2), lambda i: (i, 0)),
        out_shape=jax.ShapeDtypeStruct((n, d2), jnp.float32),
    )(q, q, b2p)

    return lax.slice(logits128, (0, 0), (n, 7))

# --- scband reference (transcript-rebuilt; emitter-appended) ---
"""Pipeline reference for scband-gcn-49211735277631 (READ-ONLY COPY).

The authoritative reference and input builder live on the scoring server;
editing this copy changes nothing except your own understanding.
"""

import jax, jax.numpy as jnp
import numpy as np

N_NODES = 10000
N_EDGES = 320000
D_FEAT = 128
D_HID = 128
D_OUT = 7


def setup_inputs(seed: int = 0) -> dict:
    key = jax.random.key(seed)
    k1, k2, k3, k4, k5, k6 = jax.random.split(key, 6)
    features = jax.random.normal(k1, (N_NODES, D_FEAT), dtype=jnp.float32)
    edge_index = jax.random.randint(k2, (2, N_EDGES), 0, N_NODES, dtype=jnp.int32)
    # Learned parameters for the two GCNLayer Dense layers (Keras glorot-uniform style)
    lim1 = float(np.sqrt(6.0 / (D_FEAT + D_HID)))
    W1 = jax.random.uniform(k3, (D_FEAT, D_HID), dtype=jnp.float32, minval=-lim1, maxval=lim1)
    b1 = jnp.zeros((D_HID,), dtype=jnp.float32)
    lim2 = float(np.sqrt(6.0 / (D_HID + D_OUT)))
    W2 = jax.random.uniform(k4, (D_HID, D_OUT), dtype=jnp.float32, minval=-lim2, maxval=lim2)
    b2 = jnp.zeros((D_OUT,), dtype=jnp.float32)
    return {"features": features, "edge_index": edge_index, "W1": W1, "b1": b1, "W2": W2, "b2": b2}


def reference(features, edge_index, W1, b1, W2, b2):
    # GCNLayer semantics (DGL): update_all(copy_src('h','m'), sum('m','h')) then Dense(+activation)
    src = edge_index[0]
    dst = edge_index[1]
    n = features.shape[0]
    # Layer 1: gather source features along edges, scatter-add into destination nodes
    msgs = jnp.take(features, src, axis=0)
    h = jax.ops.segment_sum(msgs, dst, num_segments=n)
    h = jax.nn.relu(h @ W1 + b1)
    # Layer 2 (output, no activation -> logits)
    msgs2 = jnp.take(h, src, axis=0)
    h2 = jax.ops.segment_sum(msgs2, dst, num_segments=n)
    logits = h2 @ W2 + b2
    return logits

if __name__ == "__main__":
    import jax
    _d = setup_inputs()
    print(jax.jit(kernel)(*tuple(_d.values())))

</pallas_src>

<mosaic_0001>
#map = affine_map<(d0, d1) -> (0)>
#map1 = affine_map<(d0, d1) -> (0, 0)>
#map2 = affine_map<(d0, d1) -> (0, 0, 0)>
module attributes {stable_mosaic.version = 14 : i64} {
  func.func @agg(%arg0: i32, %arg1: i32, %arg2: memref<320000xi32, #tpu.memory_space<hbm>>, %arg3: memref<320000xi32, #tpu.memory_space<hbm>>, %arg4: memref<10000x128xf32, #tpu.memory_space<hbm>>, %arg5: memref<2x10000x128xf32, #tpu.memory_space<hbm>>, %arg6: memref<4x80xi32, #tpu.memory_space<vmem>>, %arg7: memref<8x80xi32, #tpu.memory_space<vmem>>, %arg8: memref<4x80x128xf32, #tpu.memory_space<vmem>>, %arg9: memref<16x128xf32, #tpu.memory_space<vmem>>, %arg10: memref<10000x128xf32, #tpu.memory_space<vmem_shared>>, %arg11: memref<!tpu.dma_semaphore, #tpu.memory_space<semaphore_mem>>, %arg12: memref<!tpu.dma_semaphore, #tpu.memory_space<semaphore_mem>>, %arg13: memref<!tpu.dma_semaphore, #tpu.memory_space<semaphore_mem>>, %arg14: memref<!tpu.dma_semaphore, #tpu.memory_space<semaphore_mem>>, %arg15: memref<!tpu.dma_semaphore, #tpu.memory_space<semaphore_mem>>, %arg16: memref<!tpu.dma_semaphore, #tpu.memory_space<semaphore_mem>>, %arg17: memref<!tpu.dma_semaphore, #tpu.memory_space<semaphore_mem>>, %arg18: memref<!tpu.dma_semaphore, #tpu.memory_space<semaphore_mem>>, %arg19: memref<!tpu.dma_semaphore, #tpu.memory_space<semaphore_mem>>, %arg20: memref<!tpu.dma_semaphore, #tpu.memory_space<semaphore_mem>>, %arg21: memref<!tpu.dma_semaphore, #tpu.memory_space<semaphore_mem>>, %arg22: memref<!tpu.dma_semaphore, #tpu.memory_space<semaphore_mem>>) attributes {dimension_semantics = [#tpu.dimension_semantics<core_parallel>, #tpu.dimension_semantics<subcore_parallel>], iteration_bounds = array<i64: 2, 16>, scalar_prefetch = 0 : i64, scratch_operands = 17 : i64, tpu.core_type = #tpu.core_type<sc_vector_subcore>, window_params = [{transform_indices = #map}, {transform_indices = #map}, {transform_indices = #map1}, {transform_indices = #map2}]} {
    %mul3A = arith.constant 16 : i32
    %mul3A_0 = arith.muli %arg0, %mul3A : i32
    %add3A = arith.addi %mul3A_0, %arg1 : i32
    %mul3A_1 = arith.constant 624 : i32
    %mul3A_2 = arith.muli %arg1, %mul3A_1 : i32
    %broadcast_in_dim3A = arith.constant 0.000000e+00 : f32
    %broadcast_in_dim3A_3 = vector.broadcast %broadcast_in_dim3A : f32 to vector<16xf32>
    %scan3A = arith.constant 0 : i32
    %scan3A_4 = arith.constant 0 : i32
    %scan3A_5 = arith.constant 128 : i32
    %scan3A_6 = arith.addi %scan3A_4, %scan3A_5 : i32
    %scan3A_7 = arith.constant 1 : i32
    scf.for %scan3A_223 = %scan3A_4 to %scan3A_6 step %scan3A_7  : i32 {
      %jit3A = arith.constant 8 : i32
      %div3A = arith.divsi %scan3A_223, %jit3A : i32
      %sign3A = arith.constant 0 : i32
      %sign3A_224 = arith.cmpi sgt, %scan3A_223, %sign3A : i32
      %sign3A_225 = arith.extui %sign3A_224 : i1 to i32
      %sign3A_226 = arith.constant 0 : i32
      %sign3A_227 = arith.cmpi slt, %scan3A_223, %sign3A_226 : i32
      %sign3A_228 = arith.extui %sign3A_227 : i1 to i32
      %sign3A_229 = arith.subi %sign3A_225, %sign3A_228 : i32
      %sign3A_230 = arith.constant 0 : i32
      %sign3A_231 = arith.cmpi sgt, %jit3A, %sign3A_230 : i32
      %sign3A_232 = arith.extui %sign3A_231 : i1 to i32
      %sign3A_233 = arith.constant 0 : i32
      %sign3A_234 = arith.cmpi slt, %jit3A, %sign3A_233 : i32
      %sign3A_235 = arith.extui %sign3A_234 : i1 to i32
      %sign3A_236 = arith.subi %sign3A_232, %sign3A_235 : i32
      %ne3A = arith.cmpi ne, %sign3A_229, %sign3A_236 : i32
      %rem3A = arith.remsi %scan3A_223, %jit3A : i32
      %ne3A_237 = arith.constant 0 : i32
      %ne3A_238 = arith.cmpi ne, %rem3A, %ne3A_237 : i32
      %and3A = arith.andi %ne3A, %ne3A_238 : i1
      %sub3A = arith.constant 1 : i32
      %sub3A_239 = arith.subi %div3A, %sub3A : i32
      %select_n3A = arith.select %and3A, %sub3A_239, %div3A : i32
      %jit3A_240 = arith.constant 8 : i32
      %eq3A_241 = arith.constant 0 : i32
      %eq3A_242 = arith.cmpi eq, %jit3A_240, %eq3A_241 : i32
      %jit3A_243 = arith.constant 1 : i32
      %select_n3A_244 = arith.select %eq3A_242, %jit3A_243, %jit3A_240 : i32
      %rem3A_245 = arith.remsi %scan3A_223, %select_n3A_244 : i32
      %ne3A_246 = arith.constant 0 : i32
      %ne3A_247 = arith.cmpi ne, %rem3A_245, %ne3A_246 : i32
      %lt3A = arith.constant 0 : i32
      %lt3A_248 = arith.cmpi slt, %rem3A_245, %lt3A : i32
      %lt3A_249 = arith.constant 0 : i32
      %lt3A_250 = arith.cmpi slt, %select_n3A_244, %lt3A_249 : i32
      %ne3A_251 = arith.xori %lt3A_248, %lt3A_250 : i1
      %and3A_252 = arith.andi %ne3A_251, %ne3A_247 : i1
      %add3A_253 = arith.addi %rem3A_245, %select_n3A_244 : i32
      %select_n3A_254 = arith.select %and3A_252, %add3A_253, %rem3A_245 : i32
      %mul3A_255 = arith.constant 16 : i32
      %mul3A_256 = arith.muli %select_n3A_254, %mul3A_255 : i32
      %swap3A = arith.index_cast %select_n3A : i32 to index
      %swap3A_257 = arith.index_cast %mul3A_256 : i32 to index
      %swap3A_258 = tpu.vector_load %arg9[%swap3A, %swap3A_257] {strides = array<i32>} : memref<16x128xf32, #tpu.memory_space<vmem>>, vector<1x16xf32>,
      %swap3A_259 = vector.shape_cast %swap3A_258 : vector<1x16xf32> to vector<16xf32>
      %swap3A_260 = vector.shape_cast %broadcast_in_dim3A_3 : vector<16xf32> to vector<1x16xf32>
      tpu.vector_store %arg9[%swap3A, %swap3A_257], %swap3A_260 {strides = array<i32>} : memref<16x128xf32, #tpu.memory_space<vmem>>, vector<1x16xf32>,
    }
    %scan3A_8 = arith.constant 128 : i32
    %scan3A_9 = arith.constant 0 : i32
    %scan3A_10 = arith.constant 0 : i32
    %scan3A_11 = arith.constant 39 : i32
    %scan3A_12 = arith.addi %scan3A_10, %scan3A_11 : i32
    %scan3A_13 = arith.constant 1 : i32
    scf.for %scan3A_223 = %scan3A_10 to %scan3A_12 step %scan3A_13  : i32 {
      %mul3A_224 = arith.constant 16 : i32
      %mul3A_225 = arith.muli %scan3A_223, %mul3A_224 : i32
      %add3A_226 = arith.addi %mul3A_2, %mul3A_225 : i32
      "tpu.region"() ({
        %run_scoped3A = tpu.sem_alloc : memref<!tpu.dma_semaphore, #tpu.memory_space<semaphore_mem>>
        %dma_start3A_227 = arith.constant 0 : i32
        %dma_start3A_228 = tpu.memref_slice %arg10[%add3A_226, %dma_start3A_227] : memref<10000x128xf32, #tpu.memory_space<vmem_shared>> -> memref<16x128xf32, #tpu.memory_space<vmem_shared>>
        %dma_start3A_229 = arith.constant 0 : i32
        %dma_start3A_230 = tpu.memref_slice %arg10[%add3A_226, %dma_start3A_229] : memref<10000x128xf32, #tpu.memory_space<vmem_shared>> -> memref<16x128xf32, #tpu.memory_space<vmem_shared>>
        tpu.enqueue_dma source(%arg9 : memref<16x128xf32, #tpu.memory_space<vmem>>) target(%dma_start3A_230 : memref<16x128xf32, #tpu.memory_space<vmem_shared>>) target_semaphore(%run_scoped3A : memref<!tpu.dma_semaphore, #tpu.memory_space<semaphore_mem>>)
        %dma_wait3A_231 = arith.constant 0 : i32
        %dma_wait3A_232 = tpu.memref_slice %arg10[%add3A_226, %dma_wait3A_231] : memref<10000x128xf32, #tpu.memory_space<vmem_shared>> -> memref<16x128xf32, #tpu.memory_space<vmem_shared>>
        %dma_wait3A_233 = arith.constant 0 : i32
        %dma_wait3A_234 = tpu.memref_slice %arg10[%add3A_226, %dma_wait3A_233] : memref<10000x128xf32, #tpu.memory_space<vmem_shared>> -> memref<16x128xf32, #tpu.memory_space<vmem_shared>>
        tpu.wait_dma2 semaphore(%run_scoped3A : memref<!tpu.dma_semaphore, #tpu.memory_space<semaphore_mem>>) src(%arg9 : memref<16x128xf32, #tpu.memory_space<vmem>>) dst(%dma_wait3A_234 : memref<16x128xf32, #tpu.memory_space<vmem_shared>>)
        tpu.yield
      }) : () -> ()
    }
    %scan3A_14 = arith.constant 39 : i32
    %eq3A = arith.constant 15 : i32
    %eq3A_15 = arith.cmpi eq, %arg1, %eq3A : i32
    %convert_element_type3A = arith.extui %eq3A_15 : i1 to i32
    %cond3A = arith.constant 0 : i32
    %cond3A_16 = arith.cmpi ne, %convert_element_type3A, %cond3A : i32
    scf.if %cond3A_16 {
      "tpu.region"() ({
        %run_scoped3A = tpu.sem_alloc : memref<!tpu.dma_semaphore, #tpu.memory_space<semaphore_mem>>
        %dma_start3A_223 = arith.constant 0 : i32
        %dma_start3A_224 = arith.constant 0 : i32
        %dma_start3A_225 = tpu.memref_slice %arg9[%dma_start3A_223, %dma_start3A_224] : memref<16x128xf32, #tpu.memory_space<vmem>> -> memref<16x128xf32, #tpu.memory_space<vmem>>
        %dma_start3A_226 = arith.constant 9984 : i32
        %dma_start3A_227 = arith.constant 0 : i32
        %dma_start3A_228 = tpu.memref_slice %arg10[%dma_start3A_226, %dma_start3A_227] : memref<10000x128xf32, #tpu.memory_space<vmem_shared>> -> memref<16x128xf32, #tpu.memory_space<vmem_shared>>
        %dma_start3A_229 = arith.constant 9984 : i32
        %dma_start3A_230 = arith.constant 0 : i32
        %dma_start3A_231 = tpu.memref_slice %arg10[%dma_start3A_229, %dma_start3A_230] : memref<10000x128xf32, #tpu.memory_space<vmem_shared>> -> memref<16x128xf32, #tpu.memory_space<vmem_shared>>
        %dma_start3A_232 = arith.constant 0 : i32
        %dma_start3A_233 = arith.constant 0 : i32
        %dma_start3A_234 = tpu.memref_slice %arg9[%dma_start3A_232, %dma_start3A_233] : memref<16x128xf32, #tpu.memory_space<vmem>> -> memref<16x128xf32, #tpu.memory_space<vmem>>
        tpu.enqueue_dma source(%dma_start3A_234 : memref<16x128xf32, #tpu.memory_space<vmem>>) target(%dma_start3A_231 : memref<16x128xf32, #tpu.memory_space<vmem_shared>>) target_semaphore(%run_scoped3A : memref<!tpu.dma_semaphore, #tpu.memory_space<semaphore_mem>>)
        %dma_wait3A_235 = arith.constant 0 : i32
        %dma_wait3A_236 = arith.constant 0 : i32
        %dma_wait3A_237 = tpu.memref_slice %arg9[%dma_wait3A_235, %dma_wait3A_236] : memref<16x128xf32, #tpu.memory_space<vmem>> -> memref<16x128xf32, #tpu.memory_space<vmem>>
        %dma_wait3A_238 = arith.constant 9984 : i32
        %dma_wait3A_239 = arith.constant 0 : i32
        %dma_wait3A_240 = tpu.memref_slice %arg10[%dma_wait3A_238, %dma_wait3A_239] : memref<10000x128xf32, #tpu.memory_space<vmem_shared>> -> memref<16x128xf32, #tpu.memory_space<vmem_shared>>
        %dma_wait3A_241 = arith.constant 9984 : i32
        %dma_wait3A_242 = arith.constant 0 : i32
        %dma_wait3A_243 = tpu.memref_slice %arg10[%dma_wait3A_241, %dma_wait3A_242] : memref<10000x128xf32, #tpu.memory_space<vmem_shared>> -> memref<16x128xf32, #tpu.memory_space<vmem_shared>>
        %dma_wait3A_244 = arith.constant 0 : i32
        %dma_wait3A_245 = arith.constant 0 : i32
        %dma_wait3A_246 = tpu.memref_slice %arg9[%dma_wait3A_244, %dma_wait3A_245] : memref<16x128xf32, #tpu.memory_space<vmem>> -> memref<16x128xf32, #tpu.memory_space<vmem>>
        tpu.wait_dma2 semaphore(%run_scoped3A : memref<!tpu.dma_semaphore, #tpu.memory_space<semaphore_mem>>) src(%dma_wait3A_246 : memref<16x128xf32, #tpu.memory_space<vmem>>) dst(%dma_wait3A_243 : memref<16x128xf32, #tpu.memory_space<vmem_shared>>)
        tpu.yield
      }) : () -> ()
    } else {
    }
    %barrier3A = arith.constant 0 : index
    tpu.barrier barrier_id(%barrier3A)
    %mul3A_17 = arith.constant 10000 : i32
    %mul3A_18 = arith.muli %add3A, %mul3A_17 : i32
    %add3A_19 = arith.constant 0 : i32
    %add3A_20 = arith.addi %mul3A_18, %add3A_19 : i32
    %dma_start3A = arith.constant 0 : i32
    %dma_start3A_21 = arith.constant 0 : i32
    %dma_start3A_22 = tpu.memref_slice %arg6[%dma_start3A, %dma_start3A_21] : memref<4x80xi32, #tpu.memory_space<vmem>> -> memref<1x80xi32, #tpu.memory_space<vmem>>
    %dma_start3A_23 = tpu.memref_squeeze %dma_start3A_22 : memref<1x80xi32, #tpu.memory_space<vmem>> -> memref<80xi32, #tpu.memory_space<vmem>>
    %dma_start3A_24 = tpu.memref_slice %arg2[%add3A_20] : memref<320000xi32, #tpu.memory_space<hbm>> -> memref<80xi32, #tpu.memory_space<hbm>>
    %dma_start3A_25 = arith.constant 0 : i32
    %dma_start3A_26 = tpu.memref_slice %arg6[%dma_start3A, %dma_start3A_25] : memref<4x80xi32, #tpu.memory_space<vmem>> -> memref<1x80xi32, #tpu.memory_space<vmem>>
    %dma_start3A_27 = tpu.memref_squeeze %dma_start3A_26 : memref<1x80xi32, #tpu.memory_space<vmem>> -> memref<80xi32, #tpu.memory_space<vmem>>
    %dma_start3A_28 = tpu.memref_slice %arg2[%add3A_20] : memref<320000xi32, #tpu.memory_space<hbm>> -> memref<80xi32, #tpu.memory_space<hbm>>
    tpu.enqueue_dma source(%dma_start3A_28 : memref<80xi32, #tpu.memory_space<hbm>>) target(%dma_start3A_27 : memref<80xi32, #tpu.memory_space<vmem>>) target_semaphore(%arg15 : memref<!tpu.dma_semaphore, #tpu.memory_space<semaphore_mem>>)
    %dma_start3A_29 = arith.constant 0 : i32
    %dma_start3A_30 = arith.constant 0 : i32
    %dma_start3A_31 = tpu.memref_slice %arg7[%dma_start3A_29, %dma_start3A_30] : memref<8x80xi32, #tpu.memory_space<vmem>> -> memref<1x80xi32, #tpu.memory_space<vmem>>
    %dma_start3A_32 = tpu.memref_squeeze %dma_start3A_31 : memref<1x80xi32, #tpu.memory_space<vmem>> -> memref<80xi32, #tpu.memory_space<vmem>>
    %dma_start3A_33 = tpu.memref_slice %arg3[%add3A_20] : memref<320000xi32, #tpu.memory_space<hbm>> -> memref<80xi32, #tpu.memory_space<hbm>>
    %dma_start3A_34 = arith.constant 0 : i32
    %dma_start3A_35 = tpu.memref_slice %arg7[%dma_start3A_29, %dma_start3A_34] : memref<8x80xi32, #tpu.memory_space<vmem>> -> memref<1x80xi32, #tpu.memory_space<vmem>>
    %dma_start3A_36 = tpu.memref_squeeze %dma_start3A_35 : memref<1x80xi32, #tpu.memory_space<vmem>> -> memref<80xi32, #tpu.memory_space<vmem>>
    %dma_start3A_37 = tpu.memref_slice %arg3[%add3A_20] : memref<320000xi32, #tpu.memory_space<hbm>> -> memref<80xi32, #tpu.memory_space<hbm>>
    tpu.enqueue_dma source(%dma_start3A_37 : memref<80xi32, #tpu.memory_space<hbm>>) target(%dma_start3A_36 : memref<80xi32, #tpu.memory_space<vmem>>) target_semaphore(%arg15 : memref<!tpu.dma_semaphore, #tpu.memory_space<semaphore_mem>>)
    %add3A_38 = arith.constant 80 : i32
    %add3A_39 = arith.addi %mul3A_18, %add3A_38 : i32
    %dma_start3A_40 = arith.constant 1 : i32
    %dma_start3A_41 = arith.constant 0 : i32
    %dma_start3A_42 = tpu.memref_slice %arg6[%dma_start3A_40, %dma_start3A_41] : memref<4x80xi32, #tpu.memory_space<vmem>> -> memref<1x80xi32, #tpu.memory_space<vmem>>
    %dma_start3A_43 = tpu.memref_squeeze %dma_start3A_42 : memref<1x80xi32, #tpu.memory_space<vmem>> -> memref<80xi32, #tpu.memory_space<vmem>>
    %dma_start3A_44 = tpu.memref_slice %arg2[%add3A_39] : memref<320000xi32, #tpu.memory_space<hbm>> -> memref<80xi32, #tpu.memory_space<hbm>>
    %dma_start3A_45 = arith.constant 0 : i32
    %dma_start3A_46 = tpu.memref_slice %arg6[%dma_start3A_40, %dma_start3A_45] : memref<4x80xi32, #tpu.memory_space<vmem>> -> memref<1x80xi32, #tpu.memory_space<vmem>>
    %dma_start3A_47 = tpu.memref_squeeze %dma_start3A_46 : memref<1x80xi32, #tpu.memory_space<vmem>> -> memref<80xi32, #tpu.memory_space<vmem>>
    %dma_start3A_48 = tpu.memref_slice %arg2[%add3A_39] : memref<320000xi32, #tpu.memory_space<hbm>> -> memref<80xi32, #tpu.memory_space<hbm>>
    tpu.enqueue_dma source(%dma_start3A_48 : memref<80xi32, #tpu.memory_space<hbm>>) target(%dma_start3A_47 : memref<80xi32, #tpu.memory_space<vmem>>) target_semaphore(%arg16 : memref<!tpu.dma_semaphore, #tpu.memory_space<semaphore_mem>>)
    %dma_start3A_49 = arith.constant 1 : i32
    %dma_start3A_50 = arith.constant 0 : i32
    %dma_start3A_51 = tpu.memref_slice %arg7[%dma_start3A_49, %dma_start3A_50] : memref<8x80xi32, #tpu.memory_space<vmem>> -> memref<1x80xi32, #tpu.memory_space<vmem>>
    %dma_start3A_52 = tpu.memref_squeeze %dma_start3A_51 : memref<1x80xi32, #tpu.memory_space<vmem>> -> memref<80xi32, #tpu.memory_space<vmem>>
    %dma_start3A_53 = tpu.memref_slice %arg3[%add3A_39] : memref<320000xi32, #tpu.memory_space<hbm>> -> memref<80xi32, #tpu.memory_space<hbm>>
    %dma_start3A_54 = arith.constant 0 : i32
    %dma_start3A_55 = tpu.memref_slice %arg7[%dma_start3A_49, %dma_start3A_54] : memref<8x80xi32, #tpu.memory_space<vmem>> -> memref<1x80xi32, #tpu.memory_space<vmem>>
    %dma_start3A_56 = tpu.memref_squeeze %dma_start3A_55 : memref<1x80xi32, #tpu.memory_space<vmem>> -> memref<80xi32, #tpu.memory_space<vmem>>
    %dma_start3A_57 = tpu.memref_slice %arg3[%add3A_39] : memref<320000xi32, #tpu.memory_space<hbm>> -> memref<80xi32, #tpu.memory_space<hbm>>
    tpu.enqueue_dma source(%dma_start3A_57 : memref<80xi32, #tpu.memory_space<hbm>>) target(%dma_start3A_56 : memref<80xi32, #tpu.memory_space<vmem>>) target_semaphore(%arg16 : memref<!tpu.dma_semaphore, #tpu.memory_space<semaphore_mem>>)
    %add3A_58 = arith.constant 160 : i32
    %add3A_59 = arith.addi %mul3A_18, %add3A_58 : i32
    %dma_start3A_60 = arith.constant 2 : i32
    %dma_start3A_61 = arith.constant 0 : i32
    %dma_start3A_62 = tpu.memref_slice %arg6[%dma_start3A_60, %dma_start3A_61] : memref<4x80xi32, #tpu.memory_space<vmem>> -> memref<1x80xi32, #tpu.memory_space<vmem>>
    %dma_start3A_63 = tpu.memref_squeeze %dma_start3A_62 : memref<1x80xi32, #tpu.memory_space<vmem>> -> memref<80xi32, #tpu.memory_space<vmem>>
    %dma_start3A_64 = tpu.memref_slice %arg2[%add3A_59] : memref<320000xi32, #tpu.memory_space<hbm>> -> memref<80xi32, #tpu.memory_space<hbm>>
    %dma_start3A_65 = arith.constant 0 : i32
    %dma_start3A_66 = tpu.memref_slice %arg6[%dma_start3A_60, %dma_start3A_65] : memref<4x80xi32, #tpu.memory_space<vmem>> -> memref<1x80xi32, #tpu.memory_space<vmem>>
    %dma_start3A_67 = tpu.memref_squeeze %dma_start3A_66 : memref<1x80xi32, #tpu.memory_space<vmem>> -> memref<80xi32, #tpu.memory_space<vmem>>
    %dma_start3A_68 = tpu.memref_slice %arg2[%add3A_59] : memref<320000xi32, #tpu.memory_space<hbm>> -> memref<80xi32, #tpu.memory_space<hbm>>
    tpu.enqueue_dma source(%dma_start3A_68 : memref<80xi32, #tpu.memory_space<hbm>>) target(%dma_start3A_67 : memref<80xi32, #tpu.memory_space<vmem>>) target_semaphore(%arg17 : memref<!tpu.dma_semaphore, #tpu.memory_space<semaphore_mem>>)
    %dma_start3A_69 = arith.constant 2 : i32
    %dma_start3A_70 = arith.constant 0 : i32
    %dma_start3A_71 = tpu.memref_slice %arg7[%dma_start3A_69, %dma_start3A_70] : memref<8x80xi32, #tpu.memory_space<vmem>> -> memref<1x80xi32, #tpu.memory_space<vmem>>
    %dma_start3A_72 = tpu.memref_squeeze %dma_start3A_71 : memref<1x80xi32, #tpu.memory_space<vmem>> -> memref<80xi32, #tpu.memory_space<vmem>>
    %dma_start3A_73 = tpu.memref_slice %arg3[%add3A_59] : memref<320000xi32, #tpu.memory_space<hbm>> -> memref<80xi32, #tpu.memory_space<hbm>>
    %dma_start3A_74 = arith.constant 0 : i32
    %dma_start3A_75 = tpu.memref_slice %arg7[%dma_start3A_69, %dma_start3A_74] : memref<8x80xi32, #tpu.memory_space<vmem>> -> memref<1x80xi32, #tpu.memory_space<vmem>>
    %dma_start3A_76 = tpu.memref_squeeze %dma_start3A_75 : memref<1x80xi32, #tpu.memory_space<vmem>> -> memref<80xi32, #tpu.memory_space<vmem>>
    %dma_start3A_77 = tpu.memref_slice %arg3[%add3A_59] : memref<320000xi32, #tpu.memory_space<hbm>> -> memref<80xi32, #tpu.memory_space<hbm>>
    tpu.enqueue_dma source(%dma_start3A_77 : memref<80xi32, #tpu.memory_space<hbm>>) target(%dma_start3A_76 : memref<80xi32, #tpu.memory_space<vmem>>) target_semaphore(%arg17 : memref<!tpu.dma_semaphore, #tpu.memory_space<semaphore_mem>>)
    %add3A_78 = arith.constant 240 : i32
    %add3A_79 = arith.addi %mul3A_18, %add3A_78 : i32
    %dma_start3A_80 = arith.constant 3 : i32
    %dma_start3A_81 = arith.constant 0 : i32
    %dma_start3A_82 = tpu.memref_slice %arg6[%dma_start3A_80, %dma_start3A_81] : memref<4x80xi32, #tpu.memory_space<vmem>> -> memref<1x80xi32, #tpu.memory_space<vmem>>
    %dma_start3A_83 = tpu.memref_squeeze %dma_start3A_82 : memref<1x80xi32, #tpu.memory_space<vmem>> -> memref<80xi32, #tpu.memory_space<vmem>>
    %dma_start3A_84 = tpu.memref_slice %arg2[%add3A_79] : memref<320000xi32, #tpu.memory_space<hbm>> -> memref<80xi32, #tpu.memory_space<hbm>>
    %dma_start3A_85 = arith.constant 0 : i32
    %dma_start3A_86 = tpu.memref_slice %arg6[%dma_start3A_80, %dma_start3A_85] : memref<4x80xi32, #tpu.memory_space<vmem>> -> memref<1x80xi32, #tpu.memory_space<vmem>>
    %dma_start3A_87 = tpu.memref_squeeze %dma_start3A_86 : memref<1x80xi32, #tpu.memory_space<vmem>> -> memref<80xi32, #tpu.memory_space<vmem>>
    %dma_start3A_88 = tpu.memref_slice %arg2[%add3A_79] : memref<320000xi32, #tpu.memory_space<hbm>> -> memref<80xi32, #tpu.memory_space<hbm>>
    tpu.enqueue_dma source(%dma_start3A_88 : memref<80xi32, #tpu.memory_space<hbm>>) target(%dma_start3A_87 : memref<80xi32, #tpu.memory_space<vmem>>) target_semaphore(%arg18 : memref<!tpu.dma_semaphore, #tpu.memory_space<semaphore_mem>>)
    %dma_start3A_89 = arith.constant 3 : i32
    %dma_start3A_90 = arith.constant 0 : i32
    %dma_start3A_91 = tpu.memref_slice %arg7[%dma_start3A_89, %dma_start3A_90] : memref<8x80xi32, #tpu.memory_space<vmem>> -> memref<1x80xi32, #tpu.memory_space<vmem>>
    %dma_start3A_92 = tpu.memref_squeeze %dma_start3A_91 : memref<1x80xi32, #tpu.memory_space<vmem>> -> memref<80xi32, #tpu.memory_space<vmem>>
    %dma_start3A_93 = tpu.memref_slice %arg3[%add3A_79] : memref<320000xi32, #tpu.memory_space<hbm>> -> memref<80xi32, #tpu.memory_space<hbm>>
    %dma_start3A_94 = arith.constant 0 : i32
    %dma_start3A_95 = tpu.memref_slice %arg7[%dma_start3A_89, %dma_start3A_94] : memref<8x80xi32, #tpu.memory_space<vmem>> -> memref<1x80xi32, #tpu.memory_space<vmem>>
    %dma_start3A_96 = tpu.memref_squeeze %dma_start3A_95 : memref<1x80xi32, #tpu.memory_space<vmem>> -> memref<80xi32, #tpu.memory_space<vmem>>
    %dma_start3A_97 = tpu.memref_slice %arg3[%add3A_79] : memref<320000xi32, #tpu.memory_space<hbm>> -> memref<80xi32, #tpu.memory_space<hbm>>
    tpu.enqueue_dma source(%dma_start3A_97 : memref<80xi32, #tpu.memory_space<hbm>>) target(%dma_start3A_96 : memref<80xi32, #tpu.memory_space<vmem>>) target_semaphore(%arg18 : memref<!tpu.dma_semaphore, #tpu.memory_space<semaphore_mem>>)
    %dma_wait3A = arith.constant 0 : i32
    %dma_wait3A_98 = arith.constant 0 : i32
    %dma_wait3A_99 = tpu.memref_slice %arg6[%dma_wait3A, %dma_wait3A_98] : memref<4x80xi32, #tpu.memory_space<vmem>> -> memref<1x80xi32, #tpu.memory_space<vmem>>
    %dma_wait3A_100 = tpu.memref_squeeze %dma_wait3A_99 : memref<1x80xi32, #tpu.memory_space<vmem>> -> memref<80xi32, #tpu.memory_space<vmem>>
    %dma_wait3A_101 = arith.constant 0 : i32
    %dma_wait3A_102 = tpu.memref_slice %arg2[%dma_wait3A_101] : memref<320000xi32, #tpu.memory_space<hbm>> -> memref<80xi32, #tpu.memory_space<hbm>>
    %dma_wait3A_103 = arith.constant 0 : i32
    %dma_wait3A_104 = tpu.memref_slice %arg6[%dma_wait3A, %dma_wait3A_103] : memref<4x80xi32, #tpu.memory_space<vmem>> -> memref<1x80xi32, #tpu.memory_space<vmem>>
    %dma_wait3A_105 = tpu.memref_squeeze %dma_wait3A_104 : memref<1x80xi32, #tpu.memory_space<vmem>> -> memref<80xi32, #tpu.memory_space<vmem>>
    %dma_wait3A_106 = arith.constant 0 : i32
    %dma_wait3A_107 = tpu.memref_slice %arg2[%dma_wait3A_106] : memref<320000xi32, #tpu.memory_space<hbm>> -> memref<80xi32, #tpu.memory_space<hbm>>
    tpu.wait_dma2 semaphore(%arg15 : memref<!tpu.dma_semaphore, #tpu.memory_space<semaphore_mem>>) src(%dma_wait3A_107 : memref<80xi32, #tpu.memory_space<hbm>>) dst(%dma_wait3A_105 : memref<80xi32, #tpu.memory_space<vmem>>)
    %dma_wait3A_108 = arith.constant 0 : i32
    %dma_wait3A_109 = arith.constant 0 : i32
    %dma_wait3A_110 = tpu.memref_slice %arg7[%dma_wait3A_108, %dma_wait3A_109] : memref<8x80xi32, #tpu.memory_space<vmem>> -> memref<1x80xi32, #tpu.memory_space<vmem>>
    %dma_wait3A_111 = tpu.memref_squeeze %dma_wait3A_110 : memref<1x80xi32, #tpu.memory_space<vmem>> -> memref<80xi32, #tpu.memory_space<vmem>>
    %dma_wait3A_112 = arith.constant 0 : i32
    %dma_wait3A_113 = tpu.memref_slice %arg3[%dma_wait3A_112] : memref<320000xi32, #tpu.memory_space<hbm>> -> memref<80xi32, #tpu.memory_space<hbm>>
    %dma_wait3A_114 = arith.constant 0 : i32
    %dma_wait3A_115 = tpu.memref_slice %arg7[%dma_wait3A_108, %dma_wait3A_114] : memref<8x80xi32, #tpu.memory_space<vmem>> -> memref<1x80xi32, #tpu.memory_space<vmem>>
    %dma_wait3A_116 = tpu.memref_squeeze %dma_wait3A_115 : memref<1x80xi32, #tpu.memory_space<vmem>> -> memref<80xi32, #tpu.memory_space<vmem>>
    %dma_wait3A_117 = arith.constant 0 : i32
    %dma_wait3A_118 = tpu.memref_slice %arg3[%dma_wait3A_117] : memref<320000xi32, #tpu.memory_space<hbm>> -> memref<80xi32, #tpu.memory_space<hbm>>
    tpu.wait_dma2 semaphore(%arg15 : memref<!tpu.dma_semaphore, #tpu.memory_space<semaphore_mem>>) src(%dma_wait3A_118 : memref<80xi32, #tpu.memory_space<hbm>>) dst(%dma_wait3A_116 : memref<80xi32, #tpu.memory_space<vmem>>)
    %dma_start3A_119 = arith.constant 0 : i32
    %dma_start3A_120 = arith.constant 0 : i32
    %dma_start3A_121 = arith.constant 0 : i32
    %dma_start3A_122 = arith.constant 0 : i32
    %dma_start3A_123 = tpu.memref_slice %arg8[%dma_start3A_120, %dma_start3A_121, %dma_start3A_122] : memref<4x80x128xf32, #tpu.memory_space<vmem>> -> memref<1x80x128xf32, #tpu.memory_space<vmem>>
    %dma_start3A_124 = tpu.memref_squeeze %dma_start3A_123 : memref<1x80x128xf32, #tpu.memory_space<vmem>> -> memref<80x128xf32, #tpu.memory_space<vmem>>
    %dma_start3A_125 = arith.constant 0 : i32
    %dma_start3A_126 = tpu.memref_slice %arg6[%dma_start3A_119, %dma_start3A_125] : memref<4x80xi32, #tpu.memory_space<vmem>> -> memref<1x80xi32, #tpu.memory_space<vmem>>
    %dma_start3A_127 = tpu.memref_squeeze %dma_start3A_126 : memref<1x80xi32, #tpu.memory_space<vmem>> -> memref<80xi32, #tpu.memory_space<vmem>>
    %dma_start3A_128 = arith.constant 0 : i32
    %dma_start3A_129 = arith.constant 0 : i32
    %dma_start3A_130 = tpu.memref_slice %arg4[%dma_start3A_128, %dma_start3A_129] : memref<10000x128xf32, #tpu.memory_space<hbm>> -> memref<10000x128xf32, #tpu.memory_space<hbm>>
    tpu.enqueue_indirect_dma source(%dma_start3A_130 : memref<10000x128xf32, #tpu.memory_space<hbm>>) target(%dma_start3A_124 : memref<80x128xf32, #tpu.memory_space<vmem>>) offsets(%dma_start3A_127 : memref<80xi32, #tpu.memory_space<vmem>>) semaphore(%arg11 : memref<!tpu.dma_semaphore, #tpu.memory_space<semaphore_mem>>)
    %dma_wait3A_131 = arith.constant 1 : i32
    %dma_wait3A_132 = arith.constant 0 : i32
    %dma_wait3A_133 = tpu.memref_slice %arg6[%dma_wait3A_131, %dma_wait3A_132] : memref<4x80xi32, #tpu.memory_space<vmem>> -> memref<1x80xi32, #tpu.memory_space<vmem>>
    %dma_wait3A_134 = tpu.memref_squeeze %dma_wait3A_133 : memref<1x80xi32, #tpu.memory_space<vmem>> -> memref<80xi32, #tpu.memory_space<vmem>>
    %dma_wait3A_135 = arith.constant 0 : i32
    %dma_wait3A_136 = tpu.memref_slice %arg2[%dma_wait3A_135] : memref<320000xi32, #tpu.memory_space<hbm>> -> memref<80xi32, #tpu.memory_space<hbm>>
    %dma_wait3A_137 = arith.constant 0 : i32
    %dma_wait3A_138 = tpu.memref_slice %arg6[%dma_wait3A_131, %dma_wait3A_137] : memref<4x80xi32, #tpu.memory_space<vmem>> -> memref<1x80xi32, #tpu.memory_space<vmem>>
    %dma_wait3A_139 = tpu.memref_squeeze %dma_wait3A_138 : memref<1x80xi32, #tpu.memory_space<vmem>> -> memref<80xi32, #tpu.memory_space<vmem>>
    %dma_wait3A_140 = arith.constant 0 : i32
    %dma_wait3A_141 = tpu.memref_slice %arg2[%dma_wait3A_140] : memref<320000xi32, #tpu.memory_space<hbm>> -> memref<80xi32, #tpu.memory_space<hbm>>
    tpu.wait_dma2 semaphore(%arg16 : memref<!tpu.dma_semaphore, #tpu.memory_space<semaphore_mem>>) src(%dma_wait3A_141 : memref<80xi32, #tpu.memory_space<hbm>>) dst(%dma_wait3A_139 : memref<80xi32, #tpu.memory_space<vmem>>)
    %dma_wait3A_142 = arith.constant 1 : i32
    %dma_wait3A_143 = arith.constant 0 : i32
    %dma_wait3A_144 = tpu.memref_slice %arg7[%dma_wait3A_142, %dma_wait3A_143] : memref<8x80xi32, #tpu.memory_space<vmem>> -> memref<1x80xi32, #tpu.memory_space<vmem>>
    %dma_wait3A_145 = tpu.memref_squeeze %dma_wait3A_144 : memref<1x80xi32, #tpu.memory_space<vmem>> -> memref<80xi32, #tpu.memory_space<vmem>>
    %dma_wait3A_146 = arith.constant 0 : i32
    %dma_wait3A_147 = tpu.memref_slice %arg3[%dma_wait3A_146] : memref<320000xi32, #tpu.memory_space<hbm>> -> memref<80xi32, #tpu.memory_space<hbm>>
    %dma_wait3A_148 = arith.constant 0 : i32
    %dma_wait3A_149 = tpu.memref_slice %arg7[%dma_wait3A_142, %dma_wait3A_148] : memref<8x80xi32, #tpu.memory_space<vmem>> -> memref<1x80xi32, #tpu.memory_space<vmem>>
    %dma_wait3A_150 = tpu.memref_squeeze %dma_wait3A_149 : memref<1x80xi32, #tpu.memory_space<vmem>> -> memref<80xi32, #tpu.memory_space<vmem>>
    %dma_wait3A_151 = arith.constant 0 : i32
    %dma_wait3A_152 = tpu.memref_slice %arg3[%dma_wait3A_151] : memref<320000xi32, #tpu.memory_space<hbm>> -> memref<80xi32, #tpu.memory_space<hbm>>
    tpu.wait_dma2 semaphore(%arg16 : memref<!tpu.dma_semaphore, #tpu.memory_space<semaphore_mem>>) src(%dma_wait3A_152 : memref<80xi32, #tpu.memory_space<hbm>>) dst(%dma_wait3A_150 : memref<80xi32, #tpu.memory_space<vmem>>)
    %dma_start3A_153 = arith.constant 1 : i32
    %dma_start3A_154 = arith.constant 1 : i32
    %dma_start3A_155 = arith.constant 0 : i32
    %dma_start3A_156 = arith.constant 0 : i32
    %dma_start3A_157 = tpu.memref_slice %arg8[%dma_start3A_154, %dma_start3A_155, %dma_start3A_156] : memref<4x80x128xf32, #tpu.memory_space<vmem>> -> memref<1x80x128xf32, #tpu.memory_space<vmem>>
    %dma_start3A_158 = tpu.memref_squeeze %dma_start3A_157 : memref<1x80x128xf32, #tpu.memory_space<vmem>> -> memref<80x128xf32, #tpu.memory_space<vmem>>
    %dma_start3A_159 = arith.constant 0 : i32
    %dma_start3A_160 = tpu.memref_slice %arg6[%dma_start3A_153, %dma_start3A_159] : memref<4x80xi32, #tpu.memory_space<vmem>> -> memref<1x80xi32, #tpu.memory_space<vmem>>
    %dma_start3A_161 = tpu.memref_squeeze %dma_start3A_160 : memref<1x80xi32, #tpu.memory_space<vmem>> -> memref<80xi32, #tpu.memory_space<vmem>>
    %dma_start3A_162 = arith.constant 0 : i32
    %dma_start3A_163 = arith.constant 0 : i32
    %dma_start3A_164 = tpu.memref_slice %arg4[%dma_start3A_162, %dma_start3A_163] : memref<10000x128xf32, #tpu.memory_space<hbm>> -> memref<10000x128xf32, #tpu.memory_space<hbm>>
    tpu.enqueue_indirect_dma source(%dma_start3A_164 : memref<10000x128xf32, #tpu.memory_space<hbm>>) target(%dma_start3A_158 : memref<80x128xf32, #tpu.memory_space<vmem>>) offsets(%dma_start3A_161 : memref<80xi32, #tpu.memory_space<vmem>>) semaphore(%arg12 : memref<!tpu.dma_semaphore, #tpu.memory_space<semaphore_mem>>)
    %dma_wait3A_165 = arith.constant 2 : i32
    %dma_wait3A_166 = arith.constant 0 : i32
    %dma_wait3A_167 = tpu.memref_slice %arg6[%dma_wait3A_165, %dma_wait3A_166] : memref<4x80xi32, #tpu.memory_space<vmem>> -> memref<1x80xi32, #tpu.memory_space<vmem>>
    %dma_wait3A_168 = tpu.memref_squeeze %dma_wait3A_167 : memref<1x80xi32, #tpu.memory_space<vmem>> -> memref<80xi32, #tpu.memory_space<vmem>>
    %dma_wait3A_169 = arith.constant 0 : i32
    %dma_wait3A_170 = tpu.memref_slice %arg2[%dma_wait3A_169] : memref<320000xi32, #tpu.memory_space<hbm>> -> memref<80xi32, #tpu.memory_space<hbm>>
    %dma_wait3A_171 = arith.constant 0 : i32
    %dma_wait3A_172 = tpu.memref_slice %arg6[%dma_wait3A_165, %dma_wait3A_171] : memref<4x80xi32, #tpu.memory_space<vmem>> -> memref<1x80xi32, #tpu.memory_space<vmem>>
    %dma_wait3A_173 = tpu.memref_squeeze %dma_wait3A_172 : memref<1x80xi32, #tpu.memory_space<vmem>> -> memref<80xi32, #tpu.memory_space<vmem>>
    %dma_wait3A_174 = arith.constant 0 : i32
    %dma_wait3A_175 = tpu.memref_slice %arg2[%dma_wait3A_174] : memref<320000xi32, #tpu.memory_space<hbm>> -> memref<80xi32, #tpu.memory_space<hbm>>
    tpu.wait_dma2 semaphore(%arg17 : memref<!tpu.dma_semaphore, #tpu.memory_space<semaphore_mem>>) src(%dma_wait3A_175 : memref<80xi32, #tpu.memory_space<hbm>>) dst(%dma_wait3A_173 : memref<80xi32, #tpu.memory_space<vmem>>)
    %dma_wait3A_176 = arith.constant 2 : i32
    %dma_wait3A_177 = arith.constant 0 : i32
    %dma_wait3A_178 = tpu.memref_slice %arg7[%dma_wait3A_176, %dma_wait3A_177] : memref<8x80xi32, #tpu.memory_space<vmem>> -> memref<1x80xi32, #tpu.memory_space<vmem>>
    %dma_wait3A_179 = tpu.memref_squeeze %dma_wait3A_178 : memref<1x80xi32, #tpu.memory_space<vmem>> -> memref<80xi32, #tpu.memory_space<vmem>>
    %dma_wait3A_180 = arith.constant 0 : i32
    %dma_wait3A_181 = tpu.memref_slice %arg3[%dma_wait3A_180] : memref<320000xi32, #tpu.memory_space<hbm>> -> memref<80xi32, #tpu.memory_space<hbm>>
    %dma_wait3A_182 = arith.constant 0 : i32
    %dma_wait3A_183 = tpu.memref_slice %arg7[%dma_wait3A_176, %dma_wait3A_182] : memref<8x80xi32, #tpu.memory_space<vmem>> -> memref<1x80xi32, #tpu.memory_space<vmem>>
    %dma_wait3A_184 = tpu.memref_squeeze %dma_wait3A_183 : memref<1x80xi32, #tpu.memory_space<vmem>> -> memref<80xi32, #tpu.memory_space<vmem>>
    %dma_wait3A_185 = arith.constant 0 : i32
    %dma_wait3A_186 = tpu.memref_slice %arg3[%dma_wait3A_185] : memref<320000xi32, #tpu.memory_space<hbm>> -> memref<80xi32, #tpu.memory_space<hbm>>
    tpu.wait_dma2 semaphore(%arg17 : memref<!tpu.dma_semaphore, #tpu.memory_space<semaphore_mem>>) src(%dma_wait3A_186 : memref<80xi32, #tpu.memory_space<hbm>>) dst(%dma_wait3A_184 : memref<80xi32, #tpu.memory_space<vmem>>)
    %dma_start3A_187 = arith.constant 2 : i32
    %dma_start3A_188 = arith.constant 2 : i32
    %dma_start3A_189 = arith.constant 0 : i32
    %dma_start3A_190 = arith.constant 0 : i32
    %dma_start3A_191 = tpu.memref_slice %arg8[%dma_start3A_188, %dma_start3A_189, %dma_start3A_190] : memref<4x80x128xf32, #tpu.memory_space<vmem>> -> memref<1x80x128xf32, #tpu.memory_space<vmem>>
    %dma_start3A_192 = tpu.memref_squeeze %dma_start3A_191 : memref<1x80x128xf32, #tpu.memory_space<vmem>> -> memref<80x128xf32, #tpu.memory_space<vmem>>
    %dma_start3A_193 = arith.constant 0 : i32
    %dma_start3A_194 = tpu.memref_slice %arg6[%dma_start3A_187, %dma_start3A_193] : memref<4x80xi32, #tpu.memory_space<vmem>> -> memref<1x80xi32, #tpu.memory_space<vmem>>
    %dma_start3A_195 = tpu.memref_squeeze %dma_start3A_194 : memref<1x80xi32, #tpu.memory_space<vmem>> -> memref<80xi32, #tpu.memory_space<vmem>>
    %dma_start3A_196 = arith.constant 0 : i32
    %dma_start3A_197 = arith.constant 0 : i32
    %dma_start3A_198 = tpu.memref_slice %arg4[%dma_start3A_196, %dma_start3A_197] : memref<10000x128xf32, #tpu.memory_space<hbm>> -> memref<10000x128xf32, #tpu.memory_space<hbm>>
    tpu.enqueue_indirect_dma source(%dma_start3A_198 : memref<10000x128xf32, #tpu.memory_space<hbm>>) target(%dma_start3A_192 : memref<80x128xf32, #tpu.memory_space<vmem>>) offsets(%dma_start3A_195 : memref<80xi32, #tpu.memory_space<vmem>>) semaphore(%arg13 : memref<!tpu.dma_semaphore, #tpu.memory_space<semaphore_mem>>)
    %scan3A_199 = arith.constant 0 : i32
    %scan3A_200 = arith.constant 0 : i32
    %scan3A_201 = arith.constant 16 : i32
    %scan3A_202 = arith.addi %scan3A_200, %scan3A_201 : i32
    %scan3A_203 = arith.constant 1 : i32
    scf.for %scan3A_223 = %scan3A_200 to %scan3A_202 step %scan3A_203  : i32 {
      %mul3A_224 = arith.constant 8 : i32
      %mul3A_225 = arith.muli %mul3A_224, %scan3A_223 : i32
      %add3A_226 = arith.constant 0 : i32
      %add3A_227 = arith.addi %mul3A_225, %add3A_226 : i32
      %lt3A = arith.constant 125 : i32
      %lt3A_228 = arith.cmpi slt, %add3A_227, %lt3A : i32
      %convert_element_type3A_229 = arith.extui %lt3A_228 : i1 to i32
      %cond3A_230 = arith.constant 0 : i32
      %cond3A_231 = arith.cmpi ne, %convert_element_type3A_229, %cond3A_230 : i32
      scf.if %cond3A_231 {
        %dma_wait3A_295 = arith.constant 0 : i32
        %dma_wait3A_296 = arith.constant 0 : i32
        %dma_wait3A_297 = arith.constant 0 : i32
        %dma_wait3A_298 = arith.constant 0 : i32
        %dma_wait3A_299 = tpu.memref_slice %arg8[%dma_wait3A_296, %dma_wait3A_297, %dma_wait3A_298] : memref<4x80x128xf32, #tpu.memory_space<vmem>> -> memref<1x80x128xf32, #tpu.memory_space<vmem>>
        %dma_wait3A_300 = tpu.memref_squeeze %dma_wait3A_299 : memref<1x80x128xf32, #tpu.memory_space<vmem>> -> memref<80x128xf32, #tpu.memory_space<vmem>>
        %dma_wait3A_301 = arith.constant 0 : i32
        %dma_wait3A_302 = tpu.memref_slice %arg6[%dma_wait3A_295, %dma_wait3A_301] : memref<4x80xi32, #tpu.memory_space<vmem>> -> memref<1x80xi32, #tpu.memory_space<vmem>>
        %dma_wait3A_303 = tpu.memref_squeeze %dma_wait3A_302 : memref<1x80xi32, #tpu.memory_space<vmem>> -> memref<80xi32, #tpu.memory_space<vmem>>
        %dma_wait3A_304 = arith.constant 0 : i32
        %dma_wait3A_305 = arith.constant 0 : i32
        %dma_wait3A_306 = tpu.memref_slice %arg4[%dma_wait3A_304, %dma_wait3A_305] : memref<10000x128xf32, #tpu.memory_space<hbm>> -> memref<10000x128xf32, #tpu.memory_space<hbm>>
        tpu.wait_indirect_dma semaphore(%arg11 : memref<!tpu.dma_semaphore, #tpu.memory_space<semaphore_mem>>) src(%dma_wait3A_306 : memref<10000x128xf32, #tpu.memory_space<hbm>>) dst(%dma_wait3A_300 : memref<80x128xf32, #tpu.memory_space<vmem>>)
        %ge3A = arith.constant 1 : i32
        %ge3A_307 = arith.cmpi sge, %add3A_227, %ge3A : i32
        %convert_element_type3A_308 = arith.extui %ge3A_307 : i1 to i32
        %cond3A_309 = arith.constant 0 : i32
        %cond3A_310 = arith.cmpi ne, %convert_element_type3A_308, %cond3A_309 : i32
        scf.if %cond3A_310 {
          %dma_wait3A_337 = arith.constant 3 : i32
          %dma_wait3A_338 = arith.constant 7 : i32
          %dma_wait3A_339 = arith.constant 0 : i32
          %dma_wait3A_340 = arith.constant 0 : i32
          %dma_wait3A_341 = tpu.memref_slice %arg8[%dma_wait3A_337, %dma_wait3A_339, %dma_wait3A_340] : memref<4x80x128xf32, #tpu.memory_space<vmem>> -> memref<1x80x128xf32, #tpu.memory_space<vmem>>
          %dma_wait3A_342 = tpu.memref_squeeze %dma_wait3A_341 : memref<1x80x128xf32, #tpu.memory_space<vmem>> -> memref<80x128xf32, #tpu.memory_space<vmem>>
          %dma_wait3A_343 = arith.constant 0 : i32
          %dma_wait3A_344 = tpu.memref_slice %arg7[%dma_wait3A_338, %dma_wait3A_343] : memref<8x80xi32, #tpu.memory_space<vmem>> -> memref<1x80xi32, #tpu.memory_space<vmem>>
          %dma_wait3A_345 = tpu.memref_squeeze %dma_wait3A_344 : memref<1x80xi32, #tpu.memory_space<vmem>> -> memref<80xi32, #tpu.memory_space<vmem>>
          %dma_wait3A_346 = arith.constant 0 : i32
          %dma_wait3A_347 = arith.constant 0 : i32
          %dma_wait3A_348 = tpu.memref_slice %arg10[%dma_wait3A_346, %dma_wait3A_347] : memref<10000x128xf32, #tpu.memory_space<vmem_shared>> -> memref<10000x128xf32, #tpu.memory_space<vmem_shared>>
          tpu.wait_indirect_dma semaphore(%arg22 : memref<!tpu.dma_semaphore, #tpu.memory_space<semaphore_mem>>) src(%dma_wait3A_342 : memref<80x128xf32, #tpu.memory_space<vmem>>) dst(%dma_wait3A_348 : memref<10000x128xf32, #tpu.memory_space<vmem_shared>>)
        } else {
        }
        %dma_start3A_311 = arith.constant 0 : i32
        %dma_start3A_312 = arith.constant 0 : i32
        %dma_start3A_313 = arith.constant 0 : i32
        %dma_start3A_314 = arith.constant 0 : i32
        %dma_start3A_315 = tpu.memref_slice %arg8[%dma_start3A_311, %dma_start3A_313, %dma_start3A_314] : memref<4x80x128xf32, #tpu.memory_space<vmem>> -> memref<1x80x128xf32, #tpu.memory_space<vmem>>
        %dma_start3A_316 = tpu.memref_squeeze %dma_start3A_315 : memref<1x80x128xf32, #tpu.memory_space<vmem>> -> memref<80x128xf32, #tpu.memory_space<vmem>>
        %dma_start3A_317 = arith.constant 0 : i32
        %dma_start3A_318 = tpu.memref_slice %arg7[%dma_start3A_312, %dma_start3A_317] : memref<8x80xi32, #tpu.memory_space<vmem>> -> memref<1x80xi32, #tpu.memory_space<vmem>>
        %dma_start3A_319 = tpu.memref_squeeze %dma_start3A_318 : memref<1x80xi32, #tpu.memory_space<vmem>> -> memref<80xi32, #tpu.memory_space<vmem>>
        %dma_start3A_320 = arith.constant 0 : i32
        %dma_start3A_321 = arith.constant 0 : i32
        %dma_start3A_322 = tpu.memref_slice %arg10[%dma_start3A_320, %dma_start3A_321] : memref<10000x128xf32, #tpu.memory_space<vmem_shared>> -> memref<10000x128xf32, #tpu.memory_space<vmem_shared>>
        tpu.enqueue_indirect_dma source(%dma_start3A_316 : memref<80x128xf32, #tpu.memory_space<vmem>>) target(%dma_start3A_322 : memref<10000x128xf32, #tpu.memory_space<vmem_shared>>) offsets(%dma_start3A_319 : memref<80xi32, #tpu.memory_space<vmem>>) semaphore(%arg19 : memref<!tpu.dma_semaphore, #tpu.memory_space<semaphore_mem>>) {add = true}
        %add3A_323 = arith.constant 3 : i32
        %add3A_324 = arith.addi %add3A_227, %add3A_323 : i32
        %lt3A_325 = arith.constant 125 : i32
        %lt3A_326 = arith.cmpi slt, %add3A_324, %lt3A_325 : i32
        %convert_element_type3A_327 = arith.extui %lt3A_326 : i1 to i32
        %cond3A_328 = arith.constant 0 : i32
        %cond3A_329 = arith.cmpi ne, %convert_element_type3A_327, %cond3A_328 : i32
        scf.if %cond3A_329 {
          %dma_wait3A_337 = arith.constant 3 : i32
          %dma_wait3A_338 = arith.constant 0 : i32
          %dma_wait3A_339 = tpu.memref_slice %arg6[%dma_wait3A_337, %dma_wait3A_338] : memref<4x80xi32, #tpu.memory_space<vmem>> -> memref<1x80xi32, #tpu.memory_space<vmem>>
          %dma_wait3A_340 = tpu.memref_squeeze %dma_wait3A_339 : memref<1x80xi32, #tpu.memory_space<vmem>> -> memref<80xi32, #tpu.memory_space<vmem>>
          %dma_wait3A_341 = arith.constant 0 : i32
          %dma_wait3A_342 = tpu.memref_slice %arg2[%dma_wait3A_341] : memref<320000xi32, #tpu.memory_space<hbm>> -> memref<80xi32, #tpu.memory_space<hbm>>
          %dma_wait3A_343 = arith.constant 0 : i32
          %dma_wait3A_344 = tpu.memref_slice %arg6[%dma_wait3A_337, %dma_wait3A_343] : memref<4x80xi32, #tpu.memory_space<vmem>> -> memref<1x80xi32, #tpu.memory_space<vmem>>
          %dma_wait3A_345 = tpu.memref_squeeze %dma_wait3A_344 : memref<1x80xi32, #tpu.memory_space<vmem>> -> memref<80xi32, #tpu.memory_space<vmem>>
          %dma_wait3A_346 = arith.constant 0 : i32
          %dma_wait3A_347 = tpu.memref_slice %arg2[%dma_wait3A_346] : memref<320000xi32, #tpu.memory_space<hbm>> -> memref<80xi32, #tpu.memory_space<hbm>>
          tpu.wait_dma2 semaphore(%arg18 : memref<!tpu.dma_semaphore, #tpu.memory_space<semaphore_mem>>) src(%dma_wait3A_347 : memref<80xi32, #tpu.memory_space<hbm>>) dst(%dma_wait3A_345 : memref<80xi32, #tpu.memory_space<vmem>>)
          %dma_wait3A_348 = arith.constant 3 : i32
          %dma_wait3A_349 = arith.constant 0 : i32
          %dma_wait3A_350 = tpu.memref_slice %arg7[%dma_wait3A_348, %dma_wait3A_349] : memref<8x80xi32, #tpu.memory_space<vmem>> -> memref<1x80xi32, #tpu.memory_space<vmem>>
          %dma_wait3A_351 = tpu.memref_squeeze %dma_wait3A_350 : memref<1x80xi32, #tpu.memory_space<vmem>> -> memref<80xi32, #tpu.memory_space<vmem>>
          %dma_wait3A_352 = arith.constant 0 : i32
          %dma_wait3A_353 = tpu.memref_slice %arg3[%dma_wait3A_352] : memref<320000xi32, #tpu.memory_space<hbm>> -> memref<80xi32, #tpu.memory_space<hbm>>
          %dma_wait3A_354 = arith.constant 0 : i32
          %dma_wait3A_355 = tpu.memref_slice %arg7[%dma_wait3A_348, %dma_wait3A_354] : memref<8x80xi32, #tpu.memory_space<vmem>> -> memref<1x80xi32, #tpu.memory_space<vmem>>
          %dma_wait3A_356 = tpu.memref_squeeze %dma_wait3A_355 : memref<1x80xi32, #tpu.memory_space<vmem>> -> memref<80xi32, #tpu.memory_space<vmem>>
          %dma_wait3A_357 = arith.constant 0 : i32
          %dma_wait3A_358 = tpu.memref_slice %arg3[%dma_wait3A_357] : memref<320000xi32, #tpu.memory_space<hbm>> -> memref<80xi32, #tpu.memory_space<hbm>>
          tpu.wait_dma2 semaphore(%arg18 : memref<!tpu.dma_semaphore, #tpu.memory_space<semaphore_mem>>) src(%dma_wait3A_358 : memref<80xi32, #tpu.memory_space<hbm>>) dst(%dma_wait3A_356 : memref<80xi32, #tpu.memory_space<vmem>>)
          %dma_start3A_359 = arith.constant 3 : i32
          %dma_start3A_360 = arith.constant 3 : i32
          %dma_start3A_361 = arith.constant 0 : i32
          %dma_start3A_362 = arith.constant 0 : i32
          %dma_start3A_363 = tpu.memref_slice %arg8[%dma_start3A_360, %dma_start3A_361, %dma_start3A_362] : memref<4x80x128xf32, #tpu.memory_space<vmem>> -> memref<1x80x128xf32, #tpu.memory_space<vmem>>
          %dma_start3A_364 = tpu.memref_squeeze %dma_start3A_363 : memref<1x80x128xf32, #tpu.memory_space<vmem>> -> memref<80x128xf32, #tpu.memory_space<vmem>>
          %dma_start3A_365 = arith.constant 0 : i32
          %dma_start3A_366 = tpu.memref_slice %arg6[%dma_start3A_359, %dma_start3A_365] : memref<4x80xi32, #tpu.memory_space<vmem>> -> memref<1x80xi32, #tpu.memory_space<vmem>>
          %dma_start3A_367 = tpu.memref_squeeze %dma_start3A_366 : memref<1x80xi32, #tpu.memory_space<vmem>> -> memref<80xi32, #tpu.memory_space<vmem>>
          %dma_start3A_368 = arith.constant 0 : i32
          %dma_start3A_369 = arith.constant 0 : i32
          %dma_start3A_370 = tpu.memref_slice %arg4[%dma_start3A_368, %dma_start3A_369] : memref<10000x128xf32, #tpu.memory_space<hbm>> -> memref<10000x128xf32, #tpu.memory_space<hbm>>
          tpu.enqueue_indirect_dma source(%dma_start3A_370 : memref<10000x128xf32, #tpu.memory_space<hbm>>) target(%dma_start3A_364 : memref<80x128xf32, #tpu.memory_space<vmem>>) offsets(%dma_start3A_367 : memref<80xi32, #tpu.memory_space<vmem>>) semaphore(%arg14 : memref<!tpu.dma_semaphore, #tpu.memory_space<semaphore_mem>>)
        } else {
        }
        %add3A_330 = arith.constant 4 : i32
        %add3A_331 = arith.addi %add3A_227, %add3A_330 : i32
        %lt3A_332 = arith.constant 125 : i32
        %lt3A_333 = arith.cmpi slt, %add3A_331, %lt3A_332 : i32
        %convert_element_type3A_334 = arith.extui %lt3A_333 : i1 to i32
        %cond3A_335 = arith.constant 0 : i32
        %cond3A_336 = arith.cmpi ne, %convert_element_type3A_334, %cond3A_335 : i32
        scf.if %cond3A_336 {
          %add3A_337 = arith.constant 4 : i32
          %add3A_338 = arith.addi %add3A_227, %add3A_337 : i32
          %mul3A_339 = arith.constant 80 : i32
          %mul3A_340 = arith.muli %add3A_338, %mul3A_339 : i32
          %add3A_341 = arith.addi %mul3A_18, %mul3A_340 : i32
          %dma_start3A_342 = arith.constant 0 : i32
          %dma_start3A_343 = arith.constant 0 : i32
          %dma_start3A_344 = tpu.memref_slice %arg6[%dma_start3A_342, %dma_start3A_343] : memref<4x80xi32, #tpu.memory_space<vmem>> -> memref<1x80xi32, #tpu.memory_space<vmem>>
          %dma_start3A_345 = tpu.memref_squeeze %dma_start3A_344 : memref<1x80xi32, #tpu.memory_space<vmem>> -> memref<80xi32, #tpu.memory_space<vmem>>
          %dma_start3A_346 = tpu.memref_slice %arg2[%add3A_341] : memref<320000xi32, #tpu.memory_space<hbm>> -> memref<80xi32, #tpu.memory_space<hbm>>
          %dma_start3A_347 = arith.constant 0 : i32
          %dma_start3A_348 = tpu.memref_slice %arg6[%dma_start3A_342, %dma_start3A_347] : memref<4x80xi32, #tpu.memory_space<vmem>> -> memref<1x80xi32, #tpu.memory_space<vmem>>
          %dma_start3A_349 = tpu.memref_squeeze %dma_start3A_348 : memref<1x80xi32, #tpu.memory_space<vmem>> -> memref<80xi32, #tpu.memory_space<vmem>>
          %dma_start3A_350 = tpu.memref_slice %arg2[%add3A_341] : memref<320000xi32, #tpu.memory_space<hbm>> -> memref<80xi32, #tpu.memory_space<hbm>>
          tpu.enqueue_dma source(%dma_start3A_350 : memref<80xi32, #tpu.memory_space<hbm>>) target(%dma_start3A_349 : memref<80xi32, #tpu.memory_space<vmem>>) target_semaphore(%arg15 : memref<!tpu.dma_semaphore, #tpu.memory_space<semaphore_mem>>)
          %dma_start3A_351 = arith.constant 4 : i32
          %dma_start3A_352 = arith.constant 0 : i32
          %dma_start3A_353 = tpu.memref_slice %arg7[%dma_start3A_351, %dma_start3A_352] : memref<8x80xi32, #tpu.memory_space<vmem>> -> memref<1x80xi32, #tpu.memory_space<vmem>>
          %dma_start3A_354 = tpu.memref_squeeze %dma_start3A_353 : memref<1x80xi32, #tpu.memory_space<vmem>> -> memref<80xi32, #tpu.memory_space<vmem>>
          %dma_start3A_355 = tpu.memref_slice %arg3[%add3A_341] : memref<320000xi32, #tpu.memory_space<hbm>> -> memref<80xi32, #tpu.memory_space<hbm>>
          %dma_start3A_356 = arith.constant 0 : i32
          %dma_start3A_357 = tpu.memref_slice %arg7[%dma_start3A_351, %dma_start3A_356] : memref<8x80xi32, #tpu.memory_space<vmem>> -> memref<1x80xi32, #tpu.memory_space<vmem>>
          %dma_start3A_358 = tpu.memref_squeeze %dma_start3A_357 : memref<1x80xi32, #tpu.memory_space<vmem>> -> memref<80xi32, #tpu.memory_space<vmem>>
          %dma_start3A_359 = tpu.memref_slice %arg3[%add3A_341] : memref<320000xi32, #tpu.memory_space<hbm>> -> memref<80xi32, #tpu.memory_space<hbm>>
          tpu.enqueue_dma source(%dma_start3A_359 : memref<80xi32, #tpu.memory_space<hbm>>) target(%dma_start3A_358 : memref<80xi32, #tpu.memory_space<vmem>>) target_semaphore(%arg15 : memref<!tpu.dma_semaphore, #tpu.memory_space<semaphore_mem>>)
        } else {
        }
      } else {
      }
      %mul3A_232 = arith.constant 8 : i32
      %mul3A_233 = arith.muli %mul3A_232, %scan3A_223 : i32
      %add3A_234 = arith.constant 1 : i32
      %add3A_235 = arith.addi %mul3A_233, %add3A_234 : i32
      %lt3A_236 = arith.constant 125 : i32
      %lt3A_237 = arith.cmpi slt, %add3A_235, %lt3A_236 : i32
      %convert_element_type3A_238 = arith.extui %lt3A_237 : i1 to i32
      %cond3A_239 = arith.constant 0 : i32
      %cond3A_240 = arith.cmpi ne, %convert_element_type3A_238, %cond3A_239 : i32
      scf.if %cond3A_240 {
        %dma_wait3A_295 = arith.constant 1 : i32
        %dma_wait3A_296 = arith.constant 1 : i32
        %dma_wait3A_297 = arith.constant 0 : i32
        %dma_wait3A_298 = arith.constant 0 : i32
        %dma_wait3A_299 = tpu.memref_slice %arg8[%dma_wait3A_296, %dma_wait3A_297, %dma_wait3A_298] : memref<4x80x128xf32, #tpu.memory_space<vmem>> -> memref<1x80x128xf32, #tpu.memory_space<vmem>>
        %dma_wait3A_300 = tpu.memref_squeeze %dma_wait3A_299 : memref<1x80x128xf32, #tpu.memory_space<vmem>> -> memref<80x128xf32, #tpu.memory_space<vmem>>
        %dma_wait3A_301 = arith.constant 0 : i32
        %dma_wait3A_302 = tpu.memref_slice %arg6[%dma_wait3A_295, %dma_wait3A_301] : memref<4x80xi32, #tpu.memory_space<vmem>> -> memref<1x80xi32, #tpu.memory_space<vmem>>
        %dma_wait3A_303 = tpu.memref_squeeze %dma_wait3A_302 : memref<1x80xi32, #tpu.memory_space<vmem>> -> memref<80xi32, #tpu.memory_space<vmem>>
        %dma_wait3A_304 = arith.constant 0 : i32
        %dma_wait3A_305 = arith.constant 0 : i32
        %dma_wait3A_306 = tpu.memref_slice %arg4[%dma_wait3A_304, %dma_wait3A_305] : memref<10000x128xf32, #tpu.memory_space<hbm>> -> memref<10000x128xf32, #tpu.memory_space<hbm>>
        tpu.wait_indirect_dma semaphore(%arg12 : memref<!tpu.dma_semaphore, #tpu.memory_space<semaphore_mem>>) src(%dma_wait3A_306 : memref<10000x128xf32, #tpu.memory_space<hbm>>) dst(%dma_wait3A_300 : memref<80x128xf32, #tpu.memory_space<vmem>>)
        %ge3A = arith.constant 1 : i32
        %ge3A_307 = arith.cmpi sge, %add3A_235, %ge3A : i32
        %convert_element_type3A_308 = arith.extui %ge3A_307 : i1 to i32
        %cond3A_309 = arith.constant 0 : i32
        %cond3A_310 = arith.cmpi ne, %convert_element_type3A_308, %cond3A_309 : i32
        scf.if %cond3A_310 {
          %dma_wait3A_337 = arith.constant 0 : i32
          %dma_wait3A_338 = arith.constant 0 : i32
          %dma_wait3A_339 = arith.constant 0 : i32
          %dma_wait3A_340 = arith.constant 0 : i32
          %dma_wait3A_341 = tpu.memref_slice %arg8[%dma_wait3A_337, %dma_wait3A_339, %dma_wait3A_340] : memref<4x80x128xf32, #tpu.memory_space<vmem>> -> memref<1x80x128xf32, #tpu.memory_space<vmem>>
          %dma_wait3A_342 = tpu.memref_squeeze %dma_wait3A_341 : memref<1x80x128xf32, #tpu.memory_space<vmem>> -> memref<80x128xf32, #tpu.memory_space<vmem>>
          %dma_wait3A_343 = arith.constant 0 : i32
          %dma_wait3A_344 = tpu.memref_slice %arg7[%dma_wait3A_338, %dma_wait3A_343] : memref<8x80xi32, #tpu.memory_space<vmem>> -> memref<1x80xi32, #tpu.memory_space<vmem>>
          %dma_wait3A_345 = tpu.memref_squeeze %dma_wait3A_344 : memref<1x80xi32, #tpu.memory_space<vmem>> -> memref<80xi32, #tpu.memory_space<vmem>>
          %dma_wait3A_346 = arith.constant 0 : i32
          %dma_wait3A_347 = arith.constant 0 : i32
          %dma_wait3A_348 = tpu.memref_slice %arg10[%dma_wait3A_346, %dma_wait3A_347] : memref<10000x128xf32, #tpu.memory_space<vmem_shared>> -> memref<10000x128xf32, #tpu.memory_space<vmem_shared>>
          tpu.wait_indirect_dma semaphore(%arg19 : memref<!tpu.dma_semaphore, #tpu.memory_space<semaphore_mem>>) src(%dma_wait3A_342 : memref<80x128xf32, #tpu.memory_space<vmem>>) dst(%dma_wait3A_348 : memref<10000x128xf32, #tpu.memory_space<vmem_shared>>)
        } else {
        }
        %dma_start3A_311 = arith.constant 1 : i32
        %dma_start3A_312 = arith.constant 1 : i32
        %dma_start3A_313 = arith.constant 0 : i32
        %dma_start3A_314 = arith.constant 0 : i32
        %dma_start3A_315 = tpu.memref_slice %arg8[%dma_start3A_311, %dma_start3A_313, %dma_start3A_314] : memref<4x80x128xf32, #tpu.memory_space<vmem>> -> memref<1x80x128xf32, #tpu.memory_space<vmem>>
        %dma_start3A_316 = tpu.memref_squeeze %dma_start3A_315 : memref<1x80x128xf32, #tpu.memory_space<vmem>> -> memref<80x128xf32, #tpu.memory_space<vmem>>
        %dma_start3A_317 = arith.constant 0 : i32
        %dma_start3A_318 = tpu.memref_slice %arg7[%dma_start3A_312, %dma_start3A_317] : memref<8x80xi32, #tpu.memory_space<vmem>> -> memref<1x80xi32, #tpu.memory_space<vmem>>
        %dma_start3A_319 = tpu.memref_squeeze %dma_start3A_318 : memref<1x80xi32, #tpu.memory_space<vmem>> -> memref<80xi32, #tpu.memory_space<vmem>>
        %dma_start3A_320 = arith.constant 0 : i32
        %dma_start3A_321 = arith.constant 0 : i32
        %dma_start3A_322 = tpu.memref_slice %arg10[%dma_start3A_320, %dma_start3A_321] : memref<10000x128xf32, #tpu.memory_space<vmem_shared>> -> memref<10000x128xf32, #tpu.memory_space<vmem_shared>>
        tpu.enqueue_indirect_dma source(%dma_start3A_316 : memref<80x128xf32, #tpu.memory_space<vmem>>) target(%dma_start3A_322 : memref<10000x128xf32, #tpu.memory_space<vmem_shared>>) offsets(%dma_start3A_319 : memref<80xi32, #tpu.memory_space<vmem>>) semaphore(%arg20 : memref<!tpu.dma_semaphore, #tpu.memory_space<semaphore_mem>>) {add = true}
        %add3A_323 = arith.constant 3 : i32
        %add3A_324 = arith.addi %add3A_235, %add3A_323 : i32
        %lt3A_325 = arith.constant 125 : i32
        %lt3A_326 = arith.cmpi slt, %add3A_324, %lt3A_325 : i32
        %convert_element_type3A_327 = arith.extui %lt3A_326 : i1 to i32
        %cond3A_328 = arith.constant 0 : i32
        %cond3A_329 = arith.cmpi ne, %convert_element_type3A_327, %cond3A_328 : i32
        scf.if %cond3A_329 {
          %dma_wait3A_337 = arith.constant 0 : i32
          %dma_wait3A_338 = arith.constant 0 : i32
          %dma_wait3A_339 = tpu.memref_slice %arg6[%dma_wait3A_337, %dma_wait3A_338] : memref<4x80xi32, #tpu.memory_space<vmem>> -> memref<1x80xi32, #tpu.memory_space<vmem>>
          %dma_wait3A_340 = tpu.memref_squeeze %dma_wait3A_339 : memref<1x80xi32, #tpu.memory_space<vmem>> -> memref<80xi32, #tpu.memory_space<vmem>>
          %dma_wait3A_341 = arith.constant 0 : i32
          %dma_wait3A_342 = tpu.memref_slice %arg2[%dma_wait3A_341] : memref<320000xi32, #tpu.memory_space<hbm>> -> memref<80xi32, #tpu.memory_space<hbm>>
          %dma_wait3A_343 = arith.constant 0 : i32
          %dma_wait3A_344 = tpu.memref_slice %arg6[%dma_wait3A_337, %dma_wait3A_343] : memref<4x80xi32, #tpu.memory_space<vmem>> -> memref<1x80xi32, #tpu.memory_space<vmem>>
          %dma_wait3A_345 = tpu.memref_squeeze %dma_wait3A_344 : memref<1x80xi32, #tpu.memory_space<vmem>> -> memref<80xi32, #tpu.memory_space<vmem>>
          %dma_wait3A_346 = arith.constant 0 : i32
          %dma_wait3A_347 = tpu.memref_slice %arg2[%dma_wait3A_346] : memref<320000xi32, #tpu.memory_space<hbm>> -> memref<80xi32, #tpu.memory_space<hbm>>
          tpu.wait_dma2 semaphore(%arg15 : memref<!tpu.dma_semaphore, #tpu.memory_space<semaphore_mem>>) src(%dma_wait3A_347 : memref<80xi32, #tpu.memory_space<hbm>>) dst(%dma_wait3A_345 : memref<80xi32, #tpu.memory_space<vmem>>)
          %dma_wait3A_348 = arith.constant 4 : i32
          %dma_wait3A_349 = arith.constant 0 : i32
          %dma_wait3A_350 = tpu.memref_slice %arg7[%dma_wait3A_348, %dma_wait3A_349] : memref<8x80xi32, #tpu.memory_space<vmem>> -> memref<1x80xi32, #tpu.memory_space<vmem>>
          %dma_wait3A_351 = tpu.memref_squeeze %dma_wait3A_350 : memref<1x80xi32, #tpu.memory_space<vmem>> -> memref<80xi32, #tpu.memory_space<vmem>>
          %dma_wait3A_352 = arith.constant 0 : i32
          %dma_wait3A_353 = tpu.memref_slice %arg3[%dma_wait3A_352] : memref<320000xi32, #tpu.memory_space<hbm>> -> memref<80xi32, #tpu.memory_space<hbm>>
          %dma_wait3A_354 = arith.constant 0 : i32
          %dma_wait3A_355 = tpu.memref_slice %arg7[%dma_wait3A_348, %dma_wait3A_354] : memref<8x80xi32, #tpu.memory_space<vmem>> -> memref<1x80xi32, #tpu.memory_space<vmem>>
          %dma_wait3A_356 = tpu.memref_squeeze %dma_wait3A_355 : memref<1x80xi32, #tpu.memory_space<vmem>> -> memref<80xi32, #tpu.memory_space<vmem>>
          %dma_wait3A_357 = arith.constant 0 : i32
          %dma_wait3A_358 = tpu.memref_slice %arg3[%dma_wait3A_357] : memref<320000xi32, #tpu.memory_space<hbm>> -> memref<80xi32, #tpu.memory_space<hbm>>
          tpu.wait_dma2 semaphore(%arg15 : memref<!tpu.dma_semaphore, #tpu.memory_space<semaphore_mem>>) src(%dma_wait3A_358 : memref<80xi32, #tpu.memory_space<hbm>>) dst(%dma_wait3A_356 : memref<80xi32, #tpu.memory_space<vmem>>)
          %dma_start3A_359 = arith.constant 0 : i32
          %dma_start3A_360 = arith.constant 0 : i32
          %dma_start3A_361 = arith.constant 0 : i32
          %dma_start3A_362 = arith.constant 0 : i32
          %dma_start3A_363 = tpu.memref_slice %arg8[%dma_start3A_360, %dma_start3A_361, %dma_start3A_362] : memref<4x80x128xf32, #tpu.memory_space<vmem>> -> memref<1x80x128xf32, #tpu.memory_space<vmem>>
          %dma_start3A_364 = tpu.memref_squeeze %dma_start3A_363 : memref<1x80x128xf32, #tpu.memory_space<vmem>> -> memref<80x128xf32, #tpu.memory_space<vmem>>
          %dma_start3A_365 = arith.constant 0 : i32
          %dma_start3A_366 = tpu.memref_slice %arg6[%dma_start3A_359, %dma_start3A_365] : memref<4x80xi32, #tpu.memory_space<vmem>> -> memref<1x80xi32, #tpu.memory_space<vmem>>
          %dma_start3A_367 = tpu.memref_squeeze %dma_start3A_366 : memref<1x80xi32, #tpu.memory_space<vmem>> -> memref<80xi32, #tpu.memory_space<vmem>>
          %dma_start3A_368 = arith.constant 0 : i32
          %dma_start3A_369 = arith.constant 0 : i32
          %dma_start3A_370 = tpu.memref_slice %arg4[%dma_start3A_368, %dma_start3A_369] : memref<10000x128xf32, #tpu.memory_space<hbm>> -> memref<10000x128xf32, #tpu.memory_space<hbm>>
          tpu.enqueue_indirect_dma source(%dma_start3A_370 : memref<10000x128xf32, #tpu.memory_space<hbm>>) target(%dma_start3A_364 : memref<80x128xf32, #tpu.memory_space<vmem>>) offsets(%dma_start3A_367 : memref<80xi32, #tpu.memory_space<vmem>>) semaphore(%arg11 : memref<!tpu.dma_semaphore, #tpu.memory_space<semaphore_mem>>)
        } else {
        }
        %add3A_330 = arith.constant 4 : i32
        %add3A_331 = arith.addi %add3A_235, %add3A_330 : i32
        %lt3A_332 = arith.constant 125 : i32
        %lt3A_333 = arith.cmpi slt, %add3A_331, %lt3A_332 : i32
        %convert_element_type3A_334 = arith.extui %lt3A_333 : i1 to i32
        %cond3A_335 = arith.constant 0 : i32
        %cond3A_336 = arith.cmpi ne, %convert_element_type3A_334, %cond3A_335 : i32
        scf.if %cond3A_336 {
          %add3A_337 = arith.constant 4 : i32
          %add3A_338 = arith.addi %add3A_235, %add3A_337 : i32
          %mul3A_339 = arith.constant 80 : i32
          %mul3A_340 = arith.muli %add3A_338, %mul3A_339 : i32
          %add3A_341 = arith.addi %mul3A_18, %mul3A_340 : i32
          %dma_start3A_342 = arith.constant 1 : i32
          %dma_start3A_343 = arith.constant 0 : i32
          %dma_start3A_344 = tpu.memref_slice %arg6[%dma_start3A_342, %dma_start3A_343] : memref<4x80xi32, #tpu.memory_space<vmem>> -> memref<1x80xi32, #tpu.memory_space<vmem>>
          %dma_start3A_345 = tpu.memref_squeeze %dma_start3A_344 : memref<1x80xi32, #tpu.memory_space<vmem>> -> memref<80xi32, #tpu.memory_space<vmem>>
          %dma_start3A_346 = tpu.memref_slice %arg2[%add3A_341] : memref<320000xi32, #tpu.memory_space<hbm>> -> memref<80xi32, #tpu.memory_space<hbm>>
          %dma_start3A_347 = arith.constant 0 : i32
          %dma_start3A_348 = tpu.memref_slice %arg6[%dma_start3A_342, %dma_start3A_347] : memref<4x80xi32, #tpu.memory_space<vmem>> -> memref<1x80xi32, #tpu.memory_space<vmem>>
          %dma_start3A_349 = tpu.memref_squeeze %dma_start3A_348 : memref<1x80xi32, #tpu.memory_space<vmem>> -> memref<80xi32, #tpu.memory_space<vmem>>
          %dma_start3A_350 = tpu.memref_slice %arg2[%add3A_341] : memref<320000xi32, #tpu.memory_space<hbm>> -> memref<80xi32, #tpu.memory_space<hbm>>
          tpu.enqueue_dma source(%dma_start3A_350 : memref<80xi32, #tpu.memory_space<hbm>>) target(%dma_start3A_349 : memref<80xi32, #tpu.memory_space<vmem>>) target_semaphore(%arg16 : memref<!tpu.dma_semaphore, #tpu.memory_space<semaphore_mem>>)
          %dma_start3A_351 = arith.constant 5 : i32
          %dma_start3A_352 = arith.constant 0 : i32
          %dma_start3A_353 = tpu.memref_slice %arg7[%dma_start3A_351, %dma_start3A_352] : memref<8x80xi32, #tpu.memory_space<vmem>> -> memref<1x80xi32, #tpu.memory_space<vmem>>
          %dma_start3A_354 = tpu.memref_squeeze %dma_start3A_353 : memref<1x80xi32, #tpu.memory_space<vmem>> -> memref<80xi32, #tpu.memory_space<vmem>>
          %dma_start3A_355 = tpu.memref_slice %arg3[%add3A_341] : memref<320000xi32, #tpu.memory_space<hbm>> -> memref<80xi32, #tpu.memory_space<hbm>>
          %dma_start3A_356 = arith.constant 0 : i32
          %dma_start3A_357 = tpu.memref_slice %arg7[%dma_start3A_351, %dma_start3A_356] : memref<8x80xi32, #tpu.memory_space<vmem>> -> memref<1x80xi32, #tpu.memory_space<vmem>>
          %dma_start3A_358 = tpu.memref_squeeze %dma_start3A_357 : memref<1x80xi32, #tpu.memory_space<vmem>> -> memref<80xi32, #tpu.memory_space<vmem>>
          %dma_start3A_359 = tpu.memref_slice %arg3[%add3A_341] : memref<320000xi32, #tpu.memory_space<hbm>> -> memref<80xi32, #tpu.memory_space<hbm>>
          tpu.enqueue_dma source(%dma_start3A_359 : memref<80xi32, #tpu.memory_space<hbm>>) target(%dma_start3A_358 : memref<80xi32, #tpu.memory_space<vmem>>) target_semaphore(%arg16 : memref<!tpu.dma_semaphore, #tpu.memory_space<semaphore_mem>>)
        } else {
        }
      } else {
      }
      %mul3A_241 = arith.constant 8 : i32
      %mul3A_242 = arith.muli %mul3A_241, %scan3A_223 : i32
      %add3A_243 = arith.constant 2 : i32
      %add3A_244 = arith.addi %mul3A_242, %add3A_243 : i32
      %lt3A_245 = arith.constant 125 : i32
      %lt3A_246 = arith.cmpi slt, %add3A_244, %lt3A_245 : i32
      %convert_element_type3A_247 = arith.extui %lt3A_246 : i1 to i32
      %cond3A_248 = arith.constant 0 : i32
      %cond3A_249 = arith.cmpi ne, %convert_element_type3A_247, %cond3A_248 : i32
      scf.if %cond3A_249 {
        %dma_wait3A_295 = arith.constant 2 : i32
        %dma_wait3A_296 = arith.constant 2 : i32
        %dma_wait3A_297 = arith.constant 0 : i32
        %dma_wait3A_298 = arith.constant 0 : i32
        %dma_wait3A_299 = tpu.memref_slice %arg8[%dma_wait3A_296, %dma_wait3A_297, %dma_wait3A_298] : memref<4x80x128xf32, #tpu.memory_space<vmem>> -> memref<1x80x128xf32, #tpu.memory_space<vmem>>
        %dma_wait3A_300 = tpu.memref_squeeze %dma_wait3A_299 : memref<1x80x128xf32, #tpu.memory_space<vmem>> -> memref<80x128xf32, #tpu.memory_space<vmem>>
        %dma_wait3A_301 = arith.constant 0 : i32
        %dma_wait3A_302 = tpu.memref_slice %arg6[%dma_wait3A_295, %dma_wait3A_301] : memref<4x80xi32, #tpu.memory_space<vmem>> -> memref<1x80xi32, #tpu.memory_space<vmem>>
        %dma_wait3A_303 = tpu.memref_squeeze %dma_wait3A_302 : memref<1x80xi32, #tpu.memory_space<vmem>> -> memref<80xi32, #tpu.memory_space<vmem>>
        %dma_wait3A_304 = arith.constant 0 : i32
        %dma_wait3A_305 = arith.constant 0 : i32
        %dma_wait3A_306 = tpu.memref_slice %arg4[%dma_wait3A_304, %dma_wait3A_305] : memref<10000x128xf32, #tpu.memory_space<hbm>> -> memref<10000x128xf32, #tpu.memory_space<hbm>>
        tpu.wait_indirect_dma semaphore(%arg13 : memref<!tpu.dma_semaphore, #tpu.memory_space<semaphore_mem>>) src(%dma_wait3A_306 : memref<10000x128xf32, #tpu.memory_space<hbm>>) dst(%dma_wait3A_300 : memref<80x128xf32, #tpu.memory_space<vmem>>)
        %ge3A = arith.constant 1 : i32
        %ge3A_307 = arith.cmpi sge, %add3A_244, %ge3A : i32
        %convert_element_type3A_308 = arith.extui %ge3A_307 : i1 to i32
        %cond3A_309 = arith.constant 0 : i32
        %cond3A_310 = arith.cmpi ne, %convert_element_type3A_308, %cond3A_309 : i32
        scf.if %cond3A_310 {
          %dma_wait3A_337 = arith.constant 1 : i32
          %dma_wait3A_338 = arith.constant 1 : i32
          %dma_wait3A_339 = arith.constant 0 : i32
          %dma_wait3A_340 = arith.constant 0 : i32
          %dma_wait3A_341 = tpu.memref_slice %arg8[%dma_wait3A_337, %dma_wait3A_339, %dma_wait3A_340] : memref<4x80x128xf32, #tpu.memory_space<vmem>> -> memref<1x80x128xf32, #tpu.memory_space<vmem>>
          %dma_wait3A_342 = tpu.memref_squeeze %dma_wait3A_341 : memref<1x80x128xf32, #tpu.memory_space<vmem>> -> memref<80x128xf32, #tpu.memory_space<vmem>>
          %dma_wait3A_343 = arith.constant 0 : i32
          %dma_wait3A_344 = tpu.memref_slice %arg7[%dma_wait3A_338, %dma_wait3A_343] : memref<8x80xi32, #tpu.memory_space<vmem>> -> memref<1x80xi32, #tpu.memory_space<vmem>>
          %dma_wait3A_345 = tpu.memref_squeeze %dma_wait3A_344 : memref<1x80xi32, #tpu.memory_space<vmem>> -> memref<80xi32, #tpu.memory_space<vmem>>
          %dma_wait3A_346 = arith.constant 0 : i32
          %dma_wait3A_347 = arith.constant 0 : i32
          %dma_wait3A_348 = tpu.memref_slice %arg10[%dma_wait3A_346, %dma_wait3A_347] : memref<10000x128xf32, #tpu.memory_space<vmem_shared>> -> memref<10000x128xf32, #tpu.memory_space<vmem_shared>>
          tpu.wait_indirect_dma semaphore(%arg20 : memref<!tpu.dma_semaphore, #tpu.memory_space<semaphore_mem>>) src(%dma_wait3A_342 : memref<80x128xf32, #tpu.memory_space<vmem>>) dst(%dma_wait3A_348 : memref<10000x128xf32, #tpu.memory_space<vmem_shared>>)
        } else {
        }
        %dma_start3A_311 = arith.constant 2 : i32
        %dma_start3A_312 = arith.constant 2 : i32
        %dma_start3A_313 = arith.constant 0 : i32
        %dma_start3A_314 = arith.constant 0 : i32
        %dma_start3A_315 = tpu.memref_slice %arg8[%dma_start3A_311, %dma_start3A_313, %dma_start3A_314] : memref<4x80x128xf32, #tpu.memory_space<vmem>> -> memref<1x80x128xf32, #tpu.memory_space<vmem>>
        %dma_start3A_316 = tpu.memref_squeeze %dma_start3A_315 : memref<1x80x128xf32, #tpu.memory_space<vmem>> -> memref<80x128xf32, #tpu.memory_space<vmem>>
        %dma_start3A_317 = arith.constant 0 : i32
        %dma_start3A_318 = tpu.memref_slice %arg7[%dma_start3A_312, %dma_start3A_317] : memref<8x80xi32, #tpu.memory_space<vmem>> -> memref<1x80xi32, #tpu.memory_space<vmem>>
        %dma_start3A_319 = tpu.memref_squeeze %dma_start3A_318 : memref<1x80xi32, #tpu.memory_space<vmem>> -> memref<80xi32, #tpu.memory_space<vmem>>
        %dma_start3A_320 = arith.constant 0 : i32
        %dma_start3A_321 = arith.constant 0 : i32
        %dma_start3A_322 = tpu.memref_slice %arg10[%dma_start3A_320, %dma_start3A_321] : memref<10000x128xf32, #tpu.memory_space<vmem_shared>> -> memref<10000x128xf32, #tpu.memory_space<vmem_shared>>
        tpu.enqueue_indirect_dma source(%dma_start3A_316 : memref<80x128xf32, #tpu.memory_space<vmem>>) target(%dma_start3A_322 : memref<10000x128xf32, #tpu.memory_space<vmem_shared>>) offsets(%dma_start3A_319 : memref<80xi32, #tpu.memory_space<vmem>>) semaphore(%arg21 : memref<!tpu.dma_semaphore, #tpu.memory_space<semaphore_mem>>) {add = true}
        %add3A_323 = arith.constant 3 : i32
        %add3A_324 = arith.addi %add3A_244, %add3A_323 : i32
        %lt3A_325 = arith.constant 125 : i32
        %lt3A_326 = arith.cmpi slt, %add3A_324, %lt3A_325 : i32
        %convert_element_type3A_327 = arith.extui %lt3A_326 : i1 to i32
        %cond3A_328 = arith.constant 0 : i32
        %cond3A_329 = arith.cmpi ne, %convert_element_type3A_327, %cond3A_328 : i32
        scf.if %cond3A_329 {
          %dma_wait3A_337 = arith.constant 1 : i32
          %dma_wait3A_338 = arith.constant 0 : i32
          %dma_wait3A_339 = tpu.memref_slice %arg6[%dma_wait3A_337, %dma_wait3A_338] : memref<4x80xi32, #tpu.memory_space<vmem>> -> memref<1x80xi32, #tpu.memory_space<vmem>>
          %dma_wait3A_340 = tpu.memref_squeeze %dma_wait3A_339 : memref<1x80xi32, #tpu.memory_space<vmem>> -> memref<80xi32, #tpu.memory_space<vmem>>
          %dma_wait3A_341 = arith.constant 0 : i32
          %dma_wait3A_342 = tpu.memref_slice %arg2[%dma_wait3A_341] : memref<320000xi32, #tpu.memory_space<hbm>> -> memref<80xi32, #tpu.memory_space<hbm>>
          %dma_wait3A_343 = arith.constant 0 : i32
          %dma_wait3A_344 = tpu.memref_slice %arg6[%dma_wait3A_337, %dma_wait3A_343] : memref<4x80xi32, #tpu.memory_space<vmem>> -> memref<1x80xi32, #tpu.memory_space<vmem>>
          %dma_wait3A_345 = tpu.memref_squeeze %dma_wait3A_344 : memref<1x80xi32, #tpu.memory_space<vmem>> -> memref<80xi32, #tpu.memory_space<vmem>>
          %dma_wait3A_346 = arith.constant 0 : i32
          %dma_wait3A_347 = tpu.memref_slice %arg2[%dma_wait3A_346] : memref<320000xi32, #tpu.memory_space<hbm>> -> memref<80xi32, #tpu.memory_space<hbm>>
          tpu.wait_dma2 semaphore(%arg16 : memref<!tpu.dma_semaphore, #tpu.memory_space<semaphore_mem>>) src(%dma_wait3A_347 : memref<80xi32, #tpu.memory_space<hbm>>) dst(%dma_wait3A_345 : memref<80xi32, #tpu.memory_space<vmem>>)
          %dma_wait3A_348 = arith.constant 5 : i32
          %dma_wait3A_349 = arith.constant 0 : i32
          %dma_wait3A_350 = tpu.memref_slice %arg7[%dma_wait3A_348, %dma_wait3A_349] : memref<8x80xi32, #tpu.memory_space<vmem>> -> memref<1x80xi32, #tpu.memory_space<vmem>>
          %dma_wait3A_351 = tpu.memref_squeeze %dma_wait3A_350 : memref<1x80xi32, #tpu.memory_space<vmem>> -> memref<80xi32, #tpu.memory_space<vmem>>
          %dma_wait3A_352 = arith.constant 0 : i32
          %dma_wait3A_353 = tpu.memref_slice %arg3[%dma_wait3A_352] : memref<320000xi32, #tpu.memory_space<hbm>> -> memref<80xi32, #tpu.memory_space<hbm>>
          %dma_wait3A_354 = arith.constant 0 : i32
          %dma_wait3A_355 = tpu.memref_slice %arg7[%dma_wait3A_348, %dma_wait3A_354] : memref<8x80xi32, #tpu.memory_space<vmem>> -> memref<1x80xi32, #tpu.memory_space<vmem>>
          %dma_wait3A_356 = tpu.memref_squeeze %dma_wait3A_355 : memref<1x80xi32, #tpu.memory_space<vmem>> -> memref<80xi32, #tpu.memory_space<vmem>>
          %dma_wait3A_357 = arith.constant 0 : i32
          %dma_wait3A_358 = tpu.memref_slice %arg3[%dma_wait3A_357] : memref<320000xi32, #tpu.memory_space<hbm>> -> memref<80xi32, #tpu.memory_space<hbm>>
          tpu.wait_dma2 semaphore(%arg16 : memref<!tpu.dma_semaphore, #tpu.memory_space<semaphore_mem>>) src(%dma_wait3A_358 : memref<80xi32, #tpu.memory_space<hbm>>) dst(%dma_wait3A_356 : memref<80xi32, #tpu.memory_space<vmem>>)
          %dma_start3A_359 = arith.constant 1 : i32
          %dma_start3A_360 = arith.constant 1 : i32
          %dma_start3A_361 = arith.constant 0 : i32
          %dma_start3A_362 = arith.constant 0 : i32
          %dma_start3A_363 = tpu.memref_slice %arg8[%dma_start3A_360, %dma_start3A_361, %dma_start3A_362] : memref<4x80x128xf32, #tpu.memory_space<vmem>> -> memref<1x80x128xf32, #tpu.memory_space<vmem>>
          %dma_start3A_364 = tpu.memref_squeeze %dma_start3A_363 : memref<1x80x128xf32, #tpu.memory_space<vmem>> -> memref<80x128xf32, #tpu.memory_space<vmem>>
          %dma_start3A_365 = arith.constant 0 : i32
          %dma_start3A_366 = tpu.memref_slice %arg6[%dma_start3A_359, %dma_start3A_365] : memref<4x80xi32, #tpu.memory_space<vmem>> -> memref<1x80xi32, #tpu.memory_space<vmem>>
          %dma_start3A_367 = tpu.memref_squeeze %dma_start3A_366 : memref<1x80xi32, #tpu.memory_space<vmem>> -> memref<80xi32, #tpu.memory_space<vmem>>
          %dma_start3A_368 = arith.constant 0 : i32
          %dma_start3A_369 = arith.constant 0 : i32
          %dma_start3A_370 = tpu.memref_slice %arg4[%dma_start3A_368, %dma_start3A_369] : memref<10000x128xf32, #tpu.memory_space<hbm>> -> memref<10000x128xf32, #tpu.memory_space<hbm>>
          tpu.enqueue_indirect_dma source(%dma_start3A_370 : memref<10000x128xf32, #tpu.memory_space<hbm>>) target(%dma_start3A_364 : memref<80x128xf32, #tpu.memory_space<vmem>>) offsets(%dma_start3A_367 : memref<80xi32, #tpu.memory_space<vmem>>) semaphore(%arg12 : memref<!tpu.dma_semaphore, #tpu.memory_space<semaphore_mem>>)
        } else {
        }
        %add3A_330 = arith.constant 4 : i32
        %add3A_331 = arith.addi %add3A_244, %add3A_330 : i32
        %lt3A_332 = arith.constant 125 : i32
        %lt3A_333 = arith.cmpi slt, %add3A_331, %lt3A_332 : i32
        %convert_element_type3A_334 = arith.extui %lt3A_333 : i1 to i32
        %cond3A_335 = arith.constant 0 : i32
        %cond3A_336 = arith.cmpi ne, %convert_element_type3A_334, %cond3A_335 : i32
        scf.if %cond3A_336 {
          %add3A_337 = arith.constant 4 : i32
          %add3A_338 = arith.addi %add3A_244, %add3A_337 : i32
          %mul3A_339 = arith.constant 80 : i32
          %mul3A_340 = arith.muli %add3A_338, %mul3A_339 : i32
          %add3A_341 = arith.addi %mul3A_18, %mul3A_340 : i32
          %dma_start3A_342 = arith.constant 2 : i32
          %dma_start3A_343 = arith.constant 0 : i32
          %dma_start3A_344 = tpu.memref_slice %arg6[%dma_start3A_342, %dma_start3A_343] : memref<4x80xi32, #tpu.memory_space<vmem>> -> memref<1x80xi32, #tpu.memory_space<vmem>>
          %dma_start3A_345 = tpu.memref_squeeze %dma_start3A_344 : memref<1x80xi32, #tpu.memory_space<vmem>> -> memref<80xi32, #tpu.memory_space<vmem>>
          %dma_start3A_346 = tpu.memref_slice %arg2[%add3A_341] : memref<320000xi32, #tpu.memory_space<hbm>> -> memref<80xi32, #tpu.memory_space<hbm>>
          %dma_start3A_347 = arith.constant 0 : i32
          %dma_start3A_348 = tpu.memref_slice %arg6[%dma_start3A_342, %dma_start3A_347] : memref<4x80xi32, #tpu.memory_space<vmem>> -> memref<1x80xi32, #tpu.memory_space<vmem>>
          %dma_start3A_349 = tpu.memref_squeeze %dma_start3A_348 : memref<1x80xi32, #tpu.memory_space<vmem>> -> memref<80xi32, #tpu.memory_space<vmem>>
          %dma_start3A_350 = tpu.memref_slice %arg2[%add3A_341] : memref<320000xi32, #tpu.memory_space<hbm>> -> memref<80xi32, #tpu.memory_space<hbm>>
          tpu.enqueue_dma source(%dma_start3A_350 : memref<80xi32, #tpu.memory_space<hbm>>) target(%dma_start3A_349 : memref<80xi32, #tpu.memory_space<vmem>>) target_semaphore(%arg17 : memref<!tpu.dma_semaphore, #tpu.memory_space<semaphore_mem>>)
          %dma_start3A_351 = arith.constant 6 : i32
          %dma_start3A_352 = arith.constant 0 : i32
          %dma_start3A_353 = tpu.memref_slice %arg7[%dma_start3A_351, %dma_start3A_352] : memref<8x80xi32, #tpu.memory_space<vmem>> -> memref<1x80xi32, #tpu.memory_space<vmem>>
          %dma_start3A_354 = tpu.memref_squeeze %dma_start3A_353 : memref<1x80xi32, #tpu.memory_space<vmem>> -> memref<80xi32, #tpu.memory_space<vmem>>
          %dma_start3A_355 = tpu.memref_slice %arg3[%add3A_341] : memref<320000xi32, #tpu.memory_space<hbm>> -> memref<80xi32, #tpu.memory_space<hbm>>
          %dma_start3A_356 = arith.constant 0 : i32
          %dma_start3A_357 = tpu.memref_slice %arg7[%dma_start3A_351, %dma_start3A_356] : memref<8x80xi32, #tpu.memory_space<vmem>> -> memref<1x80xi32, #tpu.memory_space<vmem>>
          %dma_start3A_358 = tpu.memref_squeeze %dma_start3A_357 : memref<1x80xi32, #tpu.memory_space<vmem>> -> memref<80xi32, #tpu.memory_space<vmem>>
          %dma_start3A_359 = tpu.memref_slice %arg3[%add3A_341] : memref<320000xi32, #tpu.memory_space<hbm>> -> memref<80xi32, #tpu.memory_space<hbm>>
          tpu.enqueue_dma source(%dma_start3A_359 : memref<80xi32, #tpu.memory_space<hbm>>) target(%dma_start3A_358 : memref<80xi32, #tpu.memory_space<vmem>>) target_semaphore(%arg17 : memref<!tpu.dma_semaphore, #tpu.memory_space<semaphore_mem>>)
        } else {
        }
      } else {
      }
      %mul3A_250 = arith.constant 8 : i32
      %mul3A_251 = arith.muli %mul3A_250, %scan3A_223 : i32
      %add3A_252 = arith.constant 3 : i32
      %add3A_253 = arith.addi %mul3A_251, %add3A_252 : i32
      %lt3A_254 = arith.constant 125 : i32
      %lt3A_255 = arith.cmpi slt, %add3A_253, %lt3A_254 : i32
      %convert_element_type3A_256 = arith.extui %lt3A_255 : i1 to i32
      %cond3A_257 = arith.constant 0 : i32
      %cond3A_258 = arith.cmpi ne, %convert_element_type3A_256, %cond3A_257 : i32
      scf.if %cond3A_258 {
        %dma_wait3A_295 = arith.constant 3 : i32
        %dma_wait3A_296 = arith.constant 3 : i32
        %dma_wait3A_297 = arith.constant 0 : i32
        %dma_wait3A_298 = arith.constant 0 : i32
        %dma_wait3A_299 = tpu.memref_slice %arg8[%dma_wait3A_296, %dma_wait3A_297, %dma_wait3A_298] : memref<4x80x128xf32, #tpu.memory_space<vmem>> -> memref<1x80x128xf32, #tpu.memory_space<vmem>>
        %dma_wait3A_300 = tpu.memref_squeeze %dma_wait3A_299 : memref<1x80x128xf32, #tpu.memory_space<vmem>> -> memref<80x128xf32, #tpu.memory_space<vmem>>
        %dma_wait3A_301 = arith.constant 0 : i32
        %dma_wait3A_302 = tpu.memref_slice %arg6[%dma_wait3A_295, %dma_wait3A_301] : memref<4x80xi32, #tpu.memory_space<vmem>> -> memref<1x80xi32, #tpu.memory_space<vmem>>
        %dma_wait3A_303 = tpu.memref_squeeze %dma_wait3A_302 : memref<1x80xi32, #tpu.memory_space<vmem>> -> memref<80xi32, #tpu.memory_space<vmem>>
        %dma_wait3A_304 = arith.constant 0 : i32
        %dma_wait3A_305 = arith.constant 0 : i32
        %dma_wait3A_306 = tpu.memref_slice %arg4[%dma_wait3A_304, %dma_wait3A_305] : memref<10000x128xf32, #tpu.memory_space<hbm>> -> memref<10000x128xf32, #tpu.memory_space<hbm>>
        tpu.wait_indirect_dma semaphore(%arg14 : memref<!tpu.dma_semaphore, #tpu.memory_space<semaphore_mem>>) src(%dma_wait3A_306 : memref<10000x128xf32, #tpu.memory_space<hbm>>) dst(%dma_wait3A_300 : memref<80x128xf32, #tpu.memory_space<vmem>>)
        %ge3A = arith.constant 1 : i32
        %ge3A_307 = arith.cmpi sge, %add3A_253, %ge3A : i32
        %convert_element_type3A_308 = arith.extui %ge3A_307 : i1 to i32
        %cond3A_309 = arith.constant 0 : i32
        %cond3A_310 = arith.cmpi ne, %convert_element_type3A_308, %cond3A_309 : i32
        scf.if %cond3A_310 {
          %dma_wait3A_337 = arith.constant 2 : i32
          %dma_wait3A_338 = arith.constant 2 : i32
          %dma_wait3A_339 = arith.constant 0 : i32
          %dma_wait3A_340 = arith.constant 0 : i32
          %dma_wait3A_341 = tpu.memref_slice %arg8[%dma_wait3A_337, %dma_wait3A_339, %dma_wait3A_340] : memref<4x80x128xf32, #tpu.memory_space<vmem>> -> memref<1x80x128xf32, #tpu.memory_space<vmem>>
          %dma_wait3A_342 = tpu.memref_squeeze %dma_wait3A_341 : memref<1x80x128xf32, #tpu.memory_space<vmem>> -> memref<80x128xf32, #tpu.memory_space<vmem>>
          %dma_wait3A_343 = arith.constant 0 : i32
          %dma_wait3A_344 = tpu.memref_slice %arg7[%dma_wait3A_338, %dma_wait3A_343] : memref<8x80xi32, #tpu.memory_space<vmem>> -> memref<1x80xi32, #tpu.memory_space<vmem>>
          %dma_wait3A_345 = tpu.memref_squeeze %dma_wait3A_344 : memref<1x80xi32, #tpu.memory_space<vmem>> -> memref<80xi32, #tpu.memory_space<vmem>>
          %dma_wait3A_346 = arith.constant 0 : i32
          %dma_wait3A_347 = arith.constant 0 : i32
          %dma_wait3A_348 = tpu.memref_slice %arg10[%dma_wait3A_346, %dma_wait3A_347] : memref<10000x128xf32, #tpu.memory_space<vmem_shared>> -> memref<10000x128xf32, #tpu.memory_space<vmem_shared>>
          tpu.wait_indirect_dma semaphore(%arg21 : memref<!tpu.dma_semaphore, #tpu.memory_space<semaphore_mem>>) src(%dma_wait3A_342 : memref<80x128xf32, #tpu.memory_space<vmem>>) dst(%dma_wait3A_348 : memref<10000x128xf32, #tpu.memory_space<vmem_shared>>)
        } else {
        }
        %dma_start3A_311 = arith.constant 3 : i32
        %dma_start3A_312 = arith.constant 3 : i32
        %dma_start3A_313 = arith.constant 0 : i32
        %dma_start3A_314 = arith.constant 0 : i32
        %dma_start3A_315 = tpu.memref_slice %arg8[%dma_start3A_311, %dma_start3A_313, %dma_start3A_314] : memref<4x80x128xf32, #tpu.memory_space<vmem>> -> memref<1x80x128xf32, #tpu.memory_space<vmem>>
        %dma_start3A_316 = tpu.memref_squeeze %dma_start3A_315 : memref<1x80x128xf32, #tpu.memory_space<vmem>> -> memref<80x128xf32, #tpu.memory_space<vmem>>
        %dma_start3A_317 = arith.constant 0 : i32
        %dma_start3A_318 = tpu.memref_slice %arg7[%dma_start3A_312, %dma_start3A_317] : memref<8x80xi32, #tpu.memory_space<vmem>> -> memref<1x80xi32, #tpu.memory_space<vmem>>
        %dma_start3A_319 = tpu.memref_squeeze %dma_start3A_318 : memref<1x80xi32, #tpu.memory_space<vmem>> -> memref<80xi32, #tpu.memory_space<vmem>>
        %dma_start3A_320 = arith.constant 0 : i32
        %dma_start3A_321 = arith.constant 0 : i32
        %dma_start3A_322 = tpu.memref_slice %arg10[%dma_start3A_320, %dma_start3A_321] : memref<10000x128xf32, #tpu.memory_space<vmem_shared>> -> memref<10000x128xf32, #tpu.memory_space<vmem_shared>>
        tpu.enqueue_indirect_dma source(%dma_start3A_316 : memref<80x128xf32, #tpu.memory_space<vmem>>) target(%dma_start3A_322 : memref<10000x128xf32, #tpu.memory_space<vmem_shared>>) offsets(%dma_start3A_319 : memref<80xi32, #tpu.memory_space<vmem>>) semaphore(%arg22 : memref<!tpu.dma_semaphore, #tpu.memory_space<semaphore_mem>>) {add = true}
        %add3A_323 = arith.constant 3 : i32
        %add3A_324 = arith.addi %add3A_253, %add3A_323 : i32
        %lt3A_325 = arith.constant 125 : i32
        %lt3A_326 = arith.cmpi slt, %add3A_324, %lt3A_325 : i32
        %convert_element_type3A_327 = arith.extui %lt3A_326 : i1 to i32
        %cond3A_328 = arith.constant 0 : i32
        %cond3A_329 = arith.cmpi ne, %convert_element_type3A_327, %cond3A_328 : i32
        scf.if %cond3A_329 {
          %dma_wait3A_337 = arith.constant 2 : i32
          %dma_wait3A_338 = arith.constant 0 : i32
          %dma_wait3A_339 = tpu.memref_slice %arg6[%dma_wait3A_337, %dma_wait3A_338] : memref<4x80xi32, #tpu.memory_space<vmem>> -> memref<1x80xi32, #tpu.memory_space<vmem>>
          %dma_wait3A_340 = tpu.memref_squeeze %dma_wait3A_339 : memref<1x80xi32, #tpu.memory_space<vmem>> -> memref<80xi32, #tpu.memory_space<vmem>>
          %dma_wait3A_341 = arith.constant 0 : i32
          %dma_wait3A_342 = tpu.memref_slice %arg2[%dma_wait3A_341] : memref<320000xi32, #tpu.memory_space<hbm>> -> memref<80xi32, #tpu.memory_space<hbm>>
          %dma_wait3A_343 = arith.constant 0 : i32
          %dma_wait3A_344 = tpu.memref_slice %arg6[%dma_wait3A_337, %dma_wait3A_343] : memref<4x80xi32, #tpu.memory_space<vmem>> -> memref<1x80xi32, #tpu.memory_space<vmem>>
          %dma_wait3A_345 = tpu.memref_squeeze %dma_wait3A_344 : memref<1x80xi32, #tpu.memory_space<vmem>> -> memref<80xi32, #tpu.memory_space<vmem>>
          %dma_wait3A_346 = arith.constant 0 : i32
          %dma_wait3A_347 = tpu.memref_slice %arg2[%dma_wait3A_346] : memref<320000xi32, #tpu.memory_space<hbm>> -> memref<80xi32, #tpu.memory_space<hbm>>
          tpu.wait_dma2 semaphore(%arg17 : memref<!tpu.dma_semaphore, #tpu.memory_space<semaphore_mem>>) src(%dma_wait3A_347 : memref<80xi32, #tpu.memory_space<hbm>>) dst(%dma_wait3A_345 : memref<80xi32, #tpu.memory_space<vmem>>)
          %dma_wait3A_348 = arith.constant 6 : i32
          %dma_wait3A_349 = arith.constant 0 : i32
          %dma_wait3A_350 = tpu.memref_slice %arg7[%dma_wait3A_348, %dma_wait3A_349] : memref<8x80xi32, #tpu.memory_space<vmem>> -> memref<1x80xi32, #tpu.memory_space<vmem>>
          %dma_wait3A_351 = tpu.memref_squeeze %dma_wait3A_350 : memref<1x80xi32, #tpu.memory_space<vmem>> -> memref<80xi32, #tpu.memory_space<vmem>>
          %dma_wait3A_352 = arith.constant 0 : i32
          %dma_wait3A_353 = tpu.memref_slice %arg3[%dma_wait3A_352] : memref<320000xi32, #tpu.memory_space<hbm>> -> memref<80xi32, #tpu.memory_space<hbm>>
          %dma_wait3A_354 = arith.constant 0 : i32
          %dma_wait3A_355 = tpu.memref_slice %arg7[%dma_wait3A_348, %dma_wait3A_354] : memref<8x80xi32, #tpu.memory_space<vmem>> -> memref<1x80xi32, #tpu.memory_space<vmem>>
          %dma_wait3A_356 = tpu.memref_squeeze %dma_wait3A_355 : memref<1x80xi32, #tpu.memory_space<vmem>> -> memref<80xi32, #tpu.memory_space<vmem>>
          %dma_wait3A_357 = arith.constant 0 : i32
          %dma_wait3A_358 = tpu.memref_slice %arg3[%dma_wait3A_357] : memref<320000xi32, #tpu.memory_space<hbm>> -> memref<80xi32, #tpu.memory_space<hbm>>
          tpu.wait_dma2 semaphore(%arg17 : memref<!tpu.dma_semaphore, #tpu.memory_space<semaphore_mem>>) src(%dma_wait3A_358 : memref<80xi32, #tpu.memory_space<hbm>>) dst(%dma_wait3A_356 : memref<80xi32, #tpu.memory_space<vmem>>)
          %dma_start3A_359 = arith.constant 2 : i32
          %dma_start3A_360 = arith.constant 2 : i32
          %dma_start3A_361 = arith.constant 0 : i32
          %dma_start3A_362 = arith.constant 0 : i32
          %dma_start3A_363 = tpu.memref_slice %arg8[%dma_start3A_360, %dma_start3A_361, %dma_start3A_362] : memref<4x80x128xf32, #tpu.memory_space<vmem>> -> memref<1x80x128xf32, #tpu.memory_space<vmem>>
          %dma_start3A_364 = tpu.memref_squeeze %dma_start3A_363 : memref<1x80x128xf32, #tpu.memory_space<vmem>> -> memref<80x128xf32, #tpu.memory_space<vmem>>
          %dma_start3A_365 = arith.constant 0 : i32
          %dma_start3A_366 = tpu.memref_slice %arg6[%dma_start3A_359, %dma_start3A_365] : memref<4x80xi32, #tpu.memory_space<vmem>> -> memref<1x80xi32, #tpu.memory_space<vmem>>
          %dma_start3A_367 = tpu.memref_squeeze %dma_start3A_366 : memref<1x80xi32, #tpu.memory_space<vmem>> -> memref<80xi32, #tpu.memory_space<vmem>>
          %dma_start3A_368 = arith.constant 0 : i32
          %dma_start3A_369 = arith.constant 0 : i32
          %dma_start3A_370 = tpu.memref_slice %arg4[%dma_start3A_368, %dma_start3A_369] : memref<10000x128xf32, #tpu.memory_space<hbm>> -> memref<10000x128xf32, #tpu.memory_space<hbm>>
          tpu.enqueue_indirect_dma source(%dma_start3A_370 : memref<10000x128xf32, #tpu.memory_space<hbm>>) target(%dma_start3A_364 : memref<80x128xf32, #tpu.memory_space<vmem>>) offsets(%dma_start3A_367 : memref<80xi32, #tpu.memory_space<vmem>>) semaphore(%arg13 : memref<!tpu.dma_semaphore, #tpu.memory_space<semaphore_mem>>)
        } else {
        }
        %add3A_330 = arith.constant 4 : i32
        %add3A_331 = arith.addi %add3A_253, %add3A_330 : i32
        %lt3A_332 = arith.constant 125 : i32
        %lt3A_333 = arith.cmpi slt, %add3A_331, %lt3A_332 : i32
        %convert_element_type3A_334 = arith.extui %lt3A_333 : i1 to i32
        %cond3A_335 = arith.constant 0 : i32
        %cond3A_336 = arith.cmpi ne, %convert_element_type3A_334, %cond3A_335 : i32
        scf.if %cond3A_336 {
          %add3A_337 = arith.constant 4 : i32
          %add3A_338 = arith.addi %add3A_253, %add3A_337 : i32
          %mul3A_339 = arith.constant 80 : i32
          %mul3A_340 = arith.muli %add3A_338, %mul3A_339 : i32
          %add3A_341 = arith.addi %mul3A_18, %mul3A_340 : i32
          %dma_start3A_342 = arith.constant 3 : i32
          %dma_start3A_343 = arith.constant 0 : i32
          %dma_start3A_344 = tpu.memref_slice %arg6[%dma_start3A_342, %dma_start3A_343] : memref<4x80xi32, #tpu.memory_space<vmem>> -> memref<1x80xi32, #tpu.memory_space<vmem>>
          %dma_start3A_345 = tpu.memref_squeeze %dma_start3A_344 : memref<1x80xi32, #tpu.memory_space<vmem>> -> memref<80xi32, #tpu.memory_space<vmem>>
          %dma_start3A_346 = tpu.memref_slice %arg2[%add3A_341] : memref<320000xi32, #tpu.memory_space<hbm>> -> memref<80xi32, #tpu.memory_space<hbm>>
          %dma_start3A_347 = arith.constant 0 : i32
          %dma_start3A_348 = tpu.memref_slice %arg6[%dma_start3A_342, %dma_start3A_347] : memref<4x80xi32, #tpu.memory_space<vmem>> -> memref<1x80xi32, #tpu.memory_space<vmem>>
          %dma_start3A_349 = tpu.memref_squeeze %dma_start3A_348 : memref<1x80xi32, #tpu.memory_space<vmem>> -> memref<80xi32, #tpu.memory_space<vmem>>
          %dma_start3A_350 = tpu.memref_slice %arg2[%add3A_341] : memref<320000xi32, #tpu.memory_space<hbm>> -> memref<80xi32, #tpu.memory_space<hbm>>
          tpu.enqueue_dma source(%dma_start3A_350 : memref<80xi32, #tpu.memory_space<hbm>>) target(%dma_start3A_349 : memref<80xi32, #tpu.memory_space<vmem>>) target_semaphore(%arg18 : memref<!tpu.dma_semaphore, #tpu.memory_space<semaphore_mem>>)
          %dma_start3A_351 = arith.constant 7 : i32
          %dma_start3A_352 = arith.constant 0 : i32
          %dma_start3A_353 = tpu.memref_slice %arg7[%dma_start3A_351, %dma_start3A_352] : memref<8x80xi32, #tpu.memory_space<vmem>> -> memref<1x80xi32, #tpu.memory_space<vmem>>
          %dma_start3A_354 = tpu.memref_squeeze %dma_start3A_353 : memref<1x80xi32, #tpu.memory_space<vmem>> -> memref<80xi32, #tpu.memory_space<vmem>>
          %dma_start3A_355 = tpu.memref_slice %arg3[%add3A_341] : memref<320000xi32, #tpu.memory_space<hbm>> -> memref<80xi32, #tpu.memory_space<hbm>>
          %dma_start3A_356 = arith.constant 0 : i32
          %dma_start3A_357 = tpu.memref_slice %arg7[%dma_start3A_351, %dma_start3A_356] : memref<8x80xi32, #tpu.memory_space<vmem>> -> memref<1x80xi32, #tpu.memory_space<vmem>>
          %dma_start3A_358 = tpu.memref_squeeze %dma_start3A_357 : memref<1x80xi32, #tpu.memory_space<vmem>> -> memref<80xi32, #tpu.memory_space<vmem>>
          %dma_start3A_359 = tpu.memref_slice %arg3[%add3A_341] : memref<320000xi32, #tpu.memory_space<hbm>> -> memref<80xi32, #tpu.memory_space<hbm>>
          tpu.enqueue_dma source(%dma_start3A_359 : memref<80xi32, #tpu.memory_space<hbm>>) target(%dma_start3A_358 : memref<80xi32, #tpu.memory_space<vmem>>) target_semaphore(%arg18 : memref<!tpu.dma_semaphore, #tpu.memory_space<semaphore_mem>>)
        } else {
        }
      } else {
      }
      %mul3A_259 = arith.constant 8 : i32
      %mul3A_260 = arith.muli %mul3A_259, %scan3A_223 : i32
      %add3A_261 = arith.constant 4 : i32
      %add3A_262 = arith.addi %mul3A_260, %add3A_261 : i32
      %lt3A_263 = arith.constant 125 : i32
      %lt3A_264 = arith.cmpi slt, %add3A_262, %lt3A_263 : i32
      %convert_element_type3A_265 = arith.extui %lt3A_264 : i1 to i32
      %cond3A_266 = arith.constant 0 : i32
      %cond3A_267 = arith.cmpi ne, %convert_element_type3A_265, %cond3A_266 : i32
      scf.if %cond3A_267 {
        %dma_wait3A_295 = arith.constant 0 : i32
        %dma_wait3A_296 = arith.constant 0 : i32
        %dma_wait3A_297 = arith.constant 0 : i32
        %dma_wait3A_298 = arith.constant 0 : i32
        %dma_wait3A_299 = tpu.memref_slice %arg8[%dma_wait3A_296, %dma_wait3A_297, %dma_wait3A_298] : memref<4x80x128xf32, #tpu.memory_space<vmem>> -> memref<1x80x128xf32, #tpu.memory_space<vmem>>
        %dma_wait3A_300 = tpu.memref_squeeze %dma_wait3A_299 : memref<1x80x128xf32, #tpu.memory_space<vmem>> -> memref<80x128xf32, #tpu.memory_space<vmem>>
        %dma_wait3A_301 = arith.constant 0 : i32
        %dma_wait3A_302 = tpu.memref_slice %arg6[%dma_wait3A_295, %dma_wait3A_301] : memref<4x80xi32, #tpu.memory_space<vmem>> -> memref<1x80xi32, #tpu.memory_space<vmem>>
        %dma_wait3A_303 = tpu.memref_squeeze %dma_wait3A_302 : memref<1x80xi32, #tpu.memory_space<vmem>> -> memref<80xi32, #tpu.memory_space<vmem>>
        %dma_wait3A_304 = arith.constant 0 : i32
        %dma_wait3A_305 = arith.constant 0 : i32
        %dma_wait3A_306 = tpu.memref_slice %arg4[%dma_wait3A_304, %dma_wait3A_305] : memref<10000x128xf32, #tpu.memory_space<hbm>> -> memref<10000x128xf32, #tpu.memory_space<hbm>>
        tpu.wait_indirect_dma semaphore(%arg11 : memref<!tpu.dma_semaphore, #tpu.memory_space<semaphore_mem>>) src(%dma_wait3A_306 : memref<10000x128xf32, #tpu.memory_space<hbm>>) dst(%dma_wait3A_300 : memref<80x128xf32, #tpu.memory_space<vmem>>)
        %ge3A = arith.constant 1 : i32
        %ge3A_307 = arith.cmpi sge, %add3A_262, %ge3A : i32
        %convert_element_type3A_308 = arith.extui %ge3A_307 : i1 to i32
        %cond3A_309 = arith.constant 0 : i32
        %cond3A_310 = arith.cmpi ne, %convert_element_type3A_308, %cond3A_309 : i32
        scf.if %cond3A_310 {
          %dma_wait3A_337 = arith.constant 3 : i32
          %dma_wait3A_338 = arith.constant 3 : i32
          %dma_wait3A_339 = arith.constant 0 : i32
          %dma_wait3A_340 = arith.constant 0 : i32
          %dma_wait3A_341 = tpu.memref_slice %arg8[%dma_wait3A_337, %dma_wait3A_339, %dma_wait3A_340] : memref<4x80x128xf32, #tpu.memory_space<vmem>> -> memref<1x80x128xf32, #tpu.memory_space<vmem>>
          %dma_wait3A_342 = tpu.memref_squeeze %dma_wait3A_341 : memref<1x80x128xf32, #tpu.memory_space<vmem>> -> memref<80x128xf32, #tpu.memory_space<vmem>>
          %dma_wait3A_343 = arith.constant 0 : i32
          %dma_wait3A_344 = tpu.memref_slice %arg7[%dma_wait3A_338, %dma_wait3A_343] : memref<8x80xi32, #tpu.memory_space<vmem>> -> memref<1x80xi32, #tpu.memory_space<vmem>>
          %dma_wait3A_345 = tpu.memref_squeeze %dma_wait3A_344 : memref<1x80xi32, #tpu.memory_space<vmem>> -> memref<80xi32, #tpu.memory_space<vmem>>
          %dma_wait3A_346 = arith.constant 0 : i32
          %dma_wait3A_347 = arith.constant 0 : i32
          %dma_wait3A_348 = tpu.memref_slice %arg10[%dma_wait3A_346, %dma_wait3A_347] : memref<10000x128xf32, #tpu.memory_space<vmem_shared>> -> memref<10000x128xf32, #tpu.memory_space<vmem_shared>>
          tpu.wait_indirect_dma semaphore(%arg22 : memref<!tpu.dma_semaphore, #tpu.memory_space<semaphore_mem>>) src(%dma_wait3A_342 : memref<80x128xf32, #tpu.memory_space<vmem>>) dst(%dma_wait3A_348 : memref<10000x128xf32, #tpu.memory_space<vmem_shared>>)
        } else {
        }
        %dma_start3A_311 = arith.constant 0 : i32
        %dma_start3A_312 = arith.constant 4 : i32
        %dma_start3A_313 = arith.constant 0 : i32
        %dma_start3A_314 = arith.constant 0 : i32
        %dma_start3A_315 = tpu.memref_slice %arg8[%dma_start3A_311, %dma_start3A_313, %dma_start3A_314] : memref<4x80x128xf32, #tpu.memory_space<vmem>> -> memref<1x80x128xf32, #tpu.memory_space<vmem>>
        %dma_start3A_316 = tpu.memref_squeeze %dma_start3A_315 : memref<1x80x128xf32, #tpu.memory_space<vmem>> -> memref<80x128xf32, #tpu.memory_space<vmem>>
        %dma_start3A_317 = arith.constant 0 : i32
        %dma_start3A_318 = tpu.memref_slice %arg7[%dma_start3A_312, %dma_start3A_317] : memref<8x80xi32, #tpu.memory_space<vmem>> -> memref<1x80xi32, #tpu.memory_space<vmem>>
        %dma_start3A_319 = tpu.memref_squeeze %dma_start3A_318 : memref<1x80xi32, #tpu.memory_space<vmem>> -> memref<80xi32, #tpu.memory_space<vmem>>
        %dma_start3A_320 = arith.constant 0 : i32
        %dma_start3A_321 = arith.constant 0 : i32
        %dma_start3A_322 = tpu.memref_slice %arg10[%dma_start3A_320, %dma_start3A_321] : memref<10000x128xf32, #tpu.memory_space<vmem_shared>> -> memref<10000x128xf32, #tpu.memory_space<vmem_shared>>
        tpu.enqueue_indirect_dma source(%dma_start3A_316 : memref<80x128xf32, #tpu.memory_space<vmem>>) target(%dma_start3A_322 : memref<10000x128xf32, #tpu.memory_space<vmem_shared>>) offsets(%dma_start3A_319 : memref<80xi32, #tpu.memory_space<vmem>>) semaphore(%arg19 : memref<!tpu.dma_semaphore, #tpu.memory_space<semaphore_mem>>) {add = true}
        %add3A_323 = arith.constant 3 : i32
        %add3A_324 = arith.addi %add3A_262, %add3A_323 : i32
        %lt3A_325 = arith.constant 125 : i32
        %lt3A_326 = arith.cmpi slt, %add3A_324, %lt3A_325 : i32
        %convert_element_type3A_327 = arith.extui %lt3A_326 : i1 to i32
        %cond3A_328 = arith.constant 0 : i32
        %cond3A_329 = arith.cmpi ne, %convert_element_type3A_327, %cond3A_328 : i32
        scf.if %cond3A_329 {
          %dma_wait3A_337 = arith.constant 3 : i32
          %dma_wait3A_338 = arith.constant 0 : i32
          %dma_wait3A_339 = tpu.memref_slice %arg6[%dma_wait3A_337, %dma_wait3A_338] : memref<4x80xi32, #tpu.memory_space<vmem>> -> memref<1x80xi32, #tpu.memory_space<vmem>>
          %dma_wait3A_340 = tpu.memref_squeeze %dma_wait3A_339 : memref<1x80xi32, #tpu.memory_space<vmem>> -> memref<80xi32, #tpu.memory_space<vmem>>
          %dma_wait3A_341 = arith.constant 0 : i32
          %dma_wait3A_342 = tpu.memref_slice %arg2[%dma_wait3A_341] : memref<320000xi32, #tpu.memory_space<hbm>> -> memref<80xi32, #tpu.memory_space<hbm>>
          %dma_wait3A_343 = arith.constant 0 : i32
          %dma_wait3A_344 = tpu.memref_slice %arg6[%dma_wait3A_337, %dma_wait3A_343] : memref<4x80xi32, #tpu.memory_space<vmem>> -> memref<1x80xi32, #tpu.memory_space<vmem>>
          %dma_wait3A_345 = tpu.memref_squeeze %dma_wait3A_344 : memref<1x80xi32, #tpu.memory_space<vmem>> -> memref<80xi32, #tpu.memory_space<vmem>>
          %dma_wait3A_346 = arith.constant 0 : i32
          %dma_wait3A_347 = tpu.memref_slice %arg2[%dma_wait3A_346] : memref<320000xi32, #tpu.memory_space<hbm>> -> memref<80xi32, #tpu.memory_space<hbm>>
          tpu.wait_dma2 semaphore(%arg18 : memref<!tpu.dma_semaphore, #tpu.memory_space<semaphore_mem>>) src(%dma_wait3A_347 : memref<80xi32, #tpu.memory_space<hbm>>) dst(%dma_wait3A_345 : memref<80xi32, #tpu.memory_space<vmem>>)
          %dma_wait3A_348 = arith.constant 7 : i32
          %dma_wait3A_349 = arith.constant 0 : i32
          %dma_wait3A_350 = tpu.memref_slice %arg7[%dma_wait3A_348, %dma_wait3A_349] : memref<8x80xi32, #tpu.memory_space<vmem>> -> memref<1x80xi32, #tpu.memory_space<vmem>>
          %dma_wait3A_351 = tpu.memref_squeeze %dma_wait3A_350 : memref<1x80xi32, #tpu.memory_space<vmem>> -> memref<80xi32, #tpu.memory_space<vmem>>
          %dma_wait3A_352 = arith.constant 0 : i32
          %dma_wait3A_353 = tpu.memref_slice %arg3[%dma_wait3A_352] : memref<320000xi32, #tpu.memory_space<hbm>> -> memref<80xi32, #tpu.memory_space<hbm>>
          %dma_wait3A_354 = arith.constant 0 : i32
          %dma_wait3A_355 = tpu.memref_slice %arg7[%dma_wait3A_348, %dma_wait3A_354] : memref<8x80xi32, #tpu.memory_space<vmem>> -> memref<1x80xi32, #tpu.memory_space<vmem>>
          %dma_wait3A_356 = tpu.memref_squeeze %dma_wait3A_355 : memref<1x80xi32, #tpu.memory_space<vmem>> -> memref<80xi32, #tpu.memory_space<vmem>>
          %dma_wait3A_357 = arith.constant 0 : i32
          %dma_wait3A_358 = tpu.memref_slice %arg3[%dma_wait3A_357] : memref<320000xi32, #tpu.memory_space<hbm>> -> memref<80xi32, #tpu.memory_space<hbm>>
          tpu.wait_dma2 semaphore(%arg18 : memref<!tpu.dma_semaphore, #tpu.memory_space<semaphore_mem>>) src(%dma_wait3A_358 : memref<80xi32, #tpu.memory_space<hbm>>) dst(%dma_wait3A_356 : memref<80xi32, #tpu.memory_space<vmem>>)
          %dma_start3A_359 = arith.constant 3 : i32
          %dma_start3A_360 = arith.constant 3 : i32
          %dma_start3A_361 = arith.constant 0 : i32
          %dma_start3A_362 = arith.constant 0 : i32
          %dma_start3A_363 = tpu.memref_slice %arg8[%dma_start3A_360, %dma_start3A_361, %dma_start3A_362] : memref<4x80x128xf32, #tpu.memory_space<vmem>> -> memref<1x80x128xf32, #tpu.memory_space<vmem>>
          %dma_start3A_364 = tpu.memref_squeeze %dma_start3A_363 : memref<1x80x128xf32, #tpu.memory_space<vmem>> -> memref<80x128xf32, #tpu.memory_space<vmem>>
          %dma_start3A_365 = arith.constant 0 : i32
          %dma_start3A_366 = tpu.memref_slice %arg6[%dma_start3A_359, %dma_start3A_365] : memref<4x80xi32, #tpu.memory_space<vmem>> -> memref<1x80xi32, #tpu.memory_space<vmem>>
          %dma_start3A_367 = tpu.memref_squeeze %dma_start3A_366 : memref<1x80xi32, #tpu.memory_space<vmem>> -> memref<80xi32, #tpu.memory_space<vmem>>
          %dma_start3A_368 = arith.constant 0 : i32
          %dma_start3A_369 = arith.constant 0 : i32
          %dma_start3A_370 = tpu.memref_slice %arg4[%dma_start3A_368, %dma_start3A_369] : memref<10000x128xf32, #tpu.memory_space<hbm>> -> memref<10000x128xf32, #tpu.memory_space<hbm>>
          tpu.enqueue_indirect_dma source(%dma_start3A_370 : memref<10000x128xf32, #tpu.memory_space<hbm>>) target(%dma_start3A_364 : memref<80x128xf32, #tpu.memory_space<vmem>>) offsets(%dma_start3A_367 : memref<80xi32, #tpu.memory_space<vmem>>) semaphore(%arg14 : memref<!tpu.dma_semaphore, #tpu.memory_space<semaphore_mem>>)
        } else {
        }
        %add3A_330 = arith.constant 4 : i32
        %add3A_331 = arith.addi %add3A_262, %add3A_330 : i32
        %lt3A_332 = arith.constant 125 : i32
        %lt3A_333 = arith.cmpi slt, %add3A_331, %lt3A_332 : i32
        %convert_element_type3A_334 = arith.extui %lt3A_333 : i1 to i32
        %cond3A_335 = arith.constant 0 : i32
        %cond3A_336 = arith.cmpi ne, %convert_element_type3A_334, %cond3A_335 : i32
        scf.if %cond3A_336 {
          %add3A_337 = arith.constant 4 : i32
          %add3A_338 = arith.addi %add3A_262, %add3A_337 : i32
          %mul3A_339 = arith.constant 80 : i32
          %mul3A_340 = arith.muli %add3A_338, %mul3A_339 : i32
          %add3A_341 = arith.addi %mul3A_18, %mul3A_340 : i32
          %dma_start3A_342 = arith.constant 0 : i32
          %dma_start3A_343 = arith.constant 0 : i32
          %dma_start3A_344 = tpu.memref_slice %arg6[%dma_start3A_342, %dma_start3A_343] : memref<4x80xi32, #tpu.memory_space<vmem>> -> memref<1x80xi32, #tpu.memory_space<vmem>>
          %dma_start3A_345 = tpu.memref_squeeze %dma_start3A_344 : memref<1x80xi32, #tpu.memory_space<vmem>> -> memref<80xi32, #tpu.memory_space<vmem>>
          %dma_start3A_346 = tpu.memref_slice %arg2[%add3A_341] : memref<320000xi32, #tpu.memory_space<hbm>> -> memref<80xi32, #tpu.memory_space<hbm>>
          %dma_start3A_347 = arith.constant 0 : i32
          %dma_start3A_348 = tpu.memref_slice %arg6[%dma_start3A_342, %dma_start3A_347] : memref<4x80xi32, #tpu.memory_space<vmem>> -> memref<1x80xi32, #tpu.memory_space<vmem>>
          %dma_start3A_349 = tpu.memref_squeeze %dma_start3A_348 : memref<1x80xi32, #tpu.memory_space<vmem>> -> memref<80xi32, #tpu.memory_space<vmem>>
          %dma_start3A_350 = tpu.memref_slice %arg2[%add3A_341] : memref<320000xi32, #tpu.memory_space<hbm>> -> memref<80xi32, #tpu.memory_space<hbm>>
          tpu.enqueue_dma source(%dma_start3A_350 : memref<80xi32, #tpu.memory_space<hbm>>) target(%dma_start3A_349 : memref<80xi32, #tpu.memory_space<vmem>>) target_semaphore(%arg15 : memref<!tpu.dma_semaphore, #tpu.memory_space<semaphore_mem>>)
          %dma_start3A_351 = arith.constant 0 : i32
          %dma_start3A_352 = arith.constant 0 : i32
          %dma_start3A_353 = tpu.memref_slice %arg7[%dma_start3A_351, %dma_start3A_352] : memref<8x80xi32, #tpu.memory_space<vmem>> -> memref<1x80xi32, #tpu.memory_space<vmem>>
          %dma_start3A_354 = tpu.memref_squeeze %dma_start3A_353 : memref<1x80xi32, #tpu.memory_space<vmem>> -> memref<80xi32, #tpu.memory_space<vmem>>
          %dma_start3A_355 = tpu.memref_slice %arg3[%add3A_341] : memref<320000xi32, #tpu.memory_space<hbm>> -> memref<80xi32, #tpu.memory_space<hbm>>
          %dma_start3A_356 = arith.constant 0 : i32
          %dma_start3A_357 = tpu.memref_slice %arg7[%dma_start3A_351, %dma_start3A_356] : memref<8x80xi32, #tpu.memory_space<vmem>> -> memref<1x80xi32, #tpu.memory_space<vmem>>
          %dma_start3A_358 = tpu.memref_squeeze %dma_start3A_357 : memref<1x80xi32, #tpu.memory_space<vmem>> -> memref<80xi32, #tpu.memory_space<vmem>>
          %dma_start3A_359 = tpu.memref_slice %arg3[%add3A_341] : memref<320000xi32, #tpu.memory_space<hbm>> -> memref<80xi32, #tpu.memory_space<hbm>>
          tpu.enqueue_dma source(%dma_start3A_359 : memref<80xi32, #tpu.memory_space<hbm>>) target(%dma_start3A_358 : memref<80xi32, #tpu.memory_space<vmem>>) target_semaphore(%arg15 : memref<!tpu.dma_semaphore, #tpu.memory_space<semaphore_mem>>)
        } else {
        }
      } else {
      }
      %mul3A_268 = arith.constant 8 : i32
      %mul3A_269 = arith.muli %mul3A_268, %scan3A_223 : i32
      %add3A_270 = arith.constant 5 : i32
      %add3A_271 = arith.addi %mul3A_269, %add3A_270 : i32
      %lt3A_272 = arith.constant 125 : i32
      %lt3A_273 = arith.cmpi slt, %add3A_271, %lt3A_272 : i32
      %convert_element_type3A_274 = arith.extui %lt3A_273 : i1 to i32
      %cond3A_275 = arith.constant 0 : i32
      %cond3A_276 = arith.cmpi ne, %convert_element_type3A_274, %cond3A_275 : i32
      scf.if %cond3A_276 {
        %dma_wait3A_295 = arith.constant 1 : i32
        %dma_wait3A_296 = arith.constant 1 : i32
        %dma_wait3A_297 = arith.constant 0 : i32
        %dma_wait3A_298 = arith.constant 0 : i32
        %dma_wait3A_299 = tpu.memref_slice %arg8[%dma_wait3A_296, %dma_wait3A_297, %dma_wait3A_298] : memref<4x80x128xf32, #tpu.memory_space<vmem>> -> memref<1x80x128xf32, #tpu.memory_space<vmem>>
        %dma_wait3A_300 = tpu.memref_squeeze %dma_wait3A_299 : memref<1x80x128xf32, #tpu.memory_space<vmem>> -> memref<80x128xf32, #tpu.memory_space<vmem>>
        %dma_wait3A_301 = arith.constant 0 : i32
        %dma_wait3A_302 = tpu.memref_slice %arg6[%dma_wait3A_295, %dma_wait3A_301] : memref<4x80xi32, #tpu.memory_space<vmem>> -> memref<1x80xi32, #tpu.memory_space<vmem>>
        %dma_wait3A_303 = tpu.memref_squeeze %dma_wait3A_302 : memref<1x80xi32, #tpu.memory_space<vmem>> -> memref<80xi32, #tpu.memory_space<vmem>>
        %dma_wait3A_304 = arith.constant 0 : i32
        %dma_wait3A_305 = arith.constant 0 : i32
        %dma_wait3A_306 = tpu.memref_slice %arg4[%dma_wait3A_304, %dma_wait3A_305] : memref<10000x128xf32, #tpu.memory_space<hbm>> -> memref<10000x128xf32, #tpu.memory_space<hbm>>
        tpu.wait_indirect_dma semaphore(%arg12 : memref<!tpu.dma_semaphore, #tpu.memory_space<semaphore_mem>>) src(%dma_wait3A_306 : memref<10000x128xf32, #tpu.memory_space<hbm>>) dst(%dma_wait3A_300 : memref<80x128xf32, #tpu.memory_space<vmem>>)
        %ge3A = arith.constant 1 : i32
        %ge3A_307 = arith.cmpi sge, %add3A_271, %ge3A : i32
        %convert_element_type3A_308 = arith.extui %ge3A_307 : i1 to i32
        %cond3A_309 = arith.constant 0 : i32
        %cond3A_310 = arith.cmpi ne, %convert_element_type3A_308, %cond3A_309 : i32
        scf.if %cond3A_310 {
          %dma_wait3A_337 = arith.constant 0 : i32
          %dma_wait3A_338 = arith.constant 4 : i32
          %dma_wait3A_339 = arith.constant 0 : i32
          %dma_wait3A_340 = arith.constant 0 : i32
          %dma_wait3A_341 = tpu.memref_slice %arg8[%dma_wait3A_337, %dma_wait3A_339, %dma_wait3A_340] : memref<4x80x128xf32, #tpu.memory_space<vmem>> -> memref<1x80x128xf32, #tpu.memory_space<vmem>>
          %dma_wait3A_342 = tpu.memref_squeeze %dma_wait3A_341 : memref<1x80x128xf32, #tpu.memory_space<vmem>> -> memref<80x128xf32, #tpu.memory_space<vmem>>
          %dma_wait3A_343 = arith.constant 0 : i32
          %dma_wait3A_344 = tpu.memref_slice %arg7[%dma_wait3A_338, %dma_wait3A_343] : memref<8x80xi32, #tpu.memory_space<vmem>> -> memref<1x80xi32, #tpu.memory_space<vmem>>
          %dma_wait3A_345 = tpu.memref_squeeze %dma_wait3A_344 : memref<1x80xi32, #tpu.memory_space<vmem>> -> memref<80xi32, #tpu.memory_space<vmem>>
          %dma_wait3A_346 = arith.constant 0 : i32
          %dma_wait3A_347 = arith.constant 0 : i32
          %dma_wait3A_348 = tpu.memref_slice %arg10[%dma_wait3A_346, %dma_wait3A_347] : memref<10000x128xf32, #tpu.memory_space<vmem_shared>> -> memref<10000x128xf32, #tpu.memory_space<vmem_shared>>
          tpu.wait_indirect_dma semaphore(%arg19 : memref<!tpu.dma_semaphore, #tpu.memory_space<semaphore_mem>>) src(%dma_wait3A_342 : memref<80x128xf32, #tpu.memory_space<vmem>>) dst(%dma_wait3A_348 : memref<10000x128xf32, #tpu.memory_space<vmem_shared>>)
        } else {
        }
        %dma_start3A_311 = arith.constant 1 : i32
        %dma_start3A_312 = arith.constant 5 : i32
        %dma_start3A_313 = arith.constant 0 : i32
        %dma_start3A_314 = arith.constant 0 : i32
        %dma_start3A_315 = tpu.memref_slice %arg8[%dma_start3A_311, %dma_start3A_313, %dma_start3A_314] : memref<4x80x128xf32, #tpu.memory_space<vmem>> -> memref<1x80x128xf32, #tpu.memory_space<vmem>>
        %dma_start3A_316 = tpu.memref_squeeze %dma_start3A_315 : memref<1x80x128xf32, #tpu.memory_space<vmem>> -> memref<80x128xf32, #tpu.memory_space<vmem>>
        %dma_start3A_317 = arith.constant 0 : i32
        %dma_start3A_318 = tpu.memref_slice %arg7[%dma_start3A_312, %dma_start3A_317] : memref<8x80xi32, #tpu.memory_space<vmem>> -> memref<1x80xi32, #tpu.memory_space<vmem>>
        %dma_start3A_319 = tpu.memref_squeeze %dma_start3A_318 : memref<1x80xi32, #tpu.memory_space<vmem>> -> memref<80xi32, #tpu.memory_space<vmem>>
        %dma_start3A_320 = arith.constant 0 : i32
        %dma_start3A_321 = arith.constant 0 : i32
        %dma_start3A_322 = tpu.memref_slice %arg10[%dma_start3A_320, %dma_start3A_321] : memref<10000x128xf32, #tpu.memory_space<vmem_shared>> -> memref<10000x128xf32, #tpu.memory_space<vmem_shared>>
        tpu.enqueue_indirect_dma source(%dma_start3A_316 : memref<80x128xf32, #tpu.memory_space<vmem>>) target(%dma_start3A_322 : memref<10000x128xf32, #tpu.memory_space<vmem_shared>>) offsets(%dma_start3A_319 : memref<80xi32, #tpu.memory_space<vmem>>) semaphore(%arg20 : memref<!tpu.dma_semaphore, #tpu.memory_space<semaphore_mem>>) {add = true}
        %add3A_323 = arith.constant 3 : i32
        %add3A_324 = arith.addi %add3A_271, %add3A_323 : i32
        %lt3A_325 = arith.constant 125 : i32
        %lt3A_326 = arith.cmpi slt, %add3A_324, %lt3A_325 : i32
        %convert_element_type3A_327 = arith.extui %lt3A_326 : i1 to i32
        %cond3A_328 = arith.constant 0 : i32
        %cond3A_329 = arith.cmpi ne, %convert_element_type3A_327, %cond3A_328 : i32
        scf.if %cond3A_329 {
          %dma_wait3A_337 = arith.constant 0 : i32
          %dma_wait3A_338 = arith.constant 0 : i32
          %dma_wait3A_339 = tpu.memref_slice %arg6[%dma_wait3A_337, %dma_wait3A_338] : memref<4x80xi32, #tpu.memory_space<vmem>> -> memref<1x80xi32, #tpu.memory_space<vmem>>
          %dma_wait3A_340 = tpu.memref_squeeze %dma_wait3A_339 : memref<1x80xi32, #tpu.memory_space<vmem>> -> memref<80xi32, #tpu.memory_space<vmem>>
          %dma_wait3A_341 = arith.constant 0 : i32
          %dma_wait3A_342 = tpu.memref_slice %arg2[%dma_wait3A_341] : memref<320000xi32, #tpu.memory_space<hbm>> -> memref<80xi32, #tpu.memory_space<hbm>>
          %dma_wait3A_343 = arith.constant 0 : i32
          %dma_wait3A_344 = tpu.memref_slice %arg6[%dma_wait3A_337, %dma_wait3A_343] : memref<4x80xi32, #tpu.memory_space<vmem>> -> memref<1x80xi32, #tpu.memory_space<vmem>>
          %dma_wait3A_345 = tpu.memref_squeeze %dma_wait3A_344 : memref<1x80xi32, #tpu.memory_space<vmem>> -> memref<80xi32, #tpu.memory_space<vmem>>
          %dma_wait3A_346 = arith.constant 0 : i32
          %dma_wait3A_347 = tpu.memref_slice %arg2[%dma_wait3A_346] : memref<320000xi32, #tpu.memory_space<hbm>> -> memref<80xi32, #tpu.memory_space<hbm>>
          tpu.wait_dma2 semaphore(%arg15 : memref<!tpu.dma_semaphore, #tpu.memory_space<semaphore_mem>>) src(%dma_wait3A_347 : memref<80xi32, #tpu.memory_space<hbm>>) dst(%dma_wait3A_345 : memref<80xi32, #tpu.memory_space<vmem>>)
          %dma_wait3A_348 = arith.constant 0 : i32
          %dma_wait3A_349 = arith.constant 0 : i32
          %dma_wait3A_350 = tpu.memref_slice %arg7[%dma_wait3A_348, %dma_wait3A_349] : memref<8x80xi32, #tpu.memory_space<vmem>> -> memref<1x80xi32, #tpu.memory_space<vmem>>
          %dma_wait3A_351 = tpu.memref_squeeze %dma_wait3A_350 : memref<1x80xi32, #tpu.memory_space<vmem>> -> memref<80xi32, #tpu.memory_space<vmem>>
          %dma_wait3A_352 = arith.constant 0 : i32
          %dma_wait3A_353 = tpu.memref_slice %arg3[%dma_wait3A_352] : memref<320000xi32, #tpu.memory_space<hbm>> -> memref<80xi32, #tpu.memory_space<hbm>>
          %dma_wait3A_354 = arith.constant 0 : i32
          %dma_wait3A_355 = tpu.memref_slice %arg7[%dma_wait3A_348, %dma_wait3A_354] : memref<8x80xi32, #tpu.memory_space<vmem>> -> memref<1x80xi32, #tpu.memory_space<vmem>>
          %dma_wait3A_356 = tpu.memref_squeeze %dma_wait3A_355 : memref<1x80xi32, #tpu.memory_space<vmem>> -> memref<80xi32, #tpu.memory_space<vmem>>
          %dma_wait3A_357 = arith.constant 0 : i32
          %dma_wait3A_358 = tpu.memref_slice %arg3[%dma_wait3A_357] : memref<320000xi32, #tpu.memory_space<hbm>> -> memref<80xi32, #tpu.memory_space<hbm>>
          tpu.wait_dma2 semaphore(%arg15 : memref<!tpu.dma_semaphore, #tpu.memory_space<semaphore_mem>>) src(%dma_wait3A_358 : memref<80xi32, #tpu.memory_space<hbm>>) dst(%dma_wait3A_356 : memref<80xi32, #tpu.memory_space<vmem>>)
          %dma_start3A_359 = arith.constant 0 : i32
          %dma_start3A_360 = arith.constant 0 : i32
          %dma_start3A_361 = arith.constant 0 : i32
          %dma_start3A_362 = arith.constant 0 : i32
          %dma_start3A_363 = tpu.memref_slice %arg8[%dma_start3A_360, %dma_start3A_361, %dma_start3A_362] : memref<4x80x128xf32, #tpu.memory_space<vmem>> -> memref<1x80x128xf32, #tpu.memory_space<vmem>>
          %dma_start3A_364 = tpu.memref_squeeze %dma_start3A_363 : memref<1x80x128xf32, #tpu.memory_space<vmem>> -> memref<80x128xf32, #tpu.memory_space<vmem>>
          %dma_start3A_365 = arith.constant 0 : i32
          %dma_start3A_366 = tpu.memref_slice %arg6[%dma_start3A_359, %dma_start3A_365] : memref<4x80xi32, #tpu.memory_space<vmem>> -> memref<1x80xi32, #tpu.memory_space<vmem>>
          %dma_start3A_367 = tpu.memref_squeeze %dma_start3A_366 : memref<1x80xi32, #tpu.memory_space<vmem>> -> memref<80xi32, #tpu.memory_space<vmem>>
          %dma_start3A_368 = arith.constant 0 : i32
          %dma_start3A_369 = arith.constant 0 : i32
          %dma_start3A_370 = tpu.memref_slice %arg4[%dma_start3A_368, %dma_start3A_369] : memref<10000x128xf32, #tpu.memory_space<hbm>> -> memref<10000x128xf32, #tpu.memory_space<hbm>>
          tpu.enqueue_indirect_dma source(%dma_start3A_370 : memref<10000x128xf32, #tpu.memory_space<hbm>>) target(%dma_start3A_364 : memref<80x128xf32, #tpu.memory_space<vmem>>) offsets(%dma_start3A_367 : memref<80xi32, #tpu.memory_space<vmem>>) semaphore(%arg11 : memref<!tpu.dma_semaphore, #tpu.memory_space<semaphore_mem>>)
        } else {
        }
        %add3A_330 = arith.constant 4 : i32
        %add3A_331 = arith.addi %add3A_271, %add3A_330 : i32
        %lt3A_332 = arith.constant 125 : i32
        %lt3A_333 = arith.cmpi slt, %add3A_331, %lt3A_332 : i32
        %convert_element_type3A_334 = arith.extui %lt3A_333 : i1 to i32
        %cond3A_335 = arith.constant 0 : i32
        %cond3A_336 = arith.cmpi ne, %convert_element_type3A_334, %cond3A_335 : i32
        scf.if %cond3A_336 {
          %add3A_337 = arith.constant 4 : i32
          %add3A_338 = arith.addi %add3A_271, %add3A_337 : i32
          %mul3A_339 = arith.constant 80 : i32
          %mul3A_340 = arith.muli %add3A_338, %mul3A_339 : i32
          %add3A_341 = arith.addi %mul3A_18, %mul3A_340 : i32
          %dma_start3A_342 = arith.constant 1 : i32
          %dma_start3A_343 = arith.constant 0 : i32
          %dma_start3A_344 = tpu.memref_slice %arg6[%dma_start3A_342, %dma_start3A_343] : memref<4x80xi32, #tpu.memory_space<vmem>> -> memref<1x80xi32, #tpu.memory_space<vmem>>
          %dma_start3A_345 = tpu.memref_squeeze %dma_start3A_344 : memref<1x80xi32, #tpu.memory_space<vmem>> -> memref<80xi32, #tpu.memory_space<vmem>>
          %dma_start3A_346 = tpu.memref_slice %arg2[%add3A_341] : memref<320000xi32, #tpu.memory_space<hbm>> -> memref<80xi32, #tpu.memory_space<hbm>>
          %dma_start3A_347 = arith.constant 0 : i32
          %dma_start3A_348 = tpu.memref_slice %arg6[%dma_start3A_342, %dma_start3A_347] : memref<4x80xi32, #tpu.memory_space<vmem>> -> memref<1x80xi32, #tpu.memory_space<vmem>>
          %dma_start3A_349 = tpu.memref_squeeze %dma_start3A_348 : memref<1x80xi32, #tpu.memory_space<vmem>> -> memref<80xi32, #tpu.memory_space<vmem>>
          %dma_start3A_350 = tpu.memref_slice %arg2[%add3A_341] : memref<320000xi32, #tpu.memory_space<hbm>> -> memref<80xi32, #tpu.memory_space<hbm>>
          tpu.enqueue_dma source(%dma_start3A_350 : memref<80xi32, #tpu.memory_space<hbm>>) target(%dma_start3A_349 : memref<80xi32, #tpu.memory_space<vmem>>) target_semaphore(%arg16 : memref<!tpu.dma_semaphore, #tpu.memory_space<semaphore_mem>>)
          %dma_start3A_351 = arith.constant 1 : i32
          %dma_start3A_352 = arith.constant 0 : i32
          %dma_start3A_353 = tpu.memref_slice %arg7[%dma_start3A_351, %dma_start3A_352] : memref<8x80xi32, #tpu.memory_space<vmem>> -> memref<1x80xi32, #tpu.memory_space<vmem>>
          %dma_start3A_354 = tpu.memref_squeeze %dma_start3A_353 : memref<1x80xi32, #tpu.memory_space<vmem>> -> memref<80xi32, #tpu.memory_space<vmem>>
          %dma_start3A_355 = tpu.memref_slice %arg3[%add3A_341] : memref<320000xi32, #tpu.memory_space<hbm>> -> memref<80xi32, #tpu.memory_space<hbm>>
          %dma_start3A_356 = arith.constant 0 : i32
          %dma_start3A_357 = tpu.memref_slice %arg7[%dma_start3A_351, %dma_start3A_356] : memref<8x80xi32, #tpu.memory_space<vmem>> -> memref<1x80xi32, #tpu.memory_space<vmem>>
          %dma_start3A_358 = tpu.memref_squeeze %dma_start3A_357 : memref<1x80xi32, #tpu.memory_space<vmem>> -> memref<80xi32, #tpu.memory_space<vmem>>
          %dma_start3A_359 = tpu.memref_slice %arg3[%add3A_341] : memref<320000xi32, #tpu.memory_space<hbm>> -> memref<80xi32, #tpu.memory_space<hbm>>
          tpu.enqueue_dma source(%dma_start3A_359 : memref<80xi32, #tpu.memory_space<hbm>>) target(%dma_start3A_358 : memref<80xi32, #tpu.memory_space<vmem>>) target_semaphore(%arg16 : memref<!tpu.dma_semaphore, #tpu.memory_space<semaphore_mem>>)
        } else {
        }
      } else {
      }
      %mul3A_277 = arith.constant 8 : i32
      %mul3A_278 = arith.muli %mul3A_277, %scan3A_223 : i32
      %add3A_279 = arith.constant 6 : i32
      %add3A_280 = arith.addi %mul3A_278, %add3A_279 : i32
      %lt3A_281 = arith.constant 125 : i32
      %lt3A_282 = arith.cmpi slt, %add3A_280, %lt3A_281 : i32
      %convert_element_type3A_283 = arith.extui %lt3A_282 : i1 to i32
      %cond3A_284 = arith.constant 0 : i32
      %cond3A_285 = arith.cmpi ne, %convert_element_type3A_283, %cond3A_284 : i32
      scf.if %cond3A_285 {
        %dma_wait3A_295 = arith.constant 2 : i32
        %dma_wait3A_296 = arith.constant 2 : i32
        %dma_wait3A_297 = arith.constant 0 : i32
        %dma_wait3A_298 = arith.constant 0 : i32
        %dma_wait3A_299 = tpu.memref_slice %arg8[%dma_wait3A_296, %dma_wait3A_297, %dma_wait3A_298] : memref<4x80x128xf32, #tpu.memory_space<vmem>> -> memref<1x80x128xf32, #tpu.memory_space<vmem>>
        %dma_wait3A_300 = tpu.memref_squeeze %dma_wait3A_299 : memref<1x80x128xf32, #tpu.memory_space<vmem>> -> memref<80x128xf32, #tpu.memory_space<vmem>>
        %dma_wait3A_301 = arith.constant 0 : i32
        %dma_wait3A_302 = tpu.memref_slice %arg6[%dma_wait3A_295, %dma_wait3A_301] : memref<4x80xi32, #tpu.memory_space<vmem>> -> memref<1x80xi32, #tpu.memory_space<vmem>>
        %dma_wait3A_303 = tpu.memref_squeeze %dma_wait3A_302 : memref<1x80xi32, #tpu.memory_space<vmem>> -> memref<80xi32, #tpu.memory_space<vmem>>
        %dma_wait3A_304 = arith.constant 0 : i32
        %dma_wait3A_305 = arith.constant 0 : i32
        %dma_wait3A_306 = tpu.memref_slice %arg4[%dma_wait3A_304, %dma_wait3A_305] : memref<10000x128xf32, #tpu.memory_space<hbm>> -> memref<10000x128xf32, #tpu.memory_space<hbm>>
        tpu.wait_indirect_dma semaphore(%arg13 : memref<!tpu.dma_semaphore, #tpu.memory_space<semaphore_mem>>) src(%dma_wait3A_306 : memref<10000x128xf32, #tpu.memory_space<hbm>>) dst(%dma_wait3A_300 : memref<80x128xf32, #tpu.memory_space<vmem>>)
        %ge3A = arith.constant 1 : i32
        %ge3A_307 = arith.cmpi sge, %add3A_280, %ge3A : i32
        %convert_element_type3A_308 = arith.extui %ge3A_307 : i1 to i32
        %cond3A_309 = arith.constant 0 : i32
        %cond3A_310 = arith.cmpi ne, %convert_element_type3A_308, %cond3A_309 : i32
        scf.if %cond3A_310 {
          %dma_wait3A_337 = arith.constant 1 : i32
          %dma_wait3A_338 = arith.constant 5 : i32
          %dma_wait3A_339 = arith.constant 0 : i32
          %dma_wait3A_340 = arith.constant 0 : i32
          %dma_wait3A_341 = tpu.memref_slice %arg8[%dma_wait3A_337, %dma_wait3A_339, %dma_wait3A_340] : memref<4x80x128xf32, #tpu.memory_space<vmem>> -> memref<1x80x128xf32, #tpu.memory_space<vmem>>
          %dma_wait3A_342 = tpu.memref_squeeze %dma_wait3A_341 : memref<1x80x128xf32, #tpu.memory_space<vmem>> -> memref<80x128xf32, #tpu.memory_space<vmem>>
          %dma_wait3A_343 = arith.constant 0 : i32
          %dma_wait3A_344 = tpu.memref_slice %arg7[%dma_wait3A_338, %dma_wait3A_343] : memref<8x80xi32, #tpu.memory_space<vmem>> -> memref<1x80xi32, #tpu.memory_space<vmem>>
          %dma_wait3A_345 = tpu.memref_squeeze %dma_wait3A_344 : memref<1x80xi32, #tpu.memory_space<vmem>> -> memref<80xi32, #tpu.memory_space<vmem>>
          %dma_wait3A_346 = arith.constant 0 : i32
          %dma_wait3A_347 = arith.constant 0 : i32
          %dma_wait3A_348 = tpu.memref_slice %arg10[%dma_wait3A_346, %dma_wait3A_347] : memref<10000x128xf32, #tpu.memory_space<vmem_shared>> -> memref<10000x128xf32, #tpu.memory_space<vmem_shared>>
          tpu.wait_indirect_dma semaphore(%arg20 : memref<!tpu.dma_semaphore, #tpu.memory_space<semaphore_mem>>) src(%dma_wait3A_342 : memref<80x128xf32, #tpu.memory_space<vmem>>) dst(%dma_wait3A_348 : memref<10000x128xf32, #tpu.memory_space<vmem_shared>>)
        } else {
        }
        %dma_start3A_311 = arith.constant 2 : i32
        %dma_start3A_312 = arith.constant 6 : i32
        %dma_start3A_313 = arith.constant 0 : i32
        %dma_start3A_314 = arith.constant 0 : i32
        %dma_start3A_315 = tpu.memref_slice %arg8[%dma_start3A_311, %dma_start3A_313, %dma_start3A_314] : memref<4x80x128xf32, #tpu.memory_space<vmem>> -> memref<1x80x128xf32, #tpu.memory_space<vmem>>
        %dma_start3A_316 = tpu.memref_squeeze %dma_start3A_315 : memref<1x80x128xf32, #tpu.memory_space<vmem>> -> memref<80x128xf32, #tpu.memory_space<vmem>>
        %dma_start3A_317 = arith.constant 0 : i32
        %dma_start3A_318 = tpu.memref_slice %arg7[%dma_start3A_312, %dma_start3A_317] : memref<8x80xi32, #tpu.memory_space<vmem>> -> memref<1x80xi32, #tpu.memory_space<vmem>>
        %dma_start3A_319 = tpu.memref_squeeze %dma_start3A_318 : memref<1x80xi32, #tpu.memory_space<vmem>> -> memref<80xi32, #tpu.memory_space<vmem>>
        %dma_start3A_320 = arith.constant 0 : i32
        %dma_start3A_321 = arith.constant 0 : i32
        %dma_start3A_322 = tpu.memref_slice %arg10[%dma_start3A_320, %dma_start3A_321] : memref<10000x128xf32, #tpu.memory_space<vmem_shared>> -> memref<10000x128xf32, #tpu.memory_space<vmem_shared>>
        tpu.enqueue_indirect_dma source(%dma_start3A_316 : memref<80x128xf32, #tpu.memory_space<vmem>>) target(%dma_start3A_322 : memref<10000x128xf32, #tpu.memory_space<vmem_shared>>) offsets(%dma_start3A_319 : memref<80xi32, #tpu.memory_space<vmem>>) semaphore(%arg21 : memref<!tpu.dma_semaphore, #tpu.memory_space<semaphore_mem>>) {add = true}
        %add3A_323 = arith.constant 3 : i32
        %add3A_324 = arith.addi %add3A_280, %add3A_323 : i32
        %lt3A_325 = arith.constant 125 : i32
        %lt3A_326 = arith.cmpi slt, %add3A_324, %lt3A_325 : i32
        %convert_element_type3A_327 = arith.extui %lt3A_326 : i1 to i32
        %cond3A_328 = arith.constant 0 : i32
        %cond3A_329 = arith.cmpi ne, %convert_element_type3A_327, %cond3A_328 : i32
        scf.if %cond3A_329 {
          %dma_wait3A_337 = arith.constant 1 : i32
          %dma_wait3A_338 = arith.constant 0 : i32
          %dma_wait3A_339 = tpu.memref_slice %arg6[%dma_wait3A_337, %dma_wait3A_338] : memref<4x80xi32, #tpu.memory_space<vmem>> -> memref<1x80xi32, #tpu.memory_space<vmem>>
          %dma_wait3A_340 = tpu.memref_squeeze %dma_wait3A_339 : memref<1x80xi32, #tpu.memory_space<vmem>> -> memref<80xi32, #tpu.memory_space<vmem>>
          %dma_wait3A_341 = arith.constant 0 : i32
          %dma_wait3A_342 = tpu.memref_slice %arg2[%dma_wait3A_341] : memref<320000xi32, #tpu.memory_space<hbm>> -> memref<80xi32, #tpu.memory_space<hbm>>
          %dma_wait3A_343 = arith.constant 0 : i32
          %dma_wait3A_344 = tpu.memref_slice %arg6[%dma_wait3A_337, %dma_wait3A_343] : memref<4x80xi32, #tpu.memory_space<vmem>> -> memref<1x80xi32, #tpu.memory_space<vmem>>
          %dma_wait3A_345 = tpu.memref_squeeze %dma_wait3A_344 : memref<1x80xi32, #tpu.memory_space<vmem>> -> memref<80xi32, #tpu.memory_space<vmem>>
          %dma_wait3A_346 = arith.constant 0 : i32
          %dma_wait3A_347 = tpu.memref_slice %arg2[%dma_wait3A_346] : memref<320000xi32, #tpu.memory_space<hbm>> -> memref<80xi32, #tpu.memory_space<hbm>>
          tpu.wait_dma2 semaphore(%arg16 : memref<!tpu.dma_semaphore, #tpu.memory_space<semaphore_mem>>) src(%dma_wait3A_347 : memref<80xi32, #tpu.memory_space<hbm>>) dst(%dma_wait3A_345 : memref<80xi32, #tpu.memory_space<vmem>>)
          %dma_wait3A_348 = arith.constant 1 : i32
          %dma_wait3A_349 = arith.constant 0 : i32
          %dma_wait3A_350 = tpu.memref_slice %arg7[%dma_wait3A_348, %dma_wait3A_349] : memref<8x80xi32, #tpu.memory_space<vmem>> -> memref<1x80xi32, #tpu.memory_space<vmem>>
          %dma_wait3A_351 = tpu.memref_squeeze %dma_wait3A_350 : memref<1x80xi32, #tpu.memory_space<vmem>> -> memref<80xi32, #tpu.memory_space<vmem>>
          %dma_wait3A_352 = arith.constant 0 : i32
          %dma_wait3A_353 = tpu.memref_slice %arg3[%dma_wait3A_352] : memref<320000xi32, #tpu.memory_space<hbm>> -> memref<80xi32, #tpu.memory_space<hbm>>
          %dma_wait3A_354 = arith.constant 0 : i32
          %dma_wait3A_355 = tpu.memref_slice %arg7[%dma_wait3A_348, %dma_wait3A_354] : memref<8x80xi32, #tpu.memory_space<vmem>> -> memref<1x80xi32, #tpu.memory_space<vmem>>
          %dma_wait3A_356 = tpu.memref_squeeze %dma_wait3A_355 : memref<1x80xi32, #tpu.memory_space<vmem>> -> memref<80xi32, #tpu.memory_space<vmem>>
          %dma_wait3A_357 = arith.constant 0 : i32
          %dma_wait3A_358 = tpu.memref_slice %arg3[%dma_wait3A_357] : memref<320000xi32, #tpu.memory_space<hbm>> -> memref<80xi32, #tpu.memory_space<hbm>>
          tpu.wait_dma2 semaphore(%arg16 : memref<!tpu.dma_semaphore, #tpu.memory_space<semaphore_mem>>) src(%dma_wait3A_358 : memref<80xi32, #tpu.memory_space<hbm>>) dst(%dma_wait3A_356 : memref<80xi32, #tpu.memory_space<vmem>>)
          %dma_start3A_359 = arith.constant 1 : i32
          %dma_start3A_360 = arith.constant 1 : i32
          %dma_start3A_361 = arith.constant 0 : i32
          %dma_start3A_362 = arith.constant 0 : i32
          %dma_start3A_363 = tpu.memref_slice %arg8[%dma_start3A_360, %dma_start3A_361, %dma_start3A_362] : memref<4x80x128xf32, #tpu.memory_space<vmem>> -> memref<1x80x128xf32, #tpu.memory_space<vmem>>
          %dma_start3A_364 = tpu.memref_squeeze %dma_start3A_363 : memref<1x80x128xf32, #tpu.memory_space<vmem>> -> memref<80x128xf32, #tpu.memory_space<vmem>>
          %dma_start3A_365 = arith.constant 0 : i32
          %dma_start3A_366 = tpu.memref_slice %arg6[%dma_start3A_359, %dma_start3A_365] : memref<4x80xi32, #tpu.memory_space<vmem>> -> memref<1x80xi32, #tpu.memory_space<vmem>>
          %dma_start3A_367 = tpu.memref_squeeze %dma_start3A_366 : memref<1x80xi32, #tpu.memory_space<vmem>> -> memref<80xi32, #tpu.memory_space<vmem>>
          %dma_start3A_368 = arith.constant 0 : i32
          %dma_start3A_369 = arith.constant 0 : i32
          %dma_start3A_370 = tpu.memref_slice %arg4[%dma_start3A_368, %dma_start3A_369] : memref<10000x128xf32, #tpu.memory_space<hbm>> -> memref<10000x128xf32, #tpu.memory_space<hbm>>
          tpu.enqueue_indirect_dma source(%dma_start3A_370 : memref<10000x128xf32, #tpu.memory_space<hbm>>) target(%dma_start3A_364 : memref<80x128xf32, #tpu.memory_space<vmem>>) offsets(%dma_start3A_367 : memref<80xi32, #tpu.memory_space<vmem>>) semaphore(%arg12 : memref<!tpu.dma_semaphore, #tpu.memory_space<semaphore_mem>>)
        } else {
        }
        %add3A_330 = arith.constant 4 : i32
        %add3A_331 = arith.addi %add3A_280, %add3A_330 : i32
        %lt3A_332 = arith.constant 125 : i32
        %lt3A_333 = arith.cmpi slt, %add3A_331, %lt3A_332 : i32
        %convert_element_type3A_334 = arith.extui %lt3A_333 : i1 to i32
        %cond3A_335 = arith.constant 0 : i32
        %cond3A_336 = arith.cmpi ne, %convert_element_type3A_334, %cond3A_335 : i32
        scf.if %cond3A_336 {
          %add3A_337 = arith.constant 4 : i32
          %add3A_338 = arith.addi %add3A_280, %add3A_337 : i32
          %mul3A_339 = arith.constant 80 : i32
          %mul3A_340 = arith.muli %add3A_338, %mul3A_339 : i32
          %add3A_341 = arith.addi %mul3A_18, %mul3A_340 : i32
          %dma_start3A_342 = arith.constant 2 : i32
          %dma_start3A_343 = arith.constant 0 : i32
          %dma_start3A_344 = tpu.memref_slice %arg6[%dma_start3A_342, %dma_start3A_343] : memref<4x80xi32, #tpu.memory_space<vmem>> -> memref<1x80xi32, #tpu.memory_space<vmem>>
          %dma_start3A_345 = tpu.memref_squeeze %dma_start3A_344 : memref<1x80xi32, #tpu.memory_space<vmem>> -> memref<80xi32, #tpu.memory_space<vmem>>
          %dma_start3A_346 = tpu.memref_slice %arg2[%add3A_341] : memref<320000xi32, #tpu.memory_space<hbm>> -> memref<80xi32, #tpu.memory_space<hbm>>
          %dma_start3A_347 = arith.constant 0 : i32
          %dma_start3A_348 = tpu.memref_slice %arg6[%dma_start3A_342, %dma_start3A_347] : memref<4x80xi32, #tpu.memory_space<vmem>> -> memref<1x80xi32, #tpu.memory_space<vmem>>
          %dma_start3A_349 = tpu.memref_squeeze %dma_start3A_348 : memref<1x80xi32, #tpu.memory_space<vmem>> -> memref<80xi32, #tpu.memory_space<vmem>>
          %dma_start3A_350 = tpu.memref_slice %arg2[%add3A_341] : memref<320000xi32, #tpu.memory_space<hbm>> -> memref<80xi32, #tpu.memory_space<hbm>>
          tpu.enqueue_dma source(%dma_start3A_350 : memref<80xi32, #tpu.memory_space<hbm>>) target(%dma_start3A_349 : memref<80xi32, #tpu.memory_space<vmem>>) target_semaphore(%arg17 : memref<!tpu.dma_semaphore, #tpu.memory_space<semaphore_mem>>)
          %dma_start3A_351 = arith.constant 2 : i32
          %dma_start3A_352 = arith.constant 0 : i32
          %dma_start3A_353 = tpu.memref_slice %arg7[%dma_start3A_351, %dma_start3A_352] : memref<8x80xi32, #tpu.memory_space<vmem>> -> memref<1x80xi32, #tpu.memory_space<vmem>>
          %dma_start3A_354 = tpu.memref_squeeze %dma_start3A_353 : memref<1x80xi32, #tpu.memory_space<vmem>> -> memref<80xi32, #tpu.memory_space<vmem>>
          %dma_start3A_355 = tpu.memref_slice %arg3[%add3A_341] : memref<320000xi32, #tpu.memory_space<hbm>> -> memref<80xi32, #tpu.memory_space<hbm>>
          %dma_start3A_356 = arith.constant 0 : i32
          %dma_start3A_357 = tpu.memref_slice %arg7[%dma_start3A_351, %dma_start3A_356] : memref<8x80xi32, #tpu.memory_space<vmem>> -> memref<1x80xi32, #tpu.memory_space<vmem>>
          %dma_start3A_358 = tpu.memref_squeeze %dma_start3A_357 : memref<1x80xi32, #tpu.memory_space<vmem>> -> memref<80xi32, #tpu.memory_space<vmem>>
          %dma_start3A_359 = tpu.memref_slice %arg3[%add3A_341] : memref<320000xi32, #tpu.memory_space<hbm>> -> memref<80xi32, #tpu.memory_space<hbm>>
          tpu.enqueue_dma source(%dma_start3A_359 : memref<80xi32, #tpu.memory_space<hbm>>) target(%dma_start3A_358 : memref<80xi32, #tpu.memory_space<vmem>>) target_semaphore(%arg17 : memref<!tpu.dma_semaphore, #tpu.memory_space<semaphore_mem>>)
        } else {
        }
      } else {
      }
      %mul3A_286 = arith.constant 8 : i32
      %mul3A_287 = arith.muli %mul3A_286, %scan3A_223 : i32
      %add3A_288 = arith.constant 7 : i32
      %add3A_289 = arith.addi %mul3A_287, %add3A_288 : i32
      %lt3A_290 = arith.constant 125 : i32
      %lt3A_291 = arith.cmpi slt, %add3A_289, %lt3A_290 : i32
      %convert_element_type3A_292 = arith.extui %lt3A_291 : i1 to i32
      %cond3A_293 = arith.constant 0 : i32
      %cond3A_294 = arith.cmpi ne, %convert_element_type3A_292, %cond3A_293 : i32
      scf.if %cond3A_294 {
        %dma_wait3A_295 = arith.constant 3 : i32
        %dma_wait3A_296 = arith.constant 3 : i32
        %dma_wait3A_297 = arith.constant 0 : i32
        %dma_wait3A_298 = arith.constant 0 : i32
        %dma_wait3A_299 = tpu.memref_slice %arg8[%dma_wait3A_296, %dma_wait3A_297, %dma_wait3A_298] : memref<4x80x128xf32, #tpu.memory_space<vmem>> -> memref<1x80x128xf32, #tpu.memory_space<vmem>>
        %dma_wait3A_300 = tpu.memref_squeeze %dma_wait3A_299 : memref<1x80x128xf32, #tpu.memory_space<vmem>> -> memref<80x128xf32, #tpu.memory_space<vmem>>
        %dma_wait3A_301 = arith.constant 0 : i32
        %dma_wait3A_302 = tpu.memref_slice %arg6[%dma_wait3A_295, %dma_wait3A_301] : memref<4x80xi32, #tpu.memory_space<vmem>> -> memref<1x80xi32, #tpu.memory_space<vmem>>
        %dma_wait3A_303 = tpu.memref_squeeze %dma_wait3A_302 : memref<1x80xi32, #tpu.memory_space<vmem>> -> memref<80xi32, #tpu.memory_space<vmem>>
        %dma_wait3A_304 = arith.constant 0 : i32
        %dma_wait3A_305 = arith.constant 0 : i32
        %dma_wait3A_306 = tpu.memref_slice %arg4[%dma_wait3A_304, %dma_wait3A_305] : memref<10000x128xf32, #tpu.memory_space<hbm>> -> memref<10000x128xf32, #tpu.memory_space<hbm>>
        tpu.wait_indirect_dma semaphore(%arg14 : memref<!tpu.dma_semaphore, #tpu.memory_space<semaphore_mem>>) src(%dma_wait3A_306 : memref<10000x128xf32, #tpu.memory_space<hbm>>) dst(%dma_wait3A_300 : memref<80x128xf32, #tpu.memory_space<vmem>>)
        %ge3A = arith.constant 1 : i32
        %ge3A_307 = arith.cmpi sge, %add3A_289, %ge3A : i32
        %convert_element_type3A_308 = arith.extui %ge3A_307 : i1 to i32
        %cond3A_309 = arith.constant 0 : i32
        %cond3A_310 = arith.cmpi ne, %convert_element_type3A_308, %cond3A_309 : i32
        scf.if %cond3A_310 {
          %dma_wait3A_337 = arith.constant 2 : i32
          %dma_wait3A_338 = arith.constant 6 : i32
          %dma_wait3A_339 = arith.constant 0 : i32
          %dma_wait3A_340 = arith.constant 0 : i32
          %dma_wait3A_341 = tpu.memref_slice %arg8[%dma_wait3A_337, %dma_wait3A_339, %dma_wait3A_340] : memref<4x80x128xf32, #tpu.memory_space<vmem>> -> memref<1x80x128xf32, #tpu.memory_space<vmem>>
          %dma_wait3A_342 = tpu.memref_squeeze %dma_wait3A_341 : memref<1x80x128xf32, #tpu.memory_space<vmem>> -> memref<80x128xf32, #tpu.memory_space<vmem>>
          %dma_wait3A_343 = arith.constant 0 : i32
          %dma_wait3A_344 = tpu.memref_slice %arg7[%dma_wait3A_338, %dma_wait3A_343] : memref<8x80xi32, #tpu.memory_space<vmem>> -> memref<1x80xi32, #tpu.memory_space<vmem>>
          %dma_wait3A_345 = tpu.memref_squeeze %dma_wait3A_344 : memref<1x80xi32, #tpu.memory_space<vmem>> -> memref<80xi32, #tpu.memory_space<vmem>>
          %dma_wait3A_346 = arith.constant 0 : i32
          %dma_wait3A_347 = arith.constant 0 : i32
          %dma_wait3A_348 = tpu.memref_slice %arg10[%dma_wait3A_346, %dma_wait3A_347] : memref<10000x128xf32, #tpu.memory_space<vmem_shared>> -> memref<10000x128xf32, #tpu.memory_space<vmem_shared>>
          tpu.wait_indirect_dma semaphore(%arg21 : memref<!tpu.dma_semaphore, #tpu.memory_space<semaphore_mem>>) src(%dma_wait3A_342 : memref<80x128xf32, #tpu.memory_space<vmem>>) dst(%dma_wait3A_348 : memref<10000x128xf32, #tpu.memory_space<vmem_shared>>)
        } else {
        }
        %dma_start3A_311 = arith.constant 3 : i32
        %dma_start3A_312 = arith.constant 7 : i32
        %dma_start3A_313 = arith.constant 0 : i32
        %dma_start3A_314 = arith.constant 0 : i32
        %dma_start3A_315 = tpu.memref_slice %arg8[%dma_start3A_311, %dma_start3A_313, %dma_start3A_314] : memref<4x80x128xf32, #tpu.memory_space<vmem>> -> memref<1x80x128xf32, #tpu.memory_space<vmem>>
        %dma_start3A_316 = tpu.memref_squeeze %dma_start3A_315 : memref<1x80x128xf32, #tpu.memory_space<vmem>> -> memref<80x128xf32, #tpu.memory_space<vmem>>
        %dma_start3A_317 = arith.constant 0 : i32
        %dma_start3A_318 = tpu.memref_slice %arg7[%dma_start3A_312, %dma_start3A_317] : memref<8x80xi32, #tpu.memory_space<vmem>> -> memref<1x80xi32, #tpu.memory_space<vmem>>
        %dma_start3A_319 = tpu.memref_squeeze %dma_start3A_318 : memref<1x80xi32, #tpu.memory_space<vmem>> -> memref<80xi32, #tpu.memory_space<vmem>>
        %dma_start3A_320 = arith.constant 0 : i32
        %dma_start3A_321 = arith.constant 0 : i32
        %dma_start3A_322 = tpu.memref_slice %arg10[%dma_start3A_320, %dma_start3A_321] : memref<10000x128xf32, #tpu.memory_space<vmem_shared>> -> memref<10000x128xf32, #tpu.memory_space<vmem_shared>>
        tpu.enqueue_indirect_dma source(%dma_start3A_316 : memref<80x128xf32, #tpu.memory_space<vmem>>) target(%dma_start3A_322 : memref<10000x128xf32, #tpu.memory_space<vmem_shared>>) offsets(%dma_start3A_319 : memref<80xi32, #tpu.memory_space<vmem>>) semaphore(%arg22 : memref<!tpu.dma_semaphore, #tpu.memory_space<semaphore_mem>>) {add = true}
        %add3A_323 = arith.constant 3 : i32
        %add3A_324 = arith.addi %add3A_289, %add3A_323 : i32
        %lt3A_325 = arith.constant 125 : i32
        %lt3A_326 = arith.cmpi slt, %add3A_324, %lt3A_325 : i32
        %convert_element_type3A_327 = arith.extui %lt3A_326 : i1 to i32
        %cond3A_328 = arith.constant 0 : i32
        %cond3A_329 = arith.cmpi ne, %convert_element_type3A_327, %cond3A_328 : i32
        scf.if %cond3A_329 {
          %dma_wait3A_337 = arith.constant 2 : i32
          %dma_wait3A_338 = arith.constant 0 : i32
          %dma_wait3A_339 = tpu.memref_slice %arg6[%dma_wait3A_337, %dma_wait3A_338] : memref<4x80xi32, #tpu.memory_space<vmem>> -> memref<1x80xi32, #tpu.memory_space<vmem>>
          %dma_wait3A_340 = tpu.memref_squeeze %dma_wait3A_339 : memref<1x80xi32, #tpu.memory_space<vmem>> -> memref<80xi32, #tpu.memory_space<vmem>>
          %dma_wait3A_341 = arith.constant 0 : i32
          %dma_wait3A_342 = tpu.memref_slice %arg2[%dma_wait3A_341] : memref<320000xi32, #tpu.memory_space<hbm>> -> memref<80xi32, #tpu.memory_space<hbm>>
          %dma_wait3A_343 = arith.constant 0 : i32
          %dma_wait3A_344 = tpu.memref_slice %arg6[%dma_wait3A_337, %dma_wait3A_343] : memref<4x80xi32, #tpu.memory_space<vmem>> -> memref<1x80xi32, #tpu.memory_space<vmem>>
          %dma_wait3A_345 = tpu.memref_squeeze %dma_wait3A_344 : memref<1x80xi32, #tpu.memory_space<vmem>> -> memref<80xi32, #tpu.memory_space<vmem>>
          %dma_wait3A_346 = arith.constant 0 : i32
          %dma_wait3A_347 = tpu.memref_slice %arg2[%dma_wait3A_346] : memref<320000xi32, #tpu.memory_space<hbm>> -> memref<80xi32, #tpu.memory_space<hbm>>
          tpu.wait_dma2 semaphore(%arg17 : memref<!tpu.dma_semaphore, #tpu.memory_space<semaphore_mem>>) src(%dma_wait3A_347 : memref<80xi32, #tpu.memory_space<hbm>>) dst(%dma_wait3A_345 : memref<80xi32, #tpu.memory_space<vmem>>)
          %dma_wait3A_348 = arith.constant 2 : i32
          %dma_wait3A_349 = arith.constant 0 : i32
          %dma_wait3A_350 = tpu.memref_slice %arg7[%dma_wait3A_348, %dma_wait3A_349] : memref<8x80xi32, #tpu.memory_space<vmem>> -> memref<1x80xi32, #tpu.memory_space<vmem>>
          %dma_wait3A_351 = tpu.memref_squeeze %dma_wait3A_350 : memref<1x80xi32, #tpu.memory_space<vmem>> -> memref<80xi32, #tpu.memory_space<vmem>>
          %dma_wait3A_352 = arith.constant 0 : i32
          %dma_wait3A_353 = tpu.memref_slice %arg3[%dma_wait3A_352] : memref<320000xi32, #tpu.memory_space<hbm>> -> memref<80xi32, #tpu.memory_space<hbm>>
          %dma_wait3A_354 = arith.constant 0 : i32
          %dma_wait3A_355 = tpu.memref_slice %arg7[%dma_wait3A_348, %dma_wait3A_354] : memref<8x80xi32, #tpu.memory_space<vmem>> -> memref<1x80xi32, #tpu.memory_space<vmem>>
          %dma_wait3A_356 = tpu.memref_squeeze %dma_wait3A_355 : memref<1x80xi32, #tpu.memory_space<vmem>> -> memref<80xi32, #tpu.memory_space<vmem>>
          %dma_wait3A_357 = arith.constant 0 : i32
          %dma_wait3A_358 = tpu.memref_slice %arg3[%dma_wait3A_357] : memref<320000xi32, #tpu.memory_space<hbm>> -> memref<80xi32, #tpu.memory_space<hbm>>
          tpu.wait_dma2 semaphore(%arg17 : memref<!tpu.dma_semaphore, #tpu.memory_space<semaphore_mem>>) src(%dma_wait3A_358 : memref<80xi32, #tpu.memory_space<hbm>>) dst(%dma_wait3A_356 : memref<80xi32, #tpu.memory_space<vmem>>)
          %dma_start3A_359 = arith.constant 2 : i32
          %dma_start3A_360 = arith.constant 2 : i32
          %dma_start3A_361 = arith.constant 0 : i32
          %dma_start3A_362 = arith.constant 0 : i32
          %dma_start3A_363 = tpu.memref_slice %arg8[%dma_start3A_360, %dma_start3A_361, %dma_start3A_362] : memref<4x80x128xf32, #tpu.memory_space<vmem>> -> memref<1x80x128xf32, #tpu.memory_space<vmem>>
          %dma_start3A_364 = tpu.memref_squeeze %dma_start3A_363 : memref<1x80x128xf32, #tpu.memory_space<vmem>> -> memref<80x128xf32, #tpu.memory_space<vmem>>
          %dma_start3A_365 = arith.constant 0 : i32
          %dma_start3A_366 = tpu.memref_slice %arg6[%dma_start3A_359, %dma_start3A_365] : memref<4x80xi32, #tpu.memory_space<vmem>> -> memref<1x80xi32, #tpu.memory_space<vmem>>
          %dma_start3A_367 = tpu.memref_squeeze %dma_start3A_366 : memref<1x80xi32, #tpu.memory_space<vmem>> -> memref<80xi32, #tpu.memory_space<vmem>>
          %dma_start3A_368 = arith.constant 0 : i32
          %dma_start3A_369 = arith.constant 0 : i32
          %dma_start3A_370 = tpu.memref_slice %arg4[%dma_start3A_368, %dma_start3A_369] : memref<10000x128xf32, #tpu.memory_space<hbm>> -> memref<10000x128xf32, #tpu.memory_space<hbm>>
          tpu.enqueue_indirect_dma source(%dma_start3A_370 : memref<10000x128xf32, #tpu.memory_space<hbm>>) target(%dma_start3A_364 : memref<80x128xf32, #tpu.memory_space<vmem>>) offsets(%dma_start3A_367 : memref<80xi32, #tpu.memory_space<vmem>>) semaphore(%arg13 : memref<!tpu.dma_semaphore, #tpu.memory_space<semaphore_mem>>)
        } else {
        }
        %add3A_330 = arith.constant 4 : i32
        %add3A_331 = arith.addi %add3A_289, %add3A_330 : i32
        %lt3A_332 = arith.constant 125 : i32
        %lt3A_333 = arith.cmpi slt, %add3A_331, %lt3A_332 : i32
        %convert_element_type3A_334 = arith.extui %lt3A_333 : i1 to i32
        %cond3A_335 = arith.constant 0 : i32
        %cond3A_336 = arith.cmpi ne, %convert_element_type3A_334, %cond3A_335 : i32
        scf.if %cond3A_336 {
          %add3A_337 = arith.constant 4 : i32
          %add3A_338 = arith.addi %add3A_289, %add3A_337 : i32
          %mul3A_339 = arith.constant 80 : i32
          %mul3A_340 = arith.muli %add3A_338, %mul3A_339 : i32
          %add3A_341 = arith.addi %mul3A_18, %mul3A_340 : i32
          %dma_start3A_342 = arith.constant 3 : i32
          %dma_start3A_343 = arith.constant 0 : i32
          %dma_start3A_344 = tpu.memref_slice %arg6[%dma_start3A_342, %dma_start3A_343] : memref<4x80xi32, #tpu.memory_space<vmem>> -> memref<1x80xi32, #tpu.memory_space<vmem>>
          %dma_start3A_345 = tpu.memref_squeeze %dma_start3A_344 : memref<1x80xi32, #tpu.memory_space<vmem>> -> memref<80xi32, #tpu.memory_space<vmem>>
          %dma_start3A_346 = tpu.memref_slice %arg2[%add3A_341] : memref<320000xi32, #tpu.memory_space<hbm>> -> memref<80xi32, #tpu.memory_space<hbm>>
          %dma_start3A_347 = arith.constant 0 : i32
          %dma_start3A_348 = tpu.memref_slice %arg6[%dma_start3A_342, %dma_start3A_347] : memref<4x80xi32, #tpu.memory_space<vmem>> -> memref<1x80xi32, #tpu.memory_space<vmem>>
          %dma_start3A_349 = tpu.memref_squeeze %dma_start3A_348 : memref<1x80xi32, #tpu.memory_space<vmem>> -> memref<80xi32, #tpu.memory_space<vmem>>
          %dma_start3A_350 = tpu.memref_slice %arg2[%add3A_341] : memref<320000xi32, #tpu.memory_space<hbm>> -> memref<80xi32, #tpu.memory_space<hbm>>
          tpu.enqueue_dma source(%dma_start3A_350 : memref<80xi32, #tpu.memory_space<hbm>>) target(%dma_start3A_349 : memref<80xi32, #tpu.memory_space<vmem>>) target_semaphore(%arg18 : memref<!tpu.dma_semaphore, #tpu.memory_space<semaphore_mem>>)
          %dma_start3A_351 = arith.constant 3 : i32
          %dma_start3A_352 = arith.constant 0 : i32
          %dma_start3A_353 = tpu.memref_slice %arg7[%dma_start3A_351, %dma_start3A_352] : memref<8x80xi32, #tpu.memory_space<vmem>> -> memref<1x80xi32, #tpu.memory_space<vmem>>
          %dma_start3A_354 = tpu.memref_squeeze %dma_start3A_353 : memref<1x80xi32, #tpu.memory_space<vmem>> -> memref<80xi32, #tpu.memory_space<vmem>>
          %dma_start3A_355 = tpu.memref_slice %arg3[%add3A_341] : memref<320000xi32, #tpu.memory_space<hbm>> -> memref<80xi32, #tpu.memory_space<hbm>>
          %dma_start3A_356 = arith.constant 0 : i32
          %dma_start3A_357 = tpu.memref_slice %arg7[%dma_start3A_351, %dma_start3A_356] : memref<8x80xi32, #tpu.memory_space<vmem>> -> memref<1x80xi32, #tpu.memory_space<vmem>>
          %dma_start3A_358 = tpu.memref_squeeze %dma_start3A_357 : memref<1x80xi32, #tpu.memory_space<vmem>> -> memref<80xi32, #tpu.memory_space<vmem>>
          %dma_start3A_359 = tpu.memref_slice %arg3[%add3A_341] : memref<320000xi32, #tpu.memory_space<hbm>> -> memref<80xi32, #tpu.memory_space<hbm>>
          tpu.enqueue_dma source(%dma_start3A_359 : memref<80xi32, #tpu.memory_space<hbm>>) target(%dma_start3A_358 : memref<80xi32, #tpu.memory_space<vmem>>) target_semaphore(%arg18 : memref<!tpu.dma_semaphore, #tpu.memory_space<semaphore_mem>>)
        } else {
        }
      } else {
      }
    }
    %scan3A_204 = arith.constant 16 : i32
    %dma_wait3A_205 = arith.constant 0 : i32
    %dma_wait3A_206 = arith.constant 4 : i32
    %dma_wait3A_207 = arith.constant 0 : i32
    %dma_wait3A_208 = arith.constant 0 : i32
    %dma_wait3A_209 = tpu.memref_slice %arg8[%dma_wait3A_205, %dma_wait3A_207, %dma_wait3A_208] : memref<4x80x128xf32, #tpu.memory_space<vmem>> -> memref<1x80x128xf32, #tpu.memory_space<vmem>>
    %dma_wait3A_210 = tpu.memref_squeeze %dma_wait3A_209 : memref<1x80x128xf32, #tpu.memory_space<vmem>> -> memref<80x128xf32, #tpu.memory_space<vmem>>
    %dma_wait3A_211 = arith.constant 0 : i32
    %dma_wait3A_212 = tpu.memref_slice %arg7[%dma_wait3A_206, %dma_wait3A_211] : memref<8x80xi32, #tpu.memory_space<vmem>> -> memref<1x80xi32, #tpu.memory_space<vmem>>
    %dma_wait3A_213 = tpu.memref_squeeze %dma_wait3A_212 : memref<1x80xi32, #tpu.memory_space<vmem>> -> memref<80xi32, #tpu.memory_space<vmem>>
    %dma_wait3A_214 = arith.constant 0 : i32
    %dma_wait3A_215 = arith.constant 0 : i32
    %dma_wait3A_216 = tpu.memref_slice %arg10[%dma_wait3A_214, %dma_wait3A_215] : memref<10000x128xf32, #tpu.memory_space<vmem_shared>> -> memref<10000x128xf32, #tpu.memory_space<vmem_shared>>
    tpu.wait_indirect_dma semaphore(%arg19 : memref<!tpu.dma_semaphore, #tpu.memory_space<semaphore_mem>>) src(%dma_wait3A_210 : memref<80x128xf32, #tpu.memory_space<vmem>>) dst(%dma_wait3A_216 : memref<10000x128xf32, #tpu.memory_space<vmem_shared>>)
    %barrier3A_217 = arith.constant 0 : index
    tpu.barrier barrier_id(%barrier3A_217)
    "tpu.region"() ({
      %run_scoped3A = tpu.sem_alloc : memref<!tpu.dma_semaphore, #tpu.memory_space<semaphore_mem>>
      %dma_start3A_223 = arith.constant 0 : i32
      %dma_start3A_224 = tpu.memref_slice %arg5[%arg0, %mul3A_2, %dma_start3A_223] : memref<2x10000x128xf32, #tpu.memory_space<hbm>> -> memref<1x624x128xf32, #tpu.memory_space<hbm>>
      %dma_start3A_225 = tpu.memref_squeeze %dma_start3A_224 : memref<1x624x128xf32, #tpu.memory_space<hbm>> -> memref<624x128xf32, #tpu.memory_space<hbm>>
      %dma_start3A_226 = arith.constant 0 : i32
      %dma_start3A_227 = tpu.memref_slice %arg10[%mul3A_2, %dma_start3A_226] : memref<10000x128xf32, #tpu.memory_space<vmem_shared>> -> memref<624x128xf32, #tpu.memory_space<vmem_shared>>
      tpu.enqueue_dma source(%dma_start3A_227 : memref<624x128xf32, #tpu.memory_space<vmem_shared>>) target(%dma_start3A_225 : memref<624x128xf32, #tpu.memory_space<hbm>>) target_semaphore(%run_scoped3A : memref<!tpu.dma_semaphore, #tpu.memory_space<semaphore_mem>>)
      %dma_wait3A_228 = arith.constant 0 : i32
      %dma_wait3A_229 = tpu.memref_slice %arg5[%arg0, %mul3A_2, %dma_wait3A_228] : memref<2x10000x128xf32, #tpu.memory_space<hbm>> -> memref<1x624x128xf32, #tpu.memory_space<hbm>>
      %dma_wait3A_230 = tpu.memref_squeeze %dma_wait3A_229 : memref<1x624x128xf32, #tpu.memory_space<hbm>> -> memref<624x128xf32, #tpu.memory_space<hbm>>
      %dma_wait3A_231 = arith.constant 0 : i32
      %dma_wait3A_232 = tpu.memref_slice %arg10[%mul3A_2, %dma_wait3A_231] : memref<10000x128xf32, #tpu.memory_space<vmem_shared>> -> memref<624x128xf32, #tpu.memory_space<vmem_shared>>
      tpu.wait_dma2 semaphore(%run_scoped3A : memref<!tpu.dma_semaphore, #tpu.memory_space<semaphore_mem>>) src(%dma_wait3A_232 : memref<624x128xf32, #tpu.memory_space<vmem_shared>>) dst(%dma_wait3A_230 : memref<624x128xf32, #tpu.memory_space<hbm>>)
      tpu.yield
    }) : () -> ()
    %eq3A_218 = arith.constant 15 : i32
    %eq3A_219 = arith.cmpi eq, %arg1, %eq3A_218 : i32
    %convert_element_type3A_220 = arith.extui %eq3A_219 : i1 to i32
    %cond3A_221 = arith.constant 0 : i32
    %cond3A_222 = arith.cmpi ne, %convert_element_type3A_220, %cond3A_221 : i32
    scf.if %cond3A_222 {
      "tpu.region"() ({
        %run_scoped3A = tpu.sem_alloc : memref<!tpu.dma_semaphore, #tpu.memory_space<semaphore_mem>>
        %dma_start3A_223 = arith.constant 9984 : i32
        %dma_start3A_224 = arith.constant 0 : i32
        %dma_start3A_225 = tpu.memref_slice %arg5[%arg0, %dma_start3A_223, %dma_start3A_224] : memref<2x10000x128xf32, #tpu.memory_space<hbm>> -> memref<1x16x128xf32, #tpu.memory_space<hbm>>
        %dma_start3A_226 = tpu.memref_squeeze %dma_start3A_225 : memref<1x16x128xf32, #tpu.memory_space<hbm>> -> memref<16x128xf32, #tpu.memory_space<hbm>>
        %dma_start3A_227 = arith.constant 9984 : i32
        %dma_start3A_228 = arith.constant 0 : i32
        %dma_start3A_229 = tpu.memref_slice %arg10[%dma_start3A_227, %dma_start3A_228] : memref<10000x128xf32, #tpu.memory_space<vmem_shared>> -> memref<16x128xf32, #tpu.memory_space<vmem_shared>>
        tpu.enqueue_dma source(%dma_start3A_229 : memref<16x128xf32, #tpu.memory_space<vmem_shared>>) target(%dma_start3A_226 : memref<16x128xf32, #tpu.memory_space<hbm>>) target_semaphore(%run_scoped3A : memref<!tpu.dma_semaphore, #tpu.memory_space<semaphore_mem>>)
        %dma_wait3A_230 = arith.constant 9984 : i32
        %dma_wait3A_231 = arith.constant 0 : i32
        %dma_wait3A_232 = tpu.memref_slice %arg5[%arg0, %dma_wait3A_230, %dma_wait3A_231] : memref<2x10000x128xf32, #tpu.memory_space<hbm>> -> memref<1x16x128xf32, #tpu.memory_space<hbm>>
        %dma_wait3A_233 = tpu.memref_squeeze %dma_wait3A_232 : memref<1x16x128xf32, #tpu.memory_space<hbm>> -> memref<16x128xf32, #tpu.memory_space<hbm>>
        %dma_wait3A_234 = arith.constant 9984 : i32
        %dma_wait3A_235 = arith.constant 0 : i32
        %dma_wait3A_236 = tpu.memref_slice %arg10[%dma_wait3A_234, %dma_wait3A_235] : memref<10000x128xf32, #tpu.memory_space<vmem_shared>> -> memref<16x128xf32, #tpu.memory_space<vmem_shared>>
        tpu.wait_dma2 semaphore(%run_scoped3A : memref<!tpu.dma_semaphore, #tpu.memory_space<semaphore_mem>>) src(%dma_wait3A_236 : memref<16x128xf32, #tpu.memory_space<vmem_shared>>) dst(%dma_wait3A_233 : memref<16x128xf32, #tpu.memory_space<hbm>>)
        tpu.yield
      }) : () -> ()
    } else {
    }
    return
  }
}

#map = affine_map<(d0, d1) -> (0)>
#map1 = affine_map<(d0, d1) -> (0, 0)>
#map2 = affine_map<(d0, d1) -> (0, 0, 0)>
module attributes {stable_mosaic.version = 14 : i64} {
  func.func @agg(%arg0: i32, %arg1: i32, %arg2: memref<320000xi32, #tpu.memory_space<hbm>>, %arg3: memref<320000xi32, #tpu.memory_space<hbm>>, %arg4: memref<10000x128xf32, #tpu.memory_space<hbm>>, %arg5: memref<2x10000x128xf32, #tpu.memory_space<hbm>>, %arg6: memref<4x80xi32, #tpu.memory_space<vmem>>, %arg7: memref<8x80xi32, #tpu.memory_space<vmem>>, %arg8: memref<4x80x128xf32, #tpu.memory_space<vmem>>, %arg9: memref<16x128xf32, #tpu.memory_space<vmem>>, %arg10: memref<10000x128xf32, #tpu.memory_space<vmem_shared>>, %arg11: memref<!tpu.dma_semaphore, #tpu.memory_space<semaphore_mem>>, %arg12: memref<!tpu.dma_semaphore, #tpu.memory_space<semaphore_mem>>, %arg13: memref<!tpu.dma_semaphore, #tpu.memory_space<semaphore_mem>>, %arg14: memref<!tpu.dma_semaphore, #tpu.memory_space<semaphore_mem>>, %arg15: memref<!tpu.dma_semaphore, #tpu.memory_space<semaphore_mem>>, %arg16: memref<!tpu.dma_semaphore, #tpu.memory_space<semaphore_mem>>, %arg17: memref<!tpu.dma_semaphore, #tpu.memory_space<semaphore_mem>>, %arg18: memref<!tpu.dma_semaphore, #tpu.memory_space<semaphore_mem>>, %arg19: memref<!tpu.dma_semaphore, #tpu.memory_space<semaphore_mem>>, %arg20: memref<!tpu.dma_semaphore, #tpu.memory_space<semaphore_mem>>, %arg21: memref<!tpu.dma_semaphore, #tpu.memory_space<semaphore_mem>>, %arg22: memref<!tpu.dma_semaphore, #tpu.memory_space<semaphore_mem>>) attributes {dimension_semantics = [#tpu.dimension_semantics<core_parallel>, #tpu.dimension_semantics<subcore_parallel>], iteration_bounds = array<i64: 2, 16>, scalar_prefetch = 0 : i64, scratch_operands = 17 : i64, tpu.core_type = #tpu.core_type<sc_vector_subcore>, window_params = [{transform_indices = #map}, {transform_indices = #map}, {transform_indices = #map1}, {transform_indices = #map2}]} {
    %mul3A = arith.constant 16 : i32
    %mul3A_0 = arith.muli %arg0, %mul3A : i32
    %add3A = arith.addi %mul3A_0, %arg1 : i32
    %mul3A_1 = arith.constant 624 : i32
    %mul3A_2 = arith.muli %arg1, %mul3A_1 : i32
    %broadcast_in_dim3A = arith.constant 0.000000e+00 : f32
    %broadcast_in_dim3A_3 = vector.broadcast %broadcast_in_dim3A : f32 to vector<16xf32>
    %scan3A = arith.constant 0 : i32
    %scan3A_4 = arith.constant 0 : i32
    %scan3A_5 = arith.constant 128 : i32
    %scan3A_6 = arith.addi %scan3A_4, %scan3A_5 : i32
    %scan3A_7 = arith.constant 1 : i32
    scf.for %scan3A_223 = %scan3A_4 to %scan3A_6 step %scan3A_7  : i32 {
      %jit3A = arith.constant 8 : i32
      %div3A = arith.divsi %scan3A_223, %jit3A : i32
      %sign3A = arith.constant 0 : i32
      %sign3A_224 = arith.cmpi sgt, %scan3A_223, %sign3A : i32
      %sign3A_225 = arith.extui %sign3A_224 : i1 to i32
      %sign3A_226 = arith.constant 0 : i32
      %sign3A_227 = arith.cmpi slt, %scan3A_223, %sign3A_226 : i32
      %sign3A_228 = arith.extui %sign3A_227 : i1 to i32
      %sign3A_229 = arith.subi %sign3A_225, %sign3A_228 : i32
      %sign3A_230 = arith.constant 0 : i32
      %sign3A_231 = arith.cmpi sgt, %jit3A, %sign3A_230 : i32
      %sign3A_232 = arith.extui %sign3A_231 : i1 to i32
      %sign3A_233 = arith.constant 0 : i32
      %sign3A_234 = arith.cmpi slt, %jit3A, %sign3A_233 : i32
      %sign3A_235 = arith.extui %sign3A_234 : i1 to i32
      %sign3A_236 = arith.subi %sign3A_232, %sign3A_235 : i32
      %ne3A = arith.cmpi ne, %sign3A_229, %sign3A_236 : i32
      %rem3A = arith.remsi %scan3A_223, %jit3A : i32
      %ne3A_237 = arith.constant 0 : i32
      %ne3A_238 = arith.cmpi ne, %rem3A, %ne3A_237 : i32
      %and3A = arith.andi %ne3A, %ne3A_238 : i1
      %sub3A = arith.constant 1 : i32
      %sub3A_239 = arith.subi %div3A, %sub3A : i32
      %select_n3A = arith.select %and3A, %sub3A_239, %div3A : i32
      %jit3A_240 = arith.constant 8 : i32
      %eq3A_241 = arith.constant 0 : i32
      %eq3A_242 = arith.cmpi eq, %jit3A_240, %eq3A_241 : i32
      %jit3A_243 = arith.constant 1 : i32
      %select_n3A_244 = arith.select %eq3A_242, %jit3A_243, %jit3A_240 : i32
      %rem3A_245 = arith.remsi %scan3A_223, %select_n3A_244 : i32
      %ne3A_246 = arith.constant 0 : i32
      %ne3A_247 = arith.cmpi ne, %rem3A_245, %ne3A_246 : i32
      %lt3A = arith.constant 0 : i32
      %lt3A_248 = arith.cmpi slt, %rem3A_245, %lt3A : i32
      %lt3A_249 = arith.constant 0 : i32
      %lt3A_250 = arith.cmpi slt, %select_n3A_244, %lt3A_249 : i32
      %ne3A_251 = arith.xori %lt3A_248, %lt3A_250 : i1
      %and3A_252 = arith.andi %ne3A_251, %ne3A_247 : i1
      %add3A_253 = arith.addi %rem3A_245, %select_n3A_244 : i32
      %select_n3A_254 = arith.select %and3A_252, %add3A_253, %rem3A_245 : i32
      %mul3A_255 = arith.constant 16 : i32
      %mul3A_256 = arith.muli %select_n3A_254, %mul3A_255 : i32
      %swap3A = arith.index_cast %select_n3A : i32 to index
      %swap3A_257 = arith.index_cast %mul3A_256 : i32 to index
      %swap3A_258 = tpu.vector_load %arg9[%swap3A, %swap3A_257] {strides = array<i32>} : memref<16x128xf32, #tpu.memory_space<vmem>>, vector<1x16xf32>,
      %swap3A_259 = vector.shape_cast %swap3A_258 : vector<1x16xf32> to vector<16xf32>
      %swap3A_260 = vector.shape_cast %broadcast_in_dim3A_3 : vector<16xf32> to vector<1x16xf32>
      tpu.vector_store %arg9[%swap3A, %swap3A_257], %swap3A_260 {strides = array<i32>} : memref<16x128xf32, #tpu.memory_space<vmem>>, vector<1x16xf32>,
    }
    %scan3A_8 = arith.constant 128 : i32
    %scan3A_9 = arith.constant 0 : i32
    %scan3A_10 = arith.constant 0 : i32
    %scan3A_11 = arith.constant 39 : i32
    %scan3A_12 = arith.addi %scan3A_10, %scan3A_11 : i32
    %scan3A_13 = arith.constant 1 : i32
    scf.for %scan3A_223 = %scan3A_10 to %scan3A_12 step %scan3A_13  : i32 {
      %mul3A_224 = arith.constant 16 : i32
      %mul3A_225 = arith.muli %scan3A_223, %mul3A_224 : i32
      %add3A_226 = arith.addi %mul3A_2, %mul3A_225 : i32
      "tpu.region"() ({
        %run_scoped3A = tpu.sem_alloc : memref<!tpu.dma_semaphore, #tpu.memory_space<semaphore_mem>>
        %dma_start3A_227 = arith.constant 0 : i32
        %dma_start3A_228 = tpu.memref_slice %arg10[%add3A_226, %dma_start3A_227] : memref<10000x128xf32, #tpu.memory_space<vmem_shared>> -> memref<16x128xf32, #tpu.memory_space<vmem_shared>>
        %dma_start3A_229 = arith.constant 0 : i32
        %dma_start3A_230 = tpu.memref_slice %arg10[%add3A_226, %dma_start3A_229] : memref<10000x128xf32, #tpu.memory_space<vmem_shared>> -> memref<16x128xf32, #tpu.memory_space<vmem_shared>>
        tpu.enqueue_dma source(%arg9 : memref<16x128xf32, #tpu.memory_space<vmem>>) target(%dma_start3A_230 : memref<16x128xf32, #tpu.memory_space<vmem_shared>>) target_semaphore(%run_scoped3A : memref<!tpu.dma_semaphore, #tpu.memory_space<semaphore_mem>>)
        %dma_wait3A_231 = arith.constant 0 : i32
        %dma_wait3A_232 = tpu.memref_slice %arg10[%add3A_226, %dma_wait3A_231] : memref<10000x128xf32, #tpu.memory_space<vmem_shared>> -> memref<16x128xf32, #tpu.memory_space<vmem_shared>>
        %dma_wait3A_233 = arith.constant 0 : i32
        %dma_wait3A_234 = tpu.memref_slice %arg10[%add3A_226, %dma_wait3A_233] : memref<10000x128xf32, #tpu.memory_space<vmem_shared>> -> memref<16x128xf32, #tpu.memory_space<vmem_shared>>
        tpu.wait_dma2 semaphore(%run_scoped3A : memref<!tpu.dma_semaphore, #tpu.memory_space<semaphore_mem>>) src(%arg9 : memref<16x128xf32, #tpu.memory_space<vmem>>) dst(%dma_wait3A_234 : memref<16x128xf32, #tpu.memory_space<vmem_shared>>)
        tpu.yield
      }) : () -> ()
    }
    %scan3A_14 = arith.constant 39 : i32
    %eq3A = arith.constant 15 : i32
    %eq3A_15 = arith.cmpi eq, %arg1, %eq3A : i32
    %convert_element_type3A = arith.extui %eq3A_15 : i1 to i32
    %cond3A = arith.constant 0 : i32
    %cond3A_16 = arith.cmpi ne, %convert_element_type3A, %cond3A : i32
    scf.if %cond3A_16 {
      "tpu.region"() ({
        %run_scoped3A = tpu.sem_alloc : memref<!tpu.dma_semaphore, #tpu.memory_space<semaphore_mem>>
        %dma_start3A_223 = arith.constant 0 : i32
        %dma_start3A_224 = arith.constant 0 : i32
        %dma_start3A_225 = tpu.memref_slice %arg9[%dma_start3A_223, %dma_start3A_224] : memref<16x128xf32, #tpu.memory_space<vmem>> -> memref<16x128xf32, #tpu.memory_space<vmem>>
        %dma_start3A_226 = arith.constant 9984 : i32
        %dma_start3A_227 = arith.constant 0 : i32
        %dma_start3A_228 = tpu.memref_slice %arg10[%dma_start3A_226, %dma_start3A_227] : memref<10000x128xf32, #tpu.memory_space<vmem_shared>> -> memref<16x128xf32, #tpu.memory_space<vmem_shared>>
        %dma_start3A_229 = arith.constant 9984 : i32
        %dma_start3A_230 = arith.constant 0 : i32
        %dma_start3A_231 = tpu.memref_slice %arg10[%dma_start3A_229, %dma_start3A_230] : memref<10000x128xf32, #tpu.memory_space<vmem_shared>> -> memref<16x128xf32, #tpu.memory_space<vmem_shared>>
        %dma_start3A_232 = arith.constant 0 : i32
        %dma_start3A_233 = arith.constant 0 : i32
        %dma_start3A_234 = tpu.memref_slice %arg9[%dma_start3A_232, %dma_start3A_233] : memref<16x128xf32, #tpu.memory_space<vmem>> -> memref<16x128xf32, #tpu.memory_space<vmem>>
        tpu.enqueue_dma source(%dma_start3A_234 : memref<16x128xf32, #tpu.memory_space<vmem>>) target(%dma_start3A_231 : memref<16x128xf32, #tpu.memory_space<vmem_shared>>) target_semaphore(%run_scoped3A : memref<!tpu.dma_semaphore, #tpu.memory_space<semaphore_mem>>)
        %dma_wait3A_235 = arith.constant 0 : i32
        %dma_wait3A_236 = arith.constant 0 : i32
        %dma_wait3A_237 = tpu.memref_slice %arg9[%dma_wait3A_235, %dma_wait3A_236] : memref<16x128xf32, #tpu.memory_space<vmem>> -> memref<16x128xf32, #tpu.memory_space<vmem>>
        %dma_wait3A_238 = arith.constant 9984 : i32
        %dma_wait3A_239 = arith.constant 0 : i32
        %dma_wait3A_240 = tpu.memref_slice %arg10[%dma_wait3A_238, %dma_wait3A_239] : memref<10000x128xf32, #tpu.memory_space<vmem_shared>> -> memref<16x128xf32, #tpu.memory_space<vmem_shared>>
        %dma_wait3A_241 = arith.constant 9984 : i32
        %dma_wait3A_242 = arith.constant 0 : i32
        %dma_wait3A_243 = tpu.memref_slice %arg10[%dma_wait3A_241, %dma_wait3A_242] : memref<10000x128xf32, #tpu.memory_space<vmem_shared>> -> memref<16x128xf32, #tpu.memory_space<vmem_shared>>
        %dma_wait3A_244 = arith.constant 0 : i32
        %dma_wait3A_245 = arith.constant 0 : i32
        %dma_wait3A_246 = tpu.memref_slice %arg9[%dma_wait3A_244, %dma_wait3A_245] : memref<16x128xf32, #tpu.memory_space<vmem>> -> memref<16x128xf32, #tpu.memory_space<vmem>>
        tpu.wait_dma2 semaphore(%run_scoped3A : memref<!tpu.dma_semaphore, #tpu.memory_space<semaphore_mem>>) src(%dma_wait3A_246 : memref<16x128xf32, #tpu.memory_space<vmem>>) dst(%dma_wait3A_243 : memref<16x128xf32, #tpu.memory_space<vmem_shared>>)
        tpu.yield
      }) : () -> ()
    } else {
    }
    %barrier3A = arith.constant 0 : index
    tpu.barrier barrier_id(%barrier3A)
    %mul3A_17 = arith.constant 10000 : i32
    %mul3A_18 = arith.muli %add3A, %mul3A_17 : i32
    %add3A_19 = arith.constant 0 : i32
    %add3A_20 = arith.addi %mul3A_18, %add3A_19 : i32
    %dma_start3A = arith.constant 0 : i32
    %dma_start3A_21 = arith.constant 0 : i32
    %dma_start3A_22 = tpu.memref_slice %arg6[%dma_start3A, %dma_start3A_21] : memref<4x80xi32, #tpu.memory_space<vmem>> -> memref<1x80xi32, #tpu.memory_space<vmem>>
    %dma_start3A_23 = tpu.memref_squeeze %dma_start3A_22 : memref<1x80xi32, #tpu.memory_space<vmem>> -> memref<80xi32, #tpu.memory_space<vmem>>
    %dma_start3A_24 = tpu.memref_slice %arg2[%add3A_20] : memref<320000xi32, #tpu.memory_space<hbm>> -> memref<80xi32, #tpu.memory_space<hbm>>
    %dma_start3A_25 = arith.constant 0 : i32
    %dma_start3A_26 = tpu.memref_slice %arg6[%dma_start3A, %dma_start3A_25] : memref<4x80xi32, #tpu.memory_space<vmem>> -> memref<1x80xi32, #tpu.memory_space<vmem>>
    %dma_start3A_27 = tpu.memref_squeeze %dma_start3A_26 : memref<1x80xi32, #tpu.memory_space<vmem>> -> memref<80xi32, #tpu.memory_space<vmem>>
    %dma_start3A_28 = tpu.memref_slice %arg2[%add3A_20] : memref<320000xi32, #tpu.memory_space<hbm>> -> memref<80xi32, #tpu.memory_space<hbm>>
    tpu.enqueue_dma source(%dma_start3A_28 : memref<80xi32, #tpu.memory_space<hbm>>) target(%dma_start3A_27 : memref<80xi32, #tpu.memory_space<vmem>>) target_semaphore(%arg15 : memref<!tpu.dma_semaphore, #tpu.memory_space<semaphore_mem>>)
    %dma_start3A_29 = arith.constant 0 : i32
    %dma_start3A_30 = arith.constant 0 : i32
    %dma_start3A_31 = tpu.memref_slice %arg7[%dma_start3A_29, %dma_start3A_30] : memref<8x80xi32, #tpu.memory_space<vmem>> -> memref<1x80xi32, #tpu.memory_space<vmem>>
    %dma_start3A_32 = tpu.memref_squeeze %dma_start3A_31 : memref<1x80xi32, #tpu.memory_space<vmem>> -> memref<80xi32, #tpu.memory_space<vmem>>
    %dma_start3A_33 = tpu.memref_slice %arg3[%add3A_20] : memref<320000xi32, #tpu.memory_space<hbm>> -> memref<80xi32, #tpu.memory_space<hbm>>
    %dma_start3A_34 = arith.constant 0 : i32
    %dma_start3A_35 = tpu.memref_slice %arg7[%dma_start3A_29, %dma_start3A_34] : memref<8x80xi32, #tpu.memory_space<vmem>> -> memref<1x80xi32, #tpu.memory_space<vmem>>
    %dma_start3A_36 = tpu.memref_squeeze %dma_start3A_35 : memref<1x80xi32, #tpu.memory_space<vmem>> -> memref<80xi32, #tpu.memory_space<vmem>>
    %dma_start3A_37 = tpu.memref_slice %arg3[%add3A_20] : memref<320000xi32, #tpu.memory_space<hbm>> -> memref<80xi32, #tpu.memory_space<hbm>>
    tpu.enqueue_dma source(%dma_start3A_37 : memref<80xi32, #tpu.memory_space<hbm>>) target(%dma_start3A_36 : memref<80xi32, #tpu.memory_space<vmem>>) target_semaphore(%arg15 : memref<!tpu.dma_semaphore, #tpu.memory_space<semaphore_mem>>)
    %add3A_38 = arith.constant 80 : i32
    %add3A_39 = arith.addi %mul3A_18, %add3A_38 : i32
    %dma_start3A_40 = arith.constant 1 : i32
    %dma_start3A_41 = arith.constant 0 : i32
    %dma_start3A_42 = tpu.memref_slice %arg6[%dma_start3A_40, %dma_start3A_41] : memref<4x80xi32, #tpu.memory_space<vmem>> -> memref<1x80xi32, #tpu.memory_space<vmem>>
    %dma_start3A_43 = tpu.memref_squeeze %dma_start3A_42 : memref<1x80xi32, #tpu.memory_space<vmem>> -> memref<80xi32, #tpu.memory_space<vmem>>
    %dma_start3A_44 = tpu.memref_slice %arg2[%add3A_39] : memref<320000xi32, #tpu.memory_space<hbm>> -> memref<80xi32, #tpu.memory_space<hbm>>
    %dma_start3A_45 = arith.constant 0 : i32
    %dma_start3A_46 = tpu.memref_slice %arg6[%dma_start3A_40, %dma_start3A_45] : memref<4x80xi32, #tpu.memory_space<vmem>> -> memref<1x80xi32, #tpu.memory_space<vmem>>
    %dma_start3A_47 = tpu.memref_squeeze %dma_start3A_46 : memref<1x80xi32, #tpu.memory_space<vmem>> -> memref<80xi32, #tpu.memory_space<vmem>>
    %dma_start3A_48 = tpu.memref_slice %arg2[%add3A_39] : memref<320000xi32, #tpu.memory_space<hbm>> -> memref<80xi32, #tpu.memory_space<hbm>>
    tpu.enqueue_dma source(%dma_start3A_48 : memref<80xi32, #tpu.memory_space<hbm>>) target(%dma_start3A_47 : memref<80xi32, #tpu.memory_space<vmem>>) target_semaphore(%arg16 : memref<!tpu.dma_semaphore, #tpu.memory_space<semaphore_mem>>)
    %dma_start3A_49 = arith.constant 1 : i32
    %dma_start3A_50 = arith.constant 0 : i32
    %dma_start3A_51 = tpu.memref_slice %arg7[%dma_start3A_49, %dma_start3A_50] : memref<8x80xi32, #tpu.memory_space<vmem>> -> memref<1x80xi32, #tpu.memory_space<vmem>>
    %dma_start3A_52 = tpu.memref_squeeze %dma_start3A_51 : memref<1x80xi32, #tpu.memory_space<vmem>> -> memref<80xi32, #tpu.memory_space<vmem>>
    %dma_start3A_53 = tpu.memref_slice %arg3[%add3A_39] : memref<320000xi32, #tpu.memory_space<hbm>> -> memref<80xi32, #tpu.memory_space<hbm>>
    %dma_start3A_54 = arith.constant 0 : i32
    %dma_start3A_55 = tpu.memref_slice %arg7[%dma_start3A_49, %dma_start3A_54] : memref<8x80xi32, #tpu.memory_space<vmem>> -> memref<1x80xi32, #tpu.memory_space<vmem>>
    %dma_start3A_56 = tpu.memref_squeeze %dma_start3A_55 : memref<1x80xi32, #tpu.memory_space<vmem>> -> memref<80xi32, #tpu.memory_space<vmem>>
    %dma_start3A_57 = tpu.memref_slice %arg3[%add3A_39] : memref<320000xi32, #tpu.memory_space<hbm>> -> memref<80xi32, #tpu.memory_space<hbm>>
    tpu.enqueue_dma source(%dma_start3A_57 : memref<80xi32, #tpu.memory_space<hbm>>) target(%dma_start3A_56 : memref<80xi32, #tpu.memory_space<vmem>>) target_semaphore(%arg16 : memref<!tpu.dma_semaphore, #tpu.memory_space<semaphore_mem>>)
    %add3A_58 = arith.constant 160 : i32
    %add3A_59 = arith.addi %mul3A_18, %add3A_58 : i32
    %dma_start3A_60 = arith.constant 2 : i32
    %dma_start3A_61 = arith.constant 0 : i32
    %dma_start3A_62 = tpu.memref_slice %arg6[%dma_start3A_60, %dma_start3A_61] : memref<4x80xi32, #tpu.memory_space<vmem>> -> memref<1x80xi32, #tpu.memory_space<vmem>>
    %dma_start3A_63 = tpu.memref_squeeze %dma_start3A_62 : memref<1x80xi32, #tpu.memory_space<vmem>> -> memref<80xi32, #tpu.memory_space<vmem>>
    %dma_start3A_64 = tpu.memref_slice %arg2[%add3A_59] : memref<320000xi32, #tpu.memory_space<hbm>> -> memref<80xi32, #tpu.memory_space<hbm>>
    %dma_start3A_65 = arith.constant 0 : i32
    %dma_start3A_66 = tpu.memref_slice %arg6[%dma_start3A_60, %dma_start3A_65] : memref<4x80xi32, #tpu.memory_space<vmem>> -> memref<1x80xi32, #tpu.memory_space<vmem>>
    %dma_start3A_67 = tpu.memref_squeeze %dma_start3A_66 : memref<1x80xi32, #tpu.memory_space<vmem>> -> memref<80xi32, #tpu.memory_space<vmem>>
    %dma_start3A_68 = tpu.memref_slice %arg2[%add3A_59] : memref<320000xi32, #tpu.memory_space<hbm>> -> memref<80xi32, #tpu.memory_space<hbm>>
    tpu.enqueue_dma source(%dma_start3A_68 : memref<80xi32, #tpu.memory_space<hbm>>) target(%dma_start3A_67 : memref<80xi32, #tpu.memory_space<vmem>>) target_semaphore(%arg17 : memref<!tpu.dma_semaphore, #tpu.memory_space<semaphore_mem>>)
    %dma_start3A_69 = arith.constant 2 : i32
    %dma_start3A_70 = arith.constant 0 : i32
    %dma_start3A_71 = tpu.memref_slice %arg7[%dma_start3A_69, %dma_start3A_70] : memref<8x80xi32, #tpu.memory_space<vmem>> -> memref<1x80xi32, #tpu.memory_space<vmem>>
    %dma_start3A_72 = tpu.memref_squeeze %dma_start3A_71 : memref<1x80xi32, #tpu.memory_space<vmem>> -> memref<80xi32, #tpu.memory_space<vmem>>
    %dma_start3A_73 = tpu.memref_slice %arg3[%add3A_59] : memref<320000xi32, #tpu.memory_space<hbm>> -> memref<80xi32, #tpu.memory_space<hbm>>
    %dma_start3A_74 = arith.constant 0 : i32
    %dma_start3A_75 = tpu.memref_slice %arg7[%dma_start3A_69, %dma_start3A_74] : memref<8x80xi32, #tpu.memory_space<vmem>> -> memref<1x80xi32, #tpu.memory_space<vmem>>
    %dma_start3A_76 = tpu.memref_squeeze %dma_start3A_75 : memref<1x80xi32, #tpu.memory_space<vmem>> -> memref<80xi32, #tpu.memory_space<vmem>>
    %dma_start3A_77 = tpu.memref_slice %arg3[%add3A_59] : memref<320000xi32, #tpu.memory_space<hbm>> -> memref<80xi32, #tpu.memory_space<hbm>>
    tpu.enqueue_dma source(%dma_start3A_77 : memref<80xi32, #tpu.memory_space<hbm>>) target(%dma_start3A_76 : memref<80xi32, #tpu.memory_space<vmem>>) target_semaphore(%arg17 : memref<!tpu.dma_semaphore, #tpu.memory_space<semaphore_mem>>)
    %add3A_78 = arith.constant 240 : i32
    %add3A_79 = arith.addi %mul3A_18, %add3A_78 : i32
    %dma_start3A_80 = arith.constant 3 : i32
    %dma_start3A_81 = arith.constant 0 : i32
    %dma_start3A_82 = tpu.memref_slice %arg6[%dma_start3A_80, %dma_start3A_81] : memref<4x80xi32, #tpu.memory_space<vmem>> -> memref<1x80xi32, #tpu.memory_space<vmem>>
    %dma_start3A_83 = tpu.memref_squeeze %dma_start3A_82 : memref<1x80xi32, #tpu.memory_space<vmem>> -> memref<80xi32, #tpu.memory_space<vmem>>
    %dma_start3A_84 = tpu.memref_slice %arg2[%add3A_79] : memref<320000xi32, #tpu.memory_space<hbm>> -> memref<80xi32, #tpu.memory_space<hbm>>
    %dma_start3A_85 = arith.constant 0 : i32
    %dma_start3A_86 = tpu.memref_slice %arg6[%dma_start3A_80, %dma_start3A_85] : memref<4x80xi32, #tpu.memory_space<vmem>> -> memref<1x80xi32, #tpu.memory_space<vmem>>
    %dma_start3A_87 = tpu.memref_squeeze %dma_start3A_86 : memref<1x80xi32, #tpu.memory_space<vmem>> -> memref<80xi32, #tpu.memory_space<vmem>>
    %dma_start3A_88 = tpu.memref_slice %arg2[%add3A_79] : memref<320000xi32, #tpu.memory_space<hbm>> -> memref<80xi32, #tpu.memory_space<hbm>>
    tpu.enqueue_dma source(%dma_start3A_88 : memref<80xi32, #tpu.memory_space<hbm>>) target(%dma_start3A_87 : memref<80xi32, #tpu.memory_space<vmem>>) target_semaphore(%arg18 : memref<!tpu.dma_semaphore, #tpu.memory_space<semaphore_mem>>)
    %dma_start3A_89 = arith.constant 3 : i32
    %dma_start3A_90 = arith.constant 0 : i32
    %dma_start3A_91 = tpu.memref_slice %arg7[%dma_start3A_89, %dma_start3A_90] : memref<8x80xi32, #tpu.memory_space<vmem>> -> memref<1x80xi32, #tpu.memory_space<vmem>>
    %dma_start3A_92 = tpu.memref_squeeze %dma_start3A_91 : memref<1x80xi32, #tpu.memory_space<vmem>> -> memref<80xi32, #tpu.memory_space<vmem>>
    %dma_start3A_93 = tpu.memref_slice %arg3[%add3A_79] : memref<320000xi32, #tpu.memory_space<hbm>> -> memref<80xi32, #tpu.memory_space<hbm>>
    %dma_start3A_94 = arith.constant 0 : i32
    %dma_start3A_95 = tpu.memref_slice %arg7[%dma_start3A_89, %dma_start3A_94] : memref<8x80xi32, #tpu.memory_space<vmem>> -> memref<1x80xi32, #tpu.memory_space<vmem>>
    %dma_start3A_96 = tpu.memref_squeeze %dma_start3A_95 : memref<1x80xi32, #tpu.memory_space<vmem>> -> memref<80xi32, #tpu.memory_space<vmem>>
    %dma_start3A_97 = tpu.memref_slice %arg3[%add3A_79] : memref<320000xi32, #tpu.memory_space<hbm>> -> memref<80xi32, #tpu.memory_space<hbm>>
    tpu.enqueue_dma source(%dma_start3A_97 : memref<80xi32, #tpu.memory_space<hbm>>) target(%dma_start3A_96 : memref<80xi32, #tpu.memory_space<vmem>>) target_semaphore(%arg18 : memref<!tpu.dma_semaphore, #tpu.memory_space<semaphore_mem>>)
    %dma_wait3A = arith.constant 0 : i32
    %dma_wait3A_98 = arith.constant 0 : i32
    %dma_wait3A_99 = tpu.memref_slice %arg6[%dma_wait3A, %dma_wait3A_98] : memref<4x80xi32, #tpu.memory_space<vmem>> -> memref<1x80xi32, #tpu.memory_space<vmem>>
    %dma_wait3A_100 = tpu.memref_squeeze %dma_wait3A_99 : memref<1x80xi32, #tpu.memory_space<vmem>> -> memref<80xi32, #tpu.memory_space<vmem>>
    %dma_wait3A_101 = arith.constant 0 : i32
    %dma_wait3A_102 = tpu.memref_slice %arg2[%dma_wait3A_101] : memref<320000xi32, #tpu.memory_space<hbm>> -> memref<80xi32, #tpu.memory_space<hbm>>
    %dma_wait3A_103 = arith.constant 0 : i32
    %dma_wait3A_104 = tpu.memref_slice %arg6[%dma_wait3A, %dma_wait3A_103] : memref<4x80xi32, #tpu.memory_space<vmem>> -> memref<1x80xi32, #tpu.memory_space<vmem>>
    %dma_wait3A_105 = tpu.memref_squeeze %dma_wait3A_104 : memref<1x80xi32, #tpu.memory_space<vmem>> -> memref<80xi32, #tpu.memory_space<vmem>>
    %dma_wait3A_106 = arith.constant 0 : i32
    %dma_wait3A_107 = tpu.memref_slice %arg2[%dma_wait3A_106] : memref<320000xi32, #tpu.memory_space<hbm>> -> memref<80xi32, #tpu.memory_space<hbm>>
    tpu.wait_dma2 semaphore(%arg15 : memref<!tpu.dma_semaphore, #tpu.memory_space<semaphore_mem>>) src(%dma_wait3A_107 : memref<80xi32, #tpu.memory_space<hbm>>) dst(%dma_wait3A_105 : memref<80xi32, #tpu.memory_space<vmem>>)
    %dma_wait3A_108 = arith.constant 0 : i32
    %dma_wait3A_109 = arith.constant 0 : i32
    %dma_wait3A_110 = tpu.memref_slice %arg7[%dma_wait3A_108, %dma_wait3A_109] : memref<8x80xi32, #tpu.memory_space<vmem>> -> memref<1x80xi32, #tpu.memory_space<vmem>>
    %dma_wait3A_111 = tpu.memref_squeeze %dma_wait3A_110 : memref<1x80xi32, #tpu.memory_space<vmem>> -> memref<80xi32, #tpu.memory_space<vmem>>
    %dma_wait3A_112 = arith.constant 0 : i32
    %dma_wait3A_113 = tpu.memref_slice %arg3[%dma_wait3A_112] : memref<320000xi32, #tpu.memory_space<hbm>> -> memref<80xi32, #tpu.memory_space<hbm>>
    %dma_wait3A_114 = arith.constant 0 : i32
    %dma_wait3A_115 = tpu.memref_slice %arg7[%dma_wait3A_108, %dma_wait3A_114] : memref<8x80xi32, #tpu.memory_space<vmem>> -> memref<1x80xi32, #tpu.memory_space<vmem>>
    %dma_wait3A_116 = tpu.memref_squeeze %dma_wait3A_115 : memref<1x80xi32, #tpu.memory_space<vmem>> -> memref<80xi32, #tpu.memory_space<vmem>>
    %dma_wait3A_117 = arith.constant 0 : i32
    %dma_wait3A_118 = tpu.memref_slice %arg3[%dma_wait3A_117] : memref<320000xi32, #tpu.memory_space<hbm>> -> memref<80xi32, #tpu.memory_space<hbm>>
    tpu.wait_dma2 semaphore(%arg15 : memref<!tpu.dma_semaphore, #tpu.memory_space<semaphore_mem>>) src(%dma_wait3A_118 : memref<80xi32, #tpu.memory_space<hbm>>) dst(%dma_wait3A_116 : memref<80xi32, #tpu.memory_space<vmem>>)
    %dma_start3A_119 = arith.constant 0 : i32
    %dma_start3A_120 = arith.constant 0 : i32
    %dma_start3A_121 = arith.constant 0 : i32
    %dma_start3A_122 = arith.constant 0 : i32
    %dma_start3A_123 = tpu.memref_slice %arg8[%dma_start3A_120, %dma_start3A_121, %dma_start3A_122] : memref<4x80x128xf32, #tpu.memory_space<vmem>> -> memref<1x80x128xf32, #tpu.memory_space<vmem>>
    %dma_start3A_124 = tpu.memref_squeeze %dma_start3A_123 : memref<1x80x128xf32, #tpu.memory_space<vmem>> -> memref<80x128xf32, #tpu.memory_space<vmem>>
    %dma_start3A_125 = arith.constant 0 : i32
    %dma_start3A_126 = tpu.memref_slice %arg6[%dma_start3A_119, %dma_start3A_125] : memref<4x80xi32, #tpu.memory_space<vmem>> -> memref<1x80xi32, #tpu.memory_space<vmem>>
    %dma_start3A_127 = tpu.memref_squeeze %dma_start3A_126 : memref<1x80xi32, #tpu.memory_space<vmem>> -> memref<80xi32, #tpu.memory_space<vmem>>
    %dma_start3A_128 = arith.constant 0 : i32
    %dma_start3A_129 = arith.constant 0 : i32
    %dma_start3A_130 = tpu.memref_slice %arg4[%dma_start3A_128, %dma_start3A_129] : memref<10000x128xf32, #tpu.memory_space<hbm>> -> memref<10000x128xf32, #tpu.memory_space<hbm>>
    tpu.enqueue_indirect_dma source(%dma_start3A_130 : memref<10000x128xf32, #tpu.memory_space<hbm>>) target(%dma_start3A_124 : memref<80x128xf32, #tpu.memory_space<vmem>>) offsets(%dma_start3A_127 : memref<80xi32, #tpu.memory_space<vmem>>) semaphore(%arg11 : memref<!tpu.dma_semaphore, #tpu.memory_space<semaphore_mem>>)
    %dma_wait3A_131 = arith.constant 1 : i32
    %dma_wait3A_132 = arith.constant 0 : i32
    %dma_wait3A_133 = tpu.memref_slice %arg6[%dma_wait3A_131, %dma_wait3A_132] : memref<4x80xi32, #tpu.memory_space<vmem>> -> memref<1x80xi32, #tpu.memory_space<vmem>>
    %dma_wait3A_134 = tpu.memref_squeeze %dma_wait3A_133 : memref<1x80xi32, #tpu.memory_space<vmem>> -> memref<80xi32, #tpu.memory_space<vmem>>
    %dma_wait3A_135 = arith.constant 0 : i32
    %dma_wait3A_136 = tpu.memref_slice %arg2[%dma_wait3A_135] : memref<320000xi32, #tpu.memory_space<hbm>> -> memref<80xi32, #tpu.memory_space<hbm>>
    %dma_wait3A_137 = arith.constant 0 : i32
    %dma_wait3A_138 = tpu.memref_slice %arg6[%dma_wait3A_131, %dma_wait3A_137] : memref<4x80xi32, #tpu.memory_space<vmem>> -> memref<1x80xi32, #tpu.memory_space<vmem>>
    %dma_wait3A_139 = tpu.memref_squeeze %dma_wait3A_138 : memref<1x80xi32, #tpu.memory_space<vmem>> -> memref<80xi32, #tpu.memory_space<vmem>>
    %dma_wait3A_140 = arith.constant 0 : i32
    %dma_wait3A_141 = tpu.memref_slice %arg2[%dma_wait3A_140] : memref<320000xi32, #tpu.memory_space<hbm>> -> memref<80xi32, #tpu.memory_space<hbm>>
    tpu.wait_dma2 semaphore(%arg16 : memref<!tpu.dma_semaphore, #tpu.memory_space<semaphore_mem>>) src(%dma_wait3A_141 : memref<80xi32, #tpu.memory_space<hbm>>) dst(%dma_wait3A_139 : memref<80xi32, #tpu.memory_space<vmem>>)
    %dma_wait3A_142 = arith.constant 1 : i32
    %dma_wait3A_143 = arith.constant 0 : i32
    %dma_wait3A_144 = tpu.memref_slice %arg7[%dma_wait3A_142, %dma_wait3A_143] : memref<8x80xi32, #tpu.memory_space<vmem>> -> memref<1x80xi32, #tpu.memory_space<vmem>>
    %dma_wait3A_145 = tpu.memref_squeeze %dma_wait3A_144 : memref<1x80xi32, #tpu.memory_space<vmem>> -> memref<80xi32, #tpu.memory_space<vmem>>
    %dma_wait3A_146 = arith.constant 0 : i32
    %dma_wait3A_147 = tpu.memref_slice %arg3[%dma_wait3A_146] : memref<320000xi32, #tpu.memory_space<hbm>> -> memref<80xi32, #tpu.memory_space<hbm>>
    %dma_wait3A_148 = arith.constant 0 : i32
    %dma_wait3A_149 = tpu.memref_slice %arg7[%dma_wait3A_142, %dma_wait3A_148] : memref<8x80xi32, #tpu.memory_space<vmem>> -> memref<1x80xi32, #tpu.memory_space<vmem>>
    %dma_wait3A_150 = tpu.memref_squeeze %dma_wait3A_149 : memref<1x80xi32, #tpu.memory_space<vmem>> -> memref<80xi32, #tpu.memory_space<vmem>>
    %dma_wait3A_151 = arith.constant 0 : i32
    %dma_wait3A_152 = tpu.memref_slice %arg3[%dma_wait3A_151] : memref<320000xi32, #tpu.memory_space<hbm>> -> memref<80xi32, #tpu.memory_space<hbm>>
    tpu.wait_dma2 semaphore(%arg16 : memref<!tpu.dma_semaphore, #tpu.memory_space<semaphore_mem>>) src(%dma_wait3A_152 : memref<80xi32, #tpu.memory_space<hbm>>) dst(%dma_wait3A_150 : memref<80xi32, #tpu.memory_space<vmem>>)
    %dma_start3A_153 = arith.constant 1 : i32
    %dma_start3A_154 = arith.constant 1 : i32
    %dma_start3A_155 = arith.constant 0 : i32
    %dma_start3A_156 = arith.constant 0 : i32
    %dma_start3A_157 = tpu.memref_slice %arg8[%dma_start3A_154, %dma_start3A_155, %dma_start3A_156] : memref<4x80x128xf32, #tpu.memory_space<vmem>> -> memref<1x80x128xf32, #tpu.memory_space<vmem>>
    %dma_start3A_158 = tpu.memref_squeeze %dma_start3A_157 : memref<1x80x128xf32, #tpu.memory_space<vmem>> -> memref<80x128xf32, #tpu.memory_space<vmem>>
    %dma_start3A_159 = arith.constant 0 : i32
    %dma_start3A_160 = tpu.memref_slice %arg6[%dma_start3A_153, %dma_start3A_159] : memref<4x80xi32, #tpu.memory_space<vmem>> -> memref<1x80xi32, #tpu.memory_space<vmem>>
    %dma_start3A_161 = tpu.memref_squeeze %dma_start3A_160 : memref<1x80xi32, #tpu.memory_space<vmem>> -> memref<80xi32, #tpu.memory_space<vmem>>
    %dma_start3A_162 = arith.constant 0 : i32
    %dma_start3A_163 = arith.constant 0 : i32
    %dma_start3A_164 = tpu.memref_slice %arg4[%dma_start3A_162, %dma_start3A_163] : memref<10000x128xf32, #tpu.memory_space<hbm>> -> memref<10000x128xf32, #tpu.memory_space<hbm>>
    tpu.enqueue_indirect_dma source(%dma_start3A_164 : memref<10000x128xf32, #tpu.memory_space<hbm>>) target(%dma_start3A_158 : memref<80x128xf32, #tpu.memory_space<vmem>>) offsets(%dma_start3A_161 : memref<80xi32, #tpu.memory_space<vmem>>) semaphore(%arg12 : memref<!tpu.dma_semaphore, #tpu.memory_space<semaphore_mem>>)
    %dma_wait3A_165 = arith.constant 2 : i32
    %dma_wait3A_166 = arith.constant 0 : i32
    %dma_wait3A_167 = tpu.memref_slice %arg6[%dma_wait3A_165, %dma_wait3A_166] : memref<4x80xi32, #tpu.memory_space<vmem>> -> memref<1x80xi32, #tpu.memory_space<vmem>>
    %dma_wait3A_168 = tpu.memref_squeeze %dma_wait3A_167 : memref<1x80xi32, #tpu.memory_space<vmem>> -> memref<80xi32, #tpu.memory_space<vmem>>
    %dma_wait3A_169 = arith.constant 0 : i32
    %dma_wait3A_170 = tpu.memref_slice %arg2[%dma_wait3A_169] : memref<320000xi32, #tpu.memory_space<hbm>> -> memref<80xi32, #tpu.memory_space<hbm>>
    %dma_wait3A_171 = arith.constant 0 : i32
    %dma_wait3A_172 = tpu.memref_slice %arg6[%dma_wait3A_165, %dma_wait3A_171] : memref<4x80xi32, #tpu.memory_space<vmem>> -> memref<1x80xi32, #tpu.memory_space<vmem>>
    %dma_wait3A_173 = tpu.memref_squeeze %dma_wait3A_172 : memref<1x80xi32, #tpu.memory_space<vmem>> -> memref<80xi32, #tpu.memory_space<vmem>>
    %dma_wait3A_174 = arith.constant 0 : i32
    %dma_wait3A_175 = tpu.memref_slice %arg2[%dma_wait3A_174] : memref<320000xi32, #tpu.memory_space<hbm>> -> memref<80xi32, #tpu.memory_space<hbm>>
    tpu.wait_dma2 semaphore(%arg17 : memref<!tpu.dma_semaphore, #tpu.memory_space<semaphore_mem>>) src(%dma_wait3A_175 : memref<80xi32, #tpu.memory_space<hbm>>) dst(%dma_wait3A_173 : memref<80xi32, #tpu.memory_space<vmem>>)
    %dma_wait3A_176 = arith.constant 2 : i32
    %dma_wait3A_177 = arith.constant 0 : i32
    %dma_wait3A_178 = tpu.memref_slice %arg7[%dma_wait3A_176, %dma_wait3A_177] : memref<8x80xi32, #tpu.memory_space<vmem>> -> memref<1x80xi32, #tpu.memory_space<vmem>>
    %dma_wait3A_179 = tpu.memref_squeeze %dma_wait3A_178 : memref<1x80xi32, #tpu.memory_space<vmem>> -> memref<80xi32, #tpu.memory_space<vmem>>
    %dma_wait3A_180 = arith.constant 0 : i32
    %dma_wait3A_181 = tpu.memref_slice %arg3[%dma_wait3A_180] : memref<320000xi32, #tpu.memory_space<hbm>> -> memref<80xi32, #tpu.memory_space<hbm>>
    %dma_wait3A_182 = arith.constant 0 : i32
    %dma_wait3A_183 = tpu.memref_slice %arg7[%dma_wait3A_176, %dma_wait3A_182] : memref<8x80xi32, #tpu.memory_space<vmem>> -> memref<1x80xi32, #tpu.memory_space<vmem>>
    %dma_wait3A_184 = tpu.memref_squeeze %dma_wait3A_183 : memref<1x80xi32, #tpu.memory_space<vmem>> -> memref<80xi32, #tpu.memory_space<vmem>>
    %dma_wait3A_185 = arith.constant 0 : i32
    %dma_wait3A_186 = tpu.memref_slice %arg3[%dma_wait3A_185] : memref<320000xi32, #tpu.memory_space<hbm>> -> memref<80xi32, #tpu.memory_space<hbm>>
    tpu.wait_dma2 semaphore(%arg17 : memref<!tpu.dma_semaphore, #tpu.memory_space<semaphore_mem>>) src(%dma_wait3A_186 : memref<80xi32, #tpu.memory_space<hbm>>) dst(%dma_wait3A_184 : memref<80xi32, #tpu.memory_space<vmem>>)
    %dma_start3A_187 = arith.constant 2 : i32
    %dma_start3A_188 = arith.constant 2 : i32
    %dma_start3A_189 = arith.constant 0 : i32
    %dma_start3A_190 = arith.constant 0 : i32
    %dma_start3A_191 = tpu.memref_slice %arg8[%dma_start3A_188, %dma_start3A_189, %dma_start3A_190] : memref<4x80x128xf32, #tpu.memory_space<vmem>> -> memref<1x80x128xf32, #tpu.memory_space<vmem>>
    %dma_start3A_192 = tpu.memref_squeeze %dma_start3A_191 : memref<1x80x128xf32, #tpu.memory_space<vmem>> -> memref<80x128xf32, #tpu.memory_space<vmem>>
    %dma_start3A_193 = arith.constant 0 : i32
    %dma_start3A_194 = tpu.memref_slice %arg6[%dma_start3A_187, %dma_start3A_193] : memref<4x80xi32, #tpu.memory_space<vmem>> -> memref<1x80xi32, #tpu.memory_space<vmem>>
    %dma_start3A_195 = tpu.memref_squeeze %dma_start3A_194 : memref<1x80xi32, #tpu.memory_space<vmem>> -> memref<80xi32, #tpu.memory_space<vmem>>
    %dma_start3A_196 = arith.constant 0 : i32
    %dma_start3A_197 = arith.constant 0 : i32
    %dma_start3A_198 = tpu.memref_slice %arg4[%dma_start3A_196, %dma_start3A_197] : memref<10000x128xf32, #tpu.memory_space<hbm>> -> memref<10000x128xf32, #tpu.memory_space<hbm>>
    tpu.enqueue_indirect_dma source(%dma_start3A_198 : memref<10000x128xf32, #tpu.memory_space<hbm>>) target(%dma_start3A_192 : memref<80x128xf32, #tpu.memory_space<vmem>>) offsets(%dma_start3A_195 : memref<80xi32, #tpu.memory_space<vmem>>) semaphore(%arg13 : memref<!tpu.dma_semaphore, #tpu.memory_space<semaphore_mem>>)
    %scan3A_199 = arith.constant 0 : i32
    %scan3A_200 = arith.constant 0 : i32
    %scan3A_201 = arith.constant 16 : i32
    %scan3A_202 = arith.addi %scan3A_200, %scan3A_201 : i32
    %scan3A_203 = arith.constant 1 : i32
    scf.for %scan3A_223 = %scan3A_200 to %scan3A_202 step %scan3A_203  : i32 {
      %mul3A_224 = arith.constant 8 : i32
      %mul3A_225 = arith.muli %mul3A_224, %scan3A_223 : i32
      %add3A_226 = arith.constant 0 : i32
      %add3A_227 = arith.addi %mul3A_225, %add3A_226 : i32
      %lt3A = arith.constant 125 : i32
      %lt3A_228 = arith.cmpi slt, %add3A_227, %lt3A : i32
      %convert_element_type3A_229 = arith.extui %lt3A_228 : i1 to i32
      %cond3A_230 = arith.constant 0 : i32
      %cond3A_231 = arith.cmpi ne, %convert_element_type3A_229, %cond3A_230 : i32
      scf.if %cond3A_231 {
        %dma_wait3A_295 = arith.constant 0 : i32
        %dma_wait3A_296 = arith.constant 0 : i32
        %dma_wait3A_297 = arith.constant 0 : i32
        %dma_wait3A_298 = arith.constant 0 : i32
        %dma_wait3A_299 = tpu.memref_slice %arg8[%dma_wait3A_296, %dma_wait3A_297, %dma_wait3A_298] : memref<4x80x128xf32, #tpu.memory_space<vmem>> -> memref<1x80x128xf32, #tpu.memory_space<vmem>>
        %dma_wait3A_300 = tpu.memref_squeeze %dma_wait3A_299 : memref<1x80x128xf32, #tpu.memory_space<vmem>> -> memref<80x128xf32, #tpu.memory_space<vmem>>
        %dma_wait3A_301 = arith.constant 0 : i32
        %dma_wait3A_302 = tpu.memref_slice %arg6[%dma_wait3A_295, %dma_wait3A_301] : memref<4x80xi32, #tpu.memory_space<vmem>> -> memref<1x80xi32, #tpu.memory_space<vmem>>
        %dma_wait3A_303 = tpu.memref_squeeze %dma_wait3A_302 : memref<1x80xi32, #tpu.memory_space<vmem>> -> memref<80xi32, #tpu.memory_space<vmem>>
        %dma_wait3A_304 = arith.constant 0 : i32
        %dma_wait3A_305 = arith.constant 0 : i32
        %dma_wait3A_306 = tpu.memref_slice %arg4[%dma_wait3A_304, %dma_wait3A_305] : memref<10000x128xf32, #tpu.memory_space<hbm>> -> memref<10000x128xf32, #tpu.memory_space<hbm>>
        tpu.wait_indirect_dma semaphore(%arg11 : memref<!tpu.dma_semaphore, #tpu.memory_space<semaphore_mem>>) src(%dma_wait3A_306 : memref<10000x128xf32, #tpu.memory_space<hbm>>) dst(%dma_wait3A_300 : memref<80x128xf32, #tpu.memory_space<vmem>>)
        %ge3A = arith.constant 1 : i32
        %ge3A_307 = arith.cmpi sge, %add3A_227, %ge3A : i32
        %convert_element_type3A_308 = arith.extui %ge3A_307 : i1 to i32
        %cond3A_309 = arith.constant 0 : i32
        %cond3A_310 = arith.cmpi ne, %convert_element_type3A_308, %cond3A_309 : i32
        scf.if %cond3A_310 {
          %dma_wait3A_337 = arith.constant 3 : i32
          %dma_wait3A_338 = arith.constant 7 : i32
          %dma_wait3A_339 = arith.constant 0 : i32
          %dma_wait3A_340 = arith.constant 0 : i32
          %dma_wait3A_341 = tpu.memref_slice %arg8[%dma_wait3A_337, %dma_wait3A_339, %dma_wait3A_340] : memref<4x80x128xf32, #tpu.memory_space<vmem>> -> memref<1x80x128xf32, #tpu.memory_space<vmem>>
          %dma_wait3A_342 = tpu.memref_squeeze %dma_wait3A_341 : memref<1x80x128xf32, #tpu.memory_space<vmem>> -> memref<80x128xf32, #tpu.memory_space<vmem>>
          %dma_wait3A_343 = arith.constant 0 : i32
          %dma_wait3A_344 = tpu.memref_slice %arg7[%dma_wait3A_338, %dma_wait3A_343] : memref<8x80xi32, #tpu.memory_space<vmem>> -> memref<1x80xi32, #tpu.memory_space<vmem>>
          %dma_wait3A_345 = tpu.memref_squeeze %dma_wait3A_344 : memref<1x80xi32, #tpu.memory_space<vmem>> -> memref<80xi32, #tpu.memory_space<vmem>>
          %dma_wait3A_346 = arith.constant 0 : i32
          %dma_wait3A_347 = arith.constant 0 : i32
          %dma_wait3A_348 = tpu.memref_slice %arg10[%dma_wait3A_346, %dma_wait3A_347] : memref<10000x128xf32, #tpu.memory_space<vmem_shared>> -> memref<10000x128xf32, #tpu.memory_space<vmem_shared>>
          tpu.wait_indirect_dma semaphore(%arg22 : memref<!tpu.dma_semaphore, #tpu.memory_space<semaphore_mem>>) src(%dma_wait3A_342 : memref<80x128xf32, #tpu.memory_space<vmem>>) dst(%dma_wait3A_348 : memref<10000x128xf32, #tpu.memory_space<vmem_shared>>)
        } else {
        }
        %dma_start3A_311 = arith.constant 0 : i32
        %dma_start3A_312 = arith.constant 0 : i32
        %dma_start3A_313 = arith.constant 0 : i32
        %dma_start3A_314 = arith.constant 0 : i32
        %dma_start3A_315 = tpu.memref_slice %arg8[%dma_start3A_311, %dma_start3A_313, %dma_start3A_314] : memref<4x80x128xf32, #tpu.memory_space<vmem>> -> memref<1x80x128xf32, #tpu.memory_space<vmem>>
        %dma_start3A_316 = tpu.memref_squeeze %dma_start3A_315 : memref<1x80x128xf32, #tpu.memory_space<vmem>> -> memref<80x128xf32, #tpu.memory_space<vmem>>
        %dma_start3A_317 = arith.constant 0 : i32
        %dma_start3A_318 = tpu.memref_slice %arg7[%dma_start3A_312, %dma_start3A_317] : memref<8x80xi32, #tpu.memory_space<vmem>> -> memref<1x80xi32, #tpu.memory_space<vmem>>
        %dma_start3A_319 = tpu.memref_squeeze %dma_start3A_318 : memref<1x80xi32, #tpu.memory_space<vmem>> -> memref<80xi32, #tpu.memory_space<vmem>>
        %dma_start3A_320 = arith.constant 0 : i32
        %dma_start3A_321 = arith.constant 0 : i32
        %dma_start3A_322 = tpu.memref_slice %arg10[%dma_start3A_320, %dma_start3A_321] : memref<10000x128xf32, #tpu.memory_space<vmem_shared>> -> memref<10000x128xf32, #tpu.memory_space<vmem_shared>>
        tpu.enqueue_indirect_dma source(%dma_start3A_316 : memref<80x128xf32, #tpu.memory_space<vmem>>) target(%dma_start3A_322 : memref<10000x128xf32, #tpu.memory_space<vmem_shared>>) offsets(%dma_start3A_319 : memref<80xi32, #tpu.memory_space<vmem>>) semaphore(%arg19 : memref<!tpu.dma_semaphore, #tpu.memory_space<semaphore_mem>>) {add = true}
        %add3A_323 = arith.constant 3 : i32
        %add3A_324 = arith.addi %add3A_227, %add3A_323 : i32
        %lt3A_325 = arith.constant 125 : i32
        %lt3A_326 = arith.cmpi slt, %add3A_324, %lt3A_325 : i32
        %convert_element_type3A_327 = arith.extui %lt3A_326 : i1 to i32
        %cond3A_328 = arith.constant 0 : i32
        %cond3A_329 = arith.cmpi ne, %convert_element_type3A_327, %cond3A_328 : i32
        scf.if %cond3A_329 {
          %dma_wait3A_337 = arith.constant 3 : i32
          %dma_wait3A_338 = arith.constant 0 : i32
          %dma_wait3A_339 = tpu.memref_slice %arg6[%dma_wait3A_337, %dma_wait3A_338] : memref<4x80xi32, #tpu.memory_space<vmem>> -> memref<1x80xi32, #tpu.memory_space<vmem>>
          %dma_wait3A_340 = tpu.memref_squeeze %dma_wait3A_339 : memref<1x80xi32, #tpu.memory_space<vmem>> -> memref<80xi32, #tpu.memory_space<vmem>>
          %dma_wait3A_341 = arith.constant 0 : i32
          %dma_wait3A_342 = tpu.memref_slice %arg2[%dma_wait3A_341] : memref<320000xi32, #tpu.memory_space<hbm>> -> memref<80xi32, #tpu.memory_space<hbm>>
          %dma_wait3A_343 = arith.constant 0 : i32
          %dma_wait3A_344 = tpu.memref_slice %arg6[%dma_wait3A_337, %dma_wait3A_343] : memref<4x80xi32, #tpu.memory_space<vmem>> -> memref<1x80xi32, #tpu.memory_space<vmem>>
          %dma_wait3A_345 = tpu.memref_squeeze %dma_wait3A_344 : memref<1x80xi32, #tpu.memory_space<vmem>> -> memref<80xi32, #tpu.memory_space<vmem>>
          %dma_wait3A_346 = arith.constant 0 : i32
          %dma_wait3A_347 = tpu.memref_slice %arg2[%dma_wait3A_346] : memref<320000xi32, #tpu.memory_space<hbm>> -> memref<80xi32, #tpu.memory_space<hbm>>
          tpu.wait_dma2 semaphore(%arg18 : memref<!tpu.dma_semaphore, #tpu.memory_space<semaphore_mem>>) src(%dma_wait3A_347 : memref<80xi32, #tpu.memory_space<hbm>>) dst(%dma_wait3A_345 : memref<80xi32, #tpu.memory_space<vmem>>)
          %dma_wait3A_348 = arith.constant 3 : i32
          %dma_wait3A_349 = arith.constant 0 : i32
          %dma_wait3A_350 = tpu.memref_slice %arg7[%dma_wait3A_348, %dma_wait3A_349] : memref<8x80xi32, #tpu.memory_space<vmem>> -> memref<1x80xi32, #tpu.memory_space<vmem>>
          %dma_wait3A_351 = tpu.memref_squeeze %dma_wait3A_350 : memref<1x80xi32, #tpu.memory_space<vmem>> -> memref<80xi32, #tpu.memory_space<vmem>>
          %dma_wait3A_352 = arith.constant 0 : i32
          %dma_wait3A_353 = tpu.memref_slice %arg3[%dma_wait3A_352] : memref<320000xi32, #tpu.memory_space<hbm>> -> memref<80xi32, #tpu.memory_space<hbm>>
          %dma_wait3A_354 = arith.constant 0 : i32
          %dma_wait3A_355 = tpu.memref_slice %arg7[%dma_wait3A_348, %dma_wait3A_354] : memref<8x80xi32, #tpu.memory_space<vmem>> -> memref<1x80xi32, #tpu.memory_space<vmem>>
          %dma_wait3A_356 = tpu.memref_squeeze %dma_wait3A_355 : memref<1x80xi32, #tpu.memory_space<vmem>> -> memref<80xi32, #tpu.memory_space<vmem>>
          %dma_wait3A_357 = arith.constant 0 : i32
          %dma_wait3A_358 = tpu.memref_slice %arg3[%dma_wait3A_357] : memref<320000xi32, #tpu.memory_space<hbm>> -> memref<80xi32, #tpu.memory_space<hbm>>
          tpu.wait_dma2 semaphore(%arg18 : memref<!tpu.dma_semaphore, #tpu.memory_space<semaphore_mem>>) src(%dma_wait3A_358 : memref<80xi32, #tpu.memory_space<hbm>>) dst(%dma_wait3A_356 : memref<80xi32, #tpu.memory_space<vmem>>)
          %dma_start3A_359 = arith.constant 3 : i32
          %dma_start3A_360 = arith.constant 3 : i32
          %dma_start3A_361 = arith.constant 0 : i32
          %dma_start3A_362 = arith.constant 0 : i32
          %dma_start3A_363 = tpu.memref_slice %arg8[%dma_start3A_360, %dma_start3A_361, %dma_start3A_362] : memref<4x80x128xf32, #tpu.memory_space<vmem>> -> memref<1x80x128xf32, #tpu.memory_space<vmem>>
          %dma_start3A_364 = tpu.memref_squeeze %dma_start3A_363 : memref<1x80x128xf32, #tpu.memory_space<vmem>> -> memref<80x128xf32, #tpu.memory_space<vmem>>
          %dma_start3A_365 = arith.constant 0 : i32
          %dma_start3A_366 = tpu.memref_slice %arg6[%dma_start3A_359, %dma_start3A_365] : memref<4x80xi32, #tpu.memory_space<vmem>> -> memref<1x80xi32, #tpu.memory_space<vmem>>
          %dma_start3A_367 = tpu.memref_squeeze %dma_start3A_366 : memref<1x80xi32, #tpu.memory_space<vmem>> -> memref<80xi32, #tpu.memory_space<vmem>>
          %dma_start3A_368 = arith.constant 0 : i32
          %dma_start3A_369 = arith.constant 0 : i32
          %dma_start3A_370 = tpu.memref_slice %arg4[%dma_start3A_368, %dma_start3A_369] : memref<10000x128xf32, #tpu.memory_space<hbm>> -> memref<10000x128xf32, #tpu.memory_space<hbm>>
          tpu.enqueue_indirect_dma source(%dma_start3A_370 : memref<10000x128xf32, #tpu.memory_space<hbm>>) target(%dma_start3A_364 : memref<80x128xf32, #tpu.memory_space<vmem>>) offsets(%dma_start3A_367 : memref<80xi32, #tpu.memory_space<vmem>>) semaphore(%arg14 : memref<!tpu.dma_semaphore, #tpu.memory_space<semaphore_mem>>)
        } else {
        }
        %add3A_330 = arith.constant 4 : i32
        %add3A_331 = arith.addi %add3A_227, %add3A_330 : i32
        %lt3A_332 = arith.constant 125 : i32
        %lt3A_333 = arith.cmpi slt, %add3A_331, %lt3A_332 : i32
        %convert_element_type3A_334 = arith.extui %lt3A_333 : i1 to i32
        %cond3A_335 = arith.constant 0 : i32
        %cond3A_336 = arith.cmpi ne, %convert_element_type3A_334, %cond3A_335 : i32
        scf.if %cond3A_336 {
          %add3A_337 = arith.constant 4 : i32
          %add3A_338 = arith.addi %add3A_227, %add3A_337 : i32
          %mul3A_339 = arith.constant 80 : i32
          %mul3A_340 = arith.muli %add3A_338, %mul3A_339 : i32
          %add3A_341 = arith.addi %mul3A_18, %mul3A_340 : i32
          %dma_start3A_342 = arith.constant 0 : i32
          %dma_start3A_343 = arith.constant 0 : i32
          %dma_start3A_344 = tpu.memref_slice %arg6[%dma_start3A_342, %dma_start3A_343] : memref<4x80xi32, #tpu.memory_space<vmem>> -> memref<1x80xi32, #tpu.memory_space<vmem>>
          %dma_start3A_345 = tpu.memref_squeeze %dma_start3A_344 : memref<1x80xi32, #tpu.memory_space<vmem>> -> memref<80xi32, #tpu.memory_space<vmem>>
          %dma_start3A_346 = tpu.memref_slice %arg2[%add3A_341] : memref<320000xi32, #tpu.memory_space<hbm>> -> memref<80xi32, #tpu.memory_space<hbm>>
          %dma_start3A_347 = arith.constant 0 : i32
          %dma_start3A_348 = tpu.memref_slice %arg6[%dma_start3A_342, %dma_start3A_347] : memref<4x80xi32, #tpu.memory_space<vmem>> -> memref<1x80xi32, #tpu.memory_space<vmem>>
          %dma_start3A_349 = tpu.memref_squeeze %dma_start3A_348 : memref<1x80xi32, #tpu.memory_space<vmem>> -> memref<80xi32, #tpu.memory_space<vmem>>
          %dma_start3A_350 = tpu.memref_slice %arg2[%add3A_341] : memref<320000xi32, #tpu.memory_space<hbm>> -> memref<80xi32, #tpu.memory_space<hbm>>
          tpu.enqueue_dma source(%dma_start3A_350 : memref<80xi32, #tpu.memory_space<hbm>>) target(%dma_start3A_349 : memref<80xi32, #tpu.memory_space<vmem>>) target_semaphore(%arg15 : memref<!tpu.dma_semaphore, #tpu.memory_space<semaphore_mem>>)
          %dma_start3A_351 = arith.constant 4 : i32
          %dma_start3A_352 = arith.constant 0 : i32
          %dma_start3A_353 = tpu.memref_slice %arg7[%dma_start3A_351, %dma_start3A_352] : memref<8x80xi32, #tpu.memory_space<vmem>> -> memref<1x80xi32, #tpu.memory_space<vmem>>
          %dma_start3A_354 = tpu.memref_squeeze %dma_start3A_353 : memref<1x80xi32, #tpu.memory_space<vmem>> -> memref<80xi32, #tpu.memory_space<vmem>>
          %dma_start3A_355 = tpu.memref_slice %arg3[%add3A_341] : memref<320000xi32, #tpu.memory_space<hbm>> -> memref<80xi32, #tpu.memory_space<hbm>>
          %dma_start3A_356 = arith.constant 0 : i32
          %dma_start3A_357 = tpu.memref_slice %arg7[%dma_start3A_351, %dma_start3A_356] : memref<8x80xi32, #tpu.memory_space<vmem>> -> memref<1x80xi32, #tpu.memory_space<vmem>>
          %dma_start3A_358 = tpu.memref_squeeze %dma_start3A_357 : memref<1x80xi32, #tpu.memory_space<vmem>> -> memref<80xi32, #tpu.memory_space<vmem>>
          %dma_start3A_359 = tpu.memref_slice %arg3[%add3A_341] : memref<320000xi32, #tpu.memory_space<hbm>> -> memref<80xi32, #tpu.memory_space<hbm>>
          tpu.enqueue_dma source(%dma_start3A_359 : memref<80xi32, #tpu.memory_space<hbm>>) target(%dma_start3A_358 : memref<80xi32, #tpu.memory_space<vmem>>) target_semaphore(%arg15 : memref<!tpu.dma_semaphore, #tpu.memory_space<semaphore_mem>>)
        } else {
        }
      } else {
      }
      %mul3A_232 = arith.constant 8 : i32
      %mul3A_233 = arith.muli %mul3A_232, %scan3A_223 : i32
      %add3A_234 = arith.constant 1 : i32
      %add3A_235 = arith.addi %mul3A_233, %add3A_234 : i32
      %lt3A_236 = arith.constant 125 : i32
      %lt3A_237 = arith.cmpi slt, %add3A_235, %lt3A_236 : i32
      %convert_element_type3A_238 = arith.extui %lt3A_237 : i1 to i32
      %cond3A_239 = arith.constant 0 : i32
      %cond3A_240 = arith.cmpi ne, %convert_element_type3A_238, %cond3A_239 : i32
      scf.if %cond3A_240 {
        %dma_wait3A_295 = arith.constant 1 : i32
        %dma_wait3A_296 = arith.constant 1 : i32
        %dma_wait3A_297 = arith.constant 0 : i32
        %dma_wait3A_298 = arith.constant 0 : i32
        %dma_wait3A_299 = tpu.memref_slice %arg8[%dma_wait3A_296, %dma_wait3A_297, %dma_wait3A_298] : memref<4x80x128xf32, #tpu.memory_space<vmem>> -> memref<1x80x128xf32, #tpu.memory_space<vmem>>
        %dma_wait3A_300 = tpu.memref_squeeze %dma_wait3A_299 : memref<1x80x128xf32, #tpu.memory_space<vmem>> -> memref<80x128xf32, #tpu.memory_space<vmem>>
        %dma_wait3A_301 = arith.constant 0 : i32
        %dma_wait3A_302 = tpu.memref_slice %arg6[%dma_wait3A_295, %dma_wait3A_301] : memref<4x80xi32, #tpu.memory_space<vmem>> -> memref<1x80xi32, #tpu.memory_space<vmem>>
        %dma_wait3A_303 = tpu.memref_squeeze %dma_wait3A_302 : memref<1x80xi32, #tpu.memory_space<vmem>> -> memref<80xi32, #tpu.memory_space<vmem>>
        %dma_wait3A_304 = arith.constant 0 : i32
        %dma_wait3A_305 = arith.constant 0 : i32
        %dma_wait3A_306 = tpu.memref_slice %arg4[%dma_wait3A_304, %dma_wait3A_305] : memref<10000x128xf32, #tpu.memory_space<hbm>> -> memref<10000x128xf32, #tpu.memory_space<hbm>>
        tpu.wait_indirect_dma semaphore(%arg12 : memref<!tpu.dma_semaphore, #tpu.memory_space<semaphore_mem>>) src(%dma_wait3A_306 : memref<10000x128xf32, #tpu.memory_space<hbm>>) dst(%dma_wait3A_300 : memref<80x128xf32, #tpu.memory_space<vmem>>)
        %ge3A = arith.constant 1 : i32
        %ge3A_307 = arith.cmpi sge, %add3A_235, %ge3A : i32
        %convert_element_type3A_308 = arith.extui %ge3A_307 : i1 to i32
        %cond3A_309 = arith.constant 0 : i32
        %cond3A_310 = arith.cmpi ne, %convert_element_type3A_308, %cond3A_309 : i32
        scf.if %cond3A_310 {
          %dma_wait3A_337 = arith.constant 0 : i32
          %dma_wait3A_338 = arith.constant 0 : i32
          %dma_wait3A_339 = arith.constant 0 : i32
          %dma_wait3A_340 = arith.constant 0 : i32
          %dma_wait3A_341 = tpu.memref_slice %arg8[%dma_wait3A_337, %dma_wait3A_339, %dma_wait3A_340] : memref<4x80x128xf32, #tpu.memory_space<vmem>> -> memref<1x80x128xf32, #tpu.memory_space<vmem>>
          %dma_wait3A_342 = tpu.memref_squeeze %dma_wait3A_341 : memref<1x80x128xf32, #tpu.memory_space<vmem>> -> memref<80x128xf32, #tpu.memory_space<vmem>>
          %dma_wait3A_343 = arith.constant 0 : i32
          %dma_wait3A_344 = tpu.memref_slice %arg7[%dma_wait3A_338, %dma_wait3A_343] : memref<8x80xi32, #tpu.memory_space<vmem>> -> memref<1x80xi32, #tpu.memory_space<vmem>>
          %dma_wait3A_345 = tpu.memref_squeeze %dma_wait3A_344 : memref<1x80xi32, #tpu.memory_space<vmem>> -> memref<80xi32, #tpu.memory_space<vmem>>
          %dma_wait3A_346 = arith.constant 0 : i32
          %dma_wait3A_347 = arith.constant 0 : i32
          %dma_wait3A_348 = tpu.memref_slice %arg10[%dma_wait3A_346, %dma_wait3A_347] : memref<10000x128xf32, #tpu.memory_space<vmem_shared>> -> memref<10000x128xf32, #tpu.memory_space<vmem_shared>>
          tpu.wait_indirect_dma semaphore(%arg19 : memref<!tpu.dma_semaphore, #tpu.memory_space<semaphore_mem>>) src(%dma_wait3A_342 : memref<80x128xf32, #tpu.memory_space<vmem>>) dst(%dma_wait3A_348 : memref<10000x128xf32, #tpu.memory_space<vmem_shared>>)
        } else {
        }
        %dma_start3A_311 = arith.constant 1 : i32
        %dma_start3A_312 = arith.constant 1 : i32
        %dma_start3A_313 = arith.constant 0 : i32
        %dma_start3A_314 = arith.constant 0 : i32
        %dma_start3A_315 = tpu.memref_slice %arg8[%dma_start3A_311, %dma_start3A_313, %dma_start3A_314] : memref<4x80x128xf32, #tpu.memory_space<vmem>> -> memref<1x80x128xf32, #tpu.memory_space<vmem>>
        %dma_start3A_316 = tpu.memref_squeeze %dma_start3A_315 : memref<1x80x128xf32, #tpu.memory_space<vmem>> -> memref<80x128xf32, #tpu.memory_space<vmem>>
        %dma_start3A_317 = arith.constant 0 : i32
        %dma_start3A_318 = tpu.memref_slice %arg7[%dma_start3A_312, %dma_start3A_317] : memref<8x80xi32, #tpu.memory_space<vmem>> -> memref<1x80xi32, #tpu.memory_space<vmem>>
        %dma_start3A_319 = tpu.memref_squeeze %dma_start3A_318 : memref<1x80xi32, #tpu.memory_space<vmem>> -> memref<80xi32, #tpu.memory_space<vmem>>
        %dma_start3A_320 = arith.constant 0 : i32
        %dma_start3A_321 = arith.constant 0 : i32
        %dma_start3A_322 = tpu.memref_slice %arg10[%dma_start3A_320, %dma_start3A_321] : memref<10000x128xf32, #tpu.memory_space<vmem_shared>> -> memref<10000x128xf32, #tpu.memory_space<vmem_shared>>
        tpu.enqueue_indirect_dma source(%dma_start3A_316 : memref<80x128xf32, #tpu.memory_space<vmem>>) target(%dma_start3A_322 : memref<10000x128xf32, #tpu.memory_space<vmem_shared>>) offsets(%dma_start3A_319 : memref<80xi32, #tpu.memory_space<vmem>>) semaphore(%arg20 : memref<!tpu.dma_semaphore, #tpu.memory_space<semaphore_mem>>) {add = true}
        %add3A_323 = arith.constant 3 : i32
        %add3A_324 = arith.addi %add3A_235, %add3A_323 : i32
        %lt3A_325 = arith.constant 125 : i32
        %lt3A_326 = arith.cmpi slt, %add3A_324, %lt3A_325 : i32
        %convert_element_type3A_327 = arith.extui %lt3A_326 : i1 to i32
        %cond3A_328 = arith.constant 0 : i32
        %cond3A_329 = arith.cmpi ne, %convert_element_type3A_327, %cond3A_328 : i32
        scf.if %cond3A_329 {
          %dma_wait3A_337 = arith.constant 0 : i32
          %dma_wait3A_338 = arith.constant 0 : i32
          %dma_wait3A_339 = tpu.memref_slice %arg6[%dma_wait3A_337, %dma_wait3A_338] : memref<4x80xi32, #tpu.memory_space<vmem>> -> memref<1x80xi32, #tpu.memory_space<vmem>>
          %dma_wait3A_340 = tpu.memref_squeeze %dma_wait3A_339 : memref<1x80xi32, #tpu.memory_space<vmem>> -> memref<80xi32, #tpu.memory_space<vmem>>
          %dma_wait3A_341 = arith.constant 0 : i32
          %dma_wait3A_342 = tpu.memref_slice %arg2[%dma_wait3A_341] : memref<320000xi32, #tpu.memory_space<hbm>> -> memref<80xi32, #tpu.memory_space<hbm>>
          %dma_wait3A_343 = arith.constant 0 : i32
          %dma_wait3A_344 = tpu.memref_slice %arg6[%dma_wait3A_337, %dma_wait3A_343] : memref<4x80xi32, #tpu.memory_space<vmem>> -> memref<1x80xi32, #tpu.memory_space<vmem>>
          %dma_wait3A_345 = tpu.memref_squeeze %dma_wait3A_344 : memref<1x80xi32, #tpu.memory_space<vmem>> -> memref<80xi32, #tpu.memory_space<vmem>>
          %dma_wait3A_346 = arith.constant 0 : i32
          %dma_wait3A_347 = tpu.memref_slice %arg2[%dma_wait3A_346] : memref<320000xi32, #tpu.memory_space<hbm>> -> memref<80xi32, #tpu.memory_space<hbm>>
          tpu.wait_dma2 semaphore(%arg15 : memref<!tpu.dma_semaphore, #tpu.memory_space<semaphore_mem>>) src(%dma_wait3A_347 : memref<80xi32, #tpu.memory_space<hbm>>) dst(%dma_wait3A_345 : memref<80xi32, #tpu.memory_space<vmem>>)
          %dma_wait3A_348 = arith.constant 4 : i32
          %dma_wait3A_349 = arith.constant 0 : i32
          %dma_wait3A_350 = tpu.memref_slice %arg7[%dma_wait3A_348, %dma_wait3A_349] : memref<8x80xi32, #tpu.memory_space<vmem>> -> memref<1x80xi32, #tpu.memory_space<vmem>>
          %dma_wait3A_351 = tpu.memref_squeeze %dma_wait3A_350 : memref<1x80xi32, #tpu.memory_space<vmem>> -> memref<80xi32, #tpu.memory_space<vmem>>
          %dma_wait3A_352 = arith.constant 0 : i32
          %dma_wait3A_353 = tpu.memref_slice %arg3[%dma_wait3A_352] : memref<320000xi32, #tpu.memory_space<hbm>> -> memref<80xi32, #tpu.memory_space<hbm>>
          %dma_wait3A_354 = arith.constant 0 : i32
          %dma_wait3A_355 = tpu.memref_slice %arg7[%dma_wait3A_348, %dma_wait3A_354] : memref<8x80xi32, #tpu.memory_space<vmem>> -> memref<1x80xi32, #tpu.memory_space<vmem>>
          %dma_wait3A_356 = tpu.memref_squeeze %dma_wait3A_355 : memref<1x80xi32, #tpu.memory_space<vmem>> -> memref<80xi32, #tpu.memory_space<vmem>>
          %dma_wait3A_357 = arith.constant 0 : i32
          %dma_wait3A_358 = tpu.memref_slice %arg3[%dma_wait3A_357] : memref<320000xi32, #tpu.memory_space<hbm>> -> memref<80xi32, #tpu.memory_space<hbm>>
          tpu.wait_dma2 semaphore(%arg15 : memref<!tpu.dma_semaphore, #tpu.memory_space<semaphore_mem>>) src(%dma_wait3A_358 : memref<80xi32, #tpu.memory_space<hbm>>) dst(%dma_wait3A_356 : memref<80xi32, #tpu.memory_space<vmem>>)
          %dma_start3A_359 = arith.constant 0 : i32
          %dma_start3A_360 = arith.constant 0 : i32
          %dma_start3A_361 = arith.constant 0 : i32
          %dma_start3A_362 = arith.constant 0 : i32
          %dma_start3A_363 = tpu.memref_slice %arg8[%dma_start3A_360, %dma_start3A_361, %dma_start3A_362] : memref<4x80x128xf32, #tpu.memory_space<vmem>> -> memref<1x80x128xf32, #tpu.memory_space<vmem>>
          %dma_start3A_364 = tpu.memref_squeeze %dma_start3A_363 : memref<1x80x128xf32, #tpu.memory_space<vmem>> -> memref<80x128xf32, #tpu.memory_space<vmem>>
          %dma_start3A_365 = arith.constant 0 : i32
          %dma_start3A_366 = tpu.memref_slice %arg6[%dma_start3A_359, %dma_start3A_365] : memref<4x80xi32, #tpu.memory_space<vmem>> -> memref<1x80xi32, #tpu.memory_space<vmem>>
          %dma_start3A_367 = tpu.memref_squeeze %dma_start3A_366 : memref<1x80xi32, #tpu.memory_space<vmem>> -> memref<80xi32, #tpu.memory_space<vmem>>
          %dma_start3A_368 = arith.constant 0 : i32
          %dma_start3A_369 = arith.constant 0 : i32
          %dma_start3A_370 = tpu.memref_slice %arg4[%dma_start3A_368, %dma_start3A_369] : memref<10000x128xf32, #tpu.memory_space<hbm>> -> memref<10000x128xf32, #tpu.memory_space<hbm>>
          tpu.enqueue_indirect_dma source(%dma_start3A_370 : memref<10000x128xf32, #tpu.memory_space<hbm>>) target(%dma_start3A_364 : memref<80x128xf32, #tpu.memory_space<vmem>>) offsets(%dma_start3A_367 : memref<80xi32, #tpu.memory_space<vmem>>) semaphore(%arg11 : memref<!tpu.dma_semaphore, #tpu.memory_space<semaphore_mem>>)
        } else {
        }
        %add3A_330 = arith.constant 4 : i32
        %add3A_331 = arith.addi %add3A_235, %add3A_330 : i32
        %lt3A_332 = arith.constant 125 : i32
        %lt3A_333 = arith.cmpi slt, %add3A_331, %lt3A_332 : i32
        %convert_element_type3A_334 = arith.extui %lt3A_333 : i1 to i32
        %cond3A_335 = arith.constant 0 : i32
        %cond3A_336 = arith.cmpi ne, %convert_element_type3A_334, %cond3A_335 : i32
        scf.if %cond3A_336 {
          %add3A_337 = arith.constant 4 : i32
          %add3A_338 = arith.addi %add3A_235, %add3A_337 : i32
          %mul3A_339 = arith.constant 80 : i32
          %mul3A_340 = arith.muli %add3A_338, %mul3A_339 : i32
          %add3A_341 = arith.addi %mul3A_18, %mul3A_340 : i32
          %dma_start3A_342 = arith.constant 1 : i32
          %dma_start3A_343 = arith.constant 0 : i32
          %dma_start3A_344 = tpu.memref_slice %arg6[%dma_start3A_342, %dma_start3A_343] : memref<4x80xi32, #tpu.memory_space<vmem>> -> memref<1x80xi32, #tpu.memory_space<vmem>>
          %dma_start3A_345 = tpu.memref_squeeze %dma_start3A_344 : memref<1x80xi32, #tpu.memory_space<vmem>> -> memref<80xi32, #tpu.memory_space<vmem>>
          %dma_start3A_346 = tpu.memref_slice %arg2[%add3A_341] : memref<320000xi32, #tpu.memory_space<hbm>> -> memref<80xi32, #tpu.memory_space<hbm>>
          %dma_start3A_347 = arith.constant 0 : i32
          %dma_start3A_348 = tpu.memref_slice %arg6[%dma_start3A_342, %dma_start3A_347] : memref<4x80xi32, #tpu.memory_space<vmem>> -> memref<1x80xi32, #tpu.memory_space<vmem>>
          %dma_start3A_349 = tpu.memref_squeeze %dma_start3A_348 : memref<1x80xi32, #tpu.memory_space<vmem>> -> memref<80xi32, #tpu.memory_space<vmem>>
          %dma_start3A_350 = tpu.memref_slice %arg2[%add3A_341] : memref<320000xi32, #tpu.memory_space<hbm>> -> memref<80xi32, #tpu.memory_space<hbm>>
          tpu.enqueue_dma source(%dma_start3A_350 : memref<80xi32, #tpu.memory_space<hbm>>) target(%dma_start3A_349 : memref<80xi32, #tpu.memory_space<vmem>>) target_semaphore(%arg16 : memref<!tpu.dma_semaphore, #tpu.memory_space<semaphore_mem>>)
          %dma_start3A_351 = arith.constant 5 : i32
          %dma_start3A_352 = arith.constant 0 : i32
          %dma_start3A_353 = tpu.memref_slice %arg7[%dma_start3A_351, %dma_start3A_352] : memref<8x80xi32, #tpu.memory_space<vmem>> -> memref<1x80xi32, #tpu.memory_space<vmem>>
          %dma_start3A_354 = tpu.memref_squeeze %dma_start3A_353 : memref<1x80xi32, #tpu.memory_space<vmem>> -> memref<80xi32, #tpu.memory_space<vmem>>
          %dma_start3A_355 = tpu.memref_slice %arg3[%add3A_341] : memref<320000xi32, #tpu.memory_space<hbm>> -> memref<80xi32, #tpu.memory_space<hbm>>
          %dma_start3A_356 = arith.constant 0 : i32
          %dma_start3A_357 = tpu.memref_slice %arg7[%dma_start3A_351, %dma_start3A_356] : memref<8x80xi32, #tpu.memory_space<vmem>> -> memref<1x80xi32, #tpu.memory_space<vmem>>
          %dma_start3A_358 = tpu.memref_squeeze %dma_start3A_357 : memref<1x80xi32, #tpu.memory_space<vmem>> -> memref<80xi32, #tpu.memory_space<vmem>>
          %dma_start3A_359 = tpu.memref_slice %arg3[%add3A_341] : memref<320000xi32, #tpu.memory_space<hbm>> -> memref<80xi32, #tpu.memory_space<hbm>>
          tpu.enqueue_dma source(%dma_start3A_359 : memref<80xi32, #tpu.memory_space<hbm>>) target(%dma_start3A_358 : memref<80xi32, #tpu.memory_space<vmem>>) target_semaphore(%arg16 : memref<!tpu.dma_semaphore, #tpu.memory_space<semaphore_mem>>)
        } else {
        }
      } else {
      }
      %mul3A_241 = arith.constant 8 : i32
      %mul3A_242 = arith.muli %mul3A_241, %scan3A_223 : i32
      %add3A_243 = arith.constant 2 : i32
      %add3A_244 = arith.addi %mul3A_242, %add3A_243 : i32
      %lt3A_245 = arith.constant 125 : i32
      %lt3A_246 = arith.cmpi slt, %add3A_244, %lt3A_245 : i32
      %convert_element_type3A_247 = arith.extui %lt3A_246 : i1 to i32
      %cond3A_248 = arith.constant 0 : i32
      %cond3A_249 = arith.cmpi ne, %convert_element_type3A_247, %cond3A_248 : i32
      scf.if %cond3A_249 {
        %dma_wait3A_295 = arith.constant 2 : i32
        %dma_wait3A_296 = arith.constant 2 : i32
        %dma_wait3A_297 = arith.constant 0 : i32
        %dma_wait3A_298 = arith.constant 0 : i32
        %dma_wait3A_299 = tpu.memref_slice %arg8[%dma_wait3A_296, %dma_wait3A_297, %dma_wait3A_298] : memref<4x80x128xf32, #tpu.memory_space<vmem>> -> memref<1x80x128xf32, #tpu.memory_space<vmem>>
        %dma_wait3A_300 = tpu.memref_squeeze %dma_wait3A_299 : memref<1x80x128xf32, #tpu.memory_space<vmem>> -> memref<80x128xf32, #tpu.memory_space<vmem>>
        %dma_wait3A_301 = arith.constant 0 : i32
        %dma_wait3A_302 = tpu.memref_slice %arg6[%dma_wait3A_295, %dma_wait3A_301] : memref<4x80xi32, #tpu.memory_space<vmem>> -> memref<1x80xi32, #tpu.memory_space<vmem>>
        %dma_wait3A_303 = tpu.memref_squeeze %dma_wait3A_302 : memref<1x80xi32, #tpu.memory_space<vmem>> -> memref<80xi32, #tpu.memory_space<vmem>>
        %dma_wait3A_304 = arith.constant 0 : i32
        %dma_wait3A_305 = arith.constant 0 : i32
        %dma_wait3A_306 = tpu.memref_slice %arg4[%dma_wait3A_304, %dma_wait3A_305] : memref<10000x128xf32, #tpu.memory_space<hbm>> -> memref<10000x128xf32, #tpu.memory_space<hbm>>
        tpu.wait_indirect_dma semaphore(%arg13 : memref<!tpu.dma_semaphore, #tpu.memory_space<semaphore_mem>>) src(%dma_wait3A_306 : memref<10000x128xf32, #tpu.memory_space<hbm>>) dst(%dma_wait3A_300 : memref<80x128xf32, #tpu.memory_space<vmem>>)
        %ge3A = arith.constant 1 : i32
        %ge3A_307 = arith.cmpi sge, %add3A_244, %ge3A : i32
        %convert_element_type3A_308 = arith.extui %ge3A_307 : i1 to i32
        %cond3A_309 = arith.constant 0 : i32
        %cond3A_310 = arith.cmpi ne, %convert_element_type3A_308, %cond3A_309 : i32
        scf.if %cond3A_310 {
          %dma_wait3A_337 = arith.constant 1 : i32
          %dma_wait3A_338 = arith.constant 1 : i32
          %dma_wait3A_339 = arith.constant 0 : i32
          %dma_wait3A_340 = arith.constant 0 : i32
          %dma_wait3A_341 = tpu.memref_slice %arg8[%dma_wait3A_337, %dma_wait3A_339, %dma_wait3A_340] : memref<4x80x128xf32, #tpu.memory_space<vmem>> -> memref<1x80x128xf32, #tpu.memory_space<vmem>>
          %dma_wait3A_342 = tpu.memref_squeeze %dma_wait3A_341 : memref<1x80x128xf32, #tpu.memory_space<vmem>> -> memref<80x128xf32, #tpu.memory_space<vmem>>
          %dma_wait3A_343 = arith.constant 0 : i32
          %dma_wait3A_344 = tpu.memref_slice %arg7[%dma_wait3A_338, %dma_wait3A_343] : memref<8x80xi32, #tpu.memory_space<vmem>> -> memref<1x80xi32, #tpu.memory_space<vmem>>
          %dma_wait3A_345 = tpu.memref_squeeze %dma_wait3A_344 : memref<1x80xi32, #tpu.memory_space<vmem>> -> memref<80xi32, #tpu.memory_space<vmem>>
          %dma_wait3A_346 = arith.constant 0 : i32
          %dma_wait3A_347 = arith.constant 0 : i32
          %dma_wait3A_348 = tpu.memref_slice %arg10[%dma_wait3A_346, %dma_wait3A_347] : memref<10000x128xf32, #tpu.memory_space<vmem_shared>> -> memref<10000x128xf32, #tpu.memory_space<vmem_shared>>
          tpu.wait_indirect_dma semaphore(%arg20 : memref<!tpu.dma_semaphore, #tpu.memory_space<semaphore_mem>>) src(%dma_wait3A_342 : memref<80x128xf32, #tpu.memory_space<vmem>>) dst(%dma_wait3A_348 : memref<10000x128xf32, #tpu.memory_space<vmem_shared>>)
        } else {
        }
        %dma_start3A_311 = arith.constant 2 : i32
        %dma_start3A_312 = arith.constant 2 : i32
        %dma_start3A_313 = arith.constant 0 : i32
        %dma_start3A_314 = arith.constant 0 : i32
        %dma_start3A_315 = tpu.memref_slice %arg8[%dma_start3A_311, %dma_start3A_313, %dma_start3A_314] : memref<4x80x128xf32, #tpu.memory_space<vmem>> -> memref<1x80x128xf32, #tpu.memory_space<vmem>>
        %dma_start3A_316 = tpu.memref_squeeze %dma_start3A_315 : memref<1x80x128xf32, #tpu.memory_space<vmem>> -> memref<80x128xf32, #tpu.memory_space<vmem>>
        %dma_start3A_317 = arith.constant 0 : i32
        %dma_start3A_318 = tpu.memref_slice %arg7[%dma_start3A_312, %dma_start3A_317] : memref<8x80xi32, #tpu.memory_space<vmem>> -> memref<1x80xi32, #tpu.memory_space<vmem>>
        %dma_start3A_319 = tpu.memref_squeeze %dma_start3A_318 : memref<1x80xi32, #tpu.memory_space<vmem>> -> memref<80xi32, #tpu.memory_space<vmem>>
        %dma_start3A_320 = arith.constant 0 : i32
        %dma_start3A_321 = arith.constant 0 : i32
        %dma_start3A_322 = tpu.memref_slice %arg10[%dma_start3A_320, %dma_start3A_321] : memref<10000x128xf32, #tpu.memory_space<vmem_shared>> -> memref<10000x128xf32, #tpu.memory_space<vmem_shared>>
        tpu.enqueue_indirect_dma source(%dma_start3A_316 : memref<80x128xf32, #tpu.memory_space<vmem>>) target(%dma_start3A_322 : memref<10000x128xf32, #tpu.memory_space<vmem_shared>>) offsets(%dma_start3A_319 : memref<80xi32, #tpu.memory_space<vmem>>) semaphore(%arg21 : memref<!tpu.dma_semaphore, #tpu.memory_space<semaphore_mem>>) {add = true}
        %add3A_323 = arith.constant 3 : i32
        %add3A_324 = arith.addi %add3A_244, %add3A_323 : i32
        %lt3A_325 = arith.constant 125 : i32
        %lt3A_326 = arith.cmpi slt, %add3A_324, %lt3A_325 : i32
        %convert_element_type3A_327 = arith.extui %lt3A_326 : i1 to i32
        %cond3A_328 = arith.constant 0 : i32
        %cond3A_329 = arith.cmpi ne, %convert_element_type3A_327, %cond3A_328 : i32
        scf.if %cond3A_329 {
          %dma_wait3A_337 = arith.constant 1 : i32
          %dma_wait3A_338 = arith.constant 0 : i32
          %dma_wait3A_339 = tpu.memref_slice %arg6[%dma_wait3A_337, %dma_wait3A_338] : memref<4x80xi32, #tpu.memory_space<vmem>> -> memref<1x80xi32, #tpu.memory_space<vmem>>
          %dma_wait3A_340 = tpu.memref_squeeze %dma_wait3A_339 : memref<1x80xi32, #tpu.memory_space<vmem>> -> memref<80xi32, #tpu.memory_space<vmem>>
          %dma_wait3A_341 = arith.constant 0 : i32
          %dma_wait3A_342 = tpu.memref_slice %arg2[%dma_wait3A_341] : memref<320000xi32, #tpu.memory_space<hbm>> -> memref<80xi32, #tpu.memory_space<hbm>>
          %dma_wait3A_343 = arith.constant 0 : i32
          %dma_wait3A_344 = tpu.memref_slice %arg6[%dma_wait3A_337, %dma_wait3A_343] : memref<4x80xi32, #tpu.memory_space<vmem>> -> memref<1x80xi32, #tpu.memory_space<vmem>>
          %dma_wait3A_345 = tpu.memref_squeeze %dma_wait3A_344 : memref<1x80xi32, #tpu.memory_space<vmem>> -> memref<80xi32, #tpu.memory_space<vmem>>
          %dma_wait3A_346 = arith.constant 0 : i32
          %dma_wait3A_347 = tpu.memref_slice %arg2[%dma_wait3A_346] : memref<320000xi32, #tpu.memory_space<hbm>> -> memref<80xi32, #tpu.memory_space<hbm>>
          tpu.wait_dma2 semaphore(%arg16 : memref<!tpu.dma_semaphore, #tpu.memory_space<semaphore_mem>>) src(%dma_wait3A_347 : memref<80xi32, #tpu.memory_space<hbm>>) dst(%dma_wait3A_345 : memref<80xi32, #tpu.memory_space<vmem>>)
          %dma_wait3A_348 = arith.constant 5 : i32
          %dma_wait3A_349 = arith.constant 0 : i32
          %dma_wait3A_350 = tpu.memref_slice %arg7[%dma_wait3A_348, %dma_wait3A_349] : memref<8x80xi32, #tpu.memory_space<vmem>> -> memref<1x80xi32, #tpu.memory_space<vmem>>
          %dma_wait3A_351 = tpu.memref_squeeze %dma_wait3A_350 : memref<1x80xi32, #tpu.memory_space<vmem>> -> memref<80xi32, #tpu.memory_space<vmem>>
          %dma_wait3A_352 = arith.constant 0 : i32
          %dma_wait3A_353 = tpu.memref_slice %arg3[%dma_wait3A_352] : memref<320000xi32, #tpu.memory_space<hbm>> -> memref<80xi32, #tpu.memory_space<hbm>>
          %dma_wait3A_354 = arith.constant 0 : i32
          %dma_wait3A_355 = tpu.memref_slice %arg7[%dma_wait3A_348, %dma_wait3A_354] : memref<8x80xi32, #tpu.memory_space<vmem>> -> memref<1x80xi32, #tpu.memory_space<vmem>>
          %dma_wait3A_356 = tpu.memref_squeeze %dma_wait3A_355 : memref<1x80xi32, #tpu.memory_space<vmem>> -> memref<80xi32, #tpu.memory_space<vmem>>
          %dma_wait3A_357 = arith.constant 0 : i32
          %dma_wait3A_358 = tpu.memref_slice %arg3[%dma_wait3A_357] : memref<320000xi32, #tpu.memory_space<hbm>> -> memref<80xi32, #tpu.memory_space<hbm>>
          tpu.wait_dma2 semaphore(%arg16 : memref<!tpu.dma_semaphore, #tpu.memory_space<semaphore_mem>>) src(%dma_wait3A_358 : memref<80xi32, #tpu.memory_space<hbm>>) dst(%dma_wait3A_356 : memref<80xi32, #tpu.memory_space<vmem>>)
          %dma_start3A_359 = arith.constant 1 : i32
          %dma_start3A_360 = arith.constant 1 : i32
          %dma_start3A_361 = arith.constant 0 : i32
          %dma_start3A_362 = arith.constant 0 : i32
          %dma_start3A_363 = tpu.memref_slice %arg8[%dma_start3A_360, %dma_start3A_361, %dma_start3A_362] : memref<4x80x128xf32, #tpu.memory_space<vmem>> -> memref<1x80x128xf32, #tpu.memory_space<vmem>>
          %dma_start3A_364 = tpu.memref_squeeze %dma_start3A_363 : memref<1x80x128xf32, #tpu.memory_space<vmem>> -> memref<80x128xf32, #tpu.memory_space<vmem>>
          %dma_start3A_365 = arith.constant 0 : i32
          %dma_start3A_366 = tpu.memref_slice %arg6[%dma_start3A_359, %dma_start3A_365] : memref<4x80xi32, #tpu.memory_space<vmem>> -> memref<1x80xi32, #tpu.memory_space<vmem>>
          %dma_start3A_367 = tpu.memref_squeeze %dma_start3A_366 : memref<1x80xi32, #tpu.memory_space<vmem>> -> memref<80xi32, #tpu.memory_space<vmem>>
          %dma_start3A_368 = arith.constant 0 : i32
          %dma_start3A_369 = arith.constant 0 : i32
          %dma_start3A_370 = tpu.memref_slice %arg4[%dma_start3A_368, %dma_start3A_369] : memref<10000x128xf32, #tpu.memory_space<hbm>> -> memref<10000x128xf32, #tpu.memory_space<hbm>>
          tpu.enqueue_indirect_dma source(%dma_start3A_370 : memref<10000x128xf32, #tpu.memory_space<hbm>>) target(%dma_start3A_364 : memref<80x128xf32, #tpu.memory_space<vmem>>) offsets(%dma_start3A_367 : memref<80xi32, #tpu.memory_space<vmem>>) semaphore(%arg12 : memref<!tpu.dma_semaphore, #tpu.memory_space<semaphore_mem>>)
        } else {
        }
        %add3A_330 = arith.constant 4 : i32
        %add3A_331 = arith.addi %add3A_244, %add3A_330 : i32
        %lt3A_332 = arith.constant 125 : i32
        %lt3A_333 = arith.cmpi slt, %add3A_331, %lt3A_332 : i32
        %convert_element_type3A_334 = arith.extui %lt3A_333 : i1 to i32
        %cond3A_335 = arith.constant 0 : i32
        %cond3A_336 = arith.cmpi ne, %convert_element_type3A_334, %cond3A_335 : i32
        scf.if %cond3A_336 {
          %add3A_337 = arith.constant 4 : i32
          %add3A_338 = arith.addi %add3A_244, %add3A_337 : i32
          %mul3A_339 = arith.constant 80 : i32
          %mul3A_340 = arith.muli %add3A_338, %mul3A_339 : i32
          %add3A_341 = arith.addi %mul3A_18, %mul3A_340 : i32
          %dma_start3A_342 = arith.constant 2 : i32
          %dma_start3A_343 = arith.constant 0 : i32
          %dma_start3A_344 = tpu.memref_slice %arg6[%dma_start3A_342, %dma_start3A_343] : memref<4x80xi32, #tpu.memory_space<vmem>> -> memref<1x80xi32, #tpu.memory_space<vmem>>
          %dma_start3A_345 = tpu.memref_squeeze %dma_start3A_344 : memref<1x80xi32, #tpu.memory_space<vmem>> -> memref<80xi32, #tpu.memory_space<vmem>>
          %dma_start3A_346 = tpu.memref_slice %arg2[%add3A_341] : memref<320000xi32, #tpu.memory_space<hbm>> -> memref<80xi32, #tpu.memory_space<hbm>>
          %dma_start3A_347 = arith.constant 0 : i32
          %dma_start3A_348 = tpu.memref_slice %arg6[%dma_start3A_342, %dma_start3A_347] : memref<4x80xi32, #tpu.memory_space<vmem>> -> memref<1x80xi32, #tpu.memory_space<vmem>>
          %dma_start3A_349 = tpu.memref_squeeze %dma_start3A_348 : memref<1x80xi32, #tpu.memory_space<vmem>> -> memref<80xi32, #tpu.memory_space<vmem>>
          %dma_start3A_350 = tpu.memref_slice %arg2[%add3A_341] : memref<320000xi32, #tpu.memory_space<hbm>> -> memref<80xi32, #tpu.memory_space<hbm>>
          tpu.enqueue_dma source(%dma_start3A_350 : memref<80xi32, #tpu.memory_space<hbm>>) target(%dma_start3A_349 : memref<80xi32, #tpu.memory_space<vmem>>) target_semaphore(%arg17 : memref<!tpu.dma_semaphore, #tpu.memory_space<semaphore_mem>>)
          %dma_start3A_351 = arith.constant 6 : i32
          %dma_start3A_352 = arith.constant 0 : i32
          %dma_start3A_353 = tpu.memref_slice %arg7[%dma_start3A_351, %dma_start3A_352] : memref<8x80xi32, #tpu.memory_space<vmem>> -> memref<1x80xi32, #tpu.memory_space<vmem>>
          %dma_start3A_354 = tpu.memref_squeeze %dma_start3A_353 : memref<1x80xi32, #tpu.memory_space<vmem>> -> memref<80xi32, #tpu.memory_space<vmem>>
          %dma_start3A_355 = tpu.memref_slice %arg3[%add3A_341] : memref<320000xi32, #tpu.memory_space<hbm>> -> memref<80xi32, #tpu.memory_space<hbm>>
          %dma_start3A_356 = arith.constant 0 : i32
          %dma_start3A_357 = tpu.memref_slice %arg7[%dma_start3A_351, %dma_start3A_356] : memref<8x80xi32, #tpu.memory_space<vmem>> -> memref<1x80xi32, #tpu.memory_space<vmem>>
          %dma_start3A_358 = tpu.memref_squeeze %dma_start3A_357 : memref<1x80xi32, #tpu.memory_space<vmem>> -> memref<80xi32, #tpu.memory_space<vmem>>
          %dma_start3A_359 = tpu.memref_slice %arg3[%add3A_341] : memref<320000xi32, #tpu.memory_space<hbm>> -> memref<80xi32, #tpu.memory_space<hbm>>
          tpu.enqueue_dma source(%dma_start3A_359 : memref<80xi32, #tpu.memory_space<hbm>>) target(%dma_start3A_358 : memref<80xi32, #tpu.memory_space<vmem>>) target_semaphore(%arg17 : memref<!tpu.dma_semaphore, #tpu.memory_space<semaphore_mem>>)
        } else {
        }
      } else {
      }
      %mul3A_250 = arith.constant 8 : i32
      %mul3A_251 = arith.muli %mul3A_250, %scan3A_223 : i32
      %add3A_252 = arith.constant 3 : i32
      %add3A_253 = arith.addi %mul3A_251, %add3A_252 : i32
      %lt3A_254 = arith.constant 125 : i32
      %lt3A_255 = arith.cmpi slt, %add3A_253, %lt3A_254 : i32
      %convert_element_type3A_256 = arith.extui %lt3A_255 : i1 to i32
      %cond3A_257 = arith.constant 0 : i32
      %cond3A_258 = arith.cmpi ne, %convert_element_type3A_256, %cond3A_257 : i32
      scf.if %cond3A_258 {
        %dma_wait3A_295 = arith.constant 3 : i32
        %dma_wait3A_296 = arith.constant 3 : i32
        %dma_wait3A_297 = arith.constant 0 : i32
        %dma_wait3A_298 = arith.constant 0 : i32
        %dma_wait3A_299 = tpu.memref_slice %arg8[%dma_wait3A_296, %dma_wait3A_297, %dma_wait3A_298] : memref<4x80x128xf32, #tpu.memory_space<vmem>> -> memref<1x80x128xf32, #tpu.memory_space<vmem>>
        %dma_wait3A_300 = tpu.memref_squeeze %dma_wait3A_299 : memref<1x80x128xf32, #tpu.memory_space<vmem>> -> memref<80x128xf32, #tpu.memory_space<vmem>>
        %dma_wait3A_301 = arith.constant 0 : i32
        %dma_wait3A_302 = tpu.memref_slice %arg6[%dma_wait3A_295, %dma_wait3A_301] : memref<4x80xi32, #tpu.memory_space<vmem>> -> memref<1x80xi32, #tpu.memory_space<vmem>>
        %dma_wait3A_303 = tpu.memref_squeeze %dma_wait3A_302 : memref<1x80xi32, #tpu.memory_space<vmem>> -> memref<80xi32, #tpu.memory_space<vmem>>
        %dma_wait3A_304 = arith.constant 0 : i32
        %dma_wait3A_305 = arith.constant 0 : i32
        %dma_wait3A_306 = tpu.memref_slice %arg4[%dma_wait3A_304, %dma_wait3A_305] : memref<10000x128xf32, #tpu.memory_space<hbm>> -> memref<10000x128xf32, #tpu.memory_space<hbm>>
        tpu.wait_indirect_dma semaphore(%arg14 : memref<!tpu.dma_semaphore, #tpu.memory_space<semaphore_mem>>) src(%dma_wait3A_306 : memref<10000x128xf32, #tpu.memory_space<hbm>>) dst(%dma_wait3A_300 : memref<80x128xf32, #tpu.memory_space<vmem>>)
        %ge3A = arith.constant 1 : i32
        %ge3A_307 = arith.cmpi sge, %add3A_253, %ge3A : i32
        %convert_element_type3A_308 = arith.extui %ge3A_307 : i1 to i32
        %cond3A_309 = arith.constant 0 : i32
        %cond3A_310 = arith.cmpi ne, %convert_element_type3A_308, %cond3A_309 : i32
        scf.if %cond3A_310 {
          %dma_wait3A_337 = arith.constant 2 : i32
          %dma_wait3A_338 = arith.constant 2 : i32
          %dma_wait3A_339 = arith.constant 0 : i32
          %dma_wait3A_340 = arith.constant 0 : i32
          %dma_wait3A_341 = tpu.memref_slice %arg8[%dma_wait3A_337, %dma_wait3A_339, %dma_wait3A_340] : memref<4x80x128xf32, #tpu.memory_space<vmem>> -> memref<1x80x128xf32, #tpu.memory_space<vmem>>
          %dma_wait3A_342 = tpu.memref_squeeze %dma_wait3A_341 : memref<1x80x128xf32, #tpu.memory_space<vmem>> -> memref<80x128xf32, #tpu.memory_space<vmem>>
          %dma_wait3A_343 = arith.constant 0 : i32
          %dma_wait3A_344 = tpu.memref_slice %arg7[%dma_wait3A_338, %dma_wait3A_343] : memref<8x80xi32, #tpu.memory_space<vmem>> -> memref<1x80xi32, #tpu.memory_space<vmem>>
          %dma_wait3A_345 = tpu.memref_squeeze %dma_wait3A_344 : memref<1x80xi32, #tpu.memory_space<vmem>> -> memref<80xi32, #tpu.memory_space<vmem>>
          %dma_wait3A_346 = arith.constant 0 : i32
          %dma_wait3A_347 = arith.constant 0 : i32
          %dma_wait3A_348 = tpu.memref_slice %arg10[%dma_wait3A_346, %dma_wait3A_347] : memref<10000x128xf32, #tpu.memory_space<vmem_shared>> -> memref<10000x128xf32, #tpu.memory_space<vmem_shared>>
          tpu.wait_indirect_dma semaphore(%arg21 : memref<!tpu.dma_semaphore, #tpu.memory_space<semaphore_mem>>) src(%dma_wait3A_342 : memref<80x128xf32, #tpu.memory_space<vmem>>) dst(%dma_wait3A_348 : memref<10000x128xf32, #tpu.memory_space<vmem_shared>>)
        } else {
        }
        %dma_start3A_311 = arith.constant 3 : i32
        %dma_start3A_312 = arith.constant 3 : i32
        %dma_start3A_313 = arith.constant 0 : i32
        %dma_start3A_314 = arith.constant 0 : i32
        %dma_start3A_315 = tpu.memref_slice %arg8[%dma_start3A_311, %dma_start3A_313, %dma_start3A_314] : memref<4x80x128xf32, #tpu.memory_space<vmem>> -> memref<1x80x128xf32, #tpu.memory_space<vmem>>
        %dma_start3A_316 = tpu.memref_squeeze %dma_start3A_315 : memref<1x80x128xf32, #tpu.memory_space<vmem>> -> memref<80x128xf32, #tpu.memory_space<vmem>>
        %dma_start3A_317 = arith.constant 0 : i32
        %dma_start3A_318 = tpu.memref_slice %arg7[%dma_start3A_312, %dma_start3A_317] : memref<8x80xi32, #tpu.memory_space<vmem>> -> memref<1x80xi32, #tpu.memory_space<vmem>>
        %dma_start3A_319 = tpu.memref_squeeze %dma_start3A_318 : memref<1x80xi32, #tpu.memory_space<vmem>> -> memref<80xi32, #tpu.memory_space<vmem>>
        %dma_start3A_320 = arith.constant 0 : i32
        %dma_start3A_321 = arith.constant 0 : i32
        %dma_start3A_322 = tpu.memref_slice %arg10[%dma_start3A_320, %dma_start3A_321] : memref<10000x128xf32, #tpu.memory_space<vmem_shared>> -> memref<10000x128xf32, #tpu.memory_space<vmem_shared>>
        tpu.enqueue_indirect_dma source(%dma_start3A_316 : memref<80x128xf32, #tpu.memory_space<vmem>>) target(%dma_start3A_322 : memref<10000x128xf32, #tpu.memory_space<vmem_shared>>) offsets(%dma_start3A_319 : memref<80xi32, #tpu.memory_space<vmem>>) semaphore(%arg22 : memref<!tpu.dma_semaphore, #tpu.memory_space<semaphore_mem>>) {add = true}
        %add3A_323 = arith.constant 3 : i32
        %add3A_324 = arith.addi %add3A_253, %add3A_323 : i32
        %lt3A_325 = arith.constant 125 : i32
        %lt3A_326 = arith.cmpi slt, %add3A_324, %lt3A_325 : i32
        %convert_element_type3A_327 = arith.extui %lt3A_326 : i1 to i32
        %cond3A_328 = arith.constant 0 : i32
        %cond3A_329 = arith.cmpi ne, %convert_element_type3A_327, %cond3A_328 : i32
        scf.if %cond3A_329 {
          %dma_wait3A_337 = arith.constant 2 : i32
          %dma_wait3A_338 = arith.constant 0 : i32
          %dma_wait3A_339 = tpu.memref_slice %arg6[%dma_wait3A_337, %dma_wait3A_338] : memref<4x80xi32, #tpu.memory_space<vmem>> -> memref<1x80xi32, #tpu.memory_space<vmem>>
          %dma_wait3A_340 = tpu.memref_squeeze %dma_wait3A_339 : memref<1x80xi32, #tpu.memory_space<vmem>> -> memref<80xi32, #tpu.memory_space<vmem>>
          %dma_wait3A_341 = arith.constant 0 : i32
          %dma_wait3A_342 = tpu.memref_slice %arg2[%dma_wait3A_341] : memref<320000xi32, #tpu.memory_space<hbm>> -> memref<80xi32, #tpu.memory_space<hbm>>
          %dma_wait3A_343 = arith.constant 0 : i32
          %dma_wait3A_344 = tpu.memref_slice %arg6[%dma_wait3A_337, %dma_wait3A_343] : memref<4x80xi32, #tpu.memory_space<vmem>> -> memref<1x80xi32, #tpu.memory_space<vmem>>
          %dma_wait3A_345 = tpu.memref_squeeze %dma_wait3A_344 : memref<1x80xi32, #tpu.memory_space<vmem>> -> memref<80xi32, #tpu.memory_space<vmem>>
          %dma_wait3A_346 = arith.constant 0 : i32
          %dma_wait3A_347 = tpu.memref_slice %arg2[%dma_wait3A_346] : memref<320000xi32, #tpu.memory_space<hbm>> -> memref<80xi32, #tpu.memory_space<hbm>>
          tpu.wait_dma2 semaphore(%arg17 : memref<!tpu.dma_semaphore, #tpu.memory_space<semaphore_mem>>) src(%dma_wait3A_347 : memref<80xi32, #tpu.memory_space<hbm>>) dst(%dma_wait3A_345 : memref<80xi32, #tpu.memory_space<vmem>>)
          %dma_wait3A_348 = arith.constant 6 : i32
          %dma_wait3A_349 = arith.constant 0 : i32
          %dma_wait3A_350 = tpu.memref_slice %arg7[%dma_wait3A_348, %dma_wait3A_349] : memref<8x80xi32, #tpu.memory_space<vmem>> -> memref<1x80xi32, #tpu.memory_space<vmem>>
          %dma_wait3A_351 = tpu.memref_squeeze %dma_wait3A_350 : memref<1x80xi32, #tpu.memory_space<vmem>> -> memref<80xi32, #tpu.memory_space<vmem>>
          %dma_wait3A_352 = arith.constant 0 : i32
          %dma_wait3A_353 = tpu.memref_slice %arg3[%dma_wait3A_352] : memref<320000xi32, #tpu.memory_space<hbm>> -> memref<80xi32, #tpu.memory_space<hbm>>
          %dma_wait3A_354 = arith.constant 0 : i32
          %dma_wait3A_355 = tpu.memref_slice %arg7[%dma_wait3A_348, %dma_wait3A_354] : memref<8x80xi32, #tpu.memory_space<vmem>> -> memref<1x80xi32, #tpu.memory_space<vmem>>
          %dma_wait3A_356 = tpu.memref_squeeze %dma_wait3A_355 : memref<1x80xi32, #tpu.memory_space<vmem>> -> memref<80xi32, #tpu.memory_space<vmem>>
          %dma_wait3A_357 = arith.constant 0 : i32
          %dma_wait3A_358 = tpu.memref_slice %arg3[%dma_wait3A_357] : memref<320000xi32, #tpu.memory_space<hbm>> -> memref<80xi32, #tpu.memory_space<hbm>>
          tpu.wait_dma2 semaphore(%arg17 : memref<!tpu.dma_semaphore, #tpu.memory_space<semaphore_mem>>) src(%dma_wait3A_358 : memref<80xi32, #tpu.memory_space<hbm>>) dst(%dma_wait3A_356 : memref<80xi32, #tpu.memory_space<vmem>>)
          %dma_start3A_359 = arith.constant 2 : i32
          %dma_start3A_360 = arith.constant 2 : i32
          %dma_start3A_361 = arith.constant 0 : i32
          %dma_start3A_362 = arith.constant 0 : i32
          %dma_start3A_363 = tpu.memref_slice %arg8[%dma_start3A_360, %dma_start3A_361, %dma_start3A_362] : memref<4x80x128xf32, #tpu.memory_space<vmem>> -> memref<1x80x128xf32, #tpu.memory_space<vmem>>
          %dma_start3A_364 = tpu.memref_squeeze %dma_start3A_363 : memref<1x80x128xf32, #tpu.memory_space<vmem>> -> memref<80x128xf32, #tpu.memory_space<vmem>>
          %dma_start3A_365 = arith.constant 0 : i32
          %dma_start3A_366 = tpu.memref_slice %arg6[%dma_start3A_359, %dma_start3A_365] : memref<4x80xi32, #tpu.memory_space<vmem>> -> memref<1x80xi32, #tpu.memory_space<vmem>>
          %dma_start3A_367 = tpu.memref_squeeze %dma_start3A_366 : memref<1x80xi32, #tpu.memory_space<vmem>> -> memref<80xi32, #tpu.memory_space<vmem>>
          %dma_start3A_368 = arith.constant 0 : i32
          %dma_start3A_369 = arith.constant 0 : i32
          %dma_start3A_370 = tpu.memref_slice %arg4[%dma_start3A_368, %dma_start3A_369] : memref<10000x128xf32, #tpu.memory_space<hbm>> -> memref<10000x128xf32, #tpu.memory_space<hbm>>
          tpu.enqueue_indirect_dma source(%dma_start3A_370 : memref<10000x128xf32, #tpu.memory_space<hbm>>) target(%dma_start3A_364 : memref<80x128xf32, #tpu.memory_space<vmem>>) offsets(%dma_start3A_367 : memref<80xi32, #tpu.memory_space<vmem>>) semaphore(%arg13 : memref<!tpu.dma_semaphore, #tpu.memory_space<semaphore_mem>>)
        } else {
        }
        %add3A_330 = arith.constant 4 : i32
        %add3A_331 = arith.addi %add3A_253, %add3A_330 : i32
        %lt3A_332 = arith.constant 125 : i32
        %lt3A_333 = arith.cmpi slt, %add3A_331, %lt3A_332 : i32
        %convert_element_type3A_334 = arith.extui %lt3A_333 : i1 to i32
        %cond3A_335 = arith.constant 0 : i32
        %cond3A_336 = arith.cmpi ne, %convert_element_type3A_334, %cond3A_335 : i32
        scf.if %cond3A_336 {
          %add3A_337 = arith.constant 4 : i32
          %add3A_338 = arith.addi %add3A_253, %add3A_337 : i32
          %mul3A_339 = arith.constant 80 : i32
          %mul3A_340 = arith.muli %add3A_338, %mul3A_339 : i32
          %add3A_341 = arith.addi %mul3A_18, %mul3A_340 : i32
          %dma_start3A_342 = arith.constant 3 : i32
          %dma_start3A_343 = arith.constant 0 : i32
          %dma_start3A_344 = tpu.memref_slice %arg6[%dma_start3A_342, %dma_start3A_343] : memref<4x80xi32, #tpu.memory_space<vmem>> -> memref<1x80xi32, #tpu.memory_space<vmem>>
          %dma_start3A_345 = tpu.memref_squeeze %dma_start3A_344 : memref<1x80xi32, #tpu.memory_space<vmem>> -> memref<80xi32, #tpu.memory_space<vmem>>
          %dma_start3A_346 = tpu.memref_slice %arg2[%add3A_341] : memref<320000xi32, #tpu.memory_space<hbm>> -> memref<80xi32, #tpu.memory_space<hbm>>
          %dma_start3A_347 = arith.constant 0 : i32
          %dma_start3A_348 = tpu.memref_slice %arg6[%dma_start3A_342, %dma_start3A_347] : memref<4x80xi32, #tpu.memory_space<vmem>> -> memref<1x80xi32, #tpu.memory_space<vmem>>
          %dma_start3A_349 = tpu.memref_squeeze %dma_start3A_348 : memref<1x80xi32, #tpu.memory_space<vmem>> -> memref<80xi32, #tpu.memory_space<vmem>>
          %dma_start3A_350 = tpu.memref_slice %arg2[%add3A_341] : memref<320000xi32, #tpu.memory_space<hbm>> -> memref<80xi32, #tpu.memory_space<hbm>>
          tpu.enqueue_dma source(%dma_start3A_350 : memref<80xi32, #tpu.memory_space<hbm>>) target(%dma_start3A_349 : memref<80xi32, #tpu.memory_space<vmem>>) target_semaphore(%arg18 : memref<!tpu.dma_semaphore, #tpu.memory_space<semaphore_mem>>)
          %dma_start3A_351 = arith.constant 7 : i32
          %dma_start3A_352 = arith.constant 0 : i32
          %dma_start3A_353 = tpu.memref_slice %arg7[%dma_start3A_351, %dma_start3A_352] : memref<8x80xi32, #tpu.memory_space<vmem>> -> memref<1x80xi32, #tpu.memory_space<vmem>>
          %dma_start3A_354 = tpu.memref_squeeze %dma_start3A_353 : memref<1x80xi32, #tpu.memory_space<vmem>> -> memref<80xi32, #tpu.memory_space<vmem>>
          %dma_start3A_355 = tpu.memref_slice %arg3[%add3A_341] : memref<320000xi32, #tpu.memory_space<hbm>> -> memref<80xi32, #tpu.memory_space<hbm>>
          %dma_start3A_356 = arith.constant 0 : i32
          %dma_start3A_357 = tpu.memref_slice %arg7[%dma_start3A_351, %dma_start3A_356] : memref<8x80xi32, #tpu.memory_space<vmem>> -> memref<1x80xi32, #tpu.memory_space<vmem>>
          %dma_start3A_358 = tpu.memref_squeeze %dma_start3A_357 : memref<1x80xi32, #tpu.memory_space<vmem>> -> memref<80xi32, #tpu.memory_space<vmem>>
          %dma_start3A_359 = tpu.memref_slice %arg3[%add3A_341] : memref<320000xi32, #tpu.memory_space<hbm>> -> memref<80xi32, #tpu.memory_space<hbm>>
          tpu.enqueue_dma source(%dma_start3A_359 : memref<80xi32, #tpu.memory_space<hbm>>) target(%dma_start3A_358 : memref<80xi32, #tpu.memory_space<vmem>>) target_semaphore(%arg18 : memref<!tpu.dma_semaphore, #tpu.memory_space<semaphore_mem>>)
        } else {
        }
      } else {
      }
      %mul3A_259 = arith.constant 8 : i32
      %mul3A_260 = arith.muli %mul3A_259, %scan3A_223 : i32
      %add3A_261 = arith.constant 4 : i32
      %add3A_262 = arith.addi %mul3A_260, %add3A_261 : i32
      %lt3A_263 = arith.constant 125 : i32
      %lt3A_264 = arith.cmpi slt, %add3A_262, %lt3A_263 : i32
      %convert_element_type3A_265 = arith.extui %lt3A_264 : i1 to i32
      %cond3A_266 = arith.constant 0 : i32
      %cond3A_267 = arith.cmpi ne, %convert_element_type3A_265, %cond3A_266 : i32
      scf.if %cond3A_267 {
        %dma_wait3A_295 = arith.constant 0 : i32
        %dma_wait3A_296 = arith.constant 0 : i32
        %dma_wait3A_297 = arith.constant 0 : i32
        %dma_wait3A_298 = arith.constant 0 : i32
        %dma_wait3A_299 = tpu.memref_slice %arg8[%dma_wait3A_296, %dma_wait3A_297, %dma_wait3A_298] : memref<4x80x128xf32, #tpu.memory_space<vmem>> -> memref<1x80x128xf32, #tpu.memory_space<vmem>>
        %dma_wait3A_300 = tpu.memref_squeeze %dma_wait3A_299 : memref<1x80x128xf32, #tpu.memory_space<vmem>> -> memref<80x128xf32, #tpu.memory_space<vmem>>
        %dma_wait3A_301 = arith.constant 0 : i32
        %dma_wait3A_302 = tpu.memref_slice %arg6[%dma_wait3A_295, %dma_wait3A_301] : memref<4x80xi32, #tpu.memory_space<vmem>> -> memref<1x80xi32, #tpu.memory_space<vmem>>
        %dma_wait3A_303 = tpu.memref_squeeze %dma_wait3A_302 : memref<1x80xi32, #tpu.memory_space<vmem>> -> memref<80xi32, #tpu.memory_space<vmem>>
        %dma_wait3A_304 = arith.constant 0 : i32
        %dma_wait3A_305 = arith.constant 0 : i32
        %dma_wait3A_306 = tpu.memref_slice %arg4[%dma_wait3A_304, %dma_wait3A_305] : memref<10000x128xf32, #tpu.memory_space<hbm>> -> memref<10000x128xf32, #tpu.memory_space<hbm>>
        tpu.wait_indirect_dma semaphore(%arg11 : memref<!tpu.dma_semaphore, #tpu.memory_space<semaphore_mem>>) src(%dma_wait3A_306 : memref<10000x128xf32, #tpu.memory_space<hbm>>) dst(%dma_wait3A_300 : memref<80x128xf32, #tpu.memory_space<vmem>>)
        %ge3A = arith.constant 1 : i32
        %ge3A_307 = arith.cmpi sge, %add3A_262, %ge3A : i32
        %convert_element_type3A_308 = arith.extui %ge3A_307 : i1 to i32
        %cond3A_309 = arith.constant 0 : i32
        %cond3A_310 = arith.cmpi ne, %convert_element_type3A_308, %cond3A_309 : i32
        scf.if %cond3A_310 {
          %dma_wait3A_337 = arith.constant 3 : i32
          %dma_wait3A_338 = arith.constant 3 : i32
          %dma_wait3A_339 = arith.constant 0 : i32
          %dma_wait3A_340 = arith.constant 0 : i32
          %dma_wait3A_341 = tpu.memref_slice %arg8[%dma_wait3A_337, %dma_wait3A_339, %dma_wait3A_340] : memref<4x80x128xf32, #tpu.memory_space<vmem>> -> memref<1x80x128xf32, #tpu.memory_space<vmem>>
          %dma_wait3A_342 = tpu.memref_squeeze %dma_wait3A_341 : memref<1x80x128xf32, #tpu.memory_space<vmem>> -> memref<80x128xf32, #tpu.memory_space<vmem>>
          %dma_wait3A_343 = arith.constant 0 : i32
          %dma_wait3A_344 = tpu.memref_slice %arg7[%dma_wait3A_338, %dma_wait3A_343] : memref<8x80xi32, #tpu.memory_space<vmem>> -> memref<1x80xi32, #tpu.memory_space<vmem>>
          %dma_wait3A_345 = tpu.memref_squeeze %dma_wait3A_344 : memref<1x80xi32, #tpu.memory_space<vmem>> -> memref<80xi32, #tpu.memory_space<vmem>>
          %dma_wait3A_346 = arith.constant 0 : i32
          %dma_wait3A_347 = arith.constant 0 : i32
          %dma_wait3A_348 = tpu.memref_slice %arg10[%dma_wait3A_346, %dma_wait3A_347] : memref<10000x128xf32, #tpu.memory_space<vmem_shared>> -> memref<10000x128xf32, #tpu.memory_space<vmem_shared>>
          tpu.wait_indirect_dma semaphore(%arg22 : memref<!tpu.dma_semaphore, #tpu.memory_space<semaphore_mem>>) src(%dma_wait3A_342 : memref<80x128xf32, #tpu.memory_space<vmem>>) dst(%dma_wait3A_348 : memref<10000x128xf32, #tpu.memory_space<vmem_shared>>)
        } else {
        }
        %dma_start3A_311 = arith.constant 0 : i32
        %dma_start3A_312 = arith.constant 4 : i32
        %dma_start3A_313 = arith.constant 0 : i32
        %dma_start3A_314 = arith.constant 0 : i32
        %dma_start3A_315 = tpu.memref_slice %arg8[%dma_start3A_311, %dma_start3A_313, %dma_start3A_314] : memref<4x80x128xf32, #tpu.memory_space<vmem>> -> memref<1x80x128xf32, #tpu.memory_space<vmem>>
        %dma_start3A_316 = tpu.memref_squeeze %dma_start3A_315 : memref<1x80x128xf32, #tpu.memory_space<vmem>> -> memref<80x128xf32, #tpu.memory_space<vmem>>
        %dma_start3A_317 = arith.constant 0 : i32
        %dma_start3A_318 = tpu.memref_slice %arg7[%dma_start3A_312, %dma_start3A_317] : memref<8x80xi32, #tpu.memory_space<vmem>> -> memref<1x80xi32, #tpu.memory_space<vmem>>
        %dma_start3A_319 = tpu.memref_squeeze %dma_start3A_318 : memref<1x80xi32, #tpu.memory_space<vmem>> -> memref<80xi32, #tpu.memory_space<vmem>>
        %dma_start3A_320 = arith.constant 0 : i32
        %dma_start3A_321 = arith.constant 0 : i32
        %dma_start3A_322 = tpu.memref_slice %arg10[%dma_start3A_320, %dma_start3A_321] : memref<10000x128xf32, #tpu.memory_space<vmem_shared>> -> memref<10000x128xf32, #tpu.memory_space<vmem_shared>>
        tpu.enqueue_indirect_dma source(%dma_start3A_316 : memref<80x128xf32, #tpu.memory_space<vmem>>) target(%dma_start3A_322 : memref<10000x128xf32, #tpu.memory_space<vmem_shared>>) offsets(%dma_start3A_319 : memref<80xi32, #tpu.memory_space<vmem>>) semaphore(%arg19 : memref<!tpu.dma_semaphore, #tpu.memory_space<semaphore_mem>>) {add = true}
        %add3A_323 = arith.constant 3 : i32
        %add3A_324 = arith.addi %add3A_262, %add3A_323 : i32
        %lt3A_325 = arith.constant 125 : i32
        %lt3A_326 = arith.cmpi slt, %add3A_324, %lt3A_325 : i32
        %convert_element_type3A_327 = arith.extui %lt3A_326 : i1 to i32
        %cond3A_328 = arith.constant 0 : i32
        %cond3A_329 = arith.cmpi ne, %convert_element_type3A_327, %cond3A_328 : i32
        scf.if %cond3A_329 {
          %dma_wait3A_337 = arith.constant 3 : i32
          %dma_wait3A_338 = arith.constant 0 : i32
          %dma_wait3A_339 = tpu.memref_slice %arg6[%dma_wait3A_337, %dma_wait3A_338] : memref<4x80xi32, #tpu.memory_space<vmem>> -> memref<1x80xi32, #tpu.memory_space<vmem>>
          %dma_wait3A_340 = tpu.memref_squeeze %dma_wait3A_339 : memref<1x80xi32, #tpu.memory_space<vmem>> -> memref<80xi32, #tpu.memory_space<vmem>>
          %dma_wait3A_341 = arith.constant 0 : i32
          %dma_wait3A_342 = tpu.memref_slice %arg2[%dma_wait3A_341] : memref<320000xi32, #tpu.memory_space<hbm>> -> memref<80xi32, #tpu.memory_space<hbm>>
          %dma_wait3A_343 = arith.constant 0 : i32
          %dma_wait3A_344 = tpu.memref_slice %arg6[%dma_wait3A_337, %dma_wait3A_343] : memref<4x80xi32, #tpu.memory_space<vmem>> -> memref<1x80xi32, #tpu.memory_space<vmem>>
          %dma_wait3A_345 = tpu.memref_squeeze %dma_wait3A_344 : memref<1x80xi32, #tpu.memory_space<vmem>> -> memref<80xi32, #tpu.memory_space<vmem>>
          %dma_wait3A_346 = arith.constant 0 : i32
          %dma_wait3A_347 = tpu.memref_slice %arg2[%dma_wait3A_346] : memref<320000xi32, #tpu.memory_space<hbm>> -> memref<80xi32, #tpu.memory_space<hbm>>
          tpu.wait_dma2 semaphore(%arg18 : memref<!tpu.dma_semaphore, #tpu.memory_space<semaphore_mem>>) src(%dma_wait3A_347 : memref<80xi32, #tpu.memory_space<hbm>>) dst(%dma_wait3A_345 : memref<80xi32, #tpu.memory_space<vmem>>)
          %dma_wait3A_348 = arith.constant 7 : i32
          %dma_wait3A_349 = arith.constant 0 : i32
          %dma_wait3A_350 = tpu.memref_slice %arg7[%dma_wait3A_348, %dma_wait3A_349] : memref<8x80xi32, #tpu.memory_space<vmem>> -> memref<1x80xi32, #tpu.memory_space<vmem>>
          %dma_wait3A_351 = tpu.memref_squeeze %dma_wait3A_350 : memref<1x80xi32, #tpu.memory_space<vmem>> -> memref<80xi32, #tpu.memory_space<vmem>>
          %dma_wait3A_352 = arith.constant 0 : i32
          %dma_wait3A_353 = tpu.memref_slice %arg3[%dma_wait3A_352] : memref<320000xi32, #tpu.memory_space<hbm>> -> memref<80xi32, #tpu.memory_space<hbm>>
          %dma_wait3A_354 = arith.constant 0 : i32
          %dma_wait3A_355 = tpu.memref_slice %arg7[%dma_wait3A_348, %dma_wait3A_354] : memref<8x80xi32, #tpu.memory_space<vmem>> -> memref<1x80xi32, #tpu.memory_space<vmem>>
          %dma_wait3A_356 = tpu.memref_squeeze %dma_wait3A_355 : memref<1x80xi32, #tpu.memory_space<vmem>> -> memref<80xi32, #tpu.memory_space<vmem>>
          %dma_wait3A_357 = arith.constant 0 : i32
          %dma_wait3A_358 = tpu.memref_slice %arg3[%dma_wait3A_357] : memref<320000xi32, #tpu.memory_space<hbm>> -> memref<80xi32, #tpu.memory_space<hbm>>
          tpu.wait_dma2 semaphore(%arg18 : memref<!tpu.dma_semaphore, #tpu.memory_space<semaphore_mem>>) src(%dma_wait3A_358 : memref<80xi32, #tpu.memory_space<hbm>>) dst(%dma_wait3A_356 : memref<80xi32, #tpu.memory_space<vmem>>)
          %dma_start3A_359 = arith.constant 3 : i32
          %dma_start3A_360 = arith.constant 3 : i32
          %dma_start3A_361 = arith.constant 0 : i32
          %dma_start3A_362 = arith.constant 0 : i32
          %dma_start3A_363 = tpu.memref_slice %arg8[%dma_start3A_360, %dma_start3A_361, %dma_start3A_362] : memref<4x80x128xf32, #tpu.memory_space<vmem>> -> memref<1x80x128xf32, #tpu.memory_space<vmem>>
          %dma_start3A_364 = tpu.memref_squeeze %dma_start3A_363 : memref<1x80x128xf32, #tpu.memory_space<vmem>> -> memref<80x128xf32, #tpu.memory_space<vmem>>
          %dma_start3A_365 = arith.constant 0 : i32
          %dma_start3A_366 = tpu.memref_slice %arg6[%dma_start3A_359, %dma_start3A_365] : memref<4x80xi32, #tpu.memory_space<vmem>> -> memref<1x80xi32, #tpu.memory_space<vmem>>
          %dma_start3A_367 = tpu.memref_squeeze %dma_start3A_366 : memref<1x80xi32, #tpu.memory_space<vmem>> -> memref<80xi32, #tpu.memory_space<vmem>>
          %dma_start3A_368 = arith.constant 0 : i32
          %dma_start3A_369 = arith.constant 0 : i32
          %dma_start3A_370 = tpu.memref_slice %arg4[%dma_start3A_368, %dma_start3A_369] : memref<10000x128xf32, #tpu.memory_space<hbm>> -> memref<10000x128xf32, #tpu.memory_space<hbm>>
          tpu.enqueue_indirect_dma source(%dma_start3A_370 : memref<10000x128xf32, #tpu.memory_space<hbm>>) target(%dma_start3A_364 : memref<80x128xf32, #tpu.memory_space<vmem>>) offsets(%dma_start3A_367 : memref<80xi32, #tpu.memory_space<vmem>>) semaphore(%arg14 : memref<!tpu.dma_semaphore, #tpu.memory_space<semaphore_mem>>)
        } else {
        }
        %add3A_330 = arith.constant 4 : i32
        %add3A_331 = arith.addi %add3A_262, %add3A_330 : i32
        %lt3A_332 = arith.constant 125 : i32
        %lt3A_333 = arith.cmpi slt, %add3A_331, %lt3A_332 : i32
        %convert_element_type3A_334 = arith.extui %lt3A_333 : i1 to i32
        %cond3A_335 = arith.constant 0 : i32
        %cond3A_336 = arith.cmpi ne, %convert_element_type3A_334, %cond3A_335 : i32
        scf.if %cond3A_336 {
          %add3A_337 = arith.constant 4 : i32
          %add3A_338 = arith.addi %add3A_262, %add3A_337 : i32
          %mul3A_339 = arith.constant 80 : i32
          %mul3A_340 = arith.muli %add3A_338, %mul3A_339 : i32
          %add3A_341 = arith.addi %mul3A_18, %mul3A_340 : i32
          %dma_start3A_342 = arith.constant 0 : i32
          %dma_start3A_343 = arith.constant 0 : i32
          %dma_start3A_344 = tpu.memref_slice %arg6[%dma_start3A_342, %dma_start3A_343] : memref<4x80xi32, #tpu.memory_space<vmem>> -> memref<1x80xi32, #tpu.memory_space<vmem>>
          %dma_start3A_345 = tpu.memref_squeeze %dma_start3A_344 : memref<1x80xi32, #tpu.memory_space<vmem>> -> memref<80xi32, #tpu.memory_space<vmem>>
          %dma_start3A_346 = tpu.memref_slice %arg2[%add3A_341] : memref<320000xi32, #tpu.memory_space<hbm>> -> memref<80xi32, #tpu.memory_space<hbm>>
          %dma_start3A_347 = arith.constant 0 : i32
          %dma_start3A_348 = tpu.memref_slice %arg6[%dma_start3A_342, %dma_start3A_347] : memref<4x80xi32, #tpu.memory_space<vmem>> -> memref<1x80xi32, #tpu.memory_space<vmem>>
          %dma_start3A_349 = tpu.memref_squeeze %dma_start3A_348 : memref<1x80xi32, #tpu.memory_space<vmem>> -> memref<80xi32, #tpu.memory_space<vmem>>
          %dma_start3A_350 = tpu.memref_slice %arg2[%add3A_341] : memref<320000xi32, #tpu.memory_space<hbm>> -> memref<80xi32, #tpu.memory_space<hbm>>
          tpu.enqueue_dma source(%dma_start3A_350 : memref<80xi32, #tpu.memory_space<hbm>>) target(%dma_start3A_349 : memref<80xi32, #tpu.memory_space<vmem>>) target_semaphore(%arg15 : memref<!tpu.dma_semaphore, #tpu.memory_space<semaphore_mem>>)
          %dma_start3A_351 = arith.constant 0 : i32
          %dma_start3A_352 = arith.constant 0 : i32
          %dma_start3A_353 = tpu.memref_slice %arg7[%dma_start3A_351, %dma_start3A_352] : memref<8x80xi32, #tpu.memory_space<vmem>> -> memref<1x80xi32, #tpu.memory_space<vmem>>
          %dma_start3A_354 = tpu.memref_squeeze %dma_start3A_353 : memref<1x80xi32, #tpu.memory_space<vmem>> -> memref<80xi32, #tpu.memory_space<vmem>>
          %dma_start3A_355 = tpu.memref_slice %arg3[%add3A_341] : memref<320000xi32, #tpu.memory_space<hbm>> -> memref<80xi32, #tpu.memory_space<hbm>>
          %dma_start3A_356 = arith.constant 0 : i32
          %dma_start3A_357 = tpu.memref_slice %arg7[%dma_start3A_351, %dma_start3A_356] : memref<8x80xi32, #tpu.memory_space<vmem>> -> memref<1x80xi32, #tpu.memory_space<vmem>>
          %dma_start3A_358 = tpu.memref_squeeze %dma_start3A_357 : memref<1x80xi32, #tpu.memory_space<vmem>> -> memref<80xi32, #tpu.memory_space<vmem>>
          %dma_start3A_359 = tpu.memref_slice %arg3[%add3A_341] : memref<320000xi32, #tpu.memory_space<hbm>> -> memref<80xi32, #tpu.memory_space<hbm>>
          tpu.enqueue_dma source(%dma_start3A_359 : memref<80xi32, #tpu.memory_space<hbm>>) target(%dma_start3A_358 : memref<80xi32, #tpu.memory_space<vmem>>) target_semaphore(%arg15 : memref<!tpu.dma_semaphore, #tpu.memory_space<semaphore_mem>>)
        } else {
        }
      } else {
      }
      %mul3A_268 = arith.constant 8 : i32
      %mul3A_269 = arith.muli %mul3A_268, %scan3A_223 : i32
      %add3A_270 = arith.constant 5 : i32
      %add3A_271 = arith.addi %mul3A_269, %add3A_270 : i32
      %lt3A_272 = arith.constant 125 : i32
      %lt3A_273 = arith.cmpi slt, %add3A_271, %lt3A_272 : i32
      %convert_element_type3A_274 = arith.extui %lt3A_273 : i1 to i32
      %cond3A_275 = arith.constant 0 : i32
      %cond3A_276 = arith.cmpi ne, %convert_element_type3A_274, %cond3A_275 : i32
      scf.if %cond3A_276 {
        %dma_wait3A_295 = arith.constant 1 : i32
        %dma_wait3A_296 = arith.constant 1 : i32
        %dma_wait3A_297 = arith.constant 0 : i32
        %dma_wait3A_298 = arith.constant 0 : i32
        %dma_wait3A_299 = tpu.memref_slice %arg8[%dma_wait3A_296, %dma_wait3A_297, %dma_wait3A_298] : memref<4x80x128xf32, #tpu.memory_space<vmem>> -> memref<1x80x128xf32, #tpu.memory_space<vmem>>
        %dma_wait3A_300 = tpu.memref_squeeze %dma_wait3A_299 : memref<1x80x128xf32, #tpu.memory_space<vmem>> -> memref<80x128xf32, #tpu.memory_space<vmem>>
        %dma_wait3A_301 = arith.constant 0 : i32
        %dma_wait3A_302 = tpu.memref_slice %arg6[%dma_wait3A_295, %dma_wait3A_301] : memref<4x80xi32, #tpu.memory_space<vmem>> -> memref<1x80xi32, #tpu.memory_space<vmem>>
        %dma_wait3A_303 = tpu.memref_squeeze %dma_wait3A_302 : memref<1x80xi32, #tpu.memory_space<vmem>> -> memref<80xi32, #tpu.memory_space<vmem>>
        %dma_wait3A_304 = arith.constant 0 : i32
        %dma_wait3A_305 = arith.constant 0 : i32
        %dma_wait3A_306 = tpu.memref_slice %arg4[%dma_wait3A_304, %dma_wait3A_305] : memref<10000x128xf32, #tpu.memory_space<hbm>> -> memref<10000x128xf32, #tpu.memory_space<hbm>>
        tpu.wait_indirect_dma semaphore(%arg12 : memref<!tpu.dma_semaphore, #tpu.memory_space<semaphore_mem>>) src(%dma_wait3A_306 : memref<10000x128xf32, #tpu.memory_space<hbm>>) dst(%dma_wait3A_300 : memref<80x128xf32, #tpu.memory_space<vmem>>)
        %ge3A = arith.constant 1 : i32
        %ge3A_307 = arith.cmpi sge, %add3A_271, %ge3A : i32
        %convert_element_type3A_308 = arith.extui %ge3A_307 : i1 to i32
        %cond3A_309 = arith.constant 0 : i32
        %cond3A_310 = arith.cmpi ne, %convert_element_type3A_308, %cond3A_309 : i32
        scf.if %cond3A_310 {
          %dma_wait3A_337 = arith.constant 0 : i32
          %dma_wait3A_338 = arith.constant 4 : i32
          %dma_wait3A_339 = arith.constant 0 : i32
          %dma_wait3A_340 = arith.constant 0 : i32
          %dma_wait3A_341 = tpu.memref_slice %arg8[%dma_wait3A_337, %dma_wait3A_339, %dma_wait3A_340] : memref<4x80x128xf32, #tpu.memory_space<vmem>> -> memref<1x80x128xf32, #tpu.memory_space<vmem>>
          %dma_wait3A_342 = tpu.memref_squeeze %dma_wait3A_341 : memref<1x80x128xf32, #tpu.memory_space<vmem>> -> memref<80x128xf32, #tpu.memory_space<vmem>>
          %dma_wait3A_343 = arith.constant 0 : i32
          %dma_wait3A_344 = tpu.memref_slice %arg7[%dma_wait3A_338, %dma_wait3A_343] : memref<8x80xi32, #tpu.memory_space<vmem>> -> memref<1x80xi32, #tpu.memory_space<vmem>>
          %dma_wait3A_345 = tpu.memref_squeeze %dma_wait3A_344 : memref<1x80xi32, #tpu.memory_space<vmem>> -> memref<80xi32, #tpu.memory_space<vmem>>
          %dma_wait3A_346 = arith.constant 0 : i32
          %dma_wait3A_347 = arith.constant 0 : i32
          %dma_wait3A_348 = tpu.memref_slice %arg10[%dma_wait3A_346, %dma_wait3A_347] : memref<10000x128xf32, #tpu.memory_space<vmem_shared>> -> memref<10000x128xf32, #tpu.memory_space<vmem_shared>>
          tpu.wait_indirect_dma semaphore(%arg19 : memref<!tpu.dma_semaphore, #tpu.memory_space<semaphore_mem>>) src(%dma_wait3A_342 : memref<80x128xf32, #tpu.memory_space<vmem>>) dst(%dma_wait3A_348 : memref<10000x128xf32, #tpu.memory_space<vmem_shared>>)
        } else {
        }
        %dma_start3A_311 = arith.constant 1 : i32
        %dma_start3A_312 = arith.constant 5 : i32
        %dma_start3A_313 = arith.constant 0 : i32
        %dma_start3A_314 = arith.constant 0 : i32
        %dma_start3A_315 = tpu.memref_slice %arg8[%dma_start3A_311, %dma_start3A_313, %dma_start3A_314] : memref<4x80x128xf32, #tpu.memory_space<vmem>> -> memref<1x80x128xf32, #tpu.memory_space<vmem>>
        %dma_start3A_316 = tpu.memref_squeeze %dma_start3A_315 : memref<1x80x128xf32, #tpu.memory_space<vmem>> -> memref<80x128xf32, #tpu.memory_space<vmem>>
        %dma_start3A_317 = arith.constant 0 : i32
        %dma_start3A_318 = tpu.memref_slice %arg7[%dma_start3A_312, %dma_start3A_317] : memref<8x80xi32, #tpu.memory_space<vmem>> -> memref<1x80xi32, #tpu.memory_space<vmem>>
        %dma_start3A_319 = tpu.memref_squeeze %dma_start3A_318 : memref<1x80xi32, #tpu.memory_space<vmem>> -> memref<80xi32, #tpu.memory_space<vmem>>
        %dma_start3A_320 = arith.constant 0 : i32
        %dma_start3A_321 = arith.constant 0 : i32
        %dma_start3A_322 = tpu.memref_slice %arg10[%dma_start3A_320, %dma_start3A_321] : memref<10000x128xf32, #tpu.memory_space<vmem_shared>> -> memref<10000x128xf32, #tpu.memory_space<vmem_shared>>
        tpu.enqueue_indirect_dma source(%dma_start3A_316 : memref<80x128xf32, #tpu.memory_space<vmem>>) target(%dma_start3A_322 : memref<10000x128xf32, #tpu.memory_space<vmem_shared>>) offsets(%dma_start3A_319 : memref<80xi32, #tpu.memory_space<vmem>>) semaphore(%arg20 : memref<!tpu.dma_semaphore, #tpu.memory_space<semaphore_mem>>) {add = true}
        %add3A_323 = arith.constant 3 : i32
        %add3A_324 = arith.addi %add3A_271, %add3A_323 : i32
        %lt3A_325 = arith.constant 125 : i32
        %lt3A_326 = arith.cmpi slt, %add3A_324, %lt3A_325 : i32
        %convert_element_type3A_327 = arith.extui %lt3A_326 : i1 to i32
        %cond3A_328 = arith.constant 0 : i32
        %cond3A_329 = arith.cmpi ne, %convert_element_type3A_327, %cond3A_328 : i32
        scf.if %cond3A_329 {
          %dma_wait3A_337 = arith.constant 0 : i32
          %dma_wait3A_338 = arith.constant 0 : i32
          %dma_wait3A_339 = tpu.memref_slice %arg6[%dma_wait3A_337, %dma_wait3A_338] : memref<4x80xi32, #tpu.memory_space<vmem>> -> memref<1x80xi32, #tpu.memory_space<vmem>>
          %dma_wait3A_340 = tpu.memref_squeeze %dma_wait3A_339 : memref<1x80xi32, #tpu.memory_space<vmem>> -> memref<80xi32, #tpu.memory_space<vmem>>
          %dma_wait3A_341 = arith.constant 0 : i32
          %dma_wait3A_342 = tpu.memref_slice %arg2[%dma_wait3A_341] : memref<320000xi32, #tpu.memory_space<hbm>> -> memref<80xi32, #tpu.memory_space<hbm>>
          %dma_wait3A_343 = arith.constant 0 : i32
          %dma_wait3A_344 = tpu.memref_slice %arg6[%dma_wait3A_337, %dma_wait3A_343] : memref<4x80xi32, #tpu.memory_space<vmem>> -> memref<1x80xi32, #tpu.memory_space<vmem>>
          %dma_wait3A_345 = tpu.memref_squeeze %dma_wait3A_344 : memref<1x80xi32, #tpu.memory_space<vmem>> -> memref<80xi32, #tpu.memory_space<vmem>>
          %dma_wait3A_346 = arith.constant 0 : i32
          %dma_wait3A_347 = tpu.memref_slice %arg2[%dma_wait3A_346] : memref<320000xi32, #tpu.memory_space<hbm>> -> memref<80xi32, #tpu.memory_space<hbm>>
          tpu.wait_dma2 semaphore(%arg15 : memref<!tpu.dma_semaphore, #tpu.memory_space<semaphore_mem>>) src(%dma_wait3A_347 : memref<80xi32, #tpu.memory_space<hbm>>) dst(%dma_wait3A_345 : memref<80xi32, #tpu.memory_space<vmem>>)
          %dma_wait3A_348 = arith.constant 0 : i32
          %dma_wait3A_349 = arith.constant 0 : i32
          %dma_wait3A_350 = tpu.memref_slice %arg7[%dma_wait3A_348, %dma_wait3A_349] : memref<8x80xi32, #tpu.memory_space<vmem>> -> memref<1x80xi32, #tpu.memory_space<vmem>>
          %dma_wait3A_351 = tpu.memref_squeeze %dma_wait3A_350 : memref<1x80xi32, #tpu.memory_space<vmem>> -> memref<80xi32, #tpu.memory_space<vmem>>
          %dma_wait3A_352 = arith.constant 0 : i32
          %dma_wait3A_353 = tpu.memref_slice %arg3[%dma_wait3A_352] : memref<320000xi32, #tpu.memory_space<hbm>> -> memref<80xi32, #tpu.memory_space<hbm>>
          %dma_wait3A_354 = arith.constant 0 : i32
          %dma_wait3A_355 = tpu.memref_slice %arg7[%dma_wait3A_348, %dma_wait3A_354] : memref<8x80xi32, #tpu.memory_space<vmem>> -> memref<1x80xi32, #tpu.memory_space<vmem>>
          %dma_wait3A_356 = tpu.memref_squeeze %dma_wait3A_355 : memref<1x80xi32, #tpu.memory_space<vmem>> -> memref<80xi32, #tpu.memory_space<vmem>>
          %dma_wait3A_357 = arith.constant 0 : i32
          %dma_wait3A_358 = tpu.memref_slice %arg3[%dma_wait3A_357] : memref<320000xi32, #tpu.memory_space<hbm>> -> memref<80xi32, #tpu.memory_space<hbm>>
          tpu.wait_dma2 semaphore(%arg15 : memref<!tpu.dma_semaphore, #tpu.memory_space<semaphore_mem>>) src(%dma_wait3A_358 : memref<80xi32, #tpu.memory_space<hbm>>) dst(%dma_wait3A_356 : memref<80xi32, #tpu.memory_space<vmem>>)
          %dma_start3A_359 = arith.constant 0 : i32
          %dma_start3A_360 = arith.constant 0 : i32
          %dma_start3A_361 = arith.constant 0 : i32
          %dma_start3A_362 = arith.constant 0 : i32
          %dma_start3A_363 = tpu.memref_slice %arg8[%dma_start3A_360, %dma_start3A_361, %dma_start3A_362] : memref<4x80x128xf32, #tpu.memory_space<vmem>> -> memref<1x80x128xf32, #tpu.memory_space<vmem>>
          %dma_start3A_364 = tpu.memref_squeeze %dma_start3A_363 : memref<1x80x128xf32, #tpu.memory_space<vmem>> -> memref<80x128xf32, #tpu.memory_space<vmem>>
          %dma_start3A_365 = arith.constant 0 : i32
          %dma_start3A_366 = tpu.memref_slice %arg6[%dma_start3A_359, %dma_start3A_365] : memref<4x80xi32, #tpu.memory_space<vmem>> -> memref<1x80xi32, #tpu.memory_space<vmem>>
          %dma_start3A_367 = tpu.memref_squeeze %dma_start3A_366 : memref<1x80xi32, #tpu.memory_space<vmem>> -> memref<80xi32, #tpu.memory_space<vmem>>
          %dma_start3A_368 = arith.constant 0 : i32
          %dma_start3A_369 = arith.constant 0 : i32
          %dma_start3A_370 = tpu.memref_slice %arg4[%dma_start3A_368, %dma_start3A_369] : memref<10000x128xf32, #tpu.memory_space<hbm>> -> memref<10000x128xf32, #tpu.memory_space<hbm>>
          tpu.enqueue_indirect_dma source(%dma_start3A_370 : memref<10000x128xf32, #tpu.memory_space<hbm>>) target(%dma_start3A_364 : memref<80x128xf32, #tpu.memory_space<vmem>>) offsets(%dma_start3A_367 : memref<80xi32, #tpu.memory_space<vmem>>) semaphore(%arg11 : memref<!tpu.dma_semaphore, #tpu.memory_space<semaphore_mem>>)
        } else {
        }
        %add3A_330 = arith.constant 4 : i32
        %add3A_331 = arith.addi %add3A_271, %add3A_330 : i32
        %lt3A_332 = arith.constant 125 : i32
        %lt3A_333 = arith.cmpi slt, %add3A_331, %lt3A_332 : i32
        %convert_element_type3A_334 = arith.extui %lt3A_333 : i1 to i32
        %cond3A_335 = arith.constant 0 : i32
        %cond3A_336 = arith.cmpi ne, %convert_element_type3A_334, %cond3A_335 : i32
        scf.if %cond3A_336 {
          %add3A_337 = arith.constant 4 : i32
          %add3A_338 = arith.addi %add3A_271, %add3A_337 : i32
          %mul3A_339 = arith.constant 80 : i32
          %mul3A_340 = arith.muli %add3A_338, %mul3A_339 : i32
          %add3A_341 = arith.addi %mul3A_18, %mul3A_340 : i32
          %dma_start3A_342 = arith.constant 1 : i32
          %dma_start3A_343 = arith.constant 0 : i32
          %dma_start3A_344 = tpu.memref_slice %arg6[%dma_start3A_342, %dma_start3A_343] : memref<4x80xi32, #tpu.memory_space<vmem>> -> memref<1x80xi32, #tpu.memory_space<vmem>>
          %dma_start3A_345 = tpu.memref_squeeze %dma_start3A_344 : memref<1x80xi32, #tpu.memory_space<vmem>> -> memref<80xi32, #tpu.memory_space<vmem>>
          %dma_start3A_346 = tpu.memref_slice %arg2[%add3A_341] : memref<320000xi32, #tpu.memory_space<hbm>> -> memref<80xi32, #tpu.memory_space<hbm>>
          %dma_start3A_347 = arith.constant 0 : i32
          %dma_start3A_348 = tpu.memref_slice %arg6[%dma_start3A_342, %dma_start3A_347] : memref<4x80xi32, #tpu.memory_space<vmem>> -> memref<1x80xi32, #tpu.memory_space<vmem>>
          %dma_start3A_349 = tpu.memref_squeeze %dma_start3A_348 : memref<1x80xi32, #tpu.memory_space<vmem>> -> memref<80xi32, #tpu.memory_space<vmem>>
          %dma_start3A_350 = tpu.memref_slice %arg2[%add3A_341] : memref<320000xi32, #tpu.memory_space<hbm>> -> memref<80xi32, #tpu.memory_space<hbm>>
          tpu.enqueue_dma source(%dma_start3A_350 : memref<80xi32, #tpu.memory_space<hbm>>) target(%dma_start3A_349 : memref<80xi32, #tpu.memory_space<vmem>>) target_semaphore(%arg16 : memref<!tpu.dma_semaphore, #tpu.memory_space<semaphore_mem>>)
          %dma_start3A_351 = arith.constant 1 : i32
          %dma_start3A_352 = arith.constant 0 : i32
          %dma_start3A_353 = tpu.memref_slice %arg7[%dma_start3A_351, %dma_start3A_352] : memref<8x80xi32, #tpu.memory_space<vmem>> -> memref<1x80xi32, #tpu.memory_space<vmem>>
          %dma_start3A_354 = tpu.memref_squeeze %dma_start3A_353 : memref<1x80xi32, #tpu.memory_space<vmem>> -> memref<80xi32, #tpu.memory_space<vmem>>
          %dma_start3A_355 = tpu.memref_slice %arg3[%add3A_341] : memref<320000xi32, #tpu.memory_space<hbm>> -> memref<80xi32, #tpu.memory_space<hbm>>
          %dma_start3A_356 = arith.constant 0 : i32
          %dma_start3A_357 = tpu.memref_slice %arg7[%dma_start3A_351, %dma_start3A_356] : memref<8x80xi32, #tpu.memory_space<vmem>> -> memref<1x80xi32, #tpu.memory_space<vmem>>
          %dma_start3A_358 = tpu.memref_squeeze %dma_start3A_357 : memref<1x80xi32, #tpu.memory_space<vmem>> -> memref<80xi32, #tpu.memory_space<vmem>>
          %dma_start3A_359 = tpu.memref_slice %arg3[%add3A_341] : memref<320000xi32, #tpu.memory_space<hbm>> -> memref<80xi32, #tpu.memory_space<hbm>>
          tpu.enqueue_dma source(%dma_start3A_359 : memref<80xi32, #tpu.memory_space<hbm>>) target(%dma_start3A_358 : memref<80xi32, #tpu.memory_space<vmem>>) target_semaphore(%arg16 : memref<!tpu.dma_semaphore, #tpu.memory_space<semaphore_mem>>)
        } else {
        }
      } else {
      }
      %mul3A_277 = arith.constant 8 : i32
      %mul3A_278 = arith.muli %mul3A_277, %scan3A_223 : i32
      %add3A_279 = arith.constant 6 : i32
      %add3A_280 = arith.addi %mul3A_278, %add3A_279 : i32
      %lt3A_281 = arith.constant 125 : i32
      %lt3A_282 = arith.cmpi slt, %add3A_280, %lt3A_281 : i32
      %convert_element_type3A_283 = arith.extui %lt3A_282 : i1 to i32
      %cond3A_284 = arith.constant 0 : i32
      %cond3A_285 = arith.cmpi ne, %convert_element_type3A_283, %cond3A_284 : i32
      scf.if %cond3A_285 {
        %dma_wait3A_295 = arith.constant 2 : i32
        %dma_wait3A_296 = arith.constant 2 : i32
        %dma_wait3A_297 = arith.constant 0 : i32
        %dma_wait3A_298 = arith.constant 0 : i32
        %dma_wait3A_299 = tpu.memref_slice %arg8[%dma_wait3A_296, %dma_wait3A_297, %dma_wait3A_298] : memref<4x80x128xf32, #tpu.memory_space<vmem>> -> memref<1x80x128xf32, #tpu.memory_space<vmem>>
        %dma_wait3A_300 = tpu.memref_squeeze %dma_wait3A_299 : memref<1x80x128xf32, #tpu.memory_space<vmem>> -> memref<80x128xf32, #tpu.memory_space<vmem>>
        %dma_wait3A_301 = arith.constant 0 : i32
        %dma_wait3A_302 = tpu.memref_slice %arg6[%dma_wait3A_295, %dma_wait3A_301] : memref<4x80xi32, #tpu.memory_space<vmem>> -> memref<1x80xi32, #tpu.memory_space<vmem>>
        %dma_wait3A_303 = tpu.memref_squeeze %dma_wait3A_302 : memref<1x80xi32, #tpu.memory_space<vmem>> -> memref<80xi32, #tpu.memory_space<vmem>>
        %dma_wait3A_304 = arith.constant 0 : i32
        %dma_wait3A_305 = arith.constant 0 : i32
        %dma_wait3A_306 = tpu.memref_slice %arg4[%dma_wait3A_304, %dma_wait3A_305] : memref<10000x128xf32, #tpu.memory_space<hbm>> -> memref<10000x128xf32, #tpu.memory_space<hbm>>
        tpu.wait_indirect_dma semaphore(%arg13 : memref<!tpu.dma_semaphore, #tpu.memory_space<semaphore_mem>>) src(%dma_wait3A_306 : memref<10000x128xf32, #tpu.memory_space<hbm>>) dst(%dma_wait3A_300 : memref<80x128xf32, #tpu.memory_space<vmem>>)
        %ge3A = arith.constant 1 : i32
        %ge3A_307 = arith.cmpi sge, %add3A_280, %ge3A : i32
        %convert_element_type3A_308 = arith.extui %ge3A_307 : i1 to i32
        %cond3A_309 = arith.constant 0 : i32
        %cond3A_310 = arith.cmpi ne, %convert_element_type3A_308, %cond3A_309 : i32
        scf.if %cond3A_310 {
          %dma_wait3A_337 = arith.constant 1 : i32
          %dma_wait3A_338 = arith.constant 5 : i32
          %dma_wait3A_339 = arith.constant 0 : i32
          %dma_wait3A_340 = arith.constant 0 : i32
          %dma_wait3A_341 = tpu.memref_slice %arg8[%dma_wait3A_337, %dma_wait3A_339, %dma_wait3A_340] : memref<4x80x128xf32, #tpu.memory_space<vmem>> -> memref<1x80x128xf32, #tpu.memory_space<vmem>>
          %dma_wait3A_342 = tpu.memref_squeeze %dma_wait3A_341 : memref<1x80x128xf32, #tpu.memory_space<vmem>> -> memref<80x128xf32, #tpu.memory_space<vmem>>
          %dma_wait3A_343 = arith.constant 0 : i32
          %dma_wait3A_344 = tpu.memref_slice %arg7[%dma_wait3A_338, %dma_wait3A_343] : memref<8x80xi32, #tpu.memory_space<vmem>> -> memref<1x80xi32, #tpu.memory_space<vmem>>
          %dma_wait3A_345 = tpu.memref_squeeze %dma_wait3A_344 : memref<1x80xi32, #tpu.memory_space<vmem>> -> memref<80xi32, #tpu.memory_space<vmem>>
          %dma_wait3A_346 = arith.constant 0 : i32
          %dma_wait3A_347 = arith.constant 0 : i32
          %dma_wait3A_348 = tpu.memref_slice %arg10[%dma_wait3A_346, %dma_wait3A_347] : memref<10000x128xf32, #tpu.memory_space<vmem_shared>> -> memref<10000x128xf32, #tpu.memory_space<vmem_shared>>
          tpu.wait_indirect_dma semaphore(%arg20 : memref<!tpu.dma_semaphore, #tpu.memory_space<semaphore_mem>>) src(%dma_wait3A_342 : memref<80x128xf32, #tpu.memory_space<vmem>>) dst(%dma_wait3A_348 : memref<10000x128xf32, #tpu.memory_space<vmem_shared>>)
        } else {
        }
        %dma_start3A_311 = arith.constant 2 : i32
        %dma_start3A_312 = arith.constant 6 : i32
        %dma_start3A_313 = arith.constant 0 : i32
        %dma_start3A_314 = arith.constant 0 : i32
        %dma_start3A_315 = tpu.memref_slice %arg8[%dma_start3A_311, %dma_start3A_313, %dma_start3A_314] : memref<4x80x128xf32, #tpu.memory_space<vmem>> -> memref<1x80x128xf32, #tpu.memory_space<vmem>>
        %dma_start3A_316 = tpu.memref_squeeze %dma_start3A_315 : memref<1x80x128xf32, #tpu.memory_space<vmem>> -> memref<80x128xf32, #tpu.memory_space<vmem>>
        %dma_start3A_317 = arith.constant 0 : i32
        %dma_start3A_318 = tpu.memref_slice %arg7[%dma_start3A_312, %dma_start3A_317] : memref<8x80xi32, #tpu.memory_space<vmem>> -> memref<1x80xi32, #tpu.memory_space<vmem>>
        %dma_start3A_319 = tpu.memref_squeeze %dma_start3A_318 : memref<1x80xi32, #tpu.memory_space<vmem>> -> memref<80xi32, #tpu.memory_space<vmem>>
        %dma_start3A_320 = arith.constant 0 : i32
        %dma_start3A_321 = arith.constant 0 : i32
        %dma_start3A_322 = tpu.memref_slice %arg10[%dma_start3A_320, %dma_start3A_321] : memref<10000x128xf32, #tpu.memory_space<vmem_shared>> -> memref<10000x128xf32, #tpu.memory_space<vmem_shared>>
        tpu.enqueue_indirect_dma source(%dma_start3A_316 : memref<80x128xf32, #tpu.memory_space<vmem>>) target(%dma_start3A_322 : memref<10000x128xf32, #tpu.memory_space<vmem_shared>>) offsets(%dma_start3A_319 : memref<80xi32, #tpu.memory_space<vmem>>) semaphore(%arg21 : memref<!tpu.dma_semaphore, #tpu.memory_space<semaphore_mem>>) {add = true}
        %add3A_323 = arith.constant 3 : i32
        %add3A_324 = arith.addi %add3A_280, %add3A_323 : i32
        %lt3A_325 = arith.constant 125 : i32
        %lt3A_326 = arith.cmpi slt, %add3A_324, %lt3A_325 : i32
        %convert_element_type3A_327 = arith.extui %lt3A_326 : i1 to i32
        %cond3A_328 = arith.constant 0 : i32
        %cond3A_329 = arith.cmpi ne, %convert_element_type3A_327, %cond3A_328 : i32
        scf.if %cond3A_329 {
          %dma_wait3A_337 = arith.constant 1 : i32
          %dma_wait3A_338 = arith.constant 0 : i32
          %dma_wait3A_339 = tpu.memref_slice %arg6[%dma_wait3A_337, %dma_wait3A_338] : memref<4x80xi32, #tpu.memory_space<vmem>> -> memref<1x80xi32, #tpu.memory_space<vmem>>
          %dma_wait3A_340 = tpu.memref_squeeze %dma_wait3A_339 : memref<1x80xi32, #tpu.memory_space<vmem>> -> memref<80xi32, #tpu.memory_space<vmem>>
          %dma_wait3A_341 = arith.constant 0 : i32
          %dma_wait3A_342 = tpu.memref_slice %arg2[%dma_wait3A_341] : memref<320000xi32, #tpu.memory_space<hbm>> -> memref<80xi32, #tpu.memory_space<hbm>>
          %dma_wait3A_343 = arith.constant 0 : i32
          %dma_wait3A_344 = tpu.memref_slice %arg6[%dma_wait3A_337, %dma_wait3A_343] : memref<4x80xi32, #tpu.memory_space<vmem>> -> memref<1x80xi32, #tpu.memory_space<vmem>>
          %dma_wait3A_345 = tpu.memref_squeeze %dma_wait3A_344 : memref<1x80xi32, #tpu.memory_space<vmem>> -> memref<80xi32, #tpu.memory_space<vmem>>
          %dma_wait3A_346 = arith.constant 0 : i32
          %dma_wait3A_347 = tpu.memref_slice %arg2[%dma_wait3A_346] : memref<320000xi32, #tpu.memory_space<hbm>> -> memref<80xi32, #tpu.memory_space<hbm>>
          tpu.wait_dma2 semaphore(%arg16 : memref<!tpu.dma_semaphore, #tpu.memory_space<semaphore_mem>>) src(%dma_wait3A_347 : memref<80xi32, #tpu.memory_space<hbm>>) dst(%dma_wait3A_345 : memref<80xi32, #tpu.memory_space<vmem>>)
          %dma_wait3A_348 = arith.constant 1 : i32
          %dma_wait3A_349 = arith.constant 0 : i32
          %dma_wait3A_350 = tpu.memref_slice %arg7[%dma_wait3A_348, %dma_wait3A_349] : memref<8x80xi32, #tpu.memory_space<vmem>> -> memref<1x80xi32, #tpu.memory_space<vmem>>
          %dma_wait3A_351 = tpu.memref_squeeze %dma_wait3A_350 : memref<1x80xi32, #tpu.memory_space<vmem>> -> memref<80xi32, #tpu.memory_space<vmem>>
          %dma_wait3A_352 = arith.constant 0 : i32
          %dma_wait3A_353 = tpu.memref_slice %arg3[%dma_wait3A_352] : memref<320000xi32, #tpu.memory_space<hbm>> -> memref<80xi32, #tpu.memory_space<hbm>>
          %dma_wait3A_354 = arith.constant 0 : i32
          %dma_wait3A_355 = tpu.memref_slice %arg7[%dma_wait3A_348, %dma_wait3A_354] : memref<8x80xi32, #tpu.memory_space<vmem>> -> memref<1x80xi32, #tpu.memory_space<vmem>>
          %dma_wait3A_356 = tpu.memref_squeeze %dma_wait3A_355 : memref<1x80xi32, #tpu.memory_space<vmem>> -> memref<80xi32, #tpu.memory_space<vmem>>
          %dma_wait3A_357 = arith.constant 0 : i32
          %dma_wait3A_358 = tpu.memref_slice %arg3[%dma_wait3A_357] : memref<320000xi32, #tpu.memory_space<hbm>> -> memref<80xi32, #tpu.memory_space<hbm>>
          tpu.wait_dma2 semaphore(%arg16 : memref<!tpu.dma_semaphore, #tpu.memory_space<semaphore_mem>>) src(%dma_wait3A_358 : memref<80xi32, #tpu.memory_space<hbm>>) dst(%dma_wait3A_356 : memref<80xi32, #tpu.memory_space<vmem>>)
          %dma_start3A_359 = arith.constant 1 : i32
          %dma_start3A_360 = arith.constant 1 : i32
          %dma_start3A_361 = arith.constant 0 : i32
          %dma_start3A_362 = arith.constant 0 : i32
          %dma_start3A_363 = tpu.memref_slice %arg8[%dma_start3A_360, %dma_start3A_361, %dma_start3A_362] : memref<4x80x128xf32, #tpu.memory_space<vmem>> -> memref<1x80x128xf32, #tpu.memory_space<vmem>>
          %dma_start3A_364 = tpu.memref_squeeze %dma_start3A_363 : memref<1x80x128xf32, #tpu.memory_space<vmem>> -> memref<80x128xf32, #tpu.memory_space<vmem>>
          %dma_start3A_365 = arith.constant 0 : i32
          %dma_start3A_366 = tpu.memref_slice %arg6[%dma_start3A_359, %dma_start3A_365] : memref<4x80xi32, #tpu.memory_space<vmem>> -> memref<1x80xi32, #tpu.memory_space<vmem>>
          %dma_start3A_367 = tpu.memref_squeeze %dma_start3A_366 : memref<1x80xi32, #tpu.memory_space<vmem>> -> memref<80xi32, #tpu.memory_space<vmem>>
          %dma_start3A_368 = arith.constant 0 : i32
          %dma_start3A_369 = arith.constant 0 : i32
          %dma_start3A_370 = tpu.memref_slice %arg4[%dma_start3A_368, %dma_start3A_369] : memref<10000x128xf32, #tpu.memory_space<hbm>> -> memref<10000x128xf32, #tpu.memory_space<hbm>>
          tpu.enqueue_indirect_dma source(%dma_start3A_370 : memref<10000x128xf32, #tpu.memory_space<hbm>>) target(%dma_start3A_364 : memref<80x128xf32, #tpu.memory_space<vmem>>) offsets(%dma_start3A_367 : memref<80xi32, #tpu.memory_space<vmem>>) semaphore(%arg12 : memref<!tpu.dma_semaphore, #tpu.memory_space<semaphore_mem>>)
        } else {
        }
        %add3A_330 = arith.constant 4 : i32
        %add3A_331 = arith.addi %add3A_280, %add3A_330 : i32
        %lt3A_332 = arith.constant 125 : i32
        %lt3A_333 = arith.cmpi slt, %add3A_331, %lt3A_332 : i32
        %convert_element_type3A_334 = arith.extui %lt3A_333 : i1 to i32
        %cond3A_335 = arith.constant 0 : i32
        %cond3A_336 = arith.cmpi ne, %convert_element_type3A_334, %cond3A_335 : i32
        scf.if %cond3A_336 {
          %add3A_337 = arith.constant 4 : i32
          %add3A_338 = arith.addi %add3A_280, %add3A_337 : i32
          %mul3A_339 = arith.constant 80 : i32
          %mul3A_340 = arith.muli %add3A_338, %mul3A_339 : i32
          %add3A_341 = arith.addi %mul3A_18, %mul3A_340 : i32
          %dma_start3A_342 = arith.constant 2 : i32
          %dma_start3A_343 = arith.constant 0 : i32
          %dma_start3A_344 = tpu.memref_slice %arg6[%dma_start3A_342, %dma_start3A_343] : memref<4x80xi32, #tpu.memory_space<vmem>> -> memref<1x80xi32, #tpu.memory_space<vmem>>
          %dma_start3A_345 = tpu.memref_squeeze %dma_start3A_344 : memref<1x80xi32, #tpu.memory_space<vmem>> -> memref<80xi32, #tpu.memory_space<vmem>>
          %dma_start3A_346 = tpu.memref_slice %arg2[%add3A_341] : memref<320000xi32, #tpu.memory_space<hbm>> -> memref<80xi32, #tpu.memory_space<hbm>>
          %dma_start3A_347 = arith.constant 0 : i32
          %dma_start3A_348 = tpu.memref_slice %arg6[%dma_start3A_342, %dma_start3A_347] : memref<4x80xi32, #tpu.memory_space<vmem>> -> memref<1x80xi32, #tpu.memory_space<vmem>>
          %dma_start3A_349 = tpu.memref_squeeze %dma_start3A_348 : memref<1x80xi32, #tpu.memory_space<vmem>> -> memref<80xi32, #tpu.memory_space<vmem>>
          %dma_start3A_350 = tpu.memref_slice %arg2[%add3A_341] : memref<320000xi32, #tpu.memory_space<hbm>> -> memref<80xi32, #tpu.memory_space<hbm>>
          tpu.enqueue_dma source(%dma_start3A_350 : memref<80xi32, #tpu.memory_space<hbm>>) target(%dma_start3A_349 : memref<80xi32, #tpu.memory_space<vmem>>) target_semaphore(%arg17 : memref<!tpu.dma_semaphore, #tpu.memory_space<semaphore_mem>>)
          %dma_start3A_351 = arith.constant 2 : i32
          %dma_start3A_352 = arith.constant 0 : i32
          %dma_start3A_353 = tpu.memref_slice %arg7[%dma_start3A_351, %dma_start3A_352] : memref<8x80xi32, #tpu.memory_space<vmem>> -> memref<1x80xi32, #tpu.memory_space<vmem>>
          %dma_start3A_354 = tpu.memref_squeeze %dma_start3A_353 : memref<1x80xi32, #tpu.memory_space<vmem>> -> memref<80xi32, #tpu.memory_space<vmem>>
          %dma_start3A_355 = tpu.memref_slice %arg3[%add3A_341] : memref<320000xi32, #tpu.memory_space<hbm>> -> memref<80xi32, #tpu.memory_space<hbm>>
          %dma_start3A_356 = arith.constant 0 : i32
          %dma_start3A_357 = tpu.memref_slice %arg7[%dma_start3A_351, %dma_start3A_356] : memref<8x80xi32, #tpu.memory_space<vmem>> -> memref<1x80xi32, #tpu.memory_space<vmem>>
          %dma_start3A_358 = tpu.memref_squeeze %dma_start3A_357 : memref<1x80xi32, #tpu.memory_space<vmem>> -> memref<80xi32, #tpu.memory_space<vmem>>
          %dma_start3A_359 = tpu.memref_slice %arg3[%add3A_341] : memref<320000xi32, #tpu.memory_space<hbm>> -> memref<80xi32, #tpu.memory_space<hbm>>
          tpu.enqueue_dma source(%dma_start3A_359 : memref<80xi32, #tpu.memory_space<hbm>>) target(%dma_start3A_358 : memref<80xi32, #tpu.memory_space<vmem>>) target_semaphore(%arg17 : memref<!tpu.dma_semaphore, #tpu.memory_space<semaphore_mem>>)
        } else {
        }
      } else {
      }
      %mul3A_286 = arith.constant 8 : i32
      %mul3A_287 = arith.muli %mul3A_286, %scan3A_223 : i32
      %add3A_288 = arith.constant 7 : i32
      %add3A_289 = arith.addi %mul3A_287, %add3A_288 : i32
      %lt3A_290 = arith.constant 125 : i32
      %lt3A_291 = arith.cmpi slt, %add3A_289, %lt3A_290 : i32
      %convert_element_type3A_292 = arith.extui %lt3A_291 : i1 to i32
      %cond3A_293 = arith.constant 0 : i32
      %cond3A_294 = arith.cmpi ne, %convert_element_type3A_292, %cond3A_293 : i32
      scf.if %cond3A_294 {
        %dma_wait3A_295 = arith.constant 3 : i32
        %dma_wait3A_296 = arith.constant 3 : i32
        %dma_wait3A_297 = arith.constant 0 : i32
        %dma_wait3A_298 = arith.constant 0 : i32
        %dma_wait3A_299 = tpu.memref_slice %arg8[%dma_wait3A_296, %dma_wait3A_297, %dma_wait3A_298] : memref<4x80x128xf32, #tpu.memory_space<vmem>> -> memref<1x80x128xf32, #tpu.memory_space<vmem>>
        %dma_wait3A_300 = tpu.memref_squeeze %dma_wait3A_299 : memref<1x80x128xf32, #tpu.memory_space<vmem>> -> memref<80x128xf32, #tpu.memory_space<vmem>>
        %dma_wait3A_301 = arith.constant 0 : i32
        %dma_wait3A_302 = tpu.memref_slice %arg6[%dma_wait3A_295, %dma_wait3A_301] : memref<4x80xi32, #tpu.memory_space<vmem>> -> memref<1x80xi32, #tpu.memory_space<vmem>>
        %dma_wait3A_303 = tpu.memref_squeeze %dma_wait3A_302 : memref<1x80xi32, #tpu.memory_space<vmem>> -> memref<80xi32, #tpu.memory_space<vmem>>
        %dma_wait3A_304 = arith.constant 0 : i32
        %dma_wait3A_305 = arith.constant 0 : i32
        %dma_wait3A_306 = tpu.memref_slice %arg4[%dma_wait3A_304, %dma_wait3A_305] : memref<10000x128xf32, #tpu.memory_space<hbm>> -> memref<10000x128xf32, #tpu.memory_space<hbm>>
        tpu.wait_indirect_dma semaphore(%arg14 : memref<!tpu.dma_semaphore, #tpu.memory_space<semaphore_mem>>) src(%dma_wait3A_306 : memref<10000x128xf32, #tpu.memory_space<hbm>>) dst(%dma_wait3A_300 : memref<80x128xf32, #tpu.memory_space<vmem>>)
        %ge3A = arith.constant 1 : i32
        %ge3A_307 = arith.cmpi sge, %add3A_289, %ge3A : i32
        %convert_element_type3A_308 = arith.extui %ge3A_307 : i1 to i32
        %cond3A_309 = arith.constant 0 : i32
        %cond3A_310 = arith.cmpi ne, %convert_element_type3A_308, %cond3A_309 : i32
        scf.if %cond3A_310 {
          %dma_wait3A_337 = arith.constant 2 : i32
          %dma_wait3A_338 = arith.constant 6 : i32
          %dma_wait3A_339 = arith.constant 0 : i32
          %dma_wait3A_340 = arith.constant 0 : i32
          %dma_wait3A_341 = tpu.memref_slice %arg8[%dma_wait3A_337, %dma_wait3A_339, %dma_wait3A_340] : memref<4x80x128xf32, #tpu.memory_space<vmem>> -> memref<1x80x128xf32, #tpu.memory_space<vmem>>
          %dma_wait3A_342 = tpu.memref_squeeze %dma_wait3A_341 : memref<1x80x128xf32, #tpu.memory_space<vmem>> -> memref<80x128xf32, #tpu.memory_space<vmem>>
          %dma_wait3A_343 = arith.constant 0 : i32
          %dma_wait3A_344 = tpu.memref_slice %arg7[%dma_wait3A_338, %dma_wait3A_343] : memref<8x80xi32, #tpu.memory_space<vmem>> -> memref<1x80xi32, #tpu.memory_space<vmem>>
          %dma_wait3A_345 = tpu.memref_squeeze %dma_wait3A_344 : memref<1x80xi32, #tpu.memory_space<vmem>> -> memref<80xi32, #tpu.memory_space<vmem>>
          %dma_wait3A_346 = arith.constant 0 : i32
          %dma_wait3A_347 = arith.constant 0 : i32
          %dma_wait3A_348 = tpu.memref_slice %arg10[%dma_wait3A_346, %dma_wait3A_347] : memref<10000x128xf32, #tpu.memory_space<vmem_shared>> -> memref<10000x128xf32, #tpu.memory_space<vmem_shared>>
          tpu.wait_indirect_dma semaphore(%arg21 : memref<!tpu.dma_semaphore, #tpu.memory_space<semaphore_mem>>) src(%dma_wait3A_342 : memref<80x128xf32, #tpu.memory_space<vmem>>) dst(%dma_wait3A_348 : memref<10000x128xf32, #tpu.memory_space<vmem_shared>>)
        } else {
        }
        %dma_start3A_311 = arith.constant 3 : i32
        %dma_start3A_312 = arith.constant 7 : i32
        %dma_start3A_313 = arith.constant 0 : i32
        %dma_start3A_314 = arith.constant 0 : i32
        %dma_start3A_315 = tpu.memref_slice %arg8[%dma_start3A_311, %dma_start3A_313, %dma_start3A_314] : memref<4x80x128xf32, #tpu.memory_space<vmem>> -> memref<1x80x128xf32, #tpu.memory_space<vmem>>
        %dma_start3A_316 = tpu.memref_squeeze %dma_start3A_315 : memref<1x80x128xf32, #tpu.memory_space<vmem>> -> memref<80x128xf32, #tpu.memory_space<vmem>>
        %dma_start3A_317 = arith.constant 0 : i32
        %dma_start3A_318 = tpu.memref_slice %arg7[%dma_start3A_312, %dma_start3A_317] : memref<8x80xi32, #tpu.memory_space<vmem>> -> memref<1x80xi32, #tpu.memory_space<vmem>>
        %dma_start3A_319 = tpu.memref_squeeze %dma_start3A_318 : memref<1x80xi32, #tpu.memory_space<vmem>> -> memref<80xi32, #tpu.memory_space<vmem>>
        %dma_start3A_320 = arith.constant 0 : i32
        %dma_start3A_321 = arith.constant 0 : i32
        %dma_start3A_322 = tpu.memref_slice %arg10[%dma_start3A_320, %dma_start3A_321] : memref<10000x128xf32, #tpu.memory_space<vmem_shared>> -> memref<10000x128xf32, #tpu.memory_space<vmem_shared>>
        tpu.enqueue_indirect_dma source(%dma_start3A_316 : memref<80x128xf32, #tpu.memory_space<vmem>>) target(%dma_start3A_322 : memref<10000x128xf32, #tpu.memory_space<vmem_shared>>) offsets(%dma_start3A_319 : memref<80xi32, #tpu.memory_space<vmem>>) semaphore(%arg22 : memref<!tpu.dma_semaphore, #tpu.memory_space<semaphore_mem>>) {add = true}
        %add3A_323 = arith.constant 3 : i32
        %add3A_324 = arith.addi %add3A_289, %add3A_323 : i32
        %lt3A_325 = arith.constant 125 : i32
        %lt3A_326 = arith.cmpi slt, %add3A_324, %lt3A_325 : i32
        %convert_element_type3A_327 = arith.extui %lt3A_326 : i1 to i32
        %cond3A_328 = arith.constant 0 : i32
        %cond3A_329 = arith.cmpi ne, %convert_element_type3A_327, %cond3A_328 : i32
        scf.if %cond3A_329 {
          %dma_wait3A_337 = arith.constant 2 : i32
          %dma_wait3A_338 = arith.constant 0 : i32
          %dma_wait3A_339 = tpu.memref_slice %arg6[%dma_wait3A_337, %dma_wait3A_338] : memref<4x80xi32, #tpu.memory_space<vmem>> -> memref<1x80xi32, #tpu.memory_space<vmem>>
          %dma_wait3A_340 = tpu.memref_squeeze %dma_wait3A_339 : memref<1x80xi32, #tpu.memory_space<vmem>> -> memref<80xi32, #tpu.memory_space<vmem>>
          %dma_wait3A_341 = arith.constant 0 : i32
          %dma_wait3A_342 = tpu.memref_slice %arg2[%dma_wait3A_341] : memref<320000xi32, #tpu.memory_space<hbm>> -> memref<80xi32, #tpu.memory_space<hbm>>
          %dma_wait3A_343 = arith.constant 0 : i32
          %dma_wait3A_344 = tpu.memref_slice %arg6[%dma_wait3A_337, %dma_wait3A_343] : memref<4x80xi32, #tpu.memory_space<vmem>> -> memref<1x80xi32, #tpu.memory_space<vmem>>
          %dma_wait3A_345 = tpu.memref_squeeze %dma_wait3A_344 : memref<1x80xi32, #tpu.memory_space<vmem>> -> memref<80xi32, #tpu.memory_space<vmem>>
          %dma_wait3A_346 = arith.constant 0 : i32
          %dma_wait3A_347 = tpu.memref_slice %arg2[%dma_wait3A_346] : memref<320000xi32, #tpu.memory_space<hbm>> -> memref<80xi32, #tpu.memory_space<hbm>>
          tpu.wait_dma2 semaphore(%arg17 : memref<!tpu.dma_semaphore, #tpu.memory_space<semaphore_mem>>) src(%dma_wait3A_347 : memref<80xi32, #tpu.memory_space<hbm>>) dst(%dma_wait3A_345 : memref<80xi32, #tpu.memory_space<vmem>>)
          %dma_wait3A_348 = arith.constant 2 : i32
          %dma_wait3A_349 = arith.constant 0 : i32
          %dma_wait3A_350 = tpu.memref_slice %arg7[%dma_wait3A_348, %dma_wait3A_349] : memref<8x80xi32, #tpu.memory_space<vmem>> -> memref<1x80xi32, #tpu.memory_space<vmem>>
          %dma_wait3A_351 = tpu.memref_squeeze %dma_wait3A_350 : memref<1x80xi32, #tpu.memory_space<vmem>> -> memref<80xi32, #tpu.memory_space<vmem>>
          %dma_wait3A_352 = arith.constant 0 : i32
          %dma_wait3A_353 = tpu.memref_slice %arg3[%dma_wait3A_352] : memref<320000xi32, #tpu.memory_space<hbm>> -> memref<80xi32, #tpu.memory_space<hbm>>
          %dma_wait3A_354 = arith.constant 0 : i32
          %dma_wait3A_355 = tpu.memref_slice %arg7[%dma_wait3A_348, %dma_wait3A_354] : memref<8x80xi32, #tpu.memory_space<vmem>> -> memref<1x80xi32, #tpu.memory_space<vmem>>
          %dma_wait3A_356 = tpu.memref_squeeze %dma_wait3A_355 : memref<1x80xi32, #tpu.memory_space<vmem>> -> memref<80xi32, #tpu.memory_space<vmem>>
          %dma_wait3A_357 = arith.constant 0 : i32
          %dma_wait3A_358 = tpu.memref_slice %arg3[%dma_wait3A_357] : memref<320000xi32, #tpu.memory_space<hbm>> -> memref<80xi32, #tpu.memory_space<hbm>>
          tpu.wait_dma2 semaphore(%arg17 : memref<!tpu.dma_semaphore, #tpu.memory_space<semaphore_mem>>) src(%dma_wait3A_358 : memref<80xi32, #tpu.memory_space<hbm>>) dst(%dma_wait3A_356 : memref<80xi32, #tpu.memory_space<vmem>>)
          %dma_start3A_359 = arith.constant 2 : i32
          %dma_start3A_360 = arith.constant 2 : i32
          %dma_start3A_361 = arith.constant 0 : i32
          %dma_start3A_362 = arith.constant 0 : i32
          %dma_start3A_363 = tpu.memref_slice %arg8[%dma_start3A_360, %dma_start3A_361, %dma_start3A_362] : memref<4x80x128xf32, #tpu.memory_space<vmem>> -> memref<1x80x128xf32, #tpu.memory_space<vmem>>
          %dma_start3A_364 = tpu.memref_squeeze %dma_start3A_363 : memref<1x80x128xf32, #tpu.memory_space<vmem>> -> memref<80x128xf32, #tpu.memory_space<vmem>>
          %dma_start3A_365 = arith.constant 0 : i32
          %dma_start3A_366 = tpu.memref_slice %arg6[%dma_start3A_359, %dma_start3A_365] : memref<4x80xi32, #tpu.memory_space<vmem>> -> memref<1x80xi32, #tpu.memory_space<vmem>>
          %dma_start3A_367 = tpu.memref_squeeze %dma_start3A_366 : memref<1x80xi32, #tpu.memory_space<vmem>> -> memref<80xi32, #tpu.memory_space<vmem>>
          %dma_start3A_368 = arith.constant 0 : i32
          %dma_start3A_369 = arith.constant 0 : i32
          %dma_start3A_370 = tpu.memref_slice %arg4[%dma_start3A_368, %dma_start3A_369] : memref<10000x128xf32, #tpu.memory_space<hbm>> -> memref<10000x128xf32, #tpu.memory_space<hbm>>
          tpu.enqueue_indirect_dma source(%dma_start3A_370 : memref<10000x128xf32, #tpu.memory_space<hbm>>) target(%dma_start3A_364 : memref<80x128xf32, #tpu.memory_space<vmem>>) offsets(%dma_start3A_367 : memref<80xi32, #tpu.memory_space<vmem>>) semaphore(%arg13 : memref<!tpu.dma_semaphore, #tpu.memory_space<semaphore_mem>>)
        } else {
        }
        %add3A_330 = arith.constant 4 : i32
        %add3A_331 = arith.addi %add3A_289, %add3A_330 : i32
        %lt3A_332 = arith.constant 125 : i32
        %lt3A_333 = arith.cmpi slt, %add3A_331, %lt3A_332 : i32
        %convert_element_type3A_334 = arith.extui %lt3A_333 : i1 to i32
        %cond3A_335 = arith.constant 0 : i32
        %cond3A_336 = arith.cmpi ne, %convert_element_type3A_334, %cond3A_335 : i32
        scf.if %cond3A_336 {
          %add3A_337 = arith.constant 4 : i32
          %add3A_338 = arith.addi %add3A_289, %add3A_337 : i32
          %mul3A_339 = arith.constant 80 : i32
          %mul3A_340 = arith.muli %add3A_338, %mul3A_339 : i32
          %add3A_341 = arith.addi %mul3A_18, %mul3A_340 : i32
          %dma_start3A_342 = arith.constant 3 : i32
          %dma_start3A_343 = arith.constant 0 : i32
          %dma_start3A_344 = tpu.memref_slice %arg6[%dma_start3A_342, %dma_start3A_343] : memref<4x80xi32, #tpu.memory_space<vmem>> -> memref<1x80xi32, #tpu.memory_space<vmem>>
          %dma_start3A_345 = tpu.memref_squeeze %dma_start3A_344 : memref<1x80xi32, #tpu.memory_space<vmem>> -> memref<80xi32, #tpu.memory_space<vmem>>
          %dma_start3A_346 = tpu.memref_slice %arg2[%add3A_341] : memref<320000xi32, #tpu.memory_space<hbm>> -> memref<80xi32, #tpu.memory_space<hbm>>
          %dma_start3A_347 = arith.constant 0 : i32
          %dma_start3A_348 = tpu.memref_slice %arg6[%dma_start3A_342, %dma_start3A_347] : memref<4x80xi32, #tpu.memory_space<vmem>> -> memref<1x80xi32, #tpu.memory_space<vmem>>
          %dma_start3A_349 = tpu.memref_squeeze %dma_start3A_348 : memref<1x80xi32, #tpu.memory_space<vmem>> -> memref<80xi32, #tpu.memory_space<vmem>>
          %dma_start3A_350 = tpu.memref_slice %arg2[%add3A_341] : memref<320000xi32, #tpu.memory_space<hbm>> -> memref<80xi32, #tpu.memory_space<hbm>>
          tpu.enqueue_dma source(%dma_start3A_350 : memref<80xi32, #tpu.memory_space<hbm>>) target(%dma_start3A_349 : memref<80xi32, #tpu.memory_space<vmem>>) target_semaphore(%arg18 : memref<!tpu.dma_semaphore, #tpu.memory_space<semaphore_mem>>)
          %dma_start3A_351 = arith.constant 3 : i32
          %dma_start3A_352 = arith.constant 0 : i32
          %dma_start3A_353 = tpu.memref_slice %arg7[%dma_start3A_351, %dma_start3A_352] : memref<8x80xi32, #tpu.memory_space<vmem>> -> memref<1x80xi32, #tpu.memory_space<vmem>>
          %dma_start3A_354 = tpu.memref_squeeze %dma_start3A_353 : memref<1x80xi32, #tpu.memory_space<vmem>> -> memref<80xi32, #tpu.memory_space<vmem>>
          %dma_start3A_355 = tpu.memref_slice %arg3[%add3A_341] : memref<320000xi32, #tpu.memory_space<hbm>> -> memref<80xi32, #tpu.memory_space<hbm>>
          %dma_start3A_356 = arith.constant 0 : i32
          %dma_start3A_357 = tpu.memref_slice %arg7[%dma_start3A_351, %dma_start3A_356] : memref<8x80xi32, #tpu.memory_space<vmem>> -> memref<1x80xi32, #tpu.memory_space<vmem>>
          %dma_start3A_358 = tpu.memref_squeeze %dma_start3A_357 : memref<1x80xi32, #tpu.memory_space<vmem>> -> memref<80xi32, #tpu.memory_space<vmem>>
          %dma_start3A_359 = tpu.memref_slice %arg3[%add3A_341] : memref<320000xi32, #tpu.memory_space<hbm>> -> memref<80xi32, #tpu.memory_space<hbm>>
          tpu.enqueue_dma source(%dma_start3A_359 : memref<80xi32, #tpu.memory_space<hbm>>) target(%dma_start3A_358 : memref<80xi32, #tpu.memory_space<vmem>>) target_semaphore(%arg18 : memref<!tpu.dma_semaphore, #tpu.memory_space<semaphore_mem>>)
        } else {
        }
      } else {
      }
    }
    %scan3A_204 = arith.constant 16 : i32
    %dma_wait3A_205 = arith.constant 0 : i32
    %dma_wait3A_206 = arith.constant 4 : i32
    %dma_wait3A_207 = arith.constant 0 : i32
    %dma_wait3A_208 = arith.constant 0 : i32
    %dma_wait3A_209 = tpu.memref_slice %arg8[%dma_wait3A_205, %dma_wait3A_207, %dma_wait3A_208] : memref<4x80x128xf32, #tpu.memory_space<vmem>> -> memref<1x80x128xf32, #tpu.memory_space<vmem>>
    %dma_wait3A_210 = tpu.memref_squeeze %dma_wait3A_209 : memref<1x80x128xf32, #tpu.memory_space<vmem>> -> memref<80x128xf32, #tpu.memory_space<vmem>>
    %dma_wait3A_211 = arith.constant 0 : i32
    %dma_wait3A_212 = tpu.memref_slice %arg7[%dma_wait3A_206, %dma_wait3A_211] : memref<8x80xi32, #tpu.memory_space<vmem>> -> memref<1x80xi32, #tpu.memory_space<vmem>>
    %dma_wait3A_213 = tpu.memref_squeeze %dma_wait3A_212 : memref<1x80xi32, #tpu.memory_space<vmem>> -> memref<80xi32, #tpu.memory_space<vmem>>
    %dma_wait3A_214 = arith.constant 0 : i32
    %dma_wait3A_215 = arith.constant 0 : i32
    %dma_wait3A_216 = tpu.memref_slice %arg10[%dma_wait3A_214, %dma_wait3A_215] : memref<10000x128xf32, #tpu.memory_space<vmem_shared>> -> memref<10000x128xf32, #tpu.memory_space<vmem_shared>>
    tpu.wait_indirect_dma semaphore(%arg19 : memref<!tpu.dma_semaphore, #tpu.memory_space<semaphore_mem>>) src(%dma_wait3A_210 : memref<80x128xf32, #tpu.memory_space<vmem>>) dst(%dma_wait3A_216 : memref<10000x128xf32, #tpu.memory_space<vmem_shared>>)
    %barrier3A_217 = arith.constant 0 : index
    tpu.barrier barrier_id(%barrier3A_217)
    "tpu.region"() ({
      %run_scoped3A = tpu.sem_alloc : memref<!tpu.dma_semaphore, #tpu.memory_space<semaphore_mem>>
      %dma_start3A_223 = arith.constant 0 : i32
      %dma_start3A_224 = tpu.memref_slice %arg5[%arg0, %mul3A_2, %dma_start3A_223] : memref<2x10000x128xf32, #tpu.memory_space<hbm>> -> memref<1x624x128xf32, #tpu.memory_space<hbm>>
      %dma_start3A_225 = tpu.memref_squeeze %dma_start3A_224 : memref<1x624x128xf32, #tpu.memory_space<hbm>> -> memref<624x128xf32, #tpu.memory_space<hbm>>
      %dma_start3A_226 = arith.constant 0 : i32
      %dma_start3A_227 = tpu.memref_slice %arg10[%mul3A_2, %dma_start3A_226] : memref<10000x128xf32, #tpu.memory_space<vmem_shared>> -> memref<624x128xf32, #tpu.memory_space<vmem_shared>>
      tpu.enqueue_dma source(%dma_start3A_227 : memref<624x128xf32, #tpu.memory_space<vmem_shared>>) target(%dma_start3A_225 : memref<624x128xf32, #tpu.memory_space<hbm>>) target_semaphore(%run_scoped3A : memref<!tpu.dma_semaphore, #tpu.memory_space<semaphore_mem>>)
      %dma_wait3A_228 = arith.constant 0 : i32
      %dma_wait3A_229 = tpu.memref_slice %arg5[%arg0, %mul3A_2, %dma_wait3A_228] : memref<2x10000x128xf32, #tpu.memory_space<hbm>> -> memref<1x624x128xf32, #tpu.memory_space<hbm>>
      %dma_wait3A_230 = tpu.memref_squeeze %dma_wait3A_229 : memref<1x624x128xf32, #tpu.memory_space<hbm>> -> memref<624x128xf32, #tpu.memory_space<hbm>>
      %dma_wait3A_231 = arith.constant 0 : i32
      %dma_wait3A_232 = tpu.memref_slice %arg10[%mul3A_2, %dma_wait3A_231] : memref<10000x128xf32, #tpu.memory_space<vmem_shared>> -> memref<624x128xf32, #tpu.memory_space<vmem_shared>>
      tpu.wait_dma2 semaphore(%run_scoped3A : memref<!tpu.dma_semaphore, #tpu.memory_space<semaphore_mem>>) src(%dma_wait3A_232 : memref<624x128xf32, #tpu.memory_space<vmem_shared>>) dst(%dma_wait3A_230 : memref<624x128xf32, #tpu.memory_space<hbm>>)
      tpu.yield
    }) : () -> ()
    %eq3A_218 = arith.constant 15 : i32
    %eq3A_219 = arith.cmpi eq, %arg1, %eq3A_218 : i32
    %convert_element_type3A_220 = arith.extui %eq3A_219 : i1 to i32
    %cond3A_221 = arith.constant 0 : i32
    %cond3A_222 = arith.cmpi ne, %convert_element_type3A_220, %cond3A_221 : i32
    scf.if %cond3A_222 {
      "tpu.region"() ({
        %run_scoped3A = tpu.sem_alloc : memref<!tpu.dma_semaphore, #tpu.memory_space<semaphore_mem>>
        %dma_start3A_223 = arith.constant 9984 : i32
        %dma_start3A_224 = arith.constant 0 : i32
        %dma_start3A_225 = tpu.memref_slice %arg5[%arg0, %dma_start3A_223, %dma_start3A_224] : memref<2x10000x128xf32, #tpu.memory_space<hbm>> -> memref<1x16x128xf32, #tpu.memory_space<hbm>>
        %dma_start3A_226 = tpu.memref_squeeze %dma_start3A_225 : memref<1x16x128xf32, #tpu.memory_space<hbm>> -> memref<16x128xf32, #tpu.memory_space<hbm>>
        %dma_start3A_227 = arith.constant 9984 : i32
        %dma_start3A_228 = arith.constant 0 : i32
        %dma_start3A_229 = tpu.memref_slice %arg10[%dma_start3A_227, %dma_start3A_228] : memref<10000x128xf32, #tpu.memory_space<vmem_shared>> -> memref<16x128xf32, #tpu.memory_space<vmem_shared>>
        tpu.enqueue_dma source(%dma_start3A_229 : memref<16x128xf32, #tpu.memory_space<vmem_shared>>) target(%dma_start3A_226 : memref<16x128xf32, #tpu.memory_space<hbm>>) target_semaphore(%run_scoped3A : memref<!tpu.dma_semaphore, #tpu.memory_space<semaphore_mem>>)
        %dma_wait3A_230 = arith.constant 9984 : i32
        %dma_wait3A_231 = arith.constant 0 : i32
        %dma_wait3A_232 = tpu.memref_slice %arg5[%arg0, %dma_wait3A_230, %dma_wait3A_231] : memref<2x10000x128xf32, #tpu.memory_space<hbm>> -> memref<1x16x128xf32, #tpu.memory_space<hbm>>
        %dma_wait3A_233 = tpu.memref_squeeze %dma_wait3A_232 : memref<1x16x128xf32, #tpu.memory_space<hbm>> -> memref<16x128xf32, #tpu.memory_space<hbm>>
        %dma_wait3A_234 = arith.constant 9984 : i32
        %dma_wait3A_235 = arith.constant 0 : i32
        %dma_wait3A_236 = tpu.memref_slice %arg10[%dma_wait3A_234, %dma_wait3A_235] : memref<10000x128xf32, #tpu.memory_space<vmem_shared>> -> memref<16x128xf32, #tpu.memory_space<vmem_shared>>
        tpu.wait_dma2 semaphore(%run_scoped3A : memref<!tpu.dma_semaphore, #tpu.memory_space<semaphore_mem>>) src(%dma_wait3A_236 : memref<16x128xf32, #tpu.memory_space<vmem_shared>>) dst(%dma_wait3A_233 : memref<16x128xf32, #tpu.memory_space<hbm>>)
        tpu.yield
      }) : () -> ()
    } else {
    }
    return
  }
}

module attributes {stable_mosaic.version = 14 : i64} {
  func.func @_mid_body(%arg0: i32, %arg1: memref<1x1000x128xf32, #tpu.memory_space<vmem>>, %arg2: memref<1x1000x128xf32, #tpu.memory_space<vmem>>, %arg3: memref<128x128xf32, #tpu.memory_space<vmem>>, %arg4: memref<1x128xf32, #tpu.memory_space<vmem>>, %arg5: memref<128x128xf32, #tpu.memory_space<vmem>>, %arg6: memref<1000x128xf32, #tpu.memory_space<vmem>>) attributes {dimension_semantics = [#tpu.dimension_semantics<arbitrary>], iteration_bounds = array<i64: 10>, scalar_prefetch = 0 : i64, scratch_operands = 0 : i64, tpu.core_type = #tpu.core_type<tc>, window_params = [{transform_indices = @transform_0, window_bounds = array<i64: 1, 1000, 128>}, {transform_indices = @transform_1, window_bounds = array<i64: 1, 1000, 128>}, {pipeline_mode = #tpu.pipeline_mode<synchronous>, transform_indices = @transform_2, window_bounds = array<i64: 128, 128>}, {pipeline_mode = #tpu.pipeline_mode<synchronous>, transform_indices = @transform_3, window_bounds = array<i64: 1, 128>}, {pipeline_mode = #tpu.pipeline_mode<synchronous>, transform_indices = @transform_4, window_bounds = array<i64: 128, 128>}, {transform_indices = @transform_5, window_bounds = array<i64: 1000, 128>}]} {
    %get3A = arith.constant 0 : index
    %get3A_0 = arith.constant 0 : index
    %get3A_1 = arith.constant 0 : index
    %get3A_2 = vector.load %arg1[%get3A, %get3A_0, %get3A_1] : memref<1x1000x128xf32, #tpu.memory_space<vmem>>, vector<1x1000x128xf32>
    %get3A_3 = vector.shape_cast %get3A_2 : vector<1x1000x128xf32> to vector<1000x128xf32>
    %get3A_4 = arith.constant 0 : index
    %get3A_5 = arith.constant 0 : index
    %get3A_6 = arith.constant 0 : index
    %get3A_7 = vector.load %arg2[%get3A_4, %get3A_5, %get3A_6] : memref<1x1000x128xf32, #tpu.memory_space<vmem>>, vector<1x1000x128xf32>
    %get3A_8 = vector.shape_cast %get3A_7 : vector<1x1000x128xf32> to vector<1000x128xf32>
    %add3A = arith.addf %get3A_3, %get3A_8 : vector<1000x128xf32>
    %get3A_9 = arith.constant 0 : index
    %get3A_10 = arith.constant 0 : index
    %get3A_11 = vector.load %arg3[%get3A_9, %get3A_10] : memref<128x128xf32, #tpu.memory_space<vmem>>, vector<128x128xf32>
    %dot_general3A = arith.constant dense<0.000000e+00> : vector<1000x128xf32>
    %dot_general3A_12 = tpu.matmul %add3A, %get3A_11, %dot_general3A {dimension_numbers = #tpu.dot_dimension_numbers<[1], [0], [0], [1], [0, 0, 1, 1], [], []>, transpose_lhs_hint = false} : vector<1000x128xf32>, vector<128x128xf32>, vector<1000x128xf32> -> vector<1000x128xf32>
    %get3A_13 = arith.constant 0 : index
    %get3A_14 = arith.constant 0 : index
    %get3A_15 = vector.load %arg4[%get3A_13, %get3A_14] : memref<1x128xf32, #tpu.memory_space<vmem>>, vector<1x128xf32>
    %add3A_16 = vector.broadcast %get3A_15 : vector<1x128xf32> to vector<1000x128xf32>
    %add3A_17 = arith.addf %dot_general3A_12, %add3A_16 : vector<1000x128xf32>
    %max3A = arith.constant 0.000000e+00 : f32
    %max3A_18 = vector.broadcast %max3A : f32 to vector<1000x128xf32>
    %max3A_19 = arith.maximumf %add3A_17, %max3A_18 : vector<1000x128xf32>
    %get3A_20 = arith.constant 0 : index
    %get3A_21 = arith.constant 0 : index
    %get3A_22 = vector.load %arg5[%get3A_20, %get3A_21] : memref<128x128xf32, #tpu.memory_space<vmem>>, vector<128x128xf32>
    %dot_general3A_23 = arith.constant dense<0.000000e+00> : vector<1000x128xf32>
    %dot_general3A_24 = tpu.matmul %max3A_19, %get3A_22, %dot_general3A_23 {dimension_numbers = #tpu.dot_dimension_numbers<[1], [0], [0], [1], [0, 0, 1, 1], [], []>, transpose_lhs_hint = false} : vector<1000x128xf32>, vector<128x128xf32>, vector<1000x128xf32> -> vector<1000x128xf32>
    %swap3A = arith.constant 0 : index
    %swap3A_25 = arith.constant 0 : index
    %swap3A_26 = vector.load %arg6[%swap3A, %swap3A_25] : memref<1000x128xf32, #tpu.memory_space<vmem>>, vector<1000x128xf32>
    tpu.vector_store %arg6[%swap3A, %swap3A_25], %dot_general3A_24 {strides = array<i32>} : memref<1000x128xf32, #tpu.memory_space<vmem>>, vector<1000x128xf32>,
    return
  }
  func.func @transform_0(%arg0: i32) -> (i32, i32, i32) {
    %c0_i32 = arith.constant 0 : i32
    %c0_i32_0 = arith.constant 0 : i32
    %c0_i32_1 = arith.constant 0 : i32
    return %c0_i32, %arg0, %c0_i32_0 : i32, i32, i32
  }
  func.func @transform_1(%arg0: i32) -> (i32, i32, i32) {
    %c1_i32 = arith.constant 1 : i32
    %c0_i32 = arith.constant 0 : i32
    %c0_i32_0 = arith.constant 0 : i32
    return %c1_i32, %arg0, %c0_i32 : i32, i32, i32
  }
  func.func @transform_2(%arg0: i32) -> (i32, i32) {
    %c0_i32 = arith.constant 0 : i32
    %c0_i32_0 = arith.constant 0 : i32
    %c0_i32_1 = arith.constant 0 : i32
    return %c0_i32, %c0_i32_0 : i32, i32
  }
  func.func @transform_3(%arg0: i32) -> (i32, i32) {
    %c0_i32 = arith.constant 0 : i32
    %c0_i32_0 = arith.constant 0 : i32
    %c0_i32_1 = arith.constant 0 : i32
    return %c0_i32, %c0_i32_0 : i32, i32
  }
  func.func @transform_4(%arg0: i32) -> (i32, i32) {
    %c0_i32 = arith.constant 0 : i32
    %c0_i32_0 = arith.constant 0 : i32
    %c0_i32_1 = arith.constant 0 : i32
    return %c0_i32, %c0_i32_0 : i32, i32
  }
  func.func @transform_5(%arg0: i32) -> (i32, i32) {
    %c0_i32 = arith.constant 0 : i32
    %c0_i32_0 = arith.constant 0 : i32
    return %arg0, %c0_i32 : i32, i32
  }
}

module attributes {stable_mosaic.version = 14 : i64} {
  func.func @_fin_body(%arg0: i32, %arg1: memref<1x1000x128xf32, #tpu.memory_space<vmem>>, %arg2: memref<1x1000x128xf32, #tpu.memory_space<vmem>>, %arg3: memref<1x128xf32, #tpu.memory_space<vmem>>, %arg4: memref<1000x128xf32, #tpu.memory_space<vmem>>) attributes {dimension_semantics = [#tpu.dimension_semantics<arbitrary>], iteration_bounds = array<i64: 10>, scalar_prefetch = 0 : i64, scratch_operands = 0 : i64, tpu.core_type = #tpu.core_type<tc>, window_params = [{transform_indices = @transform_0, window_bounds = array<i64: 1, 1000, 128>}, {transform_indices = @transform_1, window_bounds = array<i64: 1, 1000, 128>}, {pipeline_mode = #tpu.pipeline_mode<synchronous>, transform_indices = @transform_2, window_bounds = array<i64: 1, 128>}, {transform_indices = @transform_3, window_bounds = array<i64: 1000, 128>}]} {
    %get3A = arith.constant 0 : index
    %get3A_0 = arith.constant 0 : index
    %get3A_1 = arith.constant 0 : index
    %get3A_2 = vector.load %arg1[%get3A, %get3A_0, %get3A_1] : memref<1x1000x128xf32, #tpu.memory_space<vmem>>, vector<1x1000x128xf32>
    %get3A_3 = vector.shape_cast %get3A_2 : vector<1x1000x128xf32> to vector<1000x128xf32>
    %get3A_4 = arith.constant 0 : index
    %get3A_5 = arith.constant 0 : index
    %get3A_6 = arith.constant 0 : index
    %get3A_7 = vector.load %arg2[%get3A_4, %get3A_5, %get3A_6] : memref<1x1000x128xf32, #tpu.memory_space<vmem>>, vector<1x1000x128xf32>
    %get3A_8 = vector.shape_cast %get3A_7 : vector<1x1000x128xf32> to vector<1000x128xf32>
    %add3A = arith.addf %get3A_3, %get3A_8 : vector<1000x128xf32>
    %get3A_9 = arith.constant 0 : index
    %get3A_10 = arith.constant 0 : index
    %get3A_11 = vector.load %arg3[%get3A_9, %get3A_10] : memref<1x128xf32, #tpu.memory_space<vmem>>, vector<1x128xf32>
    %add3A_12 = vector.broadcast %get3A_11 : vector<1x128xf32> to vector<1000x128xf32>
    %add3A_13 = arith.addf %add3A, %add3A_12 : vector<1000x128xf32>
    %swap3A = arith.constant 0 : index
    %swap3A_14 = arith.constant 0 : index
    %swap3A_15 = vector.load %arg4[%swap3A, %swap3A_14] : memref<1000x128xf32, #tpu.memory_space<vmem>>, vector<1000x128xf32>
    tpu.vector_store %arg4[%swap3A, %swap3A_14], %add3A_13 {strides = array<i32>} : memref<1000x128xf32, #tpu.memory_space<vmem>>, vector<1000x128xf32>,
    return
  }
  func.func @transform_0(%arg0: i32) -> (i32, i32, i32) {
    %c0_i32 = arith.constant 0 : i32
    %c0_i32_0 = arith.constant 0 : i32
    %c0_i32_1 = arith.constant 0 : i32
    return %c0_i32, %arg0, %c0_i32_0 : i32, i32, i32
  }
  func.func @transform_1(%arg0: i32) -> (i32, i32, i32) {
    %c1_i32 = arith.constant 1 : i32
    %c0_i32 = arith.constant 0 : i32
    %c0_i32_0 = arith.constant 0 : i32
    return %c1_i32, %arg0, %c0_i32 : i32, i32, i32
  }
  func.func @transform_2(%arg0: i32) -> (i32, i32) {
    %c0_i32 = arith.constant 0 : i32
    %c0_i32_0 = arith.constant 0 : i32
    %c0_i32_1 = arith.constant 0 : i32
    return %c0_i32, %c0_i32_0 : i32, i32
  }
  func.func @transform_3(%arg0: i32) -> (i32, i32) {
    %c0_i32 = arith.constant 0 : i32
    %c0_i32_0 = arith.constant 0 : i32
    return %arg0, %c0_i32 : i32, i32
  }
}

</mosaic_0001>

<sc_bundles>
// kernel: kernel.6.cloned.1.call-start
scs
__scs_entry_jumppad:
0x0: {  	(pc) =	sbr.rel $0x88, $3  }
0x1: {  	(tag) =	ssettag $0x0;
	lr =	simm.s32 $0x1  }
0x2: {  	[smem:$0x3F9B] =	sst lr;
	_ =	strace $0xD0000000  }
0x3: {  	_ = 	snop  }
0x4: {  	_ = 	snop  }
0x5: {  	_ = 	snop  }
0x6: {  	_ = 	snop  }
0x7: {  	_ = 	snop  }
__scs_overlays_trampoline_lowered:
0x8: {  	[smem:$0x3FAA] =	sst s0  }
0x9: {  	[smem:$0x3FAB] =	sst s1  }
0xa: {  	[smem:$0x3FAC] =	sst s2  }
0xb: {  	[smem:$0x3FAD] =	sst s3  }
0xc: {  	[smem:$0x3FAE] =	sst s4  }
0xd: {  	[smem:$0x3FAF] =	sst s5  }
0xe: {  	[smem:$0x3FB0] =	sst s6  }
0xf: {  	[smem:$0x3FB1] =	sst s7  }
0x10: {  	[smem:$0x3FB2] =	sst s8  }
0x11: {  	[smem:$0x3FB3] =	sst s9;
	s0 =	simm.s32 @!p0 $0x0  }
0x12: {  	s1 =	sld [smem:$0x3F99];
	s0 =	simm.s32 @p0 $0x1  }
0x13: {  	[smem:$0x3FB4] =	sst s0;
	s0 =	simm.s32 @!p1 $0x0  }
0x14: {  	s2 =	sld [smem:$0x3F98];
	s0 =	simm.s32 @p1 $0x1  }
0x15: {  	[smem:$0x3FB5] =	sst s0;
	s0 =	simm.s32 @!p2 $0x0  }
0x16: {  	s3 =	sld [smem:$0x3FDB];
	s0 =	simm.s32 @p2 $0x1  }
0x17: {  	s4 =	simm.s32 $0x1BF5;
	[smem:$0x3FB7] =	sst s0  }
0x18: {  	s0 =	sld [smem:$0x3F9A];
	_ =	swait.ge [sflag:s4], $0x0  }
0x19: {  	s7 =	sld [smem:$0x3F9B]  }
0x1a: {  	s8 =	sadd.s32 $0xFFFFE003, lr  }
0x1b: {  	s9 =	sadd.s32 $0xFFFFFEF7, lr;
	s5 =	simm.s32 $0xFFFFFFFF;
	p2 =	slt.u32 s8, $0xFFFFF086  }
0x1c: {  	p1 =	slt.u32 s9, $0xF7A;
	s5 =	simm.s32 @!p2 $0x0  }
0x1d: {  	s5 =	simm.s32 @p1 $0x1;
	p0 =	seq.s32 s7, s2  }
0x1e: {  	s7 =	smul.u32 @!p0 $0xF7A, s2;
	p2 =	seq.s32 @!p0 s5, $0x0  }
0x1f: {  	s9 =	smul.u32 $0xF7A, s1;
	s8 =	simm.s32 @!p0 $0x1BF5;
	p2 =	por !p2, p0  }
0x20: {  	[sflag:s8] =	ssyncset.s32 @!p0 $0xFFFFF086;
	s6 =	sadd.s32 @!p0 s3, s7;
	s7 =	simm.s32 @!p0 $0x108  }
0x21: {  	s3 =	sadd.s32 s3, s9;
	s6 =	sadd.s32 @!p0 $0x88, s6;
	s7 =	simm.s32 @p2 $0x1082  }
0x22: {  	[simem:s7], [sflag:s8] =	dma.local @!p0 [hbm:s6], $0xF7A  }
0x23: {  	s9 =	sor.u32 $0xD0000000, s2;
	s6 =	simm.s32 $0x108;
	_ =	swait.ge @!p0 [sflag:s8], $0x0  }
0x24: {  	s3 =	sadd.s32 $0x88, s3;
	s6 =	simm.s32 @!p1 $0x1082;
	[sflag:s4] =	ssyncset.s32 $0xFFFFF086  }
0x25: {  	[simem:s6], [sflag:s4] =	dma.local [hbm:s3], $0xF7A  }
0x26: {  	[smem:$0x3F9B] =	sst s1;
	(tag) =	ssettag s2;
	_ =	strace s9  }
0x27: {  	s1 =	sld [smem:$0x3FAB]  }
0x28: {  	s2 =	sld [smem:$0x3FAC]  }
0x29: {  	s4 =	sld [smem:$0x3FAE]  }
0x2a: {  	p0 =	seq.s32 s5, $0x0;
	s5 =	sld [smem:$0x3FAF]  }
0x2b: {  	s6 =	sld [smem:$0x3FB0]  }
0x2c: {  	s7 =	sld [smem:$0x3FB1]  }
0x2d: {  	s3 =	simm.s32 $0x108;
	s8 =	sld [smem:$0x3FB2]  }
0x2e: {  	s3 =	simm.s32 @!p0 $0x1082;
	s9 =	sld [smem:$0x3FB3]  }
0x2f: {  	lr =	sadd.s32 s0, s3;
	s0 =	sld [smem:$0x3FAA]  }
0x30: {  	s3 =	sld [smem:$0x3FAD]  }
0x31: {  	[smem:$0x3FB6] =	sst s10  }
0x32: {  	s10 =	sld [smem:$0x3FB4];
	_ =	sdelay $0x3  }
0x33: {  	p0 =	seq.s32 s10, $0x1;
	s10 =	sld [smem:$0x3FB6];
	_ =	sdelay $0x3  }
0x34: {  	[smem:$0x3FB6] =	sst s10  }
0x35: {  	s10 =	sld [smem:$0x3FB5];
	_ =	sdelay $0x3  }
0x36: {  	p1 =	seq.s32 s10, $0x1;
	s10 =	sld [smem:$0x3FB6];
	_ =	sdelay $0x3  }
0x37: {  	[smem:$0x3FB6] =	sst s10  }
0x38: {  	s10 =	sld [smem:$0x3FB7]  }
0x39: {  	_ = 	snop;
	(pc) =	sbr.ind lr, $3  }
0x3a: {  	_ = 	snop  }
0x3b: {  	_ = 	snop  }
0x3c: {  	p2 =	seq.s32 s10, $0x1;
	s10 =	sld [smem:$0x3FB6]  }
0x3d: {  	_ =	shalt  }
0x3e: {  	_ =	shalt  }
0x3f: {  	_ =	shalt  }
0x40: {  	_ =	shalt  }
0x41: {  	_ =	shalt  }
0x42: {  	_ =	shalt  }
0x43: {  	_ =	shalt  }
0x44: {  	_ =	shalt  }
0x45: {  	_ =	shalt  }
0x46: {  	_ =	shalt  }
0x47: {  	_ =	shalt  }
0x48: {  	_ =	shalt  }
0x49: {  	_ =	shalt  }
0x4a: {  	_ =	shalt  }
0x4b: {  	_ =	shalt  }
0x4c: {  	_ =	shalt  }
0x4d: {  	_ =	shalt  }
0x4e: {  	_ =	shalt  }
0x4f: {  	_ =	shalt  }
0x50: {  	_ =	shalt  }
0x51: {  	_ =	shalt  }
0x52: {  	_ =	shalt  }
0x53: {  	_ =	shalt  }
0x54: {  	_ =	shalt  }
0x55: {  	_ =	shalt  }
0x56: {  	_ =	shalt  }
0x57: {  	_ =	shalt  }
0x58: {  	_ =	shalt  }
0x59: {  	_ =	shalt  }
0x5a: {  	_ =	shalt  }
0x5b: {  	_ =	shalt  }
0x5c: {  	_ =	shalt  }
0x5d: {  	_ =	shalt  }
0x5e: {  	_ =	shalt  }
0x5f: {  	_ =	shalt  }
0x60: {  	_ =	shalt  }
0x61: {  	_ =	shalt  }
0x62: {  	_ =	shalt  }
0x63: {  	_ =	shalt  }
0x64: {  	_ =	shalt  }
0x65: {  	_ =	shalt  }
0x66: {  	_ =	shalt  }
0x67: {  	_ =	shalt  }
0x68: {  	_ =	shalt  }
0x69: {  	_ =	shalt  }
0x6a: {  	_ =	shalt  }
0x6b: {  	_ =	shalt  }
0x6c: {  	_ =	shalt  }
0x6d: {  	_ =	shalt  }
0x6e: {  	_ =	shalt  }
0x6f: {  	_ =	shalt  }
0x70: {  	_ =	shalt  }
0x71: {  	_ =	shalt  }
0x72: {  	_ =	shalt  }
0x73: {  	_ =	shalt  }
0x74: {  	_ =	shalt  }
0x75: {  	_ =	shalt  }
0x76: {  	_ =	shalt  }
0x77: {  	_ =	shalt  }
0x78: {  	_ =	shalt  }
0x79: {  	_ =	shalt  }
0x7a: {  	_ =	shalt  }
0x7b: {  	_ =	shalt  }
0x7c: {  	_ =	shalt  }
0x7d: {  	_ =	shalt  }
0x7e: {  	_ =	shalt  }
0x7f: {  	_ =	shalt  }
0x80: {  	_ =	shalt  }
0x81: {  	_ =	shalt  }
0x82: {  	_ =	shalt  }
0x83: {  	_ =	shalt  }
0x84: {  	_ =	shalt  }
0x85: {  	_ =	shalt  }
0x86: {  	_ =	shalt  }
0x87: {  	_ =	shalt  }
.Lfunc_end0:
.L_simem_size_0:
called_computation_lowered:
.L_overlay_start_0:
0x88: {  	s2 =	sld [smem:$0x3FD9]  }
0x89: {  	s3 =	sld [smem:$0x3FFE];
	_ =	sdelay $0x1  }
0x8a: {  	s1 =	srdreg.scid  }
0x8b: {  	s0 =	sand.u32 $0x1, s1  }
0x8c: {  	s17 =	sshll.u32 s0, $0xA;
	s2 =	sadd.s32 s3, s2  }
0x8d: {  	s2 =	sadd.s32 s2, s17  }
0x8e: {  	[smem:$0x3FC2] =	sst s2  }
0x8f: {  	_ = 	snop  }
0x90: {  	s2 =	sld [smem:$0x3FC9];
	(tm) =	ssettm $0x1  }
0x91: {  	s18 =	sld [smem:$0x3FFB];
	_ =	sdelay $0x3  }
0x92: {  	_ =	strace s18  }
0x93: {  	s3 =	sld [smem:$0x3FFC];
	_ =	sdelay $0x3  }
0x94: {  	_ =	strace s3  }
0x95: {  	s3 =	sld [smem:$0x3FFD];
	_ =	sdelay $0x3  }
0x96: {  	_ =	strace s3  }
0x97: {  	_ =	strace $0x8FFFFFFF  }
0x98: {  	s19 =	sld [smem:$0x3FDB];
	_ =	sdelay $0x1  }
0x99: {  	s4 =	simm.s32 $_scs_section_size  }
0x9a: {  	s5 =	simm.s32 $_size__tile_overlayer_lowered;
	s6 =	simm.s32 $_tile_overlayer_lowered  }
0x9b: {  	s22 =	simm.s32 $0x1BFF;
	s21 =	sshll.u32 s6, $0x1;
	s3 =	sadd.s32 s4, s19  }
0x9c: {  	s7 =	simm.s32 $0x0;
	s20 =	sshll.u32 s5, $0x1;
	s5 =	sadd.s32 s21, s3  }
0x9d: {  	[timem:s7], [sflag:s22] =	dma.local [hbm:s5], s20  }
0x9e: {  	_ =	swait.ge [sflag:s22], s20  }
0x9f: {  	s4 =	ssub.s32 $0x0, s20;
	[sflag:s22] =	ssyncset.done $0x0  }
0xa0: {  	[sflag:s22] =	ssyncadd.s32 s4;
	_ =	sdelay $0x1  }
0xa1: {  	s23 =	simm.s32 $0x1B8B  }
0xa2: {  	_ =	swait.ge [sflag:s23], $0x1  }
0xa3: {  	[sflag:s23] =	ssyncset.done $0x0  }
0xa4: {  	s25 =	simm.s32 $0x1B8E;
	s24 =	sld [smem:$0x3FFE];
	[sflag:s23] =	ssyncadd.s32 $0xFFFFFFFF  }
0xa5: {  	s26 =	simm.s32 $execute0_lowered;
	[smem:$0x3FD2] =	sst s25  }
0xa6: {  	s5 =	sshll.u32 s26, $0x1;
	_ =	strace $0x80000046;
	[dreg:$0x1] =	wrdreg $0xFFFFFFFF  }
0xa7: {  	s28 =	simm.s32 $_size_execute0_lowered;
	s3 =	sadd.s32 s3, s5;
	[dreg:$0x0] =	wrdreg $0x0  }
0xa8: {  	s5 =	sshll.u32 s28, $0x1;
	[dreg:$0x2] =	wrdreg s3  }
0xa9: {  	[dreg:$0x3] =	wrdreg s5  }
0xaa: {  	[dreg:$0x4] =	wrdreg $0xC0  }
0xab: {  	_ =	task [dreg:s7], $0x5FFFF  }
0xac: {  	[dreg:$0x1] =	wrdreg $0xFFFFFFFF  }
0xad: {  	[dreg:$0x0] =	wrdreg $0x60  }
0xae: {  	[dreg:$0x2] =	wrdreg s24  }
0xaf: {  	[dreg:$0x3] =	wrdreg s2  }
0xb0: {  	[dreg:$0x4] =	wrdreg $0xAE000  }
0xb1: {  	[dreg:$0x5] =	wrdreg $0x9  }
0xb2: {  	_ =	task.clear_ibuf [dreg:s7], $0x6FFFF;
	_ =	strace $0x90000046  }
0xb3: {  	s29 =	simm.s32 $0x9;
	_ =	strace $0x80000048  }
0xb4: {  	_ =	swait.ge [sflag:s29], $0x1  }
0xb5: {  	[sflag:s29] =	ssyncadd.s32 $0xFFFFFFFF  }
0xb6: {  	_ =	strace $0x90000048  }
0xb7: {  	_ =	sfence  }
0xb8: {  	s30 =	sld [smem:$0x0];
	_ =	sdelay $0x2  }
0xb9: {  	s31 =	sshll.u32 s1, $0xD;
	s1 =	sshrl.u32 s1, $0x2  }
0xba: {  	s3 =	sand.u32 $0x4000, s31;
	s1 =	sadd.s32 s1, s30  }
0xbb: {  	s0 =	sor.u32 s3, s0;
	s1 =	sshll.u32 s1, $0x11  }
0xbc: {  	s0 =	sor.u32 s1, s0  }
0xbd: {  	s0 =	sadd.s32 $0x8F2B, s0  }
0xbe: {  	[sflag:s0] =	ssyncadd.remote.s32 $0x1  }
0xbf: {  	_ =	sfence.sel $0xFFFF  }
0xc0: {  	[dreg:$0x0] =	wrdreg $0xFFFFFFFF;
	(pc) =	sbr.abs _section_cstart, $3  }
0xc1: {  	[dreg:$0x1] =	wrdreg $0xFFFFFFFF  }
0xc2: {  	_ =	task.clear_ibuf [dreg:s7], $0x2FFFF;
	_ =	strace $0x9FFFFFFF  }
0xc3: {  	(tm) =	ssettm $0x7FFFFFFF  }
tec
execute0_lowered:
.L_overlay_start_1:
0x0: {  	(tag) =	ssettag $0x1  }
0x1: {  	s0 =	rddreg [dreg:$0x0]  }
0x2: {  	s1 =	rddreg [dreg:$0x1]  }
0x3: {  	s2 =	rddreg [dreg:$0x2];
	s3 =	simm.s32 $0x0;
	s4 =	srdreg.scid  }
0x4: {  	s13 =	stileid.u32;
	s29 =	simm.s32 $0x280;
	s31 =	simm.s32 $0x5  }
0x5: {  	[smem:$0x7FF] =	sst s3;
	s4 =	sand.u32 $0x1, s4;
	s8 =	smul.u32 $0x4E000, s13  }
0x6: {  	s5 =	sadd.s32 $0xAC00, s0;
	s17 =	sadd.s32 $0x138000, s2;
	s12 =	smul.u32 $0x13800, s13  }
0x7: {  	s25 =	smul.u32 $0x2710, s13;
	p0 =	sne.s32 s13, $0xF;
	_ =	strace $0x80000047  }
0x8: {  	s6 =	sshll.u32 s4, $0x4;
	s9 =	ssub.s32 $0x2, s4;
	s21 =	smul.u32 $0x138800, s4  }
0x9: {  	[dreg:$0x4] =	wrdreg s17;
	s4 =	smul.u32 $0x27100, s4;
	s17 =	simm.s32 $0x9  }
0xa: {  	s7 =	sor.u32 s13, s6;
	s6 =	sadd.s32 $0xE00, s0;
	s0 =	sadd.s32 $0x14A00, s0  }
0xb: {  	s15 =	sshrl.u32 s9, $0x1;
	s8 =	sshrl.u32 s8, $0x2;
	s13 =	simm.s32 $0x8  }
0xc: {  	s10 =	smul.u32 $0x2710, s7;
	s9 =	ssub.s32 s9, s15;
	s7 =	sadd.s32 s8, s2  }
0xd: {  	s24 =	sadd.s32 s12, s21;
	s30 =	sadd.s32 s25, s4;
	s15 =	simm.s32 $0x200  }
0xe: {  	s4 =	simm.s32 $0x600;
	s12 =	simm.s32 $0x1;
	s28 =	smax.u32 s9, $0x1  }
0xf: {  	s9 =	simm.s32 $0x6;
	s16 =	sshrl.u32 s10, $0x3;
	[dreg:$0xf] =	wrdreg s28  }
0x10: {  	s18 =	sadd.s32 s5, s16;
	s19 =	sadd.s32 $0xA, s16;
	s11 =	sadd.s32 s6, s16  }
0x11: {  	s22 =	sadd.s32 $0x14, s16;
	s8 =	sadd.s32 $0x1E, s16;
	[dreg:$0x5] =	wrdreg s18  }
0x12: {  	s16 =	simm.s32 $0x2;
	[dreg:$0x6] =	wrdreg s11;
	s20 =	sadd.s32 s5, s19  }
0x13: {  	s10 =	sadd.s32 s6, s19;
	s14 =	sadd.s32 s5, s22;
	[dreg:$0x7] =	wrdreg s20  }
0x14: {  	s23 =	sadd.s32 s5, s8;
	s11 =	sshrl.u32 s21, $0x3;
	[dreg:$0x8] =	wrdreg s10  }
0x15: {  	s8 =	sadd.s32 s6, s8;
	s21 =	simm.s32 $0xA600;
	[dreg:$0x9] =	wrdreg s14  }
0x16: {  	s18 =	simm.s32 $0x3;
	s10 =	sadd.s32 s6, s22;
	[dreg:$0xb] =	wrdreg s23  }
0x17: {  	s19 =	simm.s32 $0xA;
	[dreg:$0xa] =	wrdreg s10;
	s10 =	sshrl.u32 s24, $0x3  }
0x18: {  	[dreg:$0xc] =	wrdreg s8;
	s26 =	sadd.s32 s0, s10;
	s0 =	sadd.s32 s0, s11  }
0x19: {  	s22 =	simm.s32 $0xD;
	[dreg:$0xd] =	wrdreg s26;
	s0 =	sadd.s32 $0x27000, s0  }
0x1a: {  	s23 =	simm.s32 $0x7;
	[dreg:$0xe] =	wrdreg s0;
	s0 =	sadd.s32 $0x370, s30  }
0x1b: {  	v0 =	vimm.f32 $0.0e+00;
	s8 =	simm.s32 $0x0;
	[dreg:$0x10] =	wrdreg s0;
	s0 =	simm.s32 $0x50  }
.LBB2_1:
0x1c: {  	s24 =	simm.s32 $0x0;
	s25 =	simm.s32 $0x0  }
.LBB2_2:
0x1d: {  	p1 =	sne.s32 s25, $0x1FC0  }
.Ltmp0:
0x1e: {  	_ = 	snop;
	(pc) =	sbr.rel @p1 .LBB2_2-.Ltmp0, $4  }
0x1f: {  	s26 =	sand.u32 $0x1E00, s25  }
0x20: {  	s28 =	sand.u32 $0x70, s24;
	s26 =	sshrl.u32 s26, $0x2  }
0x21: {  	s26 =	sor.u32 s28, s26  }
0x22: {  	s24 =	sadd.s32 $0x10, s24;
	s25 =	sadd.s32 $0x40, s25;
	[tilespmem:s26+$0xA600] =	vst v0  }
0x23: {  	[dreg:$0x11] =	wrdreg s8;
	s24 =	sadd.s32 $0x0, s7  }
0x24: {  	[spmem:s24] =	stream.linear.scatter [tilespmem:s21], [sflag:$0xD], $0x800, $0x38;
	[tilespmem:$0x1E680] =	vst v63  }
0x25: {  	s24 =	simm.s32 $0x2000;
	_ =	swait.ge [sflag:s22], $0x800  }
.LBB2_4:
0x26: {  	s25 =	sshra.s32 s24, $0x2;
	[sflag:s22] =	ssyncset.done $0x0;
	p1 =	sne.s32 s24, $0x4C000  }
.Ltmp1:
0x27: {  	s25 =	sadd.s32 s25, s7;
	[sflag:s22] =	ssyncadd.s32 $0xFFFFF800;
	(pc) =	sbr.rel @p1 .LBB2_4-.Ltmp1, $3  }
0x28: {  	[spmem:s25] =	stream.linear.scatter [tilespmem:s21], [sflag:$0xD], $0x800, $0x38;
	[tilespmem:$0x1E680] =	vst v63  }
0x29: {  	s24 =	sadd.s32 $0x2000, s24;
	_ =	sdelay $0x1  }
0x2a: {  	_ =	swait.ge [sflag:s22], $0x800  }
0x2b: {  	[sflag:s22] =	ssyncset.done $0x0  }
0x2c: {  	s24 =	simm.s32 @!p0 $0xA600;
	s10 =	rddreg [dreg:$0x4];
	[sflag:s22] =	ssyncadd.s32 $0xFFFFF800  }
0x2d: {  	[spmem:s10] =	stream.linear.scatter @!p0 [tilespmem:s24], [sflag:$0xD], $0x800, $0x38;
	[tilespmem:$0x1E680] =	vst v63  }
0x2e: {  	s24 =	simm.s32 @!p0 $0xD  }
0x2f: {  	_ =	swait.ge @!p0 [sflag:s24], $0x800  }
0x30: {  	[sflag:s24] =	ssyncset.done @!p0 $0x0  }
0x31: {  	[sflag:s24] =	ssyncadd.s32 @!p0 $0xFFFFF800  }
0x32: {  	[bflag:$0x0] =	sbarrier.arrive $0xFFFF  }
0x33: {  	s24 =	simm.s32 $0x0;
	s14 =	rddreg [dreg:$0x5]  }
0x34: {  	[tilespmem:s24], [sflag:$0x5] =	stream.linear.gather [hbm4b:s14+s24], $0x50, $0x38;
	[tilespmem:$0x1E680] =	vst v63  }
0x35: {  	s20 =	rddreg [dreg:$0x6]  }
0x36: {  	[tilespmem:s15], [sflag:$0x5] =	stream.linear.gather [hbm4b:s20+s24], $0x50, $0x38;
	[tilespmem:$0x1E680] =	vst v63  }
0x37: {  	s25 =	rddreg [dreg:$0x7];
	s14 =	simm.s32 $0x80  }
0x38: {  	[tilespmem:s14], [sflag:$0x6] =	stream.linear.gather [hbm4b:s25+s24], $0x50, $0x38;
	[tilespmem:$0x1E680] =	vst v63  }
0x39: {  	s26 =	rddreg [dreg:$0x8]  }
0x3a: {  	[tilespmem:s29], [sflag:$0x6] =	stream.linear.gather [hbm4b:s26+s24], $0x50, $0x38;
	[tilespmem:$0x1E680] =	vst v63  }
0x3b: {  	s28 =	rddreg [dreg:$0x9];
	s26 =	simm.s32 $0x100  }
0x3c: {  	[tilespmem:s26], [sflag:$0x7] =	stream.linear.gather [hbm4b:s28+s24], $0x50, $0x38;
	[tilespmem:$0x1E680] =	vst v63  }
0x3d: {  	s11 =	simm.s32 $0x300;
	s8 =	rddreg [dreg:$0xa]  }
0x3e: {  	[tilespmem:s11], [sflag:$0x7] =	stream.linear.gather [hbm4b:s8+s24], $0x50, $0x38;
	[tilespmem:$0x1E680] =	vst v63  }
0x3f: {  	s20 =	rddreg [dreg:$0xb];
	s8 =	simm.s32 $0x180  }
0x40: {  	[tilespmem:s8], [sflag:$0x8] =	stream.linear.gather [hbm4b:s20+s24], $0x50, $0x38;
	[tilespmem:$0x1E680] =	vst v63  }
0x41: {  	s25 =	rddreg [dreg:$0xc];
	s28 =	simm.s32 $0x380  }
0x42: {  	[tilespmem:s28], [sflag:$0x8] =	stream.linear.gather [hbm4b:s25+s24], $0x50, $0x38;
	[tilespmem:$0x1E680] =	vst v63  }
0x43: {  	_ =	swait.ge [sflag:s31], $0x50  }
0x44: {  	[sflag:s31] =	ssyncset.done $0x0  }
0x45: {  	[sflag:s31] =	ssyncadd.s32 $0xFFFFFFB0  }
0x46: {  	_ =	swait.ge [sflag:s31], $0x50  }
0x47: {  	[sflag:s31] =	ssyncset.done $0x0  }
0x48: {  	[sflag:s31] =	ssyncadd.s32 $0xFFFFFFB0  }
0x49: {  	[tilespmem:s4], [sflag:$0x1] =	stream.indirect.gather [hbm4b:s1+s0], $0x80, s24, s0, $0xb8;
	[tilespmem:$0x1E680] =	vst v63  }
0x4a: {  	_ =	swait.ge [sflag:s9], $0x50  }
0x4b: {  	[sflag:s9] =	ssyncset.done $0x0  }
0x4c: {  	[sflag:s9] =	ssyncadd.s32 $0xFFFFFFB0  }
0x4d: {  	_ =	swait.ge [sflag:s9], $0x50  }
0x4e: {  	[sflag:s9] =	ssyncset.done $0x0  }
0x4f: {  	s10 =	simm.s32 $0x2E00;
	s25 =	simm.s32 $0x7;
	[sflag:s9] =	ssyncadd.s32 $0xFFFFFFB0  }
0x50: {  	[tilespmem:s10], [sflag:$0x2] =	stream.indirect.gather [hbm4b:s1+s0], $0x80, s14, s0, $0xb8;
	[tilespmem:$0x1E680] =	vst v63  }
0x51: {  	_ =	swait.ge [sflag:s25], $0x50  }
0x52: {  	[sflag:s25] =	ssyncset.done $0x0  }
0x53: {  	[sflag:s25] =	ssyncadd.s32 $0xFFFFFFB0  }
.Ltmp2:
0x54: {  	_ =	swait.ge [sflag:s25], $0x50;
	(pc) =	sbr.rel .LBB2_6-.Ltmp2, $4  }
0x55: {  	[sflag:s25] =	ssyncset.done $0x0  }
0x56: {  	s30 =	simm.s32 $0x5600;
	[sflag:s25] =	ssyncadd.s32 $0xFFFFFFB0  }
0x57: {  	[tilespmem:s30], [sflag:$0x3] =	stream.indirect.gather [hbm4b:s1+s0], $0x80, s26, s0, $0xb8;
	[tilespmem:$0x1E680] =	vst v63  }
0x58: {  	s8 =	simm.s32 $0x180;
	s20 =	simm.s32 $0x7E00;
	s26 =	rddreg [dreg:$0x10]  }
.LBB2_7:
0x59: {  	_ =	swait.ge [sflag:s13], $0x50  }
0x5a: {  	[sflag:s13] =	ssyncset.done $0x0  }
0x5b: {  	[sflag:s13] =	ssyncadd.s32 $0xFFFFFFB0  }
0x5c: {  	_ =	swait.ge [sflag:s13], $0x50  }
0x5d: {  	[sflag:s13] =	ssyncset.done $0x0  }
0x5e: {  	s10 =	simm.s32 $0x7E00;
	s20 =	simm.s32 $0x7E00;
	[sflag:s13] =	ssyncadd.s32 $0xFFFFFFB0  }
0x5f: {  	[tilespmem:s10], [sflag:$0x4] =	stream.indirect.gather [hbm4b:s1+s0], $0x80, s8, s0, $0xb8;
	[tilespmem:$0x1E680] =	vst v63  }
.LBB2_9:
0x60: {  	s10 =	sadd.s32 $0xFFFFFF10, s26  }
0x61: {  	s10 =	sshrl.u32 s10, $0x3  }
0x62: {  	s14 =	sadd.s32 s5, s10  }
0x63: {  	[tilespmem:s3], [sflag:$0x5] =	stream.linear.gather [hbm4b:s14+s3], $0x50, $0x38;
	[tilespmem:$0x1E680] =	vst v63  }
0x64: {  	s15 =	simm.s32 $0x200;
	s10 =	sadd.s32 s6, s10  }
0x65: {  	[tilespmem:s15], [sflag:$0x5] =	stream.linear.gather [hbm4b:s10+s3], $0x50, $0x38;
	[tilespmem:$0x1E680] =	vst v63  }
0x66: {  	_ =	swait.ge [sflag:s16], $0x2800  }
0x67: {  	[sflag:s16] =	ssyncset.done $0x0  }
0x68: {  	[sflag:s16] =	ssyncadd.s32 $0xFFFFD800  }
0x69: {  	_ =	swait.ge [sflag:s17], $0x2800  }
0x6a: {  	[sflag:s17] =	ssyncset.done $0x0  }
0x6b: {  	s11 =	simm.s32 $0x2E00;
	s14 =	simm.s32 $0x480;
	[sflag:s17] =	ssyncadd.s32 $0xFFFFD800  }
0x6c: {  	[spmem:s2] =	stream.indirect.scatter.add.f32 [tilespmem:s11], [sflag:$0xA], $0x80, s14, s0, $0xb8;
	[tilespmem:$0x1E680] =	vst v63  }
0x6d: {  	_ =	swait.ge [sflag:s31], $0x50  }
0x6e: {  	[sflag:s31] =	ssyncset.done $0x0  }
0x6f: {  	[sflag:s31] =	ssyncadd.s32 $0xFFFFFFB0  }
0x70: {  	_ =	swait.ge [sflag:s31], $0x50  }
0x71: {  	s28 =	sadd.s32 $0xFFFFFF60, s26;
	[sflag:s31] =	ssyncset.done $0x0  }
0x72: {  	s10 =	sshrl.u32 s28, $0x3;
	[sflag:s31] =	ssyncadd.s32 $0xFFFFFFB0  }
0x73: {  	[tilespmem:s4], [sflag:$0x1] =	stream.indirect.gather [hbm4b:s1+s0], $0x80, s3, s0, $0xb8;
	[tilespmem:$0x1E680] =	vst v63  }
0x74: {  	s28 =	simm.s32 $0x80;
	s14 =	sadd.s32 s5, s10  }
0x75: {  	[tilespmem:s28], [sflag:$0x6] =	stream.linear.gather [hbm4b:s14+s3], $0x50, $0x38;
	[tilespmem:$0x1E680] =	vst v63  }
0x76: {  	s29 =	simm.s32 $0x280;
	s10 =	sadd.s32 s6, s10  }
0x77: {  	[tilespmem:s29], [sflag:$0x6] =	stream.linear.gather [hbm4b:s10+s3], $0x50, $0x38;
	[tilespmem:$0x1E680] =	vst v63  }
0x78: {  	_ =	swait.ge [sflag:s18], $0x2800  }
0x79: {  	[sflag:s18] =	ssyncset.done $0x0  }
0x7a: {  	[sflag:s18] =	ssyncadd.s32 $0xFFFFD800  }
0x7b: {  	_ =	swait.ge [sflag:s19], $0x2800  }
0x7c: {  	[sflag:s19] =	ssyncset.done $0x0  }
0x7d: {  	s30 =	simm.s32 $0x5600;
	s14 =	simm.s32 $0x500;
	[sflag:s19] =	ssyncadd.s32 $0xFFFFD800  }
0x7e: {  	[spmem:s2] =	stream.indirect.scatter.add.f32 [tilespmem:s30], [sflag:$0xB], $0x80, s14, s0, $0xb8;
	[tilespmem:$0x1E680] =	vst v63  }
0x7f: {  	_ =	swait.ge [sflag:s9], $0x50  }
0x80: {  	[sflag:s9] =	ssyncset.done $0x0  }
0x81: {  	[sflag:s9] =	ssyncadd.s32 $0xFFFFFFB0  }
0x82: {  	_ =	swait.ge [sflag:s9], $0x50  }
0x83: {  	[sflag:s9] =	ssyncset.done $0x0  }
0x84: {  	[sflag:s9] =	ssyncadd.s32 $0xFFFFFFB0  }
0x85: {  	[tilespmem:s11], [sflag:$0x2] =	stream.indirect.gather [hbm4b:s1+s0], $0x80, s28, s0, $0xb8;
	[tilespmem:$0x1E680] =	vst v63  }
0x86: {  	s28 =	sadd.s32 $0xFFFFFFB0, s26  }
0x87: {  	s10 =	sshrl.u32 s28, $0x3  }
0x88: {  	s28 =	simm.s32 $0x100;
	s11 =	sadd.s32 s5, s10  }
0x89: {  	[tilespmem:s28], [sflag:$0x7] =	stream.linear.gather [hbm4b:s11+s3], $0x50, $0x38;
	[tilespmem:$0x1E680] =	vst v63  }
0x8a: {  	s14 =	simm.s32 $0x4;
	s10 =	sadd.s32 s6, s10;
	s11 =	simm.s32 $0x300  }
0x8b: {  	[tilespmem:s11], [sflag:$0x7] =	stream.linear.gather [hbm4b:s10+s3], $0x50, $0x38;
	[tilespmem:$0x1E680] =	vst v63  }
0x8c: {  	_ =	swait.ge [sflag:s14], $0x2800  }
0x8d: {  	[sflag:s14] =	ssyncset.done $0x0  }
0x8e: {  	[sflag:s14] =	ssyncadd.s32 $0xFFFFD800;
	s14 =	simm.s32 $0xB  }
0x8f: {  	_ =	swait.ge [sflag:s14], $0x2800  }
0x90: {  	[sflag:s14] =	ssyncset.done $0x0  }
0x91: {  	[sflag:s14] =	ssyncadd.s32 $0xFFFFD800;
	s14 =	simm.s32 $0x580  }
0x92: {  	[spmem:s2] =	stream.indirect.scatter.add.f32 [tilespmem:s20], [sflag:$0xC], $0x80, s14, s0, $0xb8;
	[tilespmem:$0x1E680] =	vst v63  }
0x93: {  	_ =	swait.ge [sflag:s23], $0x50  }
0x94: {  	[sflag:s23] =	ssyncset.done $0x0  }
0x95: {  	[sflag:s23] =	ssyncadd.s32 $0xFFFFFFB0  }
0x96: {  	_ =	swait.ge [sflag:s23], $0x50  }
0x97: {  	[sflag:s23] =	ssyncset.done $0x0  }
0x98: {  	s10 =	sshrl.u32 s26, $0x3;
	[sflag:s23] =	ssyncadd.s32 $0xFFFFFFB0  }
0x99: {  	[tilespmem:s30], [sflag:$0x3] =	stream.indirect.gather [hbm4b:s1+s0], $0x80, s28, s0, $0xb8;
	[tilespmem:$0x1E680] =	vst v63  }
0x9a: {  	s24 =	sadd.s32 $0x1, s24;
	s28 =	sadd.s32 s5, s10  }
0x9b: {  	[tilespmem:s8], [sflag:$0x8] =	stream.linear.gather [hbm4b:s28+s3], $0x50, $0x38;
	[tilespmem:$0x1E680] =	vst v63  }
0x9c: {  	s25 =	sadd.s32 $0x8, s25;
	s10 =	sadd.s32 s6, s10;
	s28 =	simm.s32 $0x380  }
0x9d: {  	[tilespmem:s28], [sflag:$0x8] =	stream.linear.gather [hbm4b:s10+s3], $0x50, $0x38;
	[tilespmem:$0x1E680] =	vst v63  }
0x9e: {  	s26 =	sadd.s32 $0x280, s26;
	s8 =	simm.s32 $0x180;
	s10 =	simm.s32 $0x2E00  }
.LBB2_6:
0x9f: {  	_ =	swait.ge [sflag:s12], $0x2800  }
0xa0: {  	p1 =	seq.s32 s24, $0x0;
	[sflag:s12] =	ssyncset.done $0x0  }
0xa1: {  	s28 =	simm.s32 @!p1 $0xC;
	[sflag:s12] =	ssyncadd.s32 $0xFFFFD800  }
0xa2: {  	_ =	swait.ge @!p1 [sflag:s28], $0x2800  }
0xa3: {  	[sflag:s28] =	ssyncset.done @!p1 $0x0  }
0xa4: {  	[sflag:s28] =	ssyncadd.s32 @!p1 $0xFFFFD800  }
0xa5: {  	[spmem:s2] =	stream.indirect.scatter.add.f32 [tilespmem:s4], [sflag:$0x9], $0x80, s15, s0, $0xb8;
	[tilespmem:$0x1E680] =	vst v63  }
0xa6: {  	_ =	swait.ge [sflag:s13], $0x50  }
0xa7: {  	[sflag:s13] =	ssyncset.done $0x0  }
0xa8: {  	[sflag:s13] =	ssyncadd.s32 $0xFFFFFFB0  }
0xa9: {  	_ =	swait.ge [sflag:s13], $0x50  }
0xaa: {  	s15 =	sadd.s32 $0xFFFFFDD0, s26;
	[sflag:s13] =	ssyncset.done $0x0  }
0xab: {  	s28 =	sshrl.u32 s15, $0x3;
	[sflag:s13] =	ssyncadd.s32 $0xFFFFFFB0  }
0xac: {  	[tilespmem:s20], [sflag:$0x4] =	stream.indirect.gather [hbm4b:s1+s0], $0x80, s8, s0, $0xb8;
	[tilespmem:$0x1E680] =	vst v63  }
0xad: {  	s20 =	sadd.s32 s5, s28  }
0xae: {  	[tilespmem:s3], [sflag:$0x5] =	stream.linear.gather [hbm4b:s20+s3], $0x50, $0x38;
	[tilespmem:$0x1E680] =	vst v63  }
0xaf: {  	s28 =	sadd.s32 s6, s28;
	s20 =	simm.s32 $0x400  }
0xb0: {  	[tilespmem:s20], [sflag:$0x5] =	stream.linear.gather [hbm4b:s28+s3], $0x50, $0x38;
	[tilespmem:$0x1E680] =	vst v63  }
0xb1: {  	_ =	swait.ge [sflag:s16], $0x2800  }
0xb2: {  	[sflag:s16] =	ssyncset.done $0x0  }
0xb3: {  	[sflag:s16] =	ssyncadd.s32 $0xFFFFD800  }
0xb4: {  	_ =	swait.ge [sflag:s17], $0x2800  }
0xb5: {  	[sflag:s17] =	ssyncset.done $0x0  }
0xb6: {  	[sflag:s17] =	ssyncadd.s32 $0xFFFFD800  }
0xb7: {  	[spmem:s2] =	stream.indirect.scatter.add.f32 [tilespmem:s10], [sflag:$0xA], $0x80, s29, s0, $0xb8;
	[tilespmem:$0x1E680] =	vst v63  }
0xb8: {  	_ =	swait.ge [sflag:s31], $0x50  }
0xb9: {  	[sflag:s31] =	ssyncset.done $0x0  }
0xba: {  	s29 =	sadd.s32 $0xFFFFFFFE, s25;
	[sflag:s31] =	ssyncadd.s32 $0xFFFFFFB0  }
0xbb: {  	p1 =	sgt.u32 s29, $0x7C;
	_ =	swait.ge [sflag:s31], $0x50  }
0xbc: {  	s15 =	sadd.s32 @!p1 $0xFFFFFE20, s26;
	[sflag:s31] =	ssyncset.done $0x0  }
0xbd: {  	s15 =	sshrl.u32 @!p1 s15, $0x3;
	[sflag:s31] =	ssyncadd.s32 $0xFFFFFFB0  }
0xbe: {  	[tilespmem:s4], [sflag:$0x1] =	stream.indirect.gather [hbm4b:s1+s0], $0x80, s3, s0, $0xb8;
	[tilespmem:$0x1E680] =	vst v63  }
0xbf: {  	s29 =	simm.s32 @!p1 $0x0;
	s14 =	simm.s32 @!p1 $0x80;
	s28 =	sadd.s32 @!p1 s5, s15  }
0xc0: {  	[tilespmem:s14], [sflag:$0x6] =	stream.linear.gather @!p1 [hbm4b:s28+s29], $0x50, $0x38;
	[tilespmem:$0x1E680] =	vst v63  }
0xc1: {  	s14 =	sadd.s32 @!p1 s6, s15;
	s15 =	simm.s32 @!p1 $0x480  }
0xc2: {  	[tilespmem:s15], [sflag:$0x6] =	stream.linear.gather @!p1 [hbm4b:s14+s29], $0x50, $0x38;
	[tilespmem:$0x1E680] =	vst v63  }
0xc3: {  	_ =	swait.ge [sflag:s18], $0x2800  }
0xc4: {  	[sflag:s18] =	ssyncset.done $0x0  }
0xc5: {  	[sflag:s18] =	ssyncadd.s32 $0xFFFFD800  }
0xc6: {  	_ =	swait.ge [sflag:s19], $0x2800  }
0xc7: {  	p1 =	sgt.u32 s24, $0xE;
	[sflag:s19] =	ssyncset.done $0x0  }
0xc8: {  	s14 =	simm.s32 @p1 $0x4;
	[sflag:s19] =	ssyncadd.s32 $0xFFFFD800  }
0xc9: {  	[spmem:s2] =	stream.indirect.scatter.add.f32 [tilespmem:s30], [sflag:$0xB], $0x80, s11, s0, $0xb8;
	[tilespmem:$0x1E680] =	vst v63  }
0xca: {  	_ =	swait.ge @p1 [sflag:s14], $0x2800  }
0xcb: {  	[sflag:s14] =	ssyncset.done @p1 $0x0  }
0xcc: {  	[sflag:s14] =	ssyncadd.s32 @p1 $0xFFFFD800;
	s14 =	simm.s32 @p1 $0xB  }
0xcd: {  	_ =	swait.ge @p1 [sflag:s14], $0x2800  }
0xce: {  	s15 =	simm.s32 @p1 $0x380;
	[sflag:s14] =	ssyncset.done @p1 $0x0  }
0xcf: {  	s28 =	simm.s32 @p1 $0x7E00;
	[sflag:s14] =	ssyncadd.s32 @p1 $0xFFFFD800;
	s14 =	simm.s32 @p1 $0x50  }
0xd0: {  	[spmem:s2] =	stream.indirect.scatter.add.f32 @p1 [tilespmem:s28], [sflag:$0xC], $0x80, s15, s14, $0xb8;
	[tilespmem:$0x1E680] =	vst v63  }
0xd1: {  	s14 =	simm.s32 @!p1 $0x6  }
0xd2: {  	_ =	swait.ge @!p1 [sflag:s14], $0x50  }
0xd3: {  	[sflag:s14] =	ssyncset.done @!p1 $0x0  }
0xd4: {  	[sflag:s14] =	ssyncadd.s32 @!p1 $0xFFFFFFB0  }
0xd5: {  	_ =	swait.ge @!p1 [sflag:s14], $0x50  }
0xd6: {  	s15 =	simm.s32 @!p1 $0x80;
	[sflag:s14] =	ssyncset.done @!p1 $0x0  }
0xd7: {  	s28 =	simm.s32 @!p1 $0x2E00;
	[sflag:s14] =	ssyncadd.s32 @!p1 $0xFFFFFFB0;
	s14 =	simm.s32 @!p1 $0x50  }
0xd8: {  	[tilespmem:s28], [sflag:$0x2] =	stream.indirect.gather @!p1 [hbm4b:s1+s14], $0x80, s15, s14, $0xb8;
	[tilespmem:$0x1E680] =	vst v63  }
0xd9: {  	s15 =	sadd.s32 @!p1 $0xFFFFFE70, s26  }
0xda: {  	s15 =	sshrl.u32 @!p1 s15, $0x3  }
0xdb: {  	s29 =	simm.s32 @!p1 $0x0;
	s10 =	simm.s32 @!p1 $0x100;
	s28 =	sadd.s32 @!p1 s5, s15  }
0xdc: {  	[tilespmem:s10], [sflag:$0x7] =	stream.linear.gather @!p1 [hbm4b:s28+s29], $0x50, $0x38;
	[tilespmem:$0x1E680] =	vst v63  }
0xdd: {  	s15 =	sadd.s32 @!p1 s6, s15;
	s28 =	simm.s32 @!p1 $0x500  }
0xde: {  	[tilespmem:s28], [sflag:$0x7] =	stream.linear.gather @!p1 [hbm4b:s15+s29], $0x50, $0x38;
	[tilespmem:$0x1E680] =	vst v63  }
0xdf: {  	s15 =	simm.s32 @!p1 $0x4  }
0xe0: {  	_ =	swait.ge @!p1 [sflag:s15], $0x2800  }
0xe1: {  	[sflag:s15] =	ssyncset.done @!p1 $0x0  }
0xe2: {  	[sflag:s15] =	ssyncadd.s32 @!p1 $0xFFFFD800;
	s15 =	simm.s32 @!p1 $0xB  }
0xe3: {  	_ =	swait.ge @!p1 [sflag:s15], $0x2800  }
0xe4: {  	[sflag:s15] =	ssyncset.done @!p1 $0x0  }
0xe5: {  	s28 =	simm.s32 @!p1 $0x7E00;
	[sflag:s15] =	ssyncadd.s32 @!p1 $0xFFFFD800;
	s15 =	simm.s32 @!p1 $0x380  }
0xe6: {  	[spmem:s2] =	stream.indirect.scatter.add.f32 @!p1 [tilespmem:s28], [sflag:$0xC], $0x80, s15, s14, $0xb8;
	[tilespmem:$0x1E680] =	vst v63  }
0xe7: {  	s15 =	simm.s32 @!p1 $0x7  }
0xe8: {  	_ =	swait.ge @!p1 [sflag:s15], $0x50  }
0xe9: {  	[sflag:s15] =	ssyncset.done @!p1 $0x0  }
0xea: {  	[sflag:s15] =	ssyncadd.s32 @!p1 $0xFFFFFFB0  }
0xeb: {  	_ =	swait.ge @!p1 [sflag:s15], $0x50  }
0xec: {  	[sflag:s15] =	ssyncset.done @!p1 $0x0  }
0xed: {  	p2 =	sgt.u32 s25, $0x7C;
	[sflag:s15] =	ssyncadd.s32 @!p1 $0xFFFFFFB0;
	s15 =	simm.s32 @!p1 $0x5600  }
0xee: {  	[tilespmem:s15], [sflag:$0x3] =	stream.indirect.gather @!p1 [hbm4b:s1+s14], $0x80, s10, s14, $0xb8;
	[tilespmem:$0x1E680] =	vst v63  }
0xef: {  	s10 =	sadd.s32 @!p2 $0xFFFFFEC0, s26  }
0xf0: {  	s10 =	sshrl.u32 @!p2 s10, $0x3  }
0xf1: {  	s28 =	simm.s32 @!p2 $0x180;
	s15 =	simm.s32 @!p2 $0x0;
	s14 =	sadd.s32 @!p2 s5, s10  }
0xf2: {  	[tilespmem:s28], [sflag:$0x8] =	stream.linear.gather @!p2 [hbm4b:s14+s15], $0x50, $0x38;
	[tilespmem:$0x1E680] =	vst v63  }
0xf3: {  	s10 =	sadd.s32 @!p2 s6, s10;
	s14 =	simm.s32 @!p2 $0x580  }
0xf4: {  	[tilespmem:s14], [sflag:$0x8] =	stream.linear.gather @!p2 [hbm4b:s10+s15], $0x50, $0x38;
	[tilespmem:$0x1E680] =	vst v63  }
0xf5: {  	_ =	swait.ge [sflag:s12], $0x2800  }
0xf6: {  	[sflag:s12] =	ssyncset.done $0x0  }
.Ltmp3:
0xf7: {  	s30 =	simm.s32 $0xC;
	[sflag:s12] =	ssyncadd.s32 $0xFFFFD800;
	(pc) =	sbr.rel @!p1 .LBB2_7-.Ltmp3, $4  }
0xf8: {  	_ =	swait.ge [sflag:s30], $0x2800  }
0xf9: {  	[sflag:s30] =	ssyncset.done $0x0  }
0xfa: {  	s8 =	simm.s32 $0x180;
	[sflag:s30] =	ssyncadd.s32 $0xFFFFD800  }
0xfb: {  	[spmem:s2] =	stream.indirect.scatter.add.f32 [tilespmem:s4], [sflag:$0x9], $0x80, s20, s0, $0xb8;
	[tilespmem:$0x1E680] =	vst v63  }
0xfc: {  	p1 =	seq.s32 s24, $0xF  }
.Ltmp4:
0xfd: {  	_ = 	snop;
	(pc) =	sbr.rel @!p1 .LBB2_9-.Ltmp4, $2  }
0xfe: {  	_ =	sdelay $0x2  }
0xff: {  	s20 =	simm.s32 $0x7E00  }
0x100: {  	_ =	swait.ge [sflag:s17], $0x2800  }
0x101: {  	[sflag:s17] =	ssyncset.done $0x0  }
0x102: {  	s10 =	stileid.u32;
	[sflag:s17] =	ssyncadd.s32 $0xFFFFD800  }
0x103: {  	s10 =	sshll.u32 s10, $0x6;
	[bflag:$0x0] =	sbarrier.arrive $0xFFFF  }
0x104: {  	s14 =	sshrl.u32 s7, $0x3;
	s10 =	sor.u32 $0x1C0D, s10;
	s15 =	rddreg [dreg:$0xd]  }
0x105: {  	[hbm:s15], [sflag:s10] =	dma.local [spmem:s14], $0x2700  }
0x106: {  	_ =	swait.ge [sflag:s22], $0x2700  }
0x107: {  	[sflag:s22] =	ssyncset.done $0x0;
	s14 =	rddreg [dreg:$0x4]  }
0x108: {  	s15 =	rddreg [dreg:$0xe];
	[sflag:s22] =	ssyncadd.s32 $0xFFFFD900;
	s14 =	sshrl.u32 @!p0 s14, $0x3  }
0x109: {  	[hbm:s15], [sflag:s10] =	dma.local @!p0 [spmem:s14], $0x100  }
0x10a: {  	s10 =	simm.s32 @!p0 $0xD  }
0x10b: {  	_ =	swait.ge @!p0 [sflag:s10], $0x100  }
0x10c: {  	s8 =	rddreg [dreg:$0x11]  }
0x10d: {  	s30 =	rddreg [dreg:$0xf];
	s8 =	sadd.s32 $0x1, s8  }
0x10e: {  	p1 =	sne.s32 s8, s30  }
.Ltmp5:
0x10f: {  	_ = 	snop;
	(pc) =	sbr.rel @p1 .LBB2_1-.Ltmp5, $3  }
0x110: {  	_ =	sdelay $0x1  }
0x111: {  	[sflag:s10] =	ssyncset.done @!p0 $0x0  }
0x112: {  	s29 =	simm.s32 $0x280;
	s15 =	simm.s32 $0x200;
	[sflag:s10] =	ssyncadd.s32 @!p0 $0xFFFFFF00  }
0x113: {  	_ =	sfence.sel $0x180000  }
0x114: {  	[bflag:$0x0] =	sbarrier.arrive $0xFFFF  }
0x115: {  	_ =	strace $0x90000047  }
0x116: {  	s0 =	stileid.u32;
	[bflag:$0x2] =	sbarrier.arrive $0xFFFF  }
0x117: {  	p0 =	sne.s32 s0, $0x0;
	s0 =	rddreg [dreg:$0x3]  }
0x118: {  	s0 =	sadd.s32 @!p0 $0x100000, s0  }
0x119: {  	[sflag:s0] =	ssyncadd.tile.s32 @!p0 $0x1;
	_ =	shalt  }
.Lfunc_end2:
_tile_overlayer_lowered:
.L_overlay_start_2:
0x11a: {  	(tag) =	ssettag $0x2  }
0x11b: {  	s0 =	rddreg [dreg:$0x0];
	s2 =	stileid.u32  }
0x11c: {  	s1 =	rddreg [dreg:$0x1];
	p0 =	sne.s32 s2, $0x0  }
0x11d: {  	s3 =	rddreg [dreg:$0x2];
	[bflag:$0x3] =	sbarrier.arrive $0xFFFF;
	s2 =	simm.s32 @!p0 $0x1C0D  }
0x11e: {  	[timem:s3], [sflag:s2] =	dma.local @!p0 [hbm:s0], s1  }
0x11f: {  	s0 =	simm.s32 @!p0 $0xD  }
0x120: {  	_ =	swait.ge @!p0 [sflag:s0], s1  }
0x121: {  	s1 =	ssub.s32 @!p0 $0x0, s1;
	[sflag:s0] =	ssyncset.done @!p0 $0x0  }
0x122: {  	[sflag:s0] =	ssyncadd.s32 @!p0 s1  }
0x123: {  	[bflag:$0x3] =	sbarrier.arrive $0xFFFF  }
0x124: {  	_ =	shalt  }

// kernel: kernel.9.cloned.1.call-start
scs
__scs_entry_jumppad:
0x0: {  	(pc) =	sbr.rel $0x88, $3  }
0x1: {  	(tag) =	ssettag $0x0;
	lr =	simm.s32 $0x1  }
0x2: {  	[smem:$0x3F9B] =	sst lr;
	_ =	strace $0xD0000000  }
0x3: {  	_ = 	snop  }
0x4: {  	_ = 	snop  }
0x5: {  	_ = 	snop  }
0x6: {  	_ = 	snop  }
0x7: {  	_ = 	snop  }
__scs_overlays_trampoline_lowered:
0x8: {  	[smem:$0x3FAA] =	sst s0  }
0x9: {  	[smem:$0x3FAB] =	sst s1  }
0xa: {  	[smem:$0x3FAC] =	sst s2  }
0xb: {  	[smem:$0x3FAD] =	sst s3  }
0xc: {  	[smem:$0x3FAE] =	sst s4  }
0xd: {  	[smem:$0x3FAF] =	sst s5  }
0xe: {  	[smem:$0x3FB0] =	sst s6  }
0xf: {  	[smem:$0x3FB1] =	sst s7  }
0x10: {  	[smem:$0x3FB2] =	sst s8  }
0x11: {  	[smem:$0x3FB3] =	sst s9;
	s0 =	simm.s32 @!p0 $0x0  }
0x12: {  	s1 =	sld [smem:$0x3F99];
	s0 =	simm.s32 @p0 $0x1  }
0x13: {  	[smem:$0x3FB4] =	sst s0;
	s0 =	simm.s32 @!p1 $0x0  }
0x14: {  	s2 =	sld [smem:$0x3F98];
	s0 =	simm.s32 @p1 $0x1  }
0x15: {  	[smem:$0x3FB5] =	sst s0;
	s0 =	simm.s32 @!p2 $0x0  }
0x16: {  	s3 =	sld [smem:$0x3FDB];
	s0 =	simm.s32 @p2 $0x1  }
0x17: {  	s4 =	simm.s32 $0x1BF5;
	[smem:$0x3FB7] =	sst s0  }
0x18: {  	s0 =	sld [smem:$0x3F9A];
	_ =	swait.ge [sflag:s4], $0x0  }
0x19: {  	s7 =	sld [smem:$0x3F9B]  }
0x1a: {  	s8 =	sadd.s32 $0xFFFFE003, lr  }
0x1b: {  	s9 =	sadd.s32 $0xFFFFFEF7, lr;
	s5 =	simm.s32 $0xFFFFFFFF;
	p2 =	slt.u32 s8, $0xFFFFF086  }
0x1c: {  	p1 =	slt.u32 s9, $0xF7A;
	s5 =	simm.s32 @!p2 $0x0  }
0x1d: {  	s5 =	simm.s32 @p1 $0x1;
	p0 =	seq.s32 s7, s2  }
0x1e: {  	s7 =	smul.u32 @!p0 $0xF7A, s2;
	p2 =	seq.s32 @!p0 s5, $0x0  }
0x1f: {  	s9 =	smul.u32 $0xF7A, s1;
	s8 =	simm.s32 @!p0 $0x1BF5;
	p2 =	por !p2, p0  }
0x20: {  	[sflag:s8] =	ssyncset.s32 @!p0 $0xFFFFF086;
	s6 =	sadd.s32 @!p0 s3, s7;
	s7 =	simm.s32 @!p0 $0x108  }
0x21: {  	s3 =	sadd.s32 s3, s9;
	s6 =	sadd.s32 @!p0 $0x88, s6;
	s7 =	simm.s32 @p2 $0x1082  }
0x22: {  	[simem:s7], [sflag:s8] =	dma.local @!p0 [hbm:s6], $0xF7A  }
0x23: {  	s9 =	sor.u32 $0xD0000000, s2;
	s6 =	simm.s32 $0x108;
	_ =	swait.ge @!p0 [sflag:s8], $0x0  }
0x24: {  	s3 =	sadd.s32 $0x88, s3;
	s6 =	simm.s32 @!p1 $0x1082;
	[sflag:s4] =	ssyncset.s32 $0xFFFFF086  }
0x25: {  	[simem:s6], [sflag:s4] =	dma.local [hbm:s3], $0xF7A  }
0x26: {  	[smem:$0x3F9B] =	sst s1;
	(tag) =	ssettag s2;
	_ =	strace s9  }
0x27: {  	s1 =	sld [smem:$0x3FAB]  }
0x28: {  	s2 =	sld [smem:$0x3FAC]  }
0x29: {  	s4 =	sld [smem:$0x3FAE]  }
0x2a: {  	p0 =	seq.s32 s5, $0x0;
	s5 =	sld [smem:$0x3FAF]  }
0x2b: {  	s6 =	sld [smem:$0x3FB0]  }
0x2c: {  	s7 =	sld [smem:$0x3FB1]  }
0x2d: {  	s3 =	simm.s32 $0x108;
	s8 =	sld [smem:$0x3FB2]  }
0x2e: {  	s3 =	simm.s32 @!p0 $0x1082;
	s9 =	sld [smem:$0x3FB3]  }
0x2f: {  	lr =	sadd.s32 s0, s3;
	s0 =	sld [smem:$0x3FAA]  }
0x30: {  	s3 =	sld [smem:$0x3FAD]  }
0x31: {  	[smem:$0x3FB6] =	sst s10  }
0x32: {  	s10 =	sld [smem:$0x3FB4];
	_ =	sdelay $0x3  }
0x33: {  	p0 =	seq.s32 s10, $0x1;
	s10 =	sld [smem:$0x3FB6];
	_ =	sdelay $0x3  }
0x34: {  	[smem:$0x3FB6] =	sst s10  }
0x35: {  	s10 =	sld [smem:$0x3FB5];
	_ =	sdelay $0x3  }
0x36: {  	p1 =	seq.s32 s10, $0x1;
	s10 =	sld [smem:$0x3FB6];
	_ =	sdelay $0x3  }
0x37: {  	[smem:$0x3FB6] =	sst s10  }
0x38: {  	s10 =	sld [smem:$0x3FB7]  }
0x39: {  	_ = 	snop;
	(pc) =	sbr.ind lr, $3  }
0x3a: {  	_ = 	snop  }
0x3b: {  	_ = 	snop  }
0x3c: {  	p2 =	seq.s32 s10, $0x1;
	s10 =	sld [smem:$0x3FB6]  }
0x3d: {  	_ =	shalt  }
0x3e: {  	_ =	shalt  }
0x3f: {  	_ =	shalt  }
0x40: {  	_ =	shalt  }
0x41: {  	_ =	shalt  }
0x42: {  	_ =	shalt  }
0x43: {  	_ =	shalt  }
0x44: {  	_ =	shalt  }
0x45: {  	_ =	shalt  }
0x46: {  	_ =	shalt  }
0x47: {  	_ =	shalt  }
0x48: {  	_ =	shalt  }
0x49: {  	_ =	shalt  }
0x4a: {  	_ =	shalt  }
0x4b: {  	_ =	shalt  }
0x4c: {  	_ =	shalt  }
0x4d: {  	_ =	shalt  }
0x4e: {  	_ =	shalt  }
0x4f: {  	_ =	shalt  }
0x50: {  	_ =	shalt  }
0x51: {  	_ =	shalt  }
0x52: {  	_ =	shalt  }
0x53: {  	_ =	shalt  }
0x54: {  	_ =	shalt  }
0x55: {  	_ =	shalt  }
0x56: {  	_ =	shalt  }
0x57: {  	_ =	shalt  }
0x58: {  	_ =	shalt  }
0x59: {  	_ =	shalt  }
0x5a: {  	_ =	shalt  }
0x5b: {  	_ =	shalt  }
0x5c: {  	_ =	shalt  }
0x5d: {  	_ =	shalt  }
0x5e: {  	_ =	shalt  }
0x5f: {  	_ =	shalt  }
0x60: {  	_ =	shalt  }
0x61: {  	_ =	shalt  }
0x62: {  	_ =	shalt  }
0x63: {  	_ =	shalt  }
0x64: {  	_ =	shalt  }
0x65: {  	_ =	shalt  }
0x66: {  	_ =	shalt  }
0x67: {  	_ =	shalt  }
0x68: {  	_ =	shalt  }
0x69: {  	_ =	shalt  }
0x6a: {  	_ =	shalt  }
0x6b: {  	_ =	shalt  }
0x6c: {  	_ =	shalt  }
0x6d: {  	_ =	shalt  }
0x6e: {  	_ =	shalt  }
0x6f: {  	_ =	shalt  }
0x70: {  	_ =	shalt  }
0x71: {  	_ =	shalt  }
0x72: {  	_ =	shalt  }
0x73: {  	_ =	shalt  }
0x74: {  	_ =	shalt  }
0x75: {  	_ =	shalt  }
0x76: {  	_ =	shalt  }
0x77: {  	_ =	shalt  }
0x78: {  	_ =	shalt  }
0x79: {  	_ =	shalt  }
0x7a: {  	_ =	shalt  }
0x7b: {  	_ =	shalt  }
0x7c: {  	_ =	shalt  }
0x7d: {  	_ =	shalt  }
0x7e: {  	_ =	shalt  }
0x7f: {  	_ =	shalt  }
0x80: {  	_ =	shalt  }
0x81: {  	_ =	shalt  }
0x82: {  	_ =	shalt  }
0x83: {  	_ =	shalt  }
0x84: {  	_ =	shalt  }
0x85: {  	_ =	shalt  }
0x86: {  	_ =	shalt  }
0x87: {  	_ =	shalt  }
.Lfunc_end0:
.L_simem_size_0:
called_computation.1_lowered:
.L_overlay_start_0:
0x88: {  	s2 =	sld [smem:$0x3FD9]  }
0x89: {  	s3 =	sld [smem:$0x3FFE];
	_ =	sdelay $0x1  }
0x8a: {  	s1 =	srdreg.scid  }
0x8b: {  	s0 =	sand.u32 $0x1, s1  }
0x8c: {  	s16 =	sshll.u32 s0, $0xA;
	s2 =	sadd.s32 s3, s2  }
0x8d: {  	s2 =	sadd.s32 s2, s16  }
0x8e: {  	[smem:$0x3FC2] =	sst s2  }
0x8f: {  	_ = 	snop  }
0x90: {  	(tm) =	ssettm $0x1  }
0x91: {  	s17 =	sld [smem:$0x3FFB];
	_ =	sdelay $0x3  }
0x92: {  	_ =	strace s17  }
0x93: {  	s2 =	sld [smem:$0x3FFC];
	_ =	sdelay $0x3  }
0x94: {  	_ =	strace s2  }
0x95: {  	s2 =	sld [smem:$0x3FFD];
	_ =	sdelay $0x3  }
0x96: {  	_ =	strace s2  }
0x97: {  	_ =	strace $0x8FFFFFFF  }
0x98: {  	s18 =	sld [smem:$0x3FDB];
	_ =	sdelay $0x1  }
0x99: {  	s19 =	simm.s32 $_scs_section_size  }
0x9a: {  	s4 =	simm.s32 $_size__tile_overlayer_lowered;
	s5 =	simm.s32 $_tile_overlayer_lowered  }
0x9b: {  	s22 =	simm.s32 $0x1BFF;
	s21 =	sshll.u32 s5, $0x1;
	s2 =	sadd.s32 s19, s18  }
0x9c: {  	s6 =	simm.s32 $0x0;
	s20 =	sshll.u32 s4, $0x1;
	s4 =	sadd.s32 s21, s2  }
0x9d: {  	[timem:s6], [sflag:s22] =	dma.local [hbm:s4], s20  }
0x9e: {  	_ =	swait.ge [sflag:s22], s20  }
0x9f: {  	s3 =	ssub.s32 $0x0, s20;
	[sflag:s22] =	ssyncset.done $0x0  }
0xa0: {  	[sflag:s22] =	ssyncadd.s32 s3;
	_ =	sdelay $0x1  }
0xa1: {  	s23 =	simm.s32 $0x1B8B  }
0xa2: {  	_ =	swait.ge [sflag:s23], $0x1  }
0xa3: {  	[sflag:s23] =	ssyncset.done $0x0  }
0xa4: {  	s25 =	simm.s32 $0x1B8E;
	s24 =	sld [smem:$0x3FFE];
	[sflag:s23] =	ssyncadd.s32 $0xFFFFFFFF  }
0xa5: {  	s26 =	simm.s32 $execute0_lowered;
	[smem:$0x3FD2] =	sst s25  }
0xa6: {  	s4 =	sshll.u32 s26, $0x1;
	_ =	strace $0x80000049;
	[dreg:$0x1] =	wrdreg $0xFFFFFFFF  }
0xa7: {  	s28 =	simm.s32 $_size_execute0_lowered;
	s2 =	sadd.s32 s2, s4;
	[dreg:$0x0] =	wrdreg $0x0  }
0xa8: {  	s4 =	sshll.u32 s28, $0x1;
	[dreg:$0x2] =	wrdreg s2  }
0xa9: {  	[dreg:$0x3] =	wrdreg s4  }
0xaa: {  	[dreg:$0x4] =	wrdreg $0xC0  }
0xab: {  	_ =	task [dreg:s6], $0x5FFFF  }
0xac: {  	[dreg:$0x1] =	wrdreg $0xFFFFFFFF  }
0xad: {  	[dreg:$0x0] =	wrdreg $0x60  }
0xae: {  	[dreg:$0x2] =	wrdreg s24  }
0xaf: {  	[dreg:$0x3] =	wrdreg $0xAE000  }
0xb0: {  	[dreg:$0x4] =	wrdreg $0x9  }
0xb1: {  	_ =	task.clear_ibuf [dreg:s6], $0x5FFFF;
	_ =	strace $0x90000049  }
0xb2: {  	s29 =	simm.s32 $0x9;
	_ =	strace $0x8000004B  }
0xb3: {  	_ =	swait.ge [sflag:s29], $0x1  }
0xb4: {  	[sflag:s29] =	ssyncadd.s32 $0xFFFFFFFF  }
0xb5: {  	_ =	strace $0x9000004B  }
0xb6: {  	_ =	sfence  }
0xb7: {  	s30 =	sld [smem:$0x0];
	_ =	sdelay $0x2  }
0xb8: {  	s31 =	sshll.u32 s1, $0xD;
	s1 =	sshrl.u32 s1, $0x2  }
0xb9: {  	s3 =	sand.u32 $0x4000, s31;
	s1 =	sadd.s32 s1, s30  }
0xba: {  	s0 =	sor.u32 s3, s0;
	s1 =	sshll.u32 s1, $0x11  }
0xbb: {  	s0 =	sor.u32 s1, s0  }
0xbc: {  	s0 =	sadd.s32 $0x8F2B, s0  }
0xbd: {  	[sflag:s0] =	ssyncadd.remote.s32 $0x1  }
0xbe: {  	_ =	sfence.sel $0xFFFF  }
0xbf: {  	[dreg:$0x0] =	wrdreg $0xFFFFFFFF;
	(pc) =	sbr.abs _section_cstart, $3  }
0xc0: {  	[dreg:$0x1] =	wrdreg $0xFFFFFFFF  }
0xc1: {  	_ =	task.clear_ibuf [dreg:s6], $0x2FFFF;
	_ =	strace $0x9FFFFFFF  }
0xc2: {  	(tm) =	ssettm $0x7FFFFFFF  }
0xc3: {  	_ =	shalt  }
tec
execute0_lowered:
.L_overlay_start_1:
0x0: {  	(tag) =	ssettag $0x1  }
0x1: {  	s0 =	rddreg [dreg:$0x0]  }
0x2: {  	s1 =	rddreg [dreg:$0x1]  }
0x3: {  	s2 =	simm.s32 $0x0;
	s3 =	srdreg.scid;
	s13 =	stileid.u32  }
0x4: {  	s29 =	simm.s32 $0x280;
	s31 =	simm.s32 $0x5;
	[smem:$0x7FF] =	sst s2  }
0x5: {  	s3 =	sand.u32 $0x1, s3;
	s4 =	sadd.s32 $0xAC00, s0;
	s8 =	smul.u32 $0x4E000, s13  }
0x6: {  	s5 =	sadd.s32 $0xE00, s0;
	s17 =	sadd.s32 $0x138000, s1;
	s12 =	smul.u32 $0x13800, s13  }
0x7: {  	s25 =	smul.u32 $0x2710, s13;
	p0 =	sne.s32 s13, $0xF;
	_ =	strace $0x8000004A  }
0x8: {  	s6 =	sshll.u32 s3, $0x4;
	s9 =	ssub.s32 $0x2, s3;
	s21 =	smul.u32 $0x138800, s3  }
0x9: {  	[dreg:$0x3] =	wrdreg s17;
	s3 =	smul.u32 $0x27100, s3;
	s17 =	simm.s32 $0x9  }
0xa: {  	s7 =	sor.u32 s13, s6;
	s6 =	sadd.s32 $0x14A00, s0;
	s0 =	sadd.s32 $0x3BC00, s0  }
0xb: {  	s15 =	sshrl.u32 s9, $0x1;
	s8 =	sshrl.u32 s8, $0x2;
	s13 =	simm.s32 $0x8  }
0xc: {  	s10 =	smul.u32 $0x2710, s7;
	s9 =	ssub.s32 s9, s15;
	s7 =	sadd.s32 s8, s1  }
0xd: {  	s24 =	sadd.s32 s12, s21;
	s30 =	sadd.s32 s25, s3;
	s15 =	simm.s32 $0x200  }
0xe: {  	s3 =	simm.s32 $0x600;
	s12 =	simm.s32 $0x1;
	s28 =	smax.u32 s9, $0x1  }
0xf: {  	s9 =	simm.s32 $0x6;
	s16 =	sshrl.u32 s10, $0x3;
	[dreg:$0xe] =	wrdreg s28  }
0x10: {  	s18 =	sadd.s32 s4, s16;
	s19 =	sadd.s32 $0xA, s16;
	s11 =	sadd.s32 s5, s16  }
0x11: {  	s22 =	sadd.s32 $0x14, s16;
	s8 =	sadd.s32 $0x1E, s16;
	[dreg:$0x4] =	wrdreg s18  }
0x12: {  	s16 =	simm.s32 $0x2;
	[dreg:$0x5] =	wrdreg s11;
	s20 =	sadd.s32 s4, s19  }
0x13: {  	s10 =	sadd.s32 s5, s19;
	s14 =	sadd.s32 s4, s22;
	[dreg:$0x6] =	wrdreg s20  }
0x14: {  	s23 =	sadd.s32 s4, s8;
	s11 =	sshrl.u32 s21, $0x3;
	[dreg:$0x7] =	wrdreg s10  }
0x15: {  	s8 =	sadd.s32 s5, s8;
	s21 =	simm.s32 $0xA600;
	[dreg:$0x8] =	wrdreg s14  }
0x16: {  	s18 =	simm.s32 $0x3;
	s10 =	sadd.s32 s5, s22;
	[dreg:$0xa] =	wrdreg s23  }
0x17: {  	s19 =	simm.s32 $0xA;
	[dreg:$0x9] =	wrdreg s10;
	s10 =	sshrl.u32 s24, $0x3  }
0x18: {  	[dreg:$0xb] =	wrdreg s8;
	s26 =	sadd.s32 s0, s10;
	s0 =	sadd.s32 s0, s11  }
0x19: {  	s22 =	simm.s32 $0xD;
	[dreg:$0xc] =	wrdreg s26;
	s0 =	sadd.s32 $0x27000, s0  }
0x1a: {  	s23 =	simm.s32 $0x7;
	[dreg:$0xd] =	wrdreg s0;
	s0 =	sadd.s32 $0x370, s30  }
0x1b: {  	v0 =	vimm.f32 $0.0e+00;
	s8 =	simm.s32 $0x0;
	[dreg:$0xf] =	wrdreg s0;
	s0 =	simm.s32 $0x50  }
.LBB2_1:
0x1c: {  	s24 =	simm.s32 $0x0;
	s25 =	simm.s32 $0x0  }
.LBB2_2:
0x1d: {  	p1 =	sne.s32 s25, $0x1FC0  }
.Ltmp0:
0x1e: {  	_ = 	snop;
	(pc) =	sbr.rel @p1 .LBB2_2-.Ltmp0, $4  }
0x1f: {  	s26 =	sand.u32 $0x1E00, s25  }
0x20: {  	s28 =	sand.u32 $0x70, s24;
	s26 =	sshrl.u32 s26, $0x2  }
0x21: {  	s26 =	sor.u32 s28, s26  }
0x22: {  	s24 =	sadd.s32 $0x10, s24;
	s25 =	sadd.s32 $0x40, s25;
	[tilespmem:s26+$0xA600] =	vst v0  }
0x23: {  	[dreg:$0x10] =	wrdreg s8;
	s24 =	sadd.s32 $0x0, s7  }
0x24: {  	[spmem:s24] =	stream.linear.scatter [tilespmem:s21], [sflag:$0xD], $0x800, $0x38;
	[tilespmem:$0x1E680] =	vst v63  }
0x25: {  	s24 =	simm.s32 $0x2000;
	_ =	swait.ge [sflag:s22], $0x800  }
.LBB2_4:
0x26: {  	s25 =	sshra.s32 s24, $0x2;
	[sflag:s22] =	ssyncset.done $0x0;
	p1 =	sne.s32 s24, $0x4C000  }
.Ltmp1:
0x27: {  	s25 =	sadd.s32 s25, s7;
	[sflag:s22] =	ssyncadd.s32 $0xFFFFF800;
	(pc) =	sbr.rel @p1 .LBB2_4-.Ltmp1, $3  }
0x28: {  	[spmem:s25] =	stream.linear.scatter [tilespmem:s21], [sflag:$0xD], $0x800, $0x38;
	[tilespmem:$0x1E680] =	vst v63  }
0x29: {  	s24 =	sadd.s32 $0x2000, s24;
	_ =	sdelay $0x1  }
0x2a: {  	_ =	swait.ge [sflag:s22], $0x800  }
0x2b: {  	[sflag:s22] =	ssyncset.done $0x0  }
0x2c: {  	s24 =	simm.s32 @!p0 $0xA600;
	s10 =	rddreg [dreg:$0x3];
	[sflag:s22] =	ssyncadd.s32 $0xFFFFF800  }
0x2d: {  	[spmem:s10] =	stream.linear.scatter @!p0 [tilespmem:s24], [sflag:$0xD], $0x800, $0x38;
	[tilespmem:$0x1E680] =	vst v63  }
0x2e: {  	s24 =	simm.s32 @!p0 $0xD  }
0x2f: {  	_ =	swait.ge @!p0 [sflag:s24], $0x800  }
0x30: {  	[sflag:s24] =	ssyncset.done @!p0 $0x0  }
0x31: {  	[sflag:s24] =	ssyncadd.s32 @!p0 $0xFFFFF800  }
0x32: {  	[bflag:$0x0] =	sbarrier.arrive $0xFFFF  }
0x33: {  	s24 =	simm.s32 $0x0;
	s14 =	rddreg [dreg:$0x4]  }
0x34: {  	[tilespmem:s24], [sflag:$0x5] =	stream.linear.gather [hbm4b:s14+s24], $0x50, $0x38;
	[tilespmem:$0x1E680] =	vst v63  }
0x35: {  	s20 =	rddreg [dreg:$0x5]  }
0x36: {  	[tilespmem:s15], [sflag:$0x5] =	stream.linear.gather [hbm4b:s20+s24], $0x50, $0x38;
	[tilespmem:$0x1E680] =	vst v63  }
0x37: {  	s25 =	rddreg [dreg:$0x6];
	s14 =	simm.s32 $0x80  }
0x38: {  	[tilespmem:s14], [sflag:$0x6] =	stream.linear.gather [hbm4b:s25+s24], $0x50, $0x38;
	[tilespmem:$0x1E680] =	vst v63  }
0x39: {  	s26 =	rddreg [dreg:$0x7]  }
0x3a: {  	[tilespmem:s29], [sflag:$0x6] =	stream.linear.gather [hbm4b:s26+s24], $0x50, $0x38;
	[tilespmem:$0x1E680] =	vst v63  }
0x3b: {  	s28 =	rddreg [dreg:$0x8];
	s26 =	simm.s32 $0x100  }
0x3c: {  	[tilespmem:s26], [sflag:$0x7] =	stream.linear.gather [hbm4b:s28+s24], $0x50, $0x38;
	[tilespmem:$0x1E680] =	vst v63  }
0x3d: {  	s11 =	simm.s32 $0x300;
	s8 =	rddreg [dreg:$0x9]  }
0x3e: {  	[tilespmem:s11], [sflag:$0x7] =	stream.linear.gather [hbm4b:s8+s24], $0x50, $0x38;
	[tilespmem:$0x1E680] =	vst v63  }
0x3f: {  	s20 =	rddreg [dreg:$0xa];
	s8 =	simm.s32 $0x180  }
0x40: {  	[tilespmem:s8], [sflag:$0x8] =	stream.linear.gather [hbm4b:s20+s24], $0x50, $0x38;
	[tilespmem:$0x1E680] =	vst v63  }
0x41: {  	s25 =	rddreg [dreg:$0xb];
	s28 =	simm.s32 $0x380  }
0x42: {  	[tilespmem:s28], [sflag:$0x8] =	stream.linear.gather [hbm4b:s25+s24], $0x50, $0x38;
	[tilespmem:$0x1E680] =	vst v63  }
0x43: {  	_ =	swait.ge [sflag:s31], $0x50  }
0x44: {  	[sflag:s31] =	ssyncset.done $0x0  }
0x45: {  	[sflag:s31] =	ssyncadd.s32 $0xFFFFFFB0  }
0x46: {  	_ =	swait.ge [sflag:s31], $0x50  }
0x47: {  	[sflag:s31] =	ssyncset.done $0x0  }
0x48: {  	[sflag:s31] =	ssyncadd.s32 $0xFFFFFFB0  }
0x49: {  	[tilespmem:s3], [sflag:$0x1] =	stream.indirect.gather [hbm4b:s6+s0], $0x80, s24, s0, $0xb8;
	[tilespmem:$0x1E680] =	vst v63  }
0x4a: {  	_ =	swait.ge [sflag:s9], $0x50  }
0x4b: {  	[sflag:s9] =	ssyncset.done $0x0  }
0x4c: {  	[sflag:s9] =	ssyncadd.s32 $0xFFFFFFB0  }
0x4d: {  	_ =	swait.ge [sflag:s9], $0x50  }
0x4e: {  	[sflag:s9] =	ssyncset.done $0x0  }
0x4f: {  	s10 =	simm.s32 $0x2E00;
	s25 =	simm.s32 $0x7;
	[sflag:s9] =	ssyncadd.s32 $0xFFFFFFB0  }
0x50: {  	[tilespmem:s10], [sflag:$0x2] =	stream.indirect.gather [hbm4b:s6+s0], $0x80, s14, s0, $0xb8;
	[tilespmem:$0x1E680] =	vst v63  }
0x51: {  	_ =	swait.ge [sflag:s25], $0x50  }
0x52: {  	[sflag:s25] =	ssyncset.done $0x0  }
0x53: {  	[sflag:s25] =	ssyncadd.s32 $0xFFFFFFB0  }
.Ltmp2:
0x54: {  	_ =	swait.ge [sflag:s25], $0x50;
	(pc) =	sbr.rel .LBB2_6-.Ltmp2, $4  }
0x55: {  	[sflag:s25] =	ssyncset.done $0x0  }
0x56: {  	s30 =	simm.s32 $0x5600;
	[sflag:s25] =	ssyncadd.s32 $0xFFFFFFB0  }
0x57: {  	[tilespmem:s30], [sflag:$0x3] =	stream.indirect.gather [hbm4b:s6+s0], $0x80, s26, s0, $0xb8;
	[tilespmem:$0x1E680] =	vst v63  }
0x58: {  	s8 =	simm.s32 $0x180;
	s20 =	simm.s32 $0x7E00;
	s26 =	rddreg [dreg:$0xf]  }
.LBB2_7:
0x59: {  	_ =	swait.ge [sflag:s13], $0x50  }
0x5a: {  	[sflag:s13] =	ssyncset.done $0x0  }
0x5b: {  	[sflag:s13] =	ssyncadd.s32 $0xFFFFFFB0  }
0x5c: {  	_ =	swait.ge [sflag:s13], $0x50  }
0x5d: {  	[sflag:s13] =	ssyncset.done $0x0  }
0x5e: {  	s10 =	simm.s32 $0x7E00;
	s20 =	simm.s32 $0x7E00;
	[sflag:s13] =	ssyncadd.s32 $0xFFFFFFB0  }
0x5f: {  	[tilespmem:s10], [sflag:$0x4] =	stream.indirect.gather [hbm4b:s6+s0], $0x80, s8, s0, $0xb8;
	[tilespmem:$0x1E680] =	vst v63  }
.LBB2_9:
0x60: {  	s10 =	sadd.s32 $0xFFFFFF10, s26  }
0x61: {  	s10 =	sshrl.u32 s10, $0x3  }
0x62: {  	s14 =	sadd.s32 s4, s10  }
0x63: {  	[tilespmem:s2], [sflag:$0x5] =	stream.linear.gather [hbm4b:s14+s2], $0x50, $0x38;
	[tilespmem:$0x1E680] =	vst v63  }
0x64: {  	s15 =	simm.s32 $0x200;
	s10 =	sadd.s32 s5, s10  }
0x65: {  	[tilespmem:s15], [sflag:$0x5] =	stream.linear.gather [hbm4b:s10+s2], $0x50, $0x38;
	[tilespmem:$0x1E680] =	vst v63  }
0x66: {  	_ =	swait.ge [sflag:s16], $0x2800  }
0x67: {  	[sflag:s16] =	ssyncset.done $0x0  }
0x68: {  	[sflag:s16] =	ssyncadd.s32 $0xFFFFD800  }
0x69: {  	_ =	swait.ge [sflag:s17], $0x2800  }
0x6a: {  	[sflag:s17] =	ssyncset.done $0x0  }
0x6b: {  	s11 =	simm.s32 $0x2E00;
	s14 =	simm.s32 $0x480;
	[sflag:s17] =	ssyncadd.s32 $0xFFFFD800  }
0x6c: {  	[spmem:s1] =	stream.indirect.scatter.add.f32 [tilespmem:s11], [sflag:$0xA], $0x80, s14, s0, $0xb8;
	[tilespmem:$0x1E680] =	vst v63  }
0x6d: {  	_ =	swait.ge [sflag:s31], $0x50  }
0x6e: {  	[sflag:s31] =	ssyncset.done $0x0  }
0x6f: {  	[sflag:s31] =	ssyncadd.s32 $0xFFFFFFB0  }
0x70: {  	_ =	swait.ge [sflag:s31], $0x50  }
0x71: {  	s28 =	sadd.s32 $0xFFFFFF60, s26;
	[sflag:s31] =	ssyncset.done $0x0  }
0x72: {  	s10 =	sshrl.u32 s28, $0x3;
	[sflag:s31] =	ssyncadd.s32 $0xFFFFFFB0  }
0x73: {  	[tilespmem:s3], [sflag:$0x1] =	stream.indirect.gather [hbm4b:s6+s0], $0x80, s2, s0, $0xb8;
	[tilespmem:$0x1E680] =	vst v63  }
0x74: {  	s28 =	simm.s32 $0x80;
	s14 =	sadd.s32 s4, s10  }
0x75: {  	[tilespmem:s28], [sflag:$0x6] =	stream.linear.gather [hbm4b:s14+s2], $0x50, $0x38;
	[tilespmem:$0x1E680] =	vst v63  }
0x76: {  	s29 =	simm.s32 $0x280;
	s10 =	sadd.s32 s5, s10  }
0x77: {  	[tilespmem:s29], [sflag:$0x6] =	stream.linear.gather [hbm4b:s10+s2], $0x50, $0x38;
	[tilespmem:$0x1E680] =	vst v63  }
0x78: {  	_ =	swait.ge [sflag:s18], $0x2800  }
0x79: {  	[sflag:s18] =	ssyncset.done $0x0  }
0x7a: {  	[sflag:s18] =	ssyncadd.s32 $0xFFFFD800  }
0x7b: {  	_ =	swait.ge [sflag:s19], $0x2800  }
0x7c: {  	[sflag:s19] =	ssyncset.done $0x0  }
0x7d: {  	s30 =	simm.s32 $0x5600;
	s14 =	simm.s32 $0x500;
	[sflag:s19] =	ssyncadd.s32 $0xFFFFD800  }
0x7e: {  	[spmem:s1] =	stream.indirect.scatter.add.f32 [tilespmem:s30], [sflag:$0xB], $0x80, s14, s0, $0xb8;
	[tilespmem:$0x1E680] =	vst v63  }
0x7f: {  	_ =	swait.ge [sflag:s9], $0x50  }
0x80: {  	[sflag:s9] =	ssyncset.done $0x0  }
0x81: {  	[sflag:s9] =	ssyncadd.s32 $0xFFFFFFB0  }
0x82: {  	_ =	swait.ge [sflag:s9], $0x50  }
0x83: {  	[sflag:s9] =	ssyncset.done $0x0  }
0x84: {  	[sflag:s9] =	ssyncadd.s32 $0xFFFFFFB0  }
0x85: {  	[tilespmem:s11], [sflag:$0x2] =	stream.indirect.gather [hbm4b:s6+s0], $0x80, s28, s0, $0xb8;
	[tilespmem:$0x1E680] =	vst v63  }
0x86: {  	s28 =	sadd.s32 $0xFFFFFFB0, s26  }
0x87: {  	s10 =	sshrl.u32 s28, $0x3  }
0x88: {  	s28 =	simm.s32 $0x100;
	s11 =	sadd.s32 s4, s10  }
0x89: {  	[tilespmem:s28], [sflag:$0x7] =	stream.linear.gather [hbm4b:s11+s2], $0x50, $0x38;
	[tilespmem:$0x1E680] =	vst v63  }
0x8a: {  	s14 =	simm.s32 $0x4;
	s10 =	sadd.s32 s5, s10;
	s11 =	simm.s32 $0x300  }
0x8b: {  	[tilespmem:s11], [sflag:$0x7] =	stream.linear.gather [hbm4b:s10+s2], $0x50, $0x38;
	[tilespmem:$0x1E680] =	vst v63  }
0x8c: {  	_ =	swait.ge [sflag:s14], $0x2800  }
0x8d: {  	[sflag:s14] =	ssyncset.done $0x0  }
0x8e: {  	[sflag:s14] =	ssyncadd.s32 $0xFFFFD800;
	s14 =	simm.s32 $0xB  }
0x8f: {  	_ =	swait.ge [sflag:s14], $0x2800  }
0x90: {  	[sflag:s14] =	ssyncset.done $0x0  }
0x91: {  	[sflag:s14] =	ssyncadd.s32 $0xFFFFD800;
	s14 =	simm.s32 $0x580  }
0x92: {  	[spmem:s1] =	stream.indirect.scatter.add.f32 [tilespmem:s20], [sflag:$0xC], $0x80, s14, s0, $0xb8;
	[tilespmem:$0x1E680] =	vst v63  }
0x93: {  	_ =	swait.ge [sflag:s23], $0x50  }
0x94: {  	[sflag:s23] =	ssyncset.done $0x0  }
0x95: {  	[sflag:s23] =	ssyncadd.s32 $0xFFFFFFB0  }
0x96: {  	_ =	swait.ge [sflag:s23], $0x50  }
0x97: {  	[sflag:s23] =	ssyncset.done $0x0  }
0x98: {  	s10 =	sshrl.u32 s26, $0x3;
	[sflag:s23] =	ssyncadd.s32 $0xFFFFFFB0  }
0x99: {  	[tilespmem:s30], [sflag:$0x3] =	stream.indirect.gather [hbm4b:s6+s0], $0x80, s28, s0, $0xb8;
	[tilespmem:$0x1E680] =	vst v63  }
0x9a: {  	s24 =	sadd.s32 $0x1, s24;
	s28 =	sadd.s32 s4, s10  }
0x9b: {  	[tilespmem:s8], [sflag:$0x8] =	stream.linear.gather [hbm4b:s28+s2], $0x50, $0x38;
	[tilespmem:$0x1E680] =	vst v63  }
0x9c: {  	s25 =	sadd.s32 $0x8, s25;
	s10 =	sadd.s32 s5, s10;
	s28 =	simm.s32 $0x380  }
0x9d: {  	[tilespmem:s28], [sflag:$0x8] =	stream.linear.gather [hbm4b:s10+s2], $0x50, $0x38;
	[tilespmem:$0x1E680] =	vst v63  }
0x9e: {  	s26 =	sadd.s32 $0x280, s26;
	s8 =	simm.s32 $0x180;
	s10 =	simm.s32 $0x2E00  }
.LBB2_6:
0x9f: {  	_ =	swait.ge [sflag:s12], $0x2800  }
0xa0: {  	p1 =	seq.s32 s24, $0x0;
	[sflag:s12] =	ssyncset.done $0x0  }
0xa1: {  	s28 =	simm.s32 @!p1 $0xC;
	[sflag:s12] =	ssyncadd.s32 $0xFFFFD800  }
0xa2: {  	_ =	swait.ge @!p1 [sflag:s28], $0x2800  }
0xa3: {  	[sflag:s28] =	ssyncset.done @!p1 $0x0  }
0xa4: {  	[sflag:s28] =	ssyncadd.s32 @!p1 $0xFFFFD800  }
0xa5: {  	[spmem:s1] =	stream.indirect.scatter.add.f32 [tilespmem:s3], [sflag:$0x9], $0x80, s15, s0, $0xb8;
	[tilespmem:$0x1E680] =	vst v63  }
0xa6: {  	_ =	swait.ge [sflag:s13], $0x50  }
0xa7: {  	[sflag:s13] =	ssyncset.done $0x0  }
0xa8: {  	[sflag:s13] =	ssyncadd.s32 $0xFFFFFFB0  }
0xa9: {  	_ =	swait.ge [sflag:s13], $0x50  }
0xaa: {  	s15 =	sadd.s32 $0xFFFFFDD0, s26;
	[sflag:s13] =	ssyncset.done $0x0  }
0xab: {  	s28 =	sshrl.u32 s15, $0x3;
	[sflag:s13] =	ssyncadd.s32 $0xFFFFFFB0  }
0xac: {  	[tilespmem:s20], [sflag:$0x4] =	stream.indirect.gather [hbm4b:s6+s0], $0x80, s8, s0, $0xb8;
	[tilespmem:$0x1E680] =	vst v63  }
0xad: {  	s20 =	sadd.s32 s4, s28  }
0xae: {  	[tilespmem:s2], [sflag:$0x5] =	stream.linear.gather [hbm4b:s20+s2], $0x50, $0x38;
	[tilespmem:$0x1E680] =	vst v63  }
0xaf: {  	s28 =	sadd.s32 s5, s28;
	s20 =	simm.s32 $0x400  }
0xb0: {  	[tilespmem:s20], [sflag:$0x5] =	stream.linear.gather [hbm4b:s28+s2], $0x50, $0x38;
	[tilespmem:$0x1E680] =	vst v63  }
0xb1: {  	_ =	swait.ge [sflag:s16], $0x2800  }
0xb2: {  	[sflag:s16] =	ssyncset.done $0x0  }
0xb3: {  	[sflag:s16] =	ssyncadd.s32 $0xFFFFD800  }
0xb4: {  	_ =	swait.ge [sflag:s17], $0x2800  }
0xb5: {  	[sflag:s17] =	ssyncset.done $0x0  }
0xb6: {  	[sflag:s17] =	ssyncadd.s32 $0xFFFFD800  }
0xb7: {  	[spmem:s1] =	stream.indirect.scatter.add.f32 [tilespmem:s10], [sflag:$0xA], $0x80, s29, s0, $0xb8;
	[tilespmem:$0x1E680] =	vst v63  }
0xb8: {  	_ =	swait.ge [sflag:s31], $0x50  }
0xb9: {  	[sflag:s31] =	ssyncset.done $0x0  }
0xba: {  	s29 =	sadd.s32 $0xFFFFFFFE, s25;
	[sflag:s31] =	ssyncadd.s32 $0xFFFFFFB0  }
0xbb: {  	p1 =	sgt.u32 s29, $0x7C;
	_ =	swait.ge [sflag:s31], $0x50  }
0xbc: {  	s15 =	sadd.s32 @!p1 $0xFFFFFE20, s26;
	[sflag:s31] =	ssyncset.done $0x0  }
0xbd: {  	s15 =	sshrl.u32 @!p1 s15, $0x3;
	[sflag:s31] =	ssyncadd.s32 $0xFFFFFFB0  }
0xbe: {  	[tilespmem:s3], [sflag:$0x1] =	stream.indirect.gather [hbm4b:s6+s0], $0x80, s2, s0, $0xb8;
	[tilespmem:$0x1E680] =	vst v63  }
0xbf: {  	s29 =	simm.s32 @!p1 $0x0;
	s14 =	simm.s32 @!p1 $0x80;
	s28 =	sadd.s32 @!p1 s4, s15  }
0xc0: {  	[tilespmem:s14], [sflag:$0x6] =	stream.linear.gather @!p1 [hbm4b:s28+s29], $0x50, $0x38;
	[tilespmem:$0x1E680] =	vst v63  }
0xc1: {  	s14 =	sadd.s32 @!p1 s5, s15;
	s15 =	simm.s32 @!p1 $0x480  }
0xc2: {  	[tilespmem:s15], [sflag:$0x6] =	stream.linear.gather @!p1 [hbm4b:s14+s29], $0x50, $0x38;
	[tilespmem:$0x1E680] =	vst v63  }
0xc3: {  	_ =	swait.ge [sflag:s18], $0x2800  }
0xc4: {  	[sflag:s18] =	ssyncset.done $0x0  }
0xc5: {  	[sflag:s18] =	ssyncadd.s32 $0xFFFFD800  }
0xc6: {  	_ =	swait.ge [sflag:s19], $0x2800  }
0xc7: {  	p1 =	sgt.u32 s24, $0xE;
	[sflag:s19] =	ssyncset.done $0x0  }
0xc8: {  	s14 =	simm.s32 @p1 $0x4;
	[sflag:s19] =	ssyncadd.s32 $0xFFFFD800  }
0xc9: {  	[spmem:s1] =	stream.indirect.scatter.add.f32 [tilespmem:s30], [sflag:$0xB], $0x80, s11, s0, $0xb8;
	[tilespmem:$0x1E680] =	vst v63  }
0xca: {  	_ =	swait.ge @p1 [sflag:s14], $0x2800  }
0xcb: {  	[sflag:s14] =	ssyncset.done @p1 $0x0  }
0xcc: {  	[sflag:s14] =	ssyncadd.s32 @p1 $0xFFFFD800;
	s14 =	simm.s32 @p1 $0xB  }
0xcd: {  	_ =	swait.ge @p1 [sflag:s14], $0x2800  }
0xce: {  	s15 =	simm.s32 @p1 $0x380;
	[sflag:s14] =	ssyncset.done @p1 $0x0  }
0xcf: {  	s28 =	simm.s32 @p1 $0x7E00;
	[sflag:s14] =	ssyncadd.s32 @p1 $0xFFFFD800;
	s14 =	simm.s32 @p1 $0x50  }
0xd0: {  	[spmem:s1] =	stream.indirect.scatter.add.f32 @p1 [tilespmem:s28], [sflag:$0xC], $0x80, s15, s14, $0xb8;
	[tilespmem:$0x1E680] =	vst v63  }
0xd1: {  	s14 =	simm.s32 @!p1 $0x6  }
0xd2: {  	_ =	swait.ge @!p1 [sflag:s14], $0x50  }
0xd3: {  	[sflag:s14] =	ssyncset.done @!p1 $0x0  }
0xd4: {  	[sflag:s14] =	ssyncadd.s32 @!p1 $0xFFFFFFB0  }
0xd5: {  	_ =	swait.ge @!p1 [sflag:s14], $0x50  }
0xd6: {  	s15 =	simm.s32 @!p1 $0x80;
	[sflag:s14] =	ssyncset.done @!p1 $0x0  }
0xd7: {  	s28 =	simm.s32 @!p1 $0x2E00;
	[sflag:s14] =	ssyncadd.s32 @!p1 $0xFFFFFFB0;
	s14 =	simm.s32 @!p1 $0x50  }
0xd8: {  	[tilespmem:s28], [sflag:$0x2] =	stream.indirect.gather @!p1 [hbm4b:s6+s14], $0x80, s15, s14, $0xb8;
	[tilespmem:$0x1E680] =	vst v63  }
0xd9: {  	s15 =	sadd.s32 @!p1 $0xFFFFFE70, s26  }
0xda: {  	s15 =	sshrl.u32 @!p1 s15, $0x3  }
0xdb: {  	s29 =	simm.s32 @!p1 $0x0;
	s10 =	simm.s32 @!p1 $0x100;
	s28 =	sadd.s32 @!p1 s4, s15  }
0xdc: {  	[tilespmem:s10], [sflag:$0x7] =	stream.linear.gather @!p1 [hbm4b:s28+s29], $0x50, $0x38;
	[tilespmem:$0x1E680] =	vst v63  }
0xdd: {  	s15 =	sadd.s32 @!p1 s5, s15;
	s28 =	simm.s32 @!p1 $0x500  }
0xde: {  	[tilespmem:s28], [sflag:$0x7] =	stream.linear.gather @!p1 [hbm4b:s15+s29], $0x50, $0x38;
	[tilespmem:$0x1E680] =	vst v63  }
0xdf: {  	s15 =	simm.s32 @!p1 $0x4  }
0xe0: {  	_ =	swait.ge @!p1 [sflag:s15], $0x2800  }
0xe1: {  	[sflag:s15] =	ssyncset.done @!p1 $0x0  }
0xe2: {  	[sflag:s15] =	ssyncadd.s32 @!p1 $0xFFFFD800;
	s15 =	simm.s32 @!p1 $0xB  }
0xe3: {  	_ =	swait.ge @!p1 [sflag:s15], $0x2800  }
0xe4: {  	[sflag:s15] =	ssyncset.done @!p1 $0x0  }
0xe5: {  	s28 =	simm.s32 @!p1 $0x7E00;
	[sflag:s15] =	ssyncadd.s32 @!p1 $0xFFFFD800;
	s15 =	simm.s32 @!p1 $0x380  }
0xe6: {  	[spmem:s1] =	stream.indirect.scatter.add.f32 @!p1 [tilespmem:s28], [sflag:$0xC], $0x80, s15, s14, $0xb8;
	[tilespmem:$0x1E680] =	vst v63  }
0xe7: {  	s15 =	simm.s32 @!p1 $0x7  }
0xe8: {  	_ =	swait.ge @!p1 [sflag:s15], $0x50  }
0xe9: {  	[sflag:s15] =	ssyncset.done @!p1 $0x0  }
0xea: {  	[sflag:s15] =	ssyncadd.s32 @!p1 $0xFFFFFFB0  }
0xeb: {  	_ =	swait.ge @!p1 [sflag:s15], $0x50  }
0xec: {  	[sflag:s15] =	ssyncset.done @!p1 $0x0  }
0xed: {  	p2 =	sgt.u32 s25, $0x7C;
	[sflag:s15] =	ssyncadd.s32 @!p1 $0xFFFFFFB0;
	s15 =	simm.s32 @!p1 $0x5600  }
0xee: {  	[tilespmem:s15], [sflag:$0x3] =	stream.indirect.gather @!p1 [hbm4b:s6+s14], $0x80, s10, s14, $0xb8;
	[tilespmem:$0x1E680] =	vst v63  }
0xef: {  	s10 =	sadd.s32 @!p2 $0xFFFFFEC0, s26  }
0xf0: {  	s10 =	sshrl.u32 @!p2 s10, $0x3  }
0xf1: {  	s28 =	simm.s32 @!p2 $0x180;
	s15 =	simm.s32 @!p2 $0x0;
	s14 =	sadd.s32 @!p2 s4, s10  }
0xf2: {  	[tilespmem:s28], [sflag:$0x8] =	stream.linear.gather @!p2 [hbm4b:s14+s15], $0x50, $0x38;
	[tilespmem:$0x1E680] =	vst v63  }
0xf3: {  	s10 =	sadd.s32 @!p2 s5, s10;
	s14 =	simm.s32 @!p2 $0x580  }
0xf4: {  	[tilespmem:s14], [sflag:$0x8] =	stream.linear.gather @!p2 [hbm4b:s10+s15], $0x50, $0x38;
	[tilespmem:$0x1E680] =	vst v63  }
0xf5: {  	_ =	swait.ge [sflag:s12], $0x2800  }
0xf6: {  	[sflag:s12] =	ssyncset.done $0x0  }
.Ltmp3:
0xf7: {  	s30 =	simm.s32 $0xC;
	[sflag:s12] =	ssyncadd.s32 $0xFFFFD800;
	(pc) =	sbr.rel @!p1 .LBB2_7-.Ltmp3, $4  }
0xf8: {  	_ =	swait.ge [sflag:s30], $0x2800  }
0xf9: {  	[sflag:s30] =	ssyncset.done $0x0  }
0xfa: {  	s8 =	simm.s32 $0x180;
	[sflag:s30] =	ssyncadd.s32 $0xFFFFD800  }
0xfb: {  	[spmem:s1] =	stream.indirect.scatter.add.f32 [tilespmem:s3], [sflag:$0x9], $0x80, s20, s0, $0xb8;
	[tilespmem:$0x1E680] =	vst v63  }
0xfc: {  	p1 =	seq.s32 s24, $0xF  }
.Ltmp4:
0xfd: {  	_ = 	snop;
	(pc) =	sbr.rel @!p1 .LBB2_9-.Ltmp4, $2  }
0xfe: {  	_ =	sdelay $0x2  }
0xff: {  	s20 =	simm.s32 $0x7E00  }
0x100: {  	_ =	swait.ge [sflag:s17], $0x2800  }
0x101: {  	[sflag:s17] =	ssyncset.done $0x0  }
0x102: {  	s10 =	stileid.u32;
	[sflag:s17] =	ssyncadd.s32 $0xFFFFD800  }
0x103: {  	s10 =	sshll.u32 s10, $0x6;
	[bflag:$0x0] =	sbarrier.arrive $0xFFFF  }
0x104: {  	s14 =	sshrl.u32 s7, $0x3;
	s10 =	sor.u32 $0x1C0D, s10;
	s15 =	rddreg [dreg:$0xc]  }
0x105: {  	[hbm:s15], [sflag:s10] =	dma.local [spmem:s14], $0x2700  }
0x106: {  	_ =	swait.ge [sflag:s22], $0x2700  }
0x107: {  	[sflag:s22] =	ssyncset.done $0x0;
	s14 =	rddreg [dreg:$0x3]  }
0x108: {  	s15 =	rddreg [dreg:$0xd];
	[sflag:s22] =	ssyncadd.s32 $0xFFFFD900;
	s14 =	sshrl.u32 @!p0 s14, $0x3  }
0x109: {  	[hbm:s15], [sflag:s10] =	dma.local @!p0 [spmem:s14], $0x100  }
0x10a: {  	s10 =	simm.s32 @!p0 $0xD  }
0x10b: {  	_ =	swait.ge @!p0 [sflag:s10], $0x100  }
0x10c: {  	s8 =	rddreg [dreg:$0x10]  }
0x10d: {  	s30 =	rddreg [dreg:$0xe];
	s8 =	sadd.s32 $0x1, s8  }
0x10e: {  	p1 =	sne.s32 s8, s30  }
.Ltmp5:
0x10f: {  	_ = 	snop;
	(pc) =	sbr.rel @p1 .LBB2_1-.Ltmp5, $3  }
0x110: {  	_ =	sdelay $0x1  }
0x111: {  	[sflag:s10] =	ssyncset.done @!p0 $0x0  }
0x112: {  	s29 =	simm.s32 $0x280;
	s15 =	simm.s32 $0x200;
	[sflag:s10] =	ssyncadd.s32 @!p0 $0xFFFFFF00  }
0x113: {  	_ =	sfence.sel $0x180000  }
0x114: {  	[bflag:$0x0] =	sbarrier.arrive $0xFFFF  }
0x115: {  	_ =	strace $0x9000004A  }
0x116: {  	s0 =	stileid.u32;
	[bflag:$0x2] =	sbarrier.arrive $0xFFFF  }
0x117: {  	p0 =	sne.s32 s0, $0x0;
	s0 =	rddreg [dreg:$0x2]  }
0x118: {  	s0 =	sadd.s32 @!p0 $0x100000, s0  }
0x119: {  	[sflag:s0] =	ssyncadd.tile.s32 @!p0 $0x1;
	_ =	shalt  }
.Lfunc_end2:
_tile_overlayer_lowered:
.L_overlay_start_2:
0x11a: {  	(tag) =	ssettag $0x2  }
0x11b: {  	s0 =	rddreg [dreg:$0x0];
	s2 =	stileid.u32  }
0x11c: {  	s1 =	rddreg [dreg:$0x1];
	p0 =	sne.s32 s2, $0x0  }
0x11d: {  	s3 =	rddreg [dreg:$0x2];
	[bflag:$0x3] =	sbarrier.arrive $0xFFFF;
	s2 =	simm.s32 @!p0 $0x1C0D  }
0x11e: {  	[timem:s3], [sflag:s2] =	dma.local @!p0 [hbm:s0], s1  }
0x11f: {  	s0 =	simm.s32 @!p0 $0xD  }
0x120: {  	_ =	swait.ge @!p0 [sflag:s0], s1  }
0x121: {  	s1 =	ssub.s32 @!p0 $0x0, s1;
	[sflag:s0] =	ssyncset.done @!p0 $0x0  }
0x122: {  	[sflag:s0] =	ssyncadd.s32 @!p0 s1  }
0x123: {  	[bflag:$0x3] =	sbarrier.arrive $0xFFFF  }
0x124: {  	_ =	shalt  }

</sc_bundles>
